<compile_context>
chip_gen: v7x
topology: tpu7x:2x2x1
jax: 0.10.2.dev20260603
libtpu: 0.0.44.dev20260713+nightly
codegen_flags: <defaults>
</compile_context>

<pallas_src>
import functools

import jax
import jax.numpy as jnp
from jax import lax
from jax.experimental import pallas as pl
from jax.experimental.pallas import tpu as pltpu
from jax.experimental.pallas import tpu_sc as plsc

_N = 5000
_B = 256
_NPAD = 5120
_NB = _NPAD // _B
_T = 0.3
_EPS = 1e-9

_NW = 32
_SCW = _NPAD // _NW
_L = 16


def _reorder_body(boxesf_hbm, scores_hbm, order_hbm, brf_hbm,
                  order_v, i0, i1, i2, i3, r0, r1, r2, r3, r4, sem, sem2):
    idxc_v = [i0, i1, i2, i3]
    row_v = [r0, r1, r2, r3, r4]
    wid = lax.axis_index("s") * 2 + lax.axis_index("c")
    base = wid * _SCW
    pltpu.sync_copy(order_hbm.at[pl.ds(base, _SCW)], order_v)
    for c in range(4):
        for g in range(_SCW // _L):
            idx = order_v[pl.ds(g * _L, _L)]
            idxc_v[c][pl.ds(g * _L, _L)] = idx * 4 + c
    gathers = [
        pltpu.async_copy(boxesf_hbm.at[idxc_v[c]], row_v[c], sem)
        for c in range(4)
    ] + [pltpu.async_copy(scores_hbm.at[order_v], row_v[4], sem)]
    for cp in gathers:
        cp.wait()
    outs = [
        pltpu.async_copy(row_v[c],
                         brf_hbm.at[pl.ds(c * _NPAD + base, _SCW)], sem2)
        for c in range(5)
    ]
    for cp in outs:
        cp.wait()


_reorder = functools.partial(
    pl.kernel,
    out_type=jax.ShapeDtypeStruct((5 * _NPAD,), jnp.float32),
    mesh=plsc.VectorSubcoreMesh(core_axis_name="c", subcore_axis_name="s"),
    scratch_types=(
        [pltpu.VMEM((_SCW,), jnp.int32)] * 5
        + [pltpu.VMEM((_SCW,), jnp.float32)] * 5
        + [pltpu.SemaphoreType.DMA, pltpu.SemaphoreType.DMA]
    ),
)(_reorder_body)


def _nms_body(br_ref, out_ref, keep_ref):
    cx = br_ref[0:1, :]
    cy = br_ref[1:2, :]
    w = br_ref[2:3, :]
    h = br_ref[3:4, :]
    s = br_ref[4:5, :]
    x1r = cx - w * 0.5
    y1r = cy - h * 0.5
    x2r = cx + w * 0.5
    y2r = cy + h * 0.5
    area_r = jnp.maximum(x2r - x1r, 0.0) * jnp.maximum(y2r - y1r, 0.0)

    col = jax.lax.broadcasted_iota(jnp.int32, (1, _NPAD), 1)
    keep_ref[...] = (col < _N).astype(jnp.float32)

    row_i = jax.lax.broadcasted_iota(jnp.int32, (_B, _B), 0)
    col_i = jax.lax.broadcasted_iota(jnp.int32, (_B, _B), 1)
    tri = (row_i < col_i).astype(jnp.float32)

    for b in range(_NB):
        start = b * _B

        rows4 = br_ref[0:4, start:start + _B]
        blk = jnp.transpose(rows4, (1, 0))
        cxc = jax.lax.slice(blk, (0, 0), (_B, 1))
        cyc = jax.lax.slice(blk, (0, 1), (_B, 2))
        wc = jax.lax.slice(blk, (0, 2), (_B, 3))
        hc = jax.lax.slice(blk, (0, 3), (_B, 4))
        x1c = cxc - wc * 0.5
        y1c = cyc - hc * 0.5
        x2c = cxc + wc * 0.5
        y2c = cyc + hc * 0.5
        area_c = jnp.maximum(x2c - x1c, 0.0) * jnp.maximum(y2c - y1c, 0.0)

        x1s = jax.lax.slice(x1r, (0, start), (1, _NPAD))
        y1s = jax.lax.slice(y1r, (0, start), (1, _NPAD))
        x2s = jax.lax.slice(x2r, (0, start), (1, _NPAD))
        y2s = jax.lax.slice(y2r, (0, start), (1, _NPAD))
        areas = jax.lax.slice(area_r, (0, start), (1, _NPAD))
        xx1 = jnp.maximum(x1c, x1s)
        yy1 = jnp.maximum(y1c, y1s)
        xx2 = jnp.minimum(x2c, x2s)
        yy2 = jnp.minimum(y2c, y2s)
        inter = jnp.maximum(xx2 - xx1, 0.0) * jnp.maximum(yy2 - yy1, 0.0)
        union = area_c + areas - inter
        ovl = (inter / (union + _EPS) > _T).astype(jnp.float32)

        m_tri = jax.lax.slice(ovl, (0, 0), (_B, _B)) * tri
        kb0 = keep_ref[0:1, start:start + _B]

        def nxt(k, m_tri=m_tri, kb0=kb0):
            cnt = jax.lax.dot_general(
                k, m_tri, (((1,), (0,)), ((), ())),
                preferred_element_type=jnp.float32)
            return kb0 * (cnt < 0.5).astype(jnp.float32)

        def cond(c):
            k, kn = c
            return jnp.sum(jnp.abs(k - kn)) > 0.0

        def body(c, nxt=nxt):
            _, k = c
            return (k, nxt(k))

        _, kb = jax.lax.while_loop(cond, body, (kb0, nxt(kb0)))
        keep_ref[0:1, start:start + _B] = kb

        if b < _NB - 1:
            cnt = jax.lax.dot_general(
                kb, ovl, (((1,), (0,)), ((), ())),
                preferred_element_type=jnp.float32)
            cnt_later = jax.lax.slice(cnt, (0, _B), (1, _NPAD - start))
            kw = keep_ref[0:1, start + _B:_NPAD]
            keep_ref[0:1, start + _B:_NPAD] = (
                kw * (1.0 - jnp.minimum(cnt_later, 1.0)))

    keep = keep_ref[...]
    dets_rows = jnp.concatenate(
        [s * keep, x1r * keep, y1r * keep, x2r * keep, y2r * keep], axis=0)
    dets = jnp.transpose(dets_rows, (1, 0))
    out_ref[...] = jax.lax.slice(dets, (0, 0), (_N, 5))


def kernel(boxes, scores):
    order = jnp.argsort(-scores).astype(jnp.int32)
    order_p = jnp.zeros((_NPAD,), jnp.int32).at[:_N].set(order)
    brf = _reorder(boxes.reshape(-1), scores, order_p)
    br = brf.reshape(5, _NPAD)
    return pl.pallas_call(
        _nms_body,
        out_shape=jax.ShapeDtypeStruct((_N, 5), jnp.float32),
        scratch_shapes=[
            pltpu.VMEM((1, _NPAD), jnp.float32),
        ],
    )(br)

# --- scband reference (transcript-rebuilt; emitter-appended) ---
"""Pipeline reference for scband-det-net-12317966205385 (READ-ONLY COPY).

The authoritative reference and input builder live on the scoring server;
editing this copy changes nothing except your own understanding.
"""

import jax, jax.numpy as jnp
import numpy as np

N = 5000
NMS_THRESH = 0.3


def point_form(b):
    # (cx, cy, w, h) -> (xmin, ymin, xmax, ymax)
    cx, cy, w, h = b[:, 0], b[:, 1], b[:, 2], b[:, 3]
    return jnp.stack([cx - w / 2.0, cy - h / 2.0, cx + w / 2.0, cy + h / 2.0], axis=1)


def pairwise_iou(pf):
    area = jnp.clip(pf[:, 2] - pf[:, 0], 0.0) * jnp.clip(pf[:, 3] - pf[:, 1], 0.0)
    x1 = jnp.maximum(pf[:, None, 0], pf[None, :, 0])
    y1 = jnp.maximum(pf[:, None, 1], pf[None, :, 1])
    x2 = jnp.minimum(pf[:, None, 2], pf[None, :, 2])
    y2 = jnp.minimum(pf[:, None, 3], pf[None, :, 3])
    inter = jnp.clip(x2 - x1, 0.0) * jnp.clip(y2 - y1, 0.0)
    union = area[:, None] + area[None, :] - inter
    return inter / (union + 1e-9)


def nms_keep(iou, thresh):
    n = iou.shape[0]
    idx = jnp.arange(n)

    def body(i, keep):
        suppress = keep[i] & (iou[i] > thresh) & (idx > i)
        return keep & (~suppress)

    return jax.lax.fori_loop(0, n, body, jnp.ones((n,), dtype=bool))


def setup_inputs(seed: int = 0) -> dict:
    key = jax.random.key(seed)
    k1, k2 = jax.random.split(key)
    boxes = jax.random.uniform(k1, (N, 4), dtype=jnp.float32)
    scores = jax.random.uniform(k2, (N,), dtype=jnp.float32)
    return {"boxes": boxes, "scores": scores}


def reference(boxes, scores):
    # Mirrors DetNet.predict merge step:
    #   detections d[:, (conf, cx, cy, w, h)] -> nms(point_form(d[:, 1:5]), d[:, 0], nms_thresh)
    order = jnp.argsort(-scores)
    b = jnp.take(boxes, order, axis=0)
    s = jnp.take(scores, order, axis=0)
    pf = point_form(b)
    iou = pairwise_iou(pf)
    keep = nms_keep(iou, NMS_THRESH)
    keepf = keep.astype(jnp.float32)
    dets = jnp.concatenate([s[:, None], pf], axis=1) * keepf[:, None]
    return dets

if __name__ == "__main__":
    import jax
    _d = setup_inputs()
    print(jax.jit(kernel)(*tuple(_d.values())))

</pallas_src>

<mosaic_0001>
#map = affine_map<(d0, d1) -> (0)>
module attributes {stable_mosaic.version = 14 : i64} {
  func.func @_reorder_body(%arg0: i32, %arg1: i32, %arg2: memref<20000xf32, #tpu.memory_space<hbm>>, %arg3: memref<5000xf32, #tpu.memory_space<hbm>>, %arg4: memref<5120xi32, #tpu.memory_space<hbm>>, %arg5: memref<25600xf32, #tpu.memory_space<hbm>>, %arg6: memref<160xi32, #tpu.memory_space<vmem>>, %arg7: memref<160xi32, #tpu.memory_space<vmem>>, %arg8: memref<160xi32, #tpu.memory_space<vmem>>, %arg9: memref<160xi32, #tpu.memory_space<vmem>>, %arg10: memref<160xi32, #tpu.memory_space<vmem>>, %arg11: memref<160xf32, #tpu.memory_space<vmem>>, %arg12: memref<160xf32, #tpu.memory_space<vmem>>, %arg13: memref<160xf32, #tpu.memory_space<vmem>>, %arg14: memref<160xf32, #tpu.memory_space<vmem>>, %arg15: memref<160xf32, #tpu.memory_space<vmem>>, %arg16: memref<!tpu.dma_semaphore, #tpu.memory_space<semaphore_mem>>, %arg17: memref<!tpu.dma_semaphore, #tpu.memory_space<semaphore_mem>>) attributes {dimension_semantics = [#tpu.dimension_semantics<core_parallel>, #tpu.dimension_semantics<subcore_parallel>], iteration_bounds = array<i64: 2, 16>, scalar_prefetch = 0 : i64, scratch_operands = 12 : i64, tpu.core_type = #tpu.core_type<sc_vector_subcore>, window_params = [{transform_indices = #map}, {transform_indices = #map}, {transform_indices = #map}, {transform_indices = #map}]} {
    %mul3A = arith.constant 2 : i32
    %mul3A_0 = arith.muli %arg1, %mul3A : i32
    %add3A = arith.addi %mul3A_0, %arg0 : i32
    %mul3A_1 = arith.constant 160 : i32
    %mul3A_2 = arith.muli %add3A, %mul3A_1 : i32
    "tpu.region"() ({
      %run_scoped3A = tpu.sem_alloc : memref<!tpu.dma_semaphore, #tpu.memory_space<semaphore_mem>>
      %dma_start3A_569 = tpu.memref_slice %arg4[%mul3A_2] : memref<5120xi32, #tpu.memory_space<hbm>> -> memref<160xi32, #tpu.memory_space<hbm>>
      %dma_start3A_570 = tpu.memref_slice %arg4[%mul3A_2] : memref<5120xi32, #tpu.memory_space<hbm>> -> memref<160xi32, #tpu.memory_space<hbm>>
      tpu.enqueue_dma source(%dma_start3A_570 : memref<160xi32, #tpu.memory_space<hbm>>) target(%arg6 : memref<160xi32, #tpu.memory_space<vmem>>) target_semaphore(%run_scoped3A : memref<!tpu.dma_semaphore, #tpu.memory_space<semaphore_mem>>)
      %dma_wait3A_571 = tpu.memref_slice %arg4[%mul3A_2] : memref<5120xi32, #tpu.memory_space<hbm>> -> memref<160xi32, #tpu.memory_space<hbm>>
      %dma_wait3A_572 = tpu.memref_slice %arg4[%mul3A_2] : memref<5120xi32, #tpu.memory_space<hbm>> -> memref<160xi32, #tpu.memory_space<hbm>>
      tpu.wait_dma2 semaphore(%run_scoped3A : memref<!tpu.dma_semaphore, #tpu.memory_space<semaphore_mem>>) src(%dma_wait3A_572 : memref<160xi32, #tpu.memory_space<hbm>>) dst(%arg6 : memref<160xi32, #tpu.memory_space<vmem>>)
      tpu.yield
    }) : () -> ()
    %get3A = arith.constant 0 : index
    %get3A_3 = tpu.vector_load %arg6[%get3A] {strides = array<i32>} : memref<160xi32, #tpu.memory_space<vmem>>, vector<16xi32>,
    %get3A_4 = vector.shape_cast %get3A_3 : vector<16xi32> to vector<16xi32>
    %mul3A_5 = arith.constant 4 : i32
    %mul3A_6 = vector.broadcast %mul3A_5 : i32 to vector<16xi32>
    %mul3A_7 = arith.muli %get3A_4, %mul3A_6 : vector<16xi32>
    %add3A_8 = arith.constant 0 : i32
    %add3A_9 = vector.broadcast %add3A_8 : i32 to vector<16xi32>
    %add3A_10 = arith.addi %mul3A_7, %add3A_9 : vector<16xi32>
    %swap3A = arith.constant 0 : index
    %swap3A_11 = tpu.vector_load %arg7[%swap3A] {strides = array<i32>} : memref<160xi32, #tpu.memory_space<vmem>>, vector<16xi32>,
    %swap3A_12 = vector.shape_cast %swap3A_11 : vector<16xi32> to vector<16xi32>
    %swap3A_13 = vector.shape_cast %add3A_10 : vector<16xi32> to vector<16xi32>
    tpu.vector_store %arg7[%swap3A], %swap3A_13 {strides = array<i32>} : memref<160xi32, #tpu.memory_space<vmem>>, vector<16xi32>,
    %get3A_14 = arith.constant 16 : index
    %get3A_15 = tpu.vector_load %arg6[%get3A_14] {strides = array<i32>} : memref<160xi32, #tpu.memory_space<vmem>>, vector<16xi32>,
    %get3A_16 = vector.shape_cast %get3A_15 : vector<16xi32> to vector<16xi32>
    %mul3A_17 = arith.constant 4 : i32
    %mul3A_18 = vector.broadcast %mul3A_17 : i32 to vector<16xi32>
    %mul3A_19 = arith.muli %get3A_16, %mul3A_18 : vector<16xi32>
    %add3A_20 = arith.constant 0 : i32
    %add3A_21 = vector.broadcast %add3A_20 : i32 to vector<16xi32>
    %add3A_22 = arith.addi %mul3A_19, %add3A_21 : vector<16xi32>
    %swap3A_23 = arith.constant 16 : index
    %swap3A_24 = tpu.vector_load %arg7[%swap3A_23] {strides = array<i32>} : memref<160xi32, #tpu.memory_space<vmem>>, vector<16xi32>,
    %swap3A_25 = vector.shape_cast %swap3A_24 : vector<16xi32> to vector<16xi32>
    %swap3A_26 = vector.shape_cast %add3A_22 : vector<16xi32> to vector<16xi32>
    tpu.vector_store %arg7[%swap3A_23], %swap3A_26 {strides = array<i32>} : memref<160xi32, #tpu.memory_space<vmem>>, vector<16xi32>,
    %get3A_27 = arith.constant 32 : index
    %get3A_28 = tpu.vector_load %arg6[%get3A_27] {strides = array<i32>} : memref<160xi32, #tpu.memory_space<vmem>>, vector<16xi32>,
    %get3A_29 = vector.shape_cast %get3A_28 : vector<16xi32> to vector<16xi32>
    %mul3A_30 = arith.constant 4 : i32
    %mul3A_31 = vector.broadcast %mul3A_30 : i32 to vector<16xi32>
    %mul3A_32 = arith.muli %get3A_29, %mul3A_31 : vector<16xi32>
    %add3A_33 = arith.constant 0 : i32
    %add3A_34 = vector.broadcast %add3A_33 : i32 to vector<16xi32>
    %add3A_35 = arith.addi %mul3A_32, %add3A_34 : vector<16xi32>
    %swap3A_36 = arith.constant 32 : index
    %swap3A_37 = tpu.vector_load %arg7[%swap3A_36] {strides = array<i32>} : memref<160xi32, #tpu.memory_space<vmem>>, vector<16xi32>,
    %swap3A_38 = vector.shape_cast %swap3A_37 : vector<16xi32> to vector<16xi32>
    %swap3A_39 = vector.shape_cast %add3A_35 : vector<16xi32> to vector<16xi32>
    tpu.vector_store %arg7[%swap3A_36], %swap3A_39 {strides = array<i32>} : memref<160xi32, #tpu.memory_space<vmem>>, vector<16xi32>,
    %get3A_40 = arith.constant 48 : index
    %get3A_41 = tpu.vector_load %arg6[%get3A_40] {strides = array<i32>} : memref<160xi32, #tpu.memory_space<vmem>>, vector<16xi32>,
    %get3A_42 = vector.shape_cast %get3A_41 : vector<16xi32> to vector<16xi32>
    %mul3A_43 = arith.constant 4 : i32
    %mul3A_44 = vector.broadcast %mul3A_43 : i32 to vector<16xi32>
    %mul3A_45 = arith.muli %get3A_42, %mul3A_44 : vector<16xi32>
    %add3A_46 = arith.constant 0 : i32
    %add3A_47 = vector.broadcast %add3A_46 : i32 to vector<16xi32>
    %add3A_48 = arith.addi %mul3A_45, %add3A_47 : vector<16xi32>
    %swap3A_49 = arith.constant 48 : index
    %swap3A_50 = tpu.vector_load %arg7[%swap3A_49] {strides = array<i32>} : memref<160xi32, #tpu.memory_space<vmem>>, vector<16xi32>,
    %swap3A_51 = vector.shape_cast %swap3A_50 : vector<16xi32> to vector<16xi32>
    %swap3A_52 = vector.shape_cast %add3A_48 : vector<16xi32> to vector<16xi32>
    tpu.vector_store %arg7[%swap3A_49], %swap3A_52 {strides = array<i32>} : memref<160xi32, #tpu.memory_space<vmem>>, vector<16xi32>,
    %get3A_53 = arith.constant 64 : index
    %get3A_54 = tpu.vector_load %arg6[%get3A_53] {strides = array<i32>} : memref<160xi32, #tpu.memory_space<vmem>>, vector<16xi32>,
    %get3A_55 = vector.shape_cast %get3A_54 : vector<16xi32> to vector<16xi32>
    %mul3A_56 = arith.constant 4 : i32
    %mul3A_57 = vector.broadcast %mul3A_56 : i32 to vector<16xi32>
    %mul3A_58 = arith.muli %get3A_55, %mul3A_57 : vector<16xi32>
    %add3A_59 = arith.constant 0 : i32
    %add3A_60 = vector.broadcast %add3A_59 : i32 to vector<16xi32>
    %add3A_61 = arith.addi %mul3A_58, %add3A_60 : vector<16xi32>
    %swap3A_62 = arith.constant 64 : index
    %swap3A_63 = tpu.vector_load %arg7[%swap3A_62] {strides = array<i32>} : memref<160xi32, #tpu.memory_space<vmem>>, vector<16xi32>,
    %swap3A_64 = vector.shape_cast %swap3A_63 : vector<16xi32> to vector<16xi32>
    %swap3A_65 = vector.shape_cast %add3A_61 : vector<16xi32> to vector<16xi32>
    tpu.vector_store %arg7[%swap3A_62], %swap3A_65 {strides = array<i32>} : memref<160xi32, #tpu.memory_space<vmem>>, vector<16xi32>,
    %get3A_66 = arith.constant 80 : index
    %get3A_67 = tpu.vector_load %arg6[%get3A_66] {strides = array<i32>} : memref<160xi32, #tpu.memory_space<vmem>>, vector<16xi32>,
    %get3A_68 = vector.shape_cast %get3A_67 : vector<16xi32> to vector<16xi32>
    %mul3A_69 = arith.constant 4 : i32
    %mul3A_70 = vector.broadcast %mul3A_69 : i32 to vector<16xi32>
    %mul3A_71 = arith.muli %get3A_68, %mul3A_70 : vector<16xi32>
    %add3A_72 = arith.constant 0 : i32
    %add3A_73 = vector.broadcast %add3A_72 : i32 to vector<16xi32>
    %add3A_74 = arith.addi %mul3A_71, %add3A_73 : vector<16xi32>
    %swap3A_75 = arith.constant 80 : index
    %swap3A_76 = tpu.vector_load %arg7[%swap3A_75] {strides = array<i32>} : memref<160xi32, #tpu.memory_space<vmem>>, vector<16xi32>,
    %swap3A_77 = vector.shape_cast %swap3A_76 : vector<16xi32> to vector<16xi32>
    %swap3A_78 = vector.shape_cast %add3A_74 : vector<16xi32> to vector<16xi32>
    tpu.vector_store %arg7[%swap3A_75], %swap3A_78 {strides = array<i32>} : memref<160xi32, #tpu.memory_space<vmem>>, vector<16xi32>,
    %get3A_79 = arith.constant 96 : index
    %get3A_80 = tpu.vector_load %arg6[%get3A_79] {strides = array<i32>} : memref<160xi32, #tpu.memory_space<vmem>>, vector<16xi32>,
    %get3A_81 = vector.shape_cast %get3A_80 : vector<16xi32> to vector<16xi32>
    %mul3A_82 = arith.constant 4 : i32
    %mul3A_83 = vector.broadcast %mul3A_82 : i32 to vector<16xi32>
    %mul3A_84 = arith.muli %get3A_81, %mul3A_83 : vector<16xi32>
    %add3A_85 = arith.constant 0 : i32
    %add3A_86 = vector.broadcast %add3A_85 : i32 to vector<16xi32>
    %add3A_87 = arith.addi %mul3A_84, %add3A_86 : vector<16xi32>
    %swap3A_88 = arith.constant 96 : index
    %swap3A_89 = tpu.vector_load %arg7[%swap3A_88] {strides = array<i32>} : memref<160xi32, #tpu.memory_space<vmem>>, vector<16xi32>,
    %swap3A_90 = vector.shape_cast %swap3A_89 : vector<16xi32> to vector<16xi32>
    %swap3A_91 = vector.shape_cast %add3A_87 : vector<16xi32> to vector<16xi32>
    tpu.vector_store %arg7[%swap3A_88], %swap3A_91 {strides = array<i32>} : memref<160xi32, #tpu.memory_space<vmem>>, vector<16xi32>,
    %get3A_92 = arith.constant 112 : index
    %get3A_93 = tpu.vector_load %arg6[%get3A_92] {strides = array<i32>} : memref<160xi32, #tpu.memory_space<vmem>>, vector<16xi32>,
    %get3A_94 = vector.shape_cast %get3A_93 : vector<16xi32> to vector<16xi32>
    %mul3A_95 = arith.constant 4 : i32
    %mul3A_96 = vector.broadcast %mul3A_95 : i32 to vector<16xi32>
    %mul3A_97 = arith.muli %get3A_94, %mul3A_96 : vector<16xi32>
    %add3A_98 = arith.constant 0 : i32
    %add3A_99 = vector.broadcast %add3A_98 : i32 to vector<16xi32>
    %add3A_100 = arith.addi %mul3A_97, %add3A_99 : vector<16xi32>
    %swap3A_101 = arith.constant 112 : index
    %swap3A_102 = tpu.vector_load %arg7[%swap3A_101] {strides = array<i32>} : memref<160xi32, #tpu.memory_space<vmem>>, vector<16xi32>,
    %swap3A_103 = vector.shape_cast %swap3A_102 : vector<16xi32> to vector<16xi32>
    %swap3A_104 = vector.shape_cast %add3A_100 : vector<16xi32> to vector<16xi32>
    tpu.vector_store %arg7[%swap3A_101], %swap3A_104 {strides = array<i32>} : memref<160xi32, #tpu.memory_space<vmem>>, vector<16xi32>,
    %get3A_105 = arith.constant 128 : index
    %get3A_106 = tpu.vector_load %arg6[%get3A_105] {strides = array<i32>} : memref<160xi32, #tpu.memory_space<vmem>>, vector<16xi32>,
    %get3A_107 = vector.shape_cast %get3A_106 : vector<16xi32> to vector<16xi32>
    %mul3A_108 = arith.constant 4 : i32
    %mul3A_109 = vector.broadcast %mul3A_108 : i32 to vector<16xi32>
    %mul3A_110 = arith.muli %get3A_107, %mul3A_109 : vector<16xi32>
    %add3A_111 = arith.constant 0 : i32
    %add3A_112 = vector.broadcast %add3A_111 : i32 to vector<16xi32>
    %add3A_113 = arith.addi %mul3A_110, %add3A_112 : vector<16xi32>
    %swap3A_114 = arith.constant 128 : index
    %swap3A_115 = tpu.vector_load %arg7[%swap3A_114] {strides = array<i32>} : memref<160xi32, #tpu.memory_space<vmem>>, vector<16xi32>,
    %swap3A_116 = vector.shape_cast %swap3A_115 : vector<16xi32> to vector<16xi32>
    %swap3A_117 = vector.shape_cast %add3A_113 : vector<16xi32> to vector<16xi32>
    tpu.vector_store %arg7[%swap3A_114], %swap3A_117 {strides = array<i32>} : memref<160xi32, #tpu.memory_space<vmem>>, vector<16xi32>,
    %get3A_118 = arith.constant 144 : index
    %get3A_119 = tpu.vector_load %arg6[%get3A_118] {strides = array<i32>} : memref<160xi32, #tpu.memory_space<vmem>>, vector<16xi32>,
    %get3A_120 = vector.shape_cast %get3A_119 : vector<16xi32> to vector<16xi32>
    %mul3A_121 = arith.constant 4 : i32
    %mul3A_122 = vector.broadcast %mul3A_121 : i32 to vector<16xi32>
    %mul3A_123 = arith.muli %get3A_120, %mul3A_122 : vector<16xi32>
    %add3A_124 = arith.constant 0 : i32
    %add3A_125 = vector.broadcast %add3A_124 : i32 to vector<16xi32>
    %add3A_126 = arith.addi %mul3A_123, %add3A_125 : vector<16xi32>
    %swap3A_127 = arith.constant 144 : index
    %swap3A_128 = tpu.vector_load %arg7[%swap3A_127] {strides = array<i32>} : memref<160xi32, #tpu.memory_space<vmem>>, vector<16xi32>,
    %swap3A_129 = vector.shape_cast %swap3A_128 : vector<16xi32> to vector<16xi32>
    %swap3A_130 = vector.shape_cast %add3A_126 : vector<16xi32> to vector<16xi32>
    tpu.vector_store %arg7[%swap3A_127], %swap3A_130 {strides = array<i32>} : memref<160xi32, #tpu.memory_space<vmem>>, vector<16xi32>,
    %get3A_131 = arith.constant 0 : index
    %get3A_132 = tpu.vector_load %arg6[%get3A_131] {strides = array<i32>} : memref<160xi32, #tpu.memory_space<vmem>>, vector<16xi32>,
    %get3A_133 = vector.shape_cast %get3A_132 : vector<16xi32> to vector<16xi32>
    %mul3A_134 = arith.constant 4 : i32
    %mul3A_135 = vector.broadcast %mul3A_134 : i32 to vector<16xi32>
    %mul3A_136 = arith.muli %get3A_133, %mul3A_135 : vector<16xi32>
    %add3A_137 = arith.constant 1 : i32
    %add3A_138 = vector.broadcast %add3A_137 : i32 to vector<16xi32>
    %add3A_139 = arith.addi %mul3A_136, %add3A_138 : vector<16xi32>
    %swap3A_140 = arith.constant 0 : index
    %swap3A_141 = tpu.vector_load %arg8[%swap3A_140] {strides = array<i32>} : memref<160xi32, #tpu.memory_space<vmem>>, vector<16xi32>,
    %swap3A_142 = vector.shape_cast %swap3A_141 : vector<16xi32> to vector<16xi32>
    %swap3A_143 = vector.shape_cast %add3A_139 : vector<16xi32> to vector<16xi32>
    tpu.vector_store %arg8[%swap3A_140], %swap3A_143 {strides = array<i32>} : memref<160xi32, #tpu.memory_space<vmem>>, vector<16xi32>,
    %get3A_144 = arith.constant 16 : index
    %get3A_145 = tpu.vector_load %arg6[%get3A_144] {strides = array<i32>} : memref<160xi32, #tpu.memory_space<vmem>>, vector<16xi32>,
    %get3A_146 = vector.shape_cast %get3A_145 : vector<16xi32> to vector<16xi32>
    %mul3A_147 = arith.constant 4 : i32
    %mul3A_148 = vector.broadcast %mul3A_147 : i32 to vector<16xi32>
    %mul3A_149 = arith.muli %get3A_146, %mul3A_148 : vector<16xi32>
    %add3A_150 = arith.constant 1 : i32
    %add3A_151 = vector.broadcast %add3A_150 : i32 to vector<16xi32>
    %add3A_152 = arith.addi %mul3A_149, %add3A_151 : vector<16xi32>
    %swap3A_153 = arith.constant 16 : index
    %swap3A_154 = tpu.vector_load %arg8[%swap3A_153] {strides = array<i32>} : memref<160xi32, #tpu.memory_space<vmem>>, vector<16xi32>,
    %swap3A_155 = vector.shape_cast %swap3A_154 : vector<16xi32> to vector<16xi32>
    %swap3A_156 = vector.shape_cast %add3A_152 : vector<16xi32> to vector<16xi32>
    tpu.vector_store %arg8[%swap3A_153], %swap3A_156 {strides = array<i32>} : memref<160xi32, #tpu.memory_space<vmem>>, vector<16xi32>,
    %get3A_157 = arith.constant 32 : index
    %get3A_158 = tpu.vector_load %arg6[%get3A_157] {strides = array<i32>} : memref<160xi32, #tpu.memory_space<vmem>>, vector<16xi32>,
    %get3A_159 = vector.shape_cast %get3A_158 : vector<16xi32> to vector<16xi32>
    %mul3A_160 = arith.constant 4 : i32
    %mul3A_161 = vector.broadcast %mul3A_160 : i32 to vector<16xi32>
    %mul3A_162 = arith.muli %get3A_159, %mul3A_161 : vector<16xi32>
    %add3A_163 = arith.constant 1 : i32
    %add3A_164 = vector.broadcast %add3A_163 : i32 to vector<16xi32>
    %add3A_165 = arith.addi %mul3A_162, %add3A_164 : vector<16xi32>
    %swap3A_166 = arith.constant 32 : index
    %swap3A_167 = tpu.vector_load %arg8[%swap3A_166] {strides = array<i32>} : memref<160xi32, #tpu.memory_space<vmem>>, vector<16xi32>,
    %swap3A_168 = vector.shape_cast %swap3A_167 : vector<16xi32> to vector<16xi32>
    %swap3A_169 = vector.shape_cast %add3A_165 : vector<16xi32> to vector<16xi32>
    tpu.vector_store %arg8[%swap3A_166], %swap3A_169 {strides = array<i32>} : memref<160xi32, #tpu.memory_space<vmem>>, vector<16xi32>,
    %get3A_170 = arith.constant 48 : index
    %get3A_171 = tpu.vector_load %arg6[%get3A_170] {strides = array<i32>} : memref<160xi32, #tpu.memory_space<vmem>>, vector<16xi32>,
    %get3A_172 = vector.shape_cast %get3A_171 : vector<16xi32> to vector<16xi32>
    %mul3A_173 = arith.constant 4 : i32
    %mul3A_174 = vector.broadcast %mul3A_173 : i32 to vector<16xi32>
    %mul3A_175 = arith.muli %get3A_172, %mul3A_174 : vector<16xi32>
    %add3A_176 = arith.constant 1 : i32
    %add3A_177 = vector.broadcast %add3A_176 : i32 to vector<16xi32>
    %add3A_178 = arith.addi %mul3A_175, %add3A_177 : vector<16xi32>
    %swap3A_179 = arith.constant 48 : index
    %swap3A_180 = tpu.vector_load %arg8[%swap3A_179] {strides = array<i32>} : memref<160xi32, #tpu.memory_space<vmem>>, vector<16xi32>,
    %swap3A_181 = vector.shape_cast %swap3A_180 : vector<16xi32> to vector<16xi32>
    %swap3A_182 = vector.shape_cast %add3A_178 : vector<16xi32> to vector<16xi32>
    tpu.vector_store %arg8[%swap3A_179], %swap3A_182 {strides = array<i32>} : memref<160xi32, #tpu.memory_space<vmem>>, vector<16xi32>,
    %get3A_183 = arith.constant 64 : index
    %get3A_184 = tpu.vector_load %arg6[%get3A_183] {strides = array<i32>} : memref<160xi32, #tpu.memory_space<vmem>>, vector<16xi32>,
    %get3A_185 = vector.shape_cast %get3A_184 : vector<16xi32> to vector<16xi32>
    %mul3A_186 = arith.constant 4 : i32
    %mul3A_187 = vector.broadcast %mul3A_186 : i32 to vector<16xi32>
    %mul3A_188 = arith.muli %get3A_185, %mul3A_187 : vector<16xi32>
    %add3A_189 = arith.constant 1 : i32
    %add3A_190 = vector.broadcast %add3A_189 : i32 to vector<16xi32>
    %add3A_191 = arith.addi %mul3A_188, %add3A_190 : vector<16xi32>
    %swap3A_192 = arith.constant 64 : index
    %swap3A_193 = tpu.vector_load %arg8[%swap3A_192] {strides = array<i32>} : memref<160xi32, #tpu.memory_space<vmem>>, vector<16xi32>,
    %swap3A_194 = vector.shape_cast %swap3A_193 : vector<16xi32> to vector<16xi32>
    %swap3A_195 = vector.shape_cast %add3A_191 : vector<16xi32> to vector<16xi32>
    tpu.vector_store %arg8[%swap3A_192], %swap3A_195 {strides = array<i32>} : memref<160xi32, #tpu.memory_space<vmem>>, vector<16xi32>,
    %get3A_196 = arith.constant 80 : index
    %get3A_197 = tpu.vector_load %arg6[%get3A_196] {strides = array<i32>} : memref<160xi32, #tpu.memory_space<vmem>>, vector<16xi32>,
    %get3A_198 = vector.shape_cast %get3A_197 : vector<16xi32> to vector<16xi32>
    %mul3A_199 = arith.constant 4 : i32
    %mul3A_200 = vector.broadcast %mul3A_199 : i32 to vector<16xi32>
    %mul3A_201 = arith.muli %get3A_198, %mul3A_200 : vector<16xi32>
    %add3A_202 = arith.constant 1 : i32
    %add3A_203 = vector.broadcast %add3A_202 : i32 to vector<16xi32>
    %add3A_204 = arith.addi %mul3A_201, %add3A_203 : vector<16xi32>
    %swap3A_205 = arith.constant 80 : index
    %swap3A_206 = tpu.vector_load %arg8[%swap3A_205] {strides = array<i32>} : memref<160xi32, #tpu.memory_space<vmem>>, vector<16xi32>,
    %swap3A_207 = vector.shape_cast %swap3A_206 : vector<16xi32> to vector<16xi32>
    %swap3A_208 = vector.shape_cast %add3A_204 : vector<16xi32> to vector<16xi32>
    tpu.vector_store %arg8[%swap3A_205], %swap3A_208 {strides = array<i32>} : memref<160xi32, #tpu.memory_space<vmem>>, vector<16xi32>,
    %get3A_209 = arith.constant 96 : index
    %get3A_210 = tpu.vector_load %arg6[%get3A_209] {strides = array<i32>} : memref<160xi32, #tpu.memory_space<vmem>>, vector<16xi32>,
    %get3A_211 = vector.shape_cast %get3A_210 : vector<16xi32> to vector<16xi32>
    %mul3A_212 = arith.constant 4 : i32
    %mul3A_213 = vector.broadcast %mul3A_212 : i32 to vector<16xi32>
    %mul3A_214 = arith.muli %get3A_211, %mul3A_213 : vector<16xi32>
    %add3A_215 = arith.constant 1 : i32
    %add3A_216 = vector.broadcast %add3A_215 : i32 to vector<16xi32>
    %add3A_217 = arith.addi %mul3A_214, %add3A_216 : vector<16xi32>
    %swap3A_218 = arith.constant 96 : index
    %swap3A_219 = tpu.vector_load %arg8[%swap3A_218] {strides = array<i32>} : memref<160xi32, #tpu.memory_space<vmem>>, vector<16xi32>,
    %swap3A_220 = vector.shape_cast %swap3A_219 : vector<16xi32> to vector<16xi32>
    %swap3A_221 = vector.shape_cast %add3A_217 : vector<16xi32> to vector<16xi32>
    tpu.vector_store %arg8[%swap3A_218], %swap3A_221 {strides = array<i32>} : memref<160xi32, #tpu.memory_space<vmem>>, vector<16xi32>,
    %get3A_222 = arith.constant 112 : index
    %get3A_223 = tpu.vector_load %arg6[%get3A_222] {strides = array<i32>} : memref<160xi32, #tpu.memory_space<vmem>>, vector<16xi32>,
    %get3A_224 = vector.shape_cast %get3A_223 : vector<16xi32> to vector<16xi32>
    %mul3A_225 = arith.constant 4 : i32
    %mul3A_226 = vector.broadcast %mul3A_225 : i32 to vector<16xi32>
    %mul3A_227 = arith.muli %get3A_224, %mul3A_226 : vector<16xi32>
    %add3A_228 = arith.constant 1 : i32
    %add3A_229 = vector.broadcast %add3A_228 : i32 to vector<16xi32>
    %add3A_230 = arith.addi %mul3A_227, %add3A_229 : vector<16xi32>
    %swap3A_231 = arith.constant 112 : index
    %swap3A_232 = tpu.vector_load %arg8[%swap3A_231] {strides = array<i32>} : memref<160xi32, #tpu.memory_space<vmem>>, vector<16xi32>,
    %swap3A_233 = vector.shape_cast %swap3A_232 : vector<16xi32> to vector<16xi32>
    %swap3A_234 = vector.shape_cast %add3A_230 : vector<16xi32> to vector<16xi32>
    tpu.vector_store %arg8[%swap3A_231], %swap3A_234 {strides = array<i32>} : memref<160xi32, #tpu.memory_space<vmem>>, vector<16xi32>,
    %get3A_235 = arith.constant 128 : index
    %get3A_236 = tpu.vector_load %arg6[%get3A_235] {strides = array<i32>} : memref<160xi32, #tpu.memory_space<vmem>>, vector<16xi32>,
    %get3A_237 = vector.shape_cast %get3A_236 : vector<16xi32> to vector<16xi32>
    %mul3A_238 = arith.constant 4 : i32
    %mul3A_239 = vector.broadcast %mul3A_238 : i32 to vector<16xi32>
    %mul3A_240 = arith.muli %get3A_237, %mul3A_239 : vector<16xi32>
    %add3A_241 = arith.constant 1 : i32
    %add3A_242 = vector.broadcast %add3A_241 : i32 to vector<16xi32>
    %add3A_243 = arith.addi %mul3A_240, %add3A_242 : vector<16xi32>
    %swap3A_244 = arith.constant 128 : index
    %swap3A_245 = tpu.vector_load %arg8[%swap3A_244] {strides = array<i32>} : memref<160xi32, #tpu.memory_space<vmem>>, vector<16xi32>,
    %swap3A_246 = vector.shape_cast %swap3A_245 : vector<16xi32> to vector<16xi32>
    %swap3A_247 = vector.shape_cast %add3A_243 : vector<16xi32> to vector<16xi32>
    tpu.vector_store %arg8[%swap3A_244], %swap3A_247 {strides = array<i32>} : memref<160xi32, #tpu.memory_space<vmem>>, vector<16xi32>,
    %get3A_248 = arith.constant 144 : index
    %get3A_249 = tpu.vector_load %arg6[%get3A_248] {strides = array<i32>} : memref<160xi32, #tpu.memory_space<vmem>>, vector<16xi32>,
    %get3A_250 = vector.shape_cast %get3A_249 : vector<16xi32> to vector<16xi32>
    %mul3A_251 = arith.constant 4 : i32
    %mul3A_252 = vector.broadcast %mul3A_251 : i32 to vector<16xi32>
    %mul3A_253 = arith.muli %get3A_250, %mul3A_252 : vector<16xi32>
    %add3A_254 = arith.constant 1 : i32
    %add3A_255 = vector.broadcast %add3A_254 : i32 to vector<16xi32>
    %add3A_256 = arith.addi %mul3A_253, %add3A_255 : vector<16xi32>
    %swap3A_257 = arith.constant 144 : index
    %swap3A_258 = tpu.vector_load %arg8[%swap3A_257] {strides = array<i32>} : memref<160xi32, #tpu.memory_space<vmem>>, vector<16xi32>,
    %swap3A_259 = vector.shape_cast %swap3A_258 : vector<16xi32> to vector<16xi32>
    %swap3A_260 = vector.shape_cast %add3A_256 : vector<16xi32> to vector<16xi32>
    tpu.vector_store %arg8[%swap3A_257], %swap3A_260 {strides = array<i32>} : memref<160xi32, #tpu.memory_space<vmem>>, vector<16xi32>,
    %get3A_261 = arith.constant 0 : index
    %get3A_262 = tpu.vector_load %arg6[%get3A_261] {strides = array<i32>} : memref<160xi32, #tpu.memory_space<vmem>>, vector<16xi32>,
    %get3A_263 = vector.shape_cast %get3A_262 : vector<16xi32> to vector<16xi32>
    %mul3A_264 = arith.constant 4 : i32
    %mul3A_265 = vector.broadcast %mul3A_264 : i32 to vector<16xi32>
    %mul3A_266 = arith.muli %get3A_263, %mul3A_265 : vector<16xi32>
    %add3A_267 = arith.constant 2 : i32
    %add3A_268 = vector.broadcast %add3A_267 : i32 to vector<16xi32>
    %add3A_269 = arith.addi %mul3A_266, %add3A_268 : vector<16xi32>
    %swap3A_270 = arith.constant 0 : index
    %swap3A_271 = tpu.vector_load %arg9[%swap3A_270] {strides = array<i32>} : memref<160xi32, #tpu.memory_space<vmem>>, vector<16xi32>,
    %swap3A_272 = vector.shape_cast %swap3A_271 : vector<16xi32> to vector<16xi32>
    %swap3A_273 = vector.shape_cast %add3A_269 : vector<16xi32> to vector<16xi32>
    tpu.vector_store %arg9[%swap3A_270], %swap3A_273 {strides = array<i32>} : memref<160xi32, #tpu.memory_space<vmem>>, vector<16xi32>,
    %get3A_274 = arith.constant 16 : index
    %get3A_275 = tpu.vector_load %arg6[%get3A_274] {strides = array<i32>} : memref<160xi32, #tpu.memory_space<vmem>>, vector<16xi32>,
    %get3A_276 = vector.shape_cast %get3A_275 : vector<16xi32> to vector<16xi32>
    %mul3A_277 = arith.constant 4 : i32
    %mul3A_278 = vector.broadcast %mul3A_277 : i32 to vector<16xi32>
    %mul3A_279 = arith.muli %get3A_276, %mul3A_278 : vector<16xi32>
    %add3A_280 = arith.constant 2 : i32
    %add3A_281 = vector.broadcast %add3A_280 : i32 to vector<16xi32>
    %add3A_282 = arith.addi %mul3A_279, %add3A_281 : vector<16xi32>
    %swap3A_283 = arith.constant 16 : index
    %swap3A_284 = tpu.vector_load %arg9[%swap3A_283] {strides = array<i32>} : memref<160xi32, #tpu.memory_space<vmem>>, vector<16xi32>,
    %swap3A_285 = vector.shape_cast %swap3A_284 : vector<16xi32> to vector<16xi32>
    %swap3A_286 = vector.shape_cast %add3A_282 : vector<16xi32> to vector<16xi32>
    tpu.vector_store %arg9[%swap3A_283], %swap3A_286 {strides = array<i32>} : memref<160xi32, #tpu.memory_space<vmem>>, vector<16xi32>,
    %get3A_287 = arith.constant 32 : index
    %get3A_288 = tpu.vector_load %arg6[%get3A_287] {strides = array<i32>} : memref<160xi32, #tpu.memory_space<vmem>>, vector<16xi32>,
    %get3A_289 = vector.shape_cast %get3A_288 : vector<16xi32> to vector<16xi32>
    %mul3A_290 = arith.constant 4 : i32
    %mul3A_291 = vector.broadcast %mul3A_290 : i32 to vector<16xi32>
    %mul3A_292 = arith.muli %get3A_289, %mul3A_291 : vector<16xi32>
    %add3A_293 = arith.constant 2 : i32
    %add3A_294 = vector.broadcast %add3A_293 : i32 to vector<16xi32>
    %add3A_295 = arith.addi %mul3A_292, %add3A_294 : vector<16xi32>
    %swap3A_296 = arith.constant 32 : index
    %swap3A_297 = tpu.vector_load %arg9[%swap3A_296] {strides = array<i32>} : memref<160xi32, #tpu.memory_space<vmem>>, vector<16xi32>,
    %swap3A_298 = vector.shape_cast %swap3A_297 : vector<16xi32> to vector<16xi32>
    %swap3A_299 = vector.shape_cast %add3A_295 : vector<16xi32> to vector<16xi32>
    tpu.vector_store %arg9[%swap3A_296], %swap3A_299 {strides = array<i32>} : memref<160xi32, #tpu.memory_space<vmem>>, vector<16xi32>,
    %get3A_300 = arith.constant 48 : index
    %get3A_301 = tpu.vector_load %arg6[%get3A_300] {strides = array<i32>} : memref<160xi32, #tpu.memory_space<vmem>>, vector<16xi32>,
    %get3A_302 = vector.shape_cast %get3A_301 : vector<16xi32> to vector<16xi32>
    %mul3A_303 = arith.constant 4 : i32
    %mul3A_304 = vector.broadcast %mul3A_303 : i32 to vector<16xi32>
    %mul3A_305 = arith.muli %get3A_302, %mul3A_304 : vector<16xi32>
    %add3A_306 = arith.constant 2 : i32
    %add3A_307 = vector.broadcast %add3A_306 : i32 to vector<16xi32>
    %add3A_308 = arith.addi %mul3A_305, %add3A_307 : vector<16xi32>
    %swap3A_309 = arith.constant 48 : index
    %swap3A_310 = tpu.vector_load %arg9[%swap3A_309] {strides = array<i32>} : memref<160xi32, #tpu.memory_space<vmem>>, vector<16xi32>,
    %swap3A_311 = vector.shape_cast %swap3A_310 : vector<16xi32> to vector<16xi32>
    %swap3A_312 = vector.shape_cast %add3A_308 : vector<16xi32> to vector<16xi32>
    tpu.vector_store %arg9[%swap3A_309], %swap3A_312 {strides = array<i32>} : memref<160xi32, #tpu.memory_space<vmem>>, vector<16xi32>,
    %get3A_313 = arith.constant 64 : index
    %get3A_314 = tpu.vector_load %arg6[%get3A_313] {strides = array<i32>} : memref<160xi32, #tpu.memory_space<vmem>>, vector<16xi32>,
    %get3A_315 = vector.shape_cast %get3A_314 : vector<16xi32> to vector<16xi32>
    %mul3A_316 = arith.constant 4 : i32
    %mul3A_317 = vector.broadcast %mul3A_316 : i32 to vector<16xi32>
    %mul3A_318 = arith.muli %get3A_315, %mul3A_317 : vector<16xi32>
    %add3A_319 = arith.constant 2 : i32
    %add3A_320 = vector.broadcast %add3A_319 : i32 to vector<16xi32>
    %add3A_321 = arith.addi %mul3A_318, %add3A_320 : vector<16xi32>
    %swap3A_322 = arith.constant 64 : index
    %swap3A_323 = tpu.vector_load %arg9[%swap3A_322] {strides = array<i32>} : memref<160xi32, #tpu.memory_space<vmem>>, vector<16xi32>,
    %swap3A_324 = vector.shape_cast %swap3A_323 : vector<16xi32> to vector<16xi32>
    %swap3A_325 = vector.shape_cast %add3A_321 : vector<16xi32> to vector<16xi32>
    tpu.vector_store %arg9[%swap3A_322], %swap3A_325 {strides = array<i32>} : memref<160xi32, #tpu.memory_space<vmem>>, vector<16xi32>,
    %get3A_326 = arith.constant 80 : index
    %get3A_327 = tpu.vector_load %arg6[%get3A_326] {strides = array<i32>} : memref<160xi32, #tpu.memory_space<vmem>>, vector<16xi32>,
    %get3A_328 = vector.shape_cast %get3A_327 : vector<16xi32> to vector<16xi32>
    %mul3A_329 = arith.constant 4 : i32
    %mul3A_330 = vector.broadcast %mul3A_329 : i32 to vector<16xi32>
    %mul3A_331 = arith.muli %get3A_328, %mul3A_330 : vector<16xi32>
    %add3A_332 = arith.constant 2 : i32
    %add3A_333 = vector.broadcast %add3A_332 : i32 to vector<16xi32>
    %add3A_334 = arith.addi %mul3A_331, %add3A_333 : vector<16xi32>
    %swap3A_335 = arith.constant 80 : index
    %swap3A_336 = tpu.vector_load %arg9[%swap3A_335] {strides = array<i32>} : memref<160xi32, #tpu.memory_space<vmem>>, vector<16xi32>,
    %swap3A_337 = vector.shape_cast %swap3A_336 : vector<16xi32> to vector<16xi32>
    %swap3A_338 = vector.shape_cast %add3A_334 : vector<16xi32> to vector<16xi32>
    tpu.vector_store %arg9[%swap3A_335], %swap3A_338 {strides = array<i32>} : memref<160xi32, #tpu.memory_space<vmem>>, vector<16xi32>,
    %get3A_339 = arith.constant 96 : index
    %get3A_340 = tpu.vector_load %arg6[%get3A_339] {strides = array<i32>} : memref<160xi32, #tpu.memory_space<vmem>>, vector<16xi32>,
    %get3A_341 = vector.shape_cast %get3A_340 : vector<16xi32> to vector<16xi32>
    %mul3A_342 = arith.constant 4 : i32
    %mul3A_343 = vector.broadcast %mul3A_342 : i32 to vector<16xi32>
    %mul3A_344 = arith.muli %get3A_341, %mul3A_343 : vector<16xi32>
    %add3A_345 = arith.constant 2 : i32
    %add3A_346 = vector.broadcast %add3A_345 : i32 to vector<16xi32>
    %add3A_347 = arith.addi %mul3A_344, %add3A_346 : vector<16xi32>
    %swap3A_348 = arith.constant 96 : index
    %swap3A_349 = tpu.vector_load %arg9[%swap3A_348] {strides = array<i32>} : memref<160xi32, #tpu.memory_space<vmem>>, vector<16xi32>,
    %swap3A_350 = vector.shape_cast %swap3A_349 : vector<16xi32> to vector<16xi32>
    %swap3A_351 = vector.shape_cast %add3A_347 : vector<16xi32> to vector<16xi32>
    tpu.vector_store %arg9[%swap3A_348], %swap3A_351 {strides = array<i32>} : memref<160xi32, #tpu.memory_space<vmem>>, vector<16xi32>,
    %get3A_352 = arith.constant 112 : index
    %get3A_353 = tpu.vector_load %arg6[%get3A_352] {strides = array<i32>} : memref<160xi32, #tpu.memory_space<vmem>>, vector<16xi32>,
    %get3A_354 = vector.shape_cast %get3A_353 : vector<16xi32> to vector<16xi32>
    %mul3A_355 = arith.constant 4 : i32
    %mul3A_356 = vector.broadcast %mul3A_355 : i32 to vector<16xi32>
    %mul3A_357 = arith.muli %get3A_354, %mul3A_356 : vector<16xi32>
    %add3A_358 = arith.constant 2 : i32
    %add3A_359 = vector.broadcast %add3A_358 : i32 to vector<16xi32>
    %add3A_360 = arith.addi %mul3A_357, %add3A_359 : vector<16xi32>
    %swap3A_361 = arith.constant 112 : index
    %swap3A_362 = tpu.vector_load %arg9[%swap3A_361] {strides = array<i32>} : memref<160xi32, #tpu.memory_space<vmem>>, vector<16xi32>,
    %swap3A_363 = vector.shape_cast %swap3A_362 : vector<16xi32> to vector<16xi32>
    %swap3A_364 = vector.shape_cast %add3A_360 : vector<16xi32> to vector<16xi32>
    tpu.vector_store %arg9[%swap3A_361], %swap3A_364 {strides = array<i32>} : memref<160xi32, #tpu.memory_space<vmem>>, vector<16xi32>,
    %get3A_365 = arith.constant 128 : index
    %get3A_366 = tpu.vector_load %arg6[%get3A_365] {strides = array<i32>} : memref<160xi32, #tpu.memory_space<vmem>>, vector<16xi32>,
    %get3A_367 = vector.shape_cast %get3A_366 : vector<16xi32> to vector<16xi32>
    %mul3A_368 = arith.constant 4 : i32
    %mul3A_369 = vector.broadcast %mul3A_368 : i32 to vector<16xi32>
    %mul3A_370 = arith.muli %get3A_367, %mul3A_369 : vector<16xi32>
    %add3A_371 = arith.constant 2 : i32
    %add3A_372 = vector.broadcast %add3A_371 : i32 to vector<16xi32>
    %add3A_373 = arith.addi %mul3A_370, %add3A_372 : vector<16xi32>
    %swap3A_374 = arith.constant 128 : index
    %swap3A_375 = tpu.vector_load %arg9[%swap3A_374] {strides = array<i32>} : memref<160xi32, #tpu.memory_space<vmem>>, vector<16xi32>,
    %swap3A_376 = vector.shape_cast %swap3A_375 : vector<16xi32> to vector<16xi32>
    %swap3A_377 = vector.shape_cast %add3A_373 : vector<16xi32> to vector<16xi32>
    tpu.vector_store %arg9[%swap3A_374], %swap3A_377 {strides = array<i32>} : memref<160xi32, #tpu.memory_space<vmem>>, vector<16xi32>,
    %get3A_378 = arith.constant 144 : index
    %get3A_379 = tpu.vector_load %arg6[%get3A_378] {strides = array<i32>} : memref<160xi32, #tpu.memory_space<vmem>>, vector<16xi32>,
    %get3A_380 = vector.shape_cast %get3A_379 : vector<16xi32> to vector<16xi32>
    %mul3A_381 = arith.constant 4 : i32
    %mul3A_382 = vector.broadcast %mul3A_381 : i32 to vector<16xi32>
    %mul3A_383 = arith.muli %get3A_380, %mul3A_382 : vector<16xi32>
    %add3A_384 = arith.constant 2 : i32
    %add3A_385 = vector.broadcast %add3A_384 : i32 to vector<16xi32>
    %add3A_386 = arith.addi %mul3A_383, %add3A_385 : vector<16xi32>
    %swap3A_387 = arith.constant 144 : index
    %swap3A_388 = tpu.vector_load %arg9[%swap3A_387] {strides = array<i32>} : memref<160xi32, #tpu.memory_space<vmem>>, vector<16xi32>,
    %swap3A_389 = vector.shape_cast %swap3A_388 : vector<16xi32> to vector<16xi32>
    %swap3A_390 = vector.shape_cast %add3A_386 : vector<16xi32> to vector<16xi32>
    tpu.vector_store %arg9[%swap3A_387], %swap3A_390 {strides = array<i32>} : memref<160xi32, #tpu.memory_space<vmem>>, vector<16xi32>,
    %get3A_391 = arith.constant 0 : index
    %get3A_392 = tpu.vector_load %arg6[%get3A_391] {strides = array<i32>} : memref<160xi32, #tpu.memory_space<vmem>>, vector<16xi32>,
    %get3A_393 = vector.shape_cast %get3A_392 : vector<16xi32> to vector<16xi32>
    %mul3A_394 = arith.constant 4 : i32
    %mul3A_395 = vector.broadcast %mul3A_394 : i32 to vector<16xi32>
    %mul3A_396 = arith.muli %get3A_393, %mul3A_395 : vector<16xi32>
    %add3A_397 = arith.constant 3 : i32
    %add3A_398 = vector.broadcast %add3A_397 : i32 to vector<16xi32>
    %add3A_399 = arith.addi %mul3A_396, %add3A_398 : vector<16xi32>
    %swap3A_400 = arith.constant 0 : index
    %swap3A_401 = tpu.vector_load %arg10[%swap3A_400] {strides = array<i32>} : memref<160xi32, #tpu.memory_space<vmem>>, vector<16xi32>,
    %swap3A_402 = vector.shape_cast %swap3A_401 : vector<16xi32> to vector<16xi32>
    %swap3A_403 = vector.shape_cast %add3A_399 : vector<16xi32> to vector<16xi32>
    tpu.vector_store %arg10[%swap3A_400], %swap3A_403 {strides = array<i32>} : memref<160xi32, #tpu.memory_space<vmem>>, vector<16xi32>,
    %get3A_404 = arith.constant 16 : index
    %get3A_405 = tpu.vector_load %arg6[%get3A_404] {strides = array<i32>} : memref<160xi32, #tpu.memory_space<vmem>>, vector<16xi32>,
    %get3A_406 = vector.shape_cast %get3A_405 : vector<16xi32> to vector<16xi32>
    %mul3A_407 = arith.constant 4 : i32
    %mul3A_408 = vector.broadcast %mul3A_407 : i32 to vector<16xi32>
    %mul3A_409 = arith.muli %get3A_406, %mul3A_408 : vector<16xi32>
    %add3A_410 = arith.constant 3 : i32
    %add3A_411 = vector.broadcast %add3A_410 : i32 to vector<16xi32>
    %add3A_412 = arith.addi %mul3A_409, %add3A_411 : vector<16xi32>
    %swap3A_413 = arith.constant 16 : index
    %swap3A_414 = tpu.vector_load %arg10[%swap3A_413] {strides = array<i32>} : memref<160xi32, #tpu.memory_space<vmem>>, vector<16xi32>,
    %swap3A_415 = vector.shape_cast %swap3A_414 : vector<16xi32> to vector<16xi32>
    %swap3A_416 = vector.shape_cast %add3A_412 : vector<16xi32> to vector<16xi32>
    tpu.vector_store %arg10[%swap3A_413], %swap3A_416 {strides = array<i32>} : memref<160xi32, #tpu.memory_space<vmem>>, vector<16xi32>,
    %get3A_417 = arith.constant 32 : index
    %get3A_418 = tpu.vector_load %arg6[%get3A_417] {strides = array<i32>} : memref<160xi32, #tpu.memory_space<vmem>>, vector<16xi32>,
    %get3A_419 = vector.shape_cast %get3A_418 : vector<16xi32> to vector<16xi32>
    %mul3A_420 = arith.constant 4 : i32
    %mul3A_421 = vector.broadcast %mul3A_420 : i32 to vector<16xi32>
    %mul3A_422 = arith.muli %get3A_419, %mul3A_421 : vector<16xi32>
    %add3A_423 = arith.constant 3 : i32
    %add3A_424 = vector.broadcast %add3A_423 : i32 to vector<16xi32>
    %add3A_425 = arith.addi %mul3A_422, %add3A_424 : vector<16xi32>
    %swap3A_426 = arith.constant 32 : index
    %swap3A_427 = tpu.vector_load %arg10[%swap3A_426] {strides = array<i32>} : memref<160xi32, #tpu.memory_space<vmem>>, vector<16xi32>,
    %swap3A_428 = vector.shape_cast %swap3A_427 : vector<16xi32> to vector<16xi32>
    %swap3A_429 = vector.shape_cast %add3A_425 : vector<16xi32> to vector<16xi32>
    tpu.vector_store %arg10[%swap3A_426], %swap3A_429 {strides = array<i32>} : memref<160xi32, #tpu.memory_space<vmem>>, vector<16xi32>,
    %get3A_430 = arith.constant 48 : index
    %get3A_431 = tpu.vector_load %arg6[%get3A_430] {strides = array<i32>} : memref<160xi32, #tpu.memory_space<vmem>>, vector<16xi32>,
    %get3A_432 = vector.shape_cast %get3A_431 : vector<16xi32> to vector<16xi32>
    %mul3A_433 = arith.constant 4 : i32
    %mul3A_434 = vector.broadcast %mul3A_433 : i32 to vector<16xi32>
    %mul3A_435 = arith.muli %get3A_432, %mul3A_434 : vector<16xi32>
    %add3A_436 = arith.constant 3 : i32
    %add3A_437 = vector.broadcast %add3A_436 : i32 to vector<16xi32>
    %add3A_438 = arith.addi %mul3A_435, %add3A_437 : vector<16xi32>
    %swap3A_439 = arith.constant 48 : index
    %swap3A_440 = tpu.vector_load %arg10[%swap3A_439] {strides = array<i32>} : memref<160xi32, #tpu.memory_space<vmem>>, vector<16xi32>,
    %swap3A_441 = vector.shape_cast %swap3A_440 : vector<16xi32> to vector<16xi32>
    %swap3A_442 = vector.shape_cast %add3A_438 : vector<16xi32> to vector<16xi32>
    tpu.vector_store %arg10[%swap3A_439], %swap3A_442 {strides = array<i32>} : memref<160xi32, #tpu.memory_space<vmem>>, vector<16xi32>,
    %get3A_443 = arith.constant 64 : index
    %get3A_444 = tpu.vector_load %arg6[%get3A_443] {strides = array<i32>} : memref<160xi32, #tpu.memory_space<vmem>>, vector<16xi32>,
    %get3A_445 = vector.shape_cast %get3A_444 : vector<16xi32> to vector<16xi32>
    %mul3A_446 = arith.constant 4 : i32
    %mul3A_447 = vector.broadcast %mul3A_446 : i32 to vector<16xi32>
    %mul3A_448 = arith.muli %get3A_445, %mul3A_447 : vector<16xi32>
    %add3A_449 = arith.constant 3 : i32
    %add3A_450 = vector.broadcast %add3A_449 : i32 to vector<16xi32>
    %add3A_451 = arith.addi %mul3A_448, %add3A_450 : vector<16xi32>
    %swap3A_452 = arith.constant 64 : index
    %swap3A_453 = tpu.vector_load %arg10[%swap3A_452] {strides = array<i32>} : memref<160xi32, #tpu.memory_space<vmem>>, vector<16xi32>,
    %swap3A_454 = vector.shape_cast %swap3A_453 : vector<16xi32> to vector<16xi32>
    %swap3A_455 = vector.shape_cast %add3A_451 : vector<16xi32> to vector<16xi32>
    tpu.vector_store %arg10[%swap3A_452], %swap3A_455 {strides = array<i32>} : memref<160xi32, #tpu.memory_space<vmem>>, vector<16xi32>,
    %get3A_456 = arith.constant 80 : index
    %get3A_457 = tpu.vector_load %arg6[%get3A_456] {strides = array<i32>} : memref<160xi32, #tpu.memory_space<vmem>>, vector<16xi32>,
    %get3A_458 = vector.shape_cast %get3A_457 : vector<16xi32> to vector<16xi32>
    %mul3A_459 = arith.constant 4 : i32
    %mul3A_460 = vector.broadcast %mul3A_459 : i32 to vector<16xi32>
    %mul3A_461 = arith.muli %get3A_458, %mul3A_460 : vector<16xi32>
    %add3A_462 = arith.constant 3 : i32
    %add3A_463 = vector.broadcast %add3A_462 : i32 to vector<16xi32>
    %add3A_464 = arith.addi %mul3A_461, %add3A_463 : vector<16xi32>
    %swap3A_465 = arith.constant 80 : index
    %swap3A_466 = tpu.vector_load %arg10[%swap3A_465] {strides = array<i32>} : memref<160xi32, #tpu.memory_space<vmem>>, vector<16xi32>,
    %swap3A_467 = vector.shape_cast %swap3A_466 : vector<16xi32> to vector<16xi32>
    %swap3A_468 = vector.shape_cast %add3A_464 : vector<16xi32> to vector<16xi32>
    tpu.vector_store %arg10[%swap3A_465], %swap3A_468 {strides = array<i32>} : memref<160xi32, #tpu.memory_space<vmem>>, vector<16xi32>,
    %get3A_469 = arith.constant 96 : index
    %get3A_470 = tpu.vector_load %arg6[%get3A_469] {strides = array<i32>} : memref<160xi32, #tpu.memory_space<vmem>>, vector<16xi32>,
    %get3A_471 = vector.shape_cast %get3A_470 : vector<16xi32> to vector<16xi32>
    %mul3A_472 = arith.constant 4 : i32
    %mul3A_473 = vector.broadcast %mul3A_472 : i32 to vector<16xi32>
    %mul3A_474 = arith.muli %get3A_471, %mul3A_473 : vector<16xi32>
    %add3A_475 = arith.constant 3 : i32
    %add3A_476 = vector.broadcast %add3A_475 : i32 to vector<16xi32>
    %add3A_477 = arith.addi %mul3A_474, %add3A_476 : vector<16xi32>
    %swap3A_478 = arith.constant 96 : index
    %swap3A_479 = tpu.vector_load %arg10[%swap3A_478] {strides = array<i32>} : memref<160xi32, #tpu.memory_space<vmem>>, vector<16xi32>,
    %swap3A_480 = vector.shape_cast %swap3A_479 : vector<16xi32> to vector<16xi32>
    %swap3A_481 = vector.shape_cast %add3A_477 : vector<16xi32> to vector<16xi32>
    tpu.vector_store %arg10[%swap3A_478], %swap3A_481 {strides = array<i32>} : memref<160xi32, #tpu.memory_space<vmem>>, vector<16xi32>,
    %get3A_482 = arith.constant 112 : index
    %get3A_483 = tpu.vector_load %arg6[%get3A_482] {strides = array<i32>} : memref<160xi32, #tpu.memory_space<vmem>>, vector<16xi32>,
    %get3A_484 = vector.shape_cast %get3A_483 : vector<16xi32> to vector<16xi32>
    %mul3A_485 = arith.constant 4 : i32
    %mul3A_486 = vector.broadcast %mul3A_485 : i32 to vector<16xi32>
    %mul3A_487 = arith.muli %get3A_484, %mul3A_486 : vector<16xi32>
    %add3A_488 = arith.constant 3 : i32
    %add3A_489 = vector.broadcast %add3A_488 : i32 to vector<16xi32>
    %add3A_490 = arith.addi %mul3A_487, %add3A_489 : vector<16xi32>
    %swap3A_491 = arith.constant 112 : index
    %swap3A_492 = tpu.vector_load %arg10[%swap3A_491] {strides = array<i32>} : memref<160xi32, #tpu.memory_space<vmem>>, vector<16xi32>,
    %swap3A_493 = vector.shape_cast %swap3A_492 : vector<16xi32> to vector<16xi32>
    %swap3A_494 = vector.shape_cast %add3A_490 : vector<16xi32> to vector<16xi32>
    tpu.vector_store %arg10[%swap3A_491], %swap3A_494 {strides = array<i32>} : memref<160xi32, #tpu.memory_space<vmem>>, vector<16xi32>,
    %get3A_495 = arith.constant 128 : index
    %get3A_496 = tpu.vector_load %arg6[%get3A_495] {strides = array<i32>} : memref<160xi32, #tpu.memory_space<vmem>>, vector<16xi32>,
    %get3A_497 = vector.shape_cast %get3A_496 : vector<16xi32> to vector<16xi32>
    %mul3A_498 = arith.constant 4 : i32
    %mul3A_499 = vector.broadcast %mul3A_498 : i32 to vector<16xi32>
    %mul3A_500 = arith.muli %get3A_497, %mul3A_499 : vector<16xi32>
    %add3A_501 = arith.constant 3 : i32
    %add3A_502 = vector.broadcast %add3A_501 : i32 to vector<16xi32>
    %add3A_503 = arith.addi %mul3A_500, %add3A_502 : vector<16xi32>
    %swap3A_504 = arith.constant 128 : index
    %swap3A_505 = tpu.vector_load %arg10[%swap3A_504] {strides = array<i32>} : memref<160xi32, #tpu.memory_space<vmem>>, vector<16xi32>,
    %swap3A_506 = vector.shape_cast %swap3A_505 : vector<16xi32> to vector<16xi32>
    %swap3A_507 = vector.shape_cast %add3A_503 : vector<16xi32> to vector<16xi32>
    tpu.vector_store %arg10[%swap3A_504], %swap3A_507 {strides = array<i32>} : memref<160xi32, #tpu.memory_space<vmem>>, vector<16xi32>,
    %get3A_508 = arith.constant 144 : index
    %get3A_509 = tpu.vector_load %arg6[%get3A_508] {strides = array<i32>} : memref<160xi32, #tpu.memory_space<vmem>>, vector<16xi32>,
    %get3A_510 = vector.shape_cast %get3A_509 : vector<16xi32> to vector<16xi32>
    %mul3A_511 = arith.constant 4 : i32
    %mul3A_512 = vector.broadcast %mul3A_511 : i32 to vector<16xi32>
    %mul3A_513 = arith.muli %get3A_510, %mul3A_512 : vector<16xi32>
    %add3A_514 = arith.constant 3 : i32
    %add3A_515 = vector.broadcast %add3A_514 : i32 to vector<16xi32>
    %add3A_516 = arith.addi %mul3A_513, %add3A_515 : vector<16xi32>
    %swap3A_517 = arith.constant 144 : index
    %swap3A_518 = tpu.vector_load %arg10[%swap3A_517] {strides = array<i32>} : memref<160xi32, #tpu.memory_space<vmem>>, vector<16xi32>,
    %swap3A_519 = vector.shape_cast %swap3A_518 : vector<16xi32> to vector<16xi32>
    %swap3A_520 = vector.shape_cast %add3A_516 : vector<16xi32> to vector<16xi32>
    tpu.vector_store %arg10[%swap3A_517], %swap3A_520 {strides = array<i32>} : memref<160xi32, #tpu.memory_space<vmem>>, vector<16xi32>,
    %dma_start3A = arith.constant 0 : i32
    %dma_start3A_521 = tpu.memref_slice %arg2[%dma_start3A] : memref<20000xf32, #tpu.memory_space<hbm>> -> memref<20000xf32, #tpu.memory_space<hbm>>
    tpu.enqueue_indirect_dma source(%dma_start3A_521 : memref<20000xf32, #tpu.memory_space<hbm>>) target(%arg11 : memref<160xf32, #tpu.memory_space<vmem>>) offsets(%arg7 : memref<160xi32, #tpu.memory_space<vmem>>) semaphore(%arg16 : memref<!tpu.dma_semaphore, #tpu.memory_space<semaphore_mem>>)
    %dma_start3A_522 = arith.constant 0 : i32
    %dma_start3A_523 = tpu.memref_slice %arg2[%dma_start3A_522] : memref<20000xf32, #tpu.memory_space<hbm>> -> memref<20000xf32, #tpu.memory_space<hbm>>
    tpu.enqueue_indirect_dma source(%dma_start3A_523 : memref<20000xf32, #tpu.memory_space<hbm>>) target(%arg12 : memref<160xf32, #tpu.memory_space<vmem>>) offsets(%arg8 : memref<160xi32, #tpu.memory_space<vmem>>) semaphore(%arg16 : memref<!tpu.dma_semaphore, #tpu.memory_space<semaphore_mem>>)
    %dma_start3A_524 = arith.constant 0 : i32
    %dma_start3A_525 = tpu.memref_slice %arg2[%dma_start3A_524] : memref<20000xf32, #tpu.memory_space<hbm>> -> memref<20000xf32, #tpu.memory_space<hbm>>
    tpu.enqueue_indirect_dma source(%dma_start3A_525 : memref<20000xf32, #tpu.memory_space<hbm>>) target(%arg13 : memref<160xf32, #tpu.memory_space<vmem>>) offsets(%arg9 : memref<160xi32, #tpu.memory_space<vmem>>) semaphore(%arg16 : memref<!tpu.dma_semaphore, #tpu.memory_space<semaphore_mem>>)
    %dma_start3A_526 = arith.constant 0 : i32
    %dma_start3A_527 = tpu.memref_slice %arg2[%dma_start3A_526] : memref<20000xf32, #tpu.memory_space<hbm>> -> memref<20000xf32, #tpu.memory_space<hbm>>
    tpu.enqueue_indirect_dma source(%dma_start3A_527 : memref<20000xf32, #tpu.memory_space<hbm>>) target(%arg14 : memref<160xf32, #tpu.memory_space<vmem>>) offsets(%arg10 : memref<160xi32, #tpu.memory_space<vmem>>) semaphore(%arg16 : memref<!tpu.dma_semaphore, #tpu.memory_space<semaphore_mem>>)
    %dma_start3A_528 = arith.constant 0 : i32
    %dma_start3A_529 = tpu.memref_slice %arg3[%dma_start3A_528] : memref<5000xf32, #tpu.memory_space<hbm>> -> memref<5000xf32, #tpu.memory_space<hbm>>
    tpu.enqueue_indirect_dma source(%dma_start3A_529 : memref<5000xf32, #tpu.memory_space<hbm>>) target(%arg15 : memref<160xf32, #tpu.memory_space<vmem>>) offsets(%arg6 : memref<160xi32, #tpu.memory_space<vmem>>) semaphore(%arg16 : memref<!tpu.dma_semaphore, #tpu.memory_space<semaphore_mem>>)
    %dma_wait3A = arith.constant 0 : i32
    %dma_wait3A_530 = tpu.memref_slice %arg2[%dma_wait3A] : memref<20000xf32, #tpu.memory_space<hbm>> -> memref<20000xf32, #tpu.memory_space<hbm>>
    tpu.wait_indirect_dma semaphore(%arg16 : memref<!tpu.dma_semaphore, #tpu.memory_space<semaphore_mem>>) src(%dma_wait3A_530 : memref<20000xf32, #tpu.memory_space<hbm>>) dst(%arg11 : memref<160xf32, #tpu.memory_space<vmem>>)
    %dma_wait3A_531 = arith.constant 0 : i32
    %dma_wait3A_532 = tpu.memref_slice %arg2[%dma_wait3A_531] : memref<20000xf32, #tpu.memory_space<hbm>> -> memref<20000xf32, #tpu.memory_space<hbm>>
    tpu.wait_indirect_dma semaphore(%arg16 : memref<!tpu.dma_semaphore, #tpu.memory_space<semaphore_mem>>) src(%dma_wait3A_532 : memref<20000xf32, #tpu.memory_space<hbm>>) dst(%arg12 : memref<160xf32, #tpu.memory_space<vmem>>)
    %dma_wait3A_533 = arith.constant 0 : i32
    %dma_wait3A_534 = tpu.memref_slice %arg2[%dma_wait3A_533] : memref<20000xf32, #tpu.memory_space<hbm>> -> memref<20000xf32, #tpu.memory_space<hbm>>
    tpu.wait_indirect_dma semaphore(%arg16 : memref<!tpu.dma_semaphore, #tpu.memory_space<semaphore_mem>>) src(%dma_wait3A_534 : memref<20000xf32, #tpu.memory_space<hbm>>) dst(%arg13 : memref<160xf32, #tpu.memory_space<vmem>>)
    %dma_wait3A_535 = arith.constant 0 : i32
    %dma_wait3A_536 = tpu.memref_slice %arg2[%dma_wait3A_535] : memref<20000xf32, #tpu.memory_space<hbm>> -> memref<20000xf32, #tpu.memory_space<hbm>>
    tpu.wait_indirect_dma semaphore(%arg16 : memref<!tpu.dma_semaphore, #tpu.memory_space<semaphore_mem>>) src(%dma_wait3A_536 : memref<20000xf32, #tpu.memory_space<hbm>>) dst(%arg14 : memref<160xf32, #tpu.memory_space<vmem>>)
    %dma_wait3A_537 = arith.constant 0 : i32
    %dma_wait3A_538 = tpu.memref_slice %arg3[%dma_wait3A_537] : memref<5000xf32, #tpu.memory_space<hbm>> -> memref<5000xf32, #tpu.memory_space<hbm>>
    tpu.wait_indirect_dma semaphore(%arg16 : memref<!tpu.dma_semaphore, #tpu.memory_space<semaphore_mem>>) src(%dma_wait3A_538 : memref<5000xf32, #tpu.memory_space<hbm>>) dst(%arg15 : memref<160xf32, #tpu.memory_space<vmem>>)
    %add3A_539 = arith.constant 0 : i32
    %add3A_540 = arith.addi %add3A_539, %mul3A_2 : i32
    %dma_start3A_541 = tpu.memref_slice %arg5[%add3A_540] : memref<25600xf32, #tpu.memory_space<hbm>> -> memref<160xf32, #tpu.memory_space<hbm>>
    %dma_start3A_542 = tpu.memref_slice %arg5[%add3A_540] : memref<25600xf32, #tpu.memory_space<hbm>> -> memref<160xf32, #tpu.memory_space<hbm>>
    tpu.enqueue_dma source(%arg11 : memref<160xf32, #tpu.memory_space<vmem>>) target(%dma_start3A_542 : memref<160xf32, #tpu.memory_space<hbm>>) target_semaphore(%arg17 : memref<!tpu.dma_semaphore, #tpu.memory_space<semaphore_mem>>)
    %add3A_543 = arith.constant 5120 : i32
    %add3A_544 = arith.addi %add3A_543, %mul3A_2 : i32
    %dma_start3A_545 = tpu.memref_slice %arg5[%add3A_544] : memref<25600xf32, #tpu.memory_space<hbm>> -> memref<160xf32, #tpu.memory_space<hbm>>
    %dma_start3A_546 = tpu.memref_slice %arg5[%add3A_544] : memref<25600xf32, #tpu.memory_space<hbm>> -> memref<160xf32, #tpu.memory_space<hbm>>
    tpu.enqueue_dma source(%arg12 : memref<160xf32, #tpu.memory_space<vmem>>) target(%dma_start3A_546 : memref<160xf32, #tpu.memory_space<hbm>>) target_semaphore(%arg17 : memref<!tpu.dma_semaphore, #tpu.memory_space<semaphore_mem>>)
    %add3A_547 = arith.constant 10240 : i32
    %add3A_548 = arith.addi %add3A_547, %mul3A_2 : i32
    %dma_start3A_549 = tpu.memref_slice %arg5[%add3A_548] : memref<25600xf32, #tpu.memory_space<hbm>> -> memref<160xf32, #tpu.memory_space<hbm>>
    %dma_start3A_550 = tpu.memref_slice %arg5[%add3A_548] : memref<25600xf32, #tpu.memory_space<hbm>> -> memref<160xf32, #tpu.memory_space<hbm>>
    tpu.enqueue_dma source(%arg13 : memref<160xf32, #tpu.memory_space<vmem>>) target(%dma_start3A_550 : memref<160xf32, #tpu.memory_space<hbm>>) target_semaphore(%arg17 : memref<!tpu.dma_semaphore, #tpu.memory_space<semaphore_mem>>)
    %add3A_551 = arith.constant 15360 : i32
    %add3A_552 = arith.addi %add3A_551, %mul3A_2 : i32
    %dma_start3A_553 = tpu.memref_slice %arg5[%add3A_552] : memref<25600xf32, #tpu.memory_space<hbm>> -> memref<160xf32, #tpu.memory_space<hbm>>
    %dma_start3A_554 = tpu.memref_slice %arg5[%add3A_552] : memref<25600xf32, #tpu.memory_space<hbm>> -> memref<160xf32, #tpu.memory_space<hbm>>
    tpu.enqueue_dma source(%arg14 : memref<160xf32, #tpu.memory_space<vmem>>) target(%dma_start3A_554 : memref<160xf32, #tpu.memory_space<hbm>>) target_semaphore(%arg17 : memref<!tpu.dma_semaphore, #tpu.memory_space<semaphore_mem>>)
    %add3A_555 = arith.constant 20480 : i32
    %add3A_556 = arith.addi %add3A_555, %mul3A_2 : i32
    %dma_start3A_557 = tpu.memref_slice %arg5[%add3A_556] : memref<25600xf32, #tpu.memory_space<hbm>> -> memref<160xf32, #tpu.memory_space<hbm>>
    %dma_start3A_558 = tpu.memref_slice %arg5[%add3A_556] : memref<25600xf32, #tpu.memory_space<hbm>> -> memref<160xf32, #tpu.memory_space<hbm>>
    tpu.enqueue_dma source(%arg15 : memref<160xf32, #tpu.memory_space<vmem>>) target(%dma_start3A_558 : memref<160xf32, #tpu.memory_space<hbm>>) target_semaphore(%arg17 : memref<!tpu.dma_semaphore, #tpu.memory_space<semaphore_mem>>)
    %dma_wait3A_559 = tpu.memref_slice %arg5[%add3A_540] : memref<25600xf32, #tpu.memory_space<hbm>> -> memref<160xf32, #tpu.memory_space<hbm>>
    %dma_wait3A_560 = tpu.memref_slice %arg5[%add3A_540] : memref<25600xf32, #tpu.memory_space<hbm>> -> memref<160xf32, #tpu.memory_space<hbm>>
    tpu.wait_dma2 semaphore(%arg17 : memref<!tpu.dma_semaphore, #tpu.memory_space<semaphore_mem>>) src(%arg11 : memref<160xf32, #tpu.memory_space<vmem>>) dst(%dma_wait3A_560 : memref<160xf32, #tpu.memory_space<hbm>>)
    %dma_wait3A_561 = tpu.memref_slice %arg5[%add3A_544] : memref<25600xf32, #tpu.memory_space<hbm>> -> memref<160xf32, #tpu.memory_space<hbm>>
    %dma_wait3A_562 = tpu.memref_slice %arg5[%add3A_544] : memref<25600xf32, #tpu.memory_space<hbm>> -> memref<160xf32, #tpu.memory_space<hbm>>
    tpu.wait_dma2 semaphore(%arg17 : memref<!tpu.dma_semaphore, #tpu.memory_space<semaphore_mem>>) src(%arg12 : memref<160xf32, #tpu.memory_space<vmem>>) dst(%dma_wait3A_562 : memref<160xf32, #tpu.memory_space<hbm>>)
    %dma_wait3A_563 = tpu.memref_slice %arg5[%add3A_548] : memref<25600xf32, #tpu.memory_space<hbm>> -> memref<160xf32, #tpu.memory_space<hbm>>
    %dma_wait3A_564 = tpu.memref_slice %arg5[%add3A_548] : memref<25600xf32, #tpu.memory_space<hbm>> -> memref<160xf32, #tpu.memory_space<hbm>>
    tpu.wait_dma2 semaphore(%arg17 : memref<!tpu.dma_semaphore, #tpu.memory_space<semaphore_mem>>) src(%arg13 : memref<160xf32, #tpu.memory_space<vmem>>) dst(%dma_wait3A_564 : memref<160xf32, #tpu.memory_space<hbm>>)
    %dma_wait3A_565 = tpu.memref_slice %arg5[%add3A_552] : memref<25600xf32, #tpu.memory_space<hbm>> -> memref<160xf32, #tpu.memory_space<hbm>>
    %dma_wait3A_566 = tpu.memref_slice %arg5[%add3A_552] : memref<25600xf32, #tpu.memory_space<hbm>> -> memref<160xf32, #tpu.memory_space<hbm>>
    tpu.wait_dma2 semaphore(%arg17 : memref<!tpu.dma_semaphore, #tpu.memory_space<semaphore_mem>>) src(%arg14 : memref<160xf32, #tpu.memory_space<vmem>>) dst(%dma_wait3A_566 : memref<160xf32, #tpu.memory_space<hbm>>)
    %dma_wait3A_567 = tpu.memref_slice %arg5[%add3A_556] : memref<25600xf32, #tpu.memory_space<hbm>> -> memref<160xf32, #tpu.memory_space<hbm>>
    %dma_wait3A_568 = tpu.memref_slice %arg5[%add3A_556] : memref<25600xf32, #tpu.memory_space<hbm>> -> memref<160xf32, #tpu.memory_space<hbm>>
    tpu.wait_dma2 semaphore(%arg17 : memref<!tpu.dma_semaphore, #tpu.memory_space<semaphore_mem>>) src(%arg15 : memref<160xf32, #tpu.memory_space<vmem>>) dst(%dma_wait3A_568 : memref<160xf32, #tpu.memory_space<hbm>>)
    return
  }
}

module attributes {stable_mosaic.version = 14 : i64} {
  func.func @_nms_body(%arg0: memref<5x5120xf32, #tpu.memory_space<vmem>>, %arg1: memref<5000x5xf32, #tpu.memory_space<vmem>>, %arg2: memref<1x5120xf32, #tpu.memory_space<vmem>>) attributes {dimension_semantics = [], scalar_prefetch = 0 : i64, scratch_operands = 1 : i64, tpu.core_type = #tpu.core_type<tc>} {
    %get3A = arith.constant 0 : index
    %get3A_0 = arith.constant 0 : index
    %get3A_1 = vector.load %arg0[%get3A, %get3A_0] : memref<5x5120xf32, #tpu.memory_space<vmem>>, vector<1x5120xf32>
    %get3A_2 = arith.constant 1 : index
    %get3A_3 = arith.constant 0 : index
    %get3A_4 = vector.load %arg0[%get3A_2, %get3A_3] : memref<5x5120xf32, #tpu.memory_space<vmem>>, vector<1x5120xf32>
    %get3A_5 = arith.constant 2 : index
    %get3A_6 = arith.constant 0 : index
    %get3A_7 = vector.load %arg0[%get3A_5, %get3A_6] : memref<5x5120xf32, #tpu.memory_space<vmem>>, vector<1x5120xf32>
    %get3A_8 = arith.constant 3 : index
    %get3A_9 = arith.constant 0 : index
    %get3A_10 = vector.load %arg0[%get3A_8, %get3A_9] : memref<5x5120xf32, #tpu.memory_space<vmem>>, vector<1x5120xf32>
    %get3A_11 = arith.constant 4 : index
    %get3A_12 = arith.constant 0 : index
    %get3A_13 = vector.load %arg0[%get3A_11, %get3A_12] : memref<5x5120xf32, #tpu.memory_space<vmem>>, vector<1x5120xf32>
    %mul3A = arith.constant 5.000000e-01 : f32
    %mul3A_14 = vector.broadcast %mul3A : f32 to vector<1x5120xf32>
    %mul3A_15 = arith.mulf %get3A_7, %mul3A_14 : vector<1x5120xf32>
    %sub3A = arith.subf %get3A_1, %mul3A_15 : vector<1x5120xf32>
    %mul3A_16 = arith.constant 5.000000e-01 : f32
    %mul3A_17 = vector.broadcast %mul3A_16 : f32 to vector<1x5120xf32>
    %mul3A_18 = arith.mulf %get3A_10, %mul3A_17 : vector<1x5120xf32>
    %sub3A_19 = arith.subf %get3A_4, %mul3A_18 : vector<1x5120xf32>
    %mul3A_20 = arith.constant 5.000000e-01 : f32
    %mul3A_21 = vector.broadcast %mul3A_20 : f32 to vector<1x5120xf32>
    %mul3A_22 = arith.mulf %get3A_7, %mul3A_21 : vector<1x5120xf32>
    %add3A = arith.addf %get3A_1, %mul3A_22 : vector<1x5120xf32>
    %mul3A_23 = arith.constant 5.000000e-01 : f32
    %mul3A_24 = vector.broadcast %mul3A_23 : f32 to vector<1x5120xf32>
    %mul3A_25 = arith.mulf %get3A_10, %mul3A_24 : vector<1x5120xf32>
    %add3A_26 = arith.addf %get3A_4, %mul3A_25 : vector<1x5120xf32>
    %sub3A_27 = arith.subf %add3A, %sub3A : vector<1x5120xf32>
    %max3A = arith.constant 0.000000e+00 : f32
    %max3A_28 = vector.broadcast %max3A : f32 to vector<1x5120xf32>
    %max3A_29 = arith.maximumf %sub3A_27, %max3A_28 : vector<1x5120xf32>
    %sub3A_30 = arith.subf %add3A_26, %sub3A_19 : vector<1x5120xf32>
    %max3A_31 = arith.constant 0.000000e+00 : f32
    %max3A_32 = vector.broadcast %max3A_31 : f32 to vector<1x5120xf32>
    %max3A_33 = arith.maximumf %sub3A_30, %max3A_32 : vector<1x5120xf32>
    %mul3A_34 = arith.mulf %max3A_29, %max3A_33 : vector<1x5120xf32>
    %iota3A = tpu.iota {dimensions = array<i32: 1>} : vector<1x5120xi32>
    %lt3A = arith.constant 5000 : i32
    %lt3A_35 = vector.broadcast %lt3A : i32 to vector<1x5120xi32>
    %lt3A_36 = arith.cmpi slt, %iota3A, %lt3A_35 : vector<1x5120xi32>
    %convert_element_type3A = arith.extui %lt3A_36 : vector<1x5120xi1> to vector<1x5120xi32>
    %convert_element_type3A_37 = arith.sitofp %convert_element_type3A : vector<1x5120xi32> to vector<1x5120xf32>
    %swap3A = arith.constant 0 : index
    %swap3A_38 = arith.constant 0 : index
    %swap3A_39 = vector.load %arg2[%swap3A, %swap3A_38] : memref<1x5120xf32, #tpu.memory_space<vmem>>, vector<1x5120xf32>
    tpu.vector_store %arg2[%swap3A, %swap3A_38], %convert_element_type3A_37 {strides = array<i32>} : memref<1x5120xf32, #tpu.memory_space<vmem>>, vector<1x5120xf32>,
    %iota3A_40 = tpu.iota {dimensions = array<i32: 0>} : vector<256x256xi32>
    %iota3A_41 = tpu.iota {dimensions = array<i32: 1>} : vector<256x256xi32>
    %lt3A_42 = arith.cmpi slt, %iota3A_40, %iota3A_41 : vector<256x256xi32>
    %convert_element_type3A_43 = arith.extui %lt3A_42 : vector<256x256xi1> to vector<256x256xi32>
    %convert_element_type3A_44 = arith.sitofp %convert_element_type3A_43 : vector<256x256xi32> to vector<256x256xf32>
    %get3A_45 = arith.constant 0 : index
    %get3A_46 = arith.constant 0 : index
    %get3A_47 = vector.load %arg0[%get3A_45, %get3A_46] : memref<5x5120xf32, #tpu.memory_space<vmem>>, vector<4x256xf32>
    %transpose3A = tpu.transpose %get3A_47, [1, 0] : vector<4x256xf32> -> vector<256x4xf32>
    %slice3A = vector.extract_strided_slice %transpose3A {offsets = [0, 0], sizes = [256, 1], strides = [1, 1]} : vector<256x4xf32> to vector<256x1xf32>
    %slice3A_48 = vector.extract_strided_slice %transpose3A {offsets = [0, 1], sizes = [256, 1], strides = [1, 1]} : vector<256x4xf32> to vector<256x1xf32>
    %slice3A_49 = vector.extract_strided_slice %transpose3A {offsets = [0, 2], sizes = [256, 1], strides = [1, 1]} : vector<256x4xf32> to vector<256x1xf32>
    %slice3A_50 = vector.extract_strided_slice %transpose3A {offsets = [0, 3], sizes = [256, 1], strides = [1, 1]} : vector<256x4xf32> to vector<256x1xf32>
    %mul3A_51 = arith.constant 5.000000e-01 : f32
    %mul3A_52 = vector.broadcast %mul3A_51 : f32 to vector<256x1xf32>
    %mul3A_53 = arith.mulf %slice3A_49, %mul3A_52 : vector<256x1xf32>
    %sub3A_54 = arith.subf %slice3A, %mul3A_53 : vector<256x1xf32>
    %mul3A_55 = arith.constant 5.000000e-01 : f32
    %mul3A_56 = vector.broadcast %mul3A_55 : f32 to vector<256x1xf32>
    %mul3A_57 = arith.mulf %slice3A_50, %mul3A_56 : vector<256x1xf32>
    %sub3A_58 = arith.subf %slice3A_48, %mul3A_57 : vector<256x1xf32>
    %mul3A_59 = arith.constant 5.000000e-01 : f32
    %mul3A_60 = vector.broadcast %mul3A_59 : f32 to vector<256x1xf32>
    %mul3A_61 = arith.mulf %slice3A_49, %mul3A_60 : vector<256x1xf32>
    %add3A_62 = arith.addf %slice3A, %mul3A_61 : vector<256x1xf32>
    %mul3A_63 = arith.constant 5.000000e-01 : f32
    %mul3A_64 = vector.broadcast %mul3A_63 : f32 to vector<256x1xf32>
    %mul3A_65 = arith.mulf %slice3A_50, %mul3A_64 : vector<256x1xf32>
    %add3A_66 = arith.addf %slice3A_48, %mul3A_65 : vector<256x1xf32>
    %sub3A_67 = arith.subf %add3A_62, %sub3A_54 : vector<256x1xf32>
    %max3A_68 = arith.constant 0.000000e+00 : f32
    %max3A_69 = vector.broadcast %max3A_68 : f32 to vector<256x1xf32>
    %max3A_70 = arith.maximumf %sub3A_67, %max3A_69 : vector<256x1xf32>
    %sub3A_71 = arith.subf %add3A_66, %sub3A_58 : vector<256x1xf32>
    %max3A_72 = arith.constant 0.000000e+00 : f32
    %max3A_73 = vector.broadcast %max3A_72 : f32 to vector<256x1xf32>
    %max3A_74 = arith.maximumf %sub3A_71, %max3A_73 : vector<256x1xf32>
    %mul3A_75 = arith.mulf %max3A_70, %max3A_74 : vector<256x1xf32>
    %slice3A_76 = vector.extract_strided_slice %sub3A {offsets = [0, 0], sizes = [1, 5120], strides = [1, 1]} : vector<1x5120xf32> to vector<1x5120xf32>
    %slice3A_77 = vector.extract_strided_slice %sub3A_19 {offsets = [0, 0], sizes = [1, 5120], strides = [1, 1]} : vector<1x5120xf32> to vector<1x5120xf32>
    %slice3A_78 = vector.extract_strided_slice %add3A {offsets = [0, 0], sizes = [1, 5120], strides = [1, 1]} : vector<1x5120xf32> to vector<1x5120xf32>
    %slice3A_79 = vector.extract_strided_slice %add3A_26 {offsets = [0, 0], sizes = [1, 5120], strides = [1, 1]} : vector<1x5120xf32> to vector<1x5120xf32>
    %slice3A_80 = vector.extract_strided_slice %mul3A_34 {offsets = [0, 0], sizes = [1, 5120], strides = [1, 1]} : vector<1x5120xf32> to vector<1x5120xf32>
    %max3A_81 = vector.broadcast %sub3A_54 : vector<256x1xf32> to vector<256x5120xf32>
    %max3A_82 = vector.broadcast %slice3A_76 : vector<1x5120xf32> to vector<256x5120xf32>
    %max3A_83 = arith.maximumf %max3A_81, %max3A_82 : vector<256x5120xf32>
    %max3A_84 = vector.broadcast %sub3A_58 : vector<256x1xf32> to vector<256x5120xf32>
    %max3A_85 = vector.broadcast %slice3A_77 : vector<1x5120xf32> to vector<256x5120xf32>
    %max3A_86 = arith.maximumf %max3A_84, %max3A_85 : vector<256x5120xf32>
    %min3A = vector.broadcast %add3A_62 : vector<256x1xf32> to vector<256x5120xf32>
    %min3A_87 = vector.broadcast %slice3A_78 : vector<1x5120xf32> to vector<256x5120xf32>
    %min3A_88 = arith.minimumf %min3A, %min3A_87 : vector<256x5120xf32>
    %min3A_89 = vector.broadcast %add3A_66 : vector<256x1xf32> to vector<256x5120xf32>
    %min3A_90 = vector.broadcast %slice3A_79 : vector<1x5120xf32> to vector<256x5120xf32>
    %min3A_91 = arith.minimumf %min3A_89, %min3A_90 : vector<256x5120xf32>
    %sub3A_92 = arith.subf %min3A_88, %max3A_83 : vector<256x5120xf32>
    %max3A_93 = arith.constant 0.000000e+00 : f32
    %max3A_94 = vector.broadcast %max3A_93 : f32 to vector<256x5120xf32>
    %max3A_95 = arith.maximumf %sub3A_92, %max3A_94 : vector<256x5120xf32>
    %sub3A_96 = arith.subf %min3A_91, %max3A_86 : vector<256x5120xf32>
    %max3A_97 = arith.constant 0.000000e+00 : f32
    %max3A_98 = vector.broadcast %max3A_97 : f32 to vector<256x5120xf32>
    %max3A_99 = arith.maximumf %sub3A_96, %max3A_98 : vector<256x5120xf32>
    %mul3A_100 = arith.mulf %max3A_95, %max3A_99 : vector<256x5120xf32>
    %add3A_101 = vector.broadcast %mul3A_75 : vector<256x1xf32> to vector<256x5120xf32>
    %add3A_102 = vector.broadcast %slice3A_80 : vector<1x5120xf32> to vector<256x5120xf32>
    %add3A_103 = arith.addf %add3A_101, %add3A_102 : vector<256x5120xf32>
    %sub3A_104 = arith.subf %add3A_103, %mul3A_100 : vector<256x5120xf32>
    %add3A_105 = arith.constant 9.99999971E-10 : f32
    %add3A_106 = vector.broadcast %add3A_105 : f32 to vector<256x5120xf32>
    %add3A_107 = arith.addf %sub3A_104, %add3A_106 : vector<256x5120xf32>
    %div3A = arith.divf %mul3A_100, %add3A_107 : vector<256x5120xf32>
    %gt3A = arith.constant 3.000000e-01 : f32
    %gt3A_108 = vector.broadcast %gt3A : f32 to vector<256x5120xf32>
    %gt3A_109 = arith.cmpf ogt, %div3A, %gt3A_108 : vector<256x5120xf32>
    %convert_element_type3A_110 = arith.extui %gt3A_109 : vector<256x5120xi1> to vector<256x5120xi32>
    %convert_element_type3A_111 = arith.sitofp %convert_element_type3A_110 : vector<256x5120xi32> to vector<256x5120xf32>
    %slice3A_112 = vector.extract_strided_slice %convert_element_type3A_111 {offsets = [0, 0], sizes = [256, 256], strides = [1, 1]} : vector<256x5120xf32> to vector<256x256xf32>
    %mul3A_113 = arith.mulf %slice3A_112, %convert_element_type3A_44 : vector<256x256xf32>
    %get3A_114 = arith.constant 0 : index
    %get3A_115 = arith.constant 0 : index
    %get3A_116 = vector.load %arg2[%get3A_114, %get3A_115] : memref<1x5120xf32, #tpu.memory_space<vmem>>, vector<1x256xf32>
    %dot_general3A = arith.constant dense<0.000000e+00> : vector<1x256xf32>
    %dot_general3A_117 = tpu.matmul %get3A_116, %mul3A_113, %dot_general3A {dimension_numbers = #tpu.dot_dimension_numbers<[1], [0], [0], [1], [0, 0, 1, 1], [], []>, transpose_lhs_hint = false} : vector<1x256xf32>, vector<256x256xf32>, vector<1x256xf32> -> vector<1x256xf32>
    %lt3A_118 = arith.constant 5.000000e-01 : f32
    %lt3A_119 = vector.broadcast %lt3A_118 : f32 to vector<1x256xf32>
    %lt3A_120 = arith.cmpf olt, %dot_general3A_117, %lt3A_119 : vector<1x256xf32>
    %convert_element_type3A_121 = arith.extui %lt3A_120 : vector<1x256xi1> to vector<1x256xi32>
    %convert_element_type3A_122 = arith.sitofp %convert_element_type3A_121 : vector<1x256xi32> to vector<1x256xf32>
    %mul3A_123 = arith.mulf %get3A_116, %convert_element_type3A_122 : vector<1x256xf32>
    %while3A:2 = scf.while (%while3A_2135 = %get3A_116, %while3A_2136 = %mul3A_123) : (vector<1x256xf32>, vector<1x256xf32>) -> (vector<1x256xf32>, vector<1x256xf32>) {
      %sub3A_2137 = arith.subf %while3A_2135, %while3A_2136 : vector<1x256xf32>
      %abs3A = math.absf %sub3A_2137 : vector<1x256xf32>
      %reduce_sum3A = vector.shape_cast %abs3A : vector<1x256xf32> to vector<1x1x256xf32>
      %reduce_sum3A_2138 = arith.constant dense<0.000000e+00> : vector<1xf32>
      %reduce_sum3A_2139 = vector.multi_reduction <add>, %reduce_sum3A, %reduce_sum3A_2138 [1, 2] : vector<1x1x256xf32> to vector<1xf32>
      %reduce_sum3A_2140 = vector.shape_cast %reduce_sum3A_2139 : vector<1xf32> to vector<1x1x1xf32>
      %reduce_sum3A_2141 = vector.extract %reduce_sum3A_2140[0, 0, 0] : f32 from vector<1x1x1xf32>
      %gt3A_2142 = arith.constant 0.000000e+00 : f32
      %gt3A_2143 = arith.cmpf ogt, %reduce_sum3A_2141, %gt3A_2142 : f32
      scf.condition(%gt3A_2143) %while3A_2135, %while3A_2136 : vector<1x256xf32>, vector<1x256xf32>
    } do {
    ^bb0(%while3A_2135: vector<1x256xf32>, %while3A_2136: vector<1x256xf32>):
      %dot_general3A_2137 = arith.constant dense<0.000000e+00> : vector<1x256xf32>
      %dot_general3A_2138 = tpu.matmul %while3A_2136, %mul3A_113, %dot_general3A_2137 {dimension_numbers = #tpu.dot_dimension_numbers<[1], [0], [0], [1], [0, 0, 1, 1], [], []>, transpose_lhs_hint = false} : vector<1x256xf32>, vector<256x256xf32>, vector<1x256xf32> -> vector<1x256xf32>
      %lt3A_2139 = arith.constant 5.000000e-01 : f32
      %lt3A_2140 = vector.broadcast %lt3A_2139 : f32 to vector<1x256xf32>
      %lt3A_2141 = arith.cmpf olt, %dot_general3A_2138, %lt3A_2140 : vector<1x256xf32>
      %convert_element_type3A_2142 = arith.extui %lt3A_2141 : vector<1x256xi1> to vector<1x256xi32>
      %convert_element_type3A_2143 = arith.sitofp %convert_element_type3A_2142 : vector<1x256xi32> to vector<1x256xf32>
      %mul3A_2144 = arith.mulf %get3A_116, %convert_element_type3A_2143 : vector<1x256xf32>
      scf.yield %while3A_2136, %mul3A_2144 : vector<1x256xf32>, vector<1x256xf32>
    }
    %swap3A_124 = arith.constant 0 : index
    %swap3A_125 = arith.constant 0 : index
    %swap3A_126 = vector.load %arg2[%swap3A_124, %swap3A_125] : memref<1x5120xf32, #tpu.memory_space<vmem>>, vector<1x256xf32>
    tpu.vector_store %arg2[%swap3A_124, %swap3A_125], %while3A#1 {strides = array<i32>} : memref<1x5120xf32, #tpu.memory_space<vmem>>, vector<1x256xf32>,
    %dot_general3A_127 = arith.constant dense<0.000000e+00> : vector<1x5120xf32>
    %dot_general3A_128 = tpu.matmul %while3A#1, %convert_element_type3A_111, %dot_general3A_127 {dimension_numbers = #tpu.dot_dimension_numbers<[1], [0], [0], [1], [0, 0, 1, 1], [], []>, transpose_lhs_hint = false} : vector<1x256xf32>, vector<256x5120xf32>, vector<1x5120xf32> -> vector<1x5120xf32>
    %slice3A_129 = vector.extract_strided_slice %dot_general3A_128 {offsets = [0, 256], sizes = [1, 4864], strides = [1, 1]} : vector<1x5120xf32> to vector<1x4864xf32>
    %get3A_130 = arith.constant 0 : index
    %get3A_131 = arith.constant 256 : index
    %get3A_132 = vector.load %arg2[%get3A_130, %get3A_131] : memref<1x5120xf32, #tpu.memory_space<vmem>>, vector<1x4864xf32>
    %min3A_133 = arith.constant 1.000000e+00 : f32
    %min3A_134 = vector.broadcast %min3A_133 : f32 to vector<1x4864xf32>
    %min3A_135 = arith.minimumf %slice3A_129, %min3A_134 : vector<1x4864xf32>
    %sub3A_136 = arith.constant 1.000000e+00 : f32
    %sub3A_137 = vector.broadcast %sub3A_136 : f32 to vector<1x4864xf32>
    %sub3A_138 = arith.subf %sub3A_137, %min3A_135 : vector<1x4864xf32>
    %mul3A_139 = arith.mulf %get3A_132, %sub3A_138 : vector<1x4864xf32>
    %swap3A_140 = arith.constant 0 : index
    %swap3A_141 = arith.constant 256 : index
    %swap3A_142 = vector.load %arg2[%swap3A_140, %swap3A_141] : memref<1x5120xf32, #tpu.memory_space<vmem>>, vector<1x4864xf32>
    tpu.vector_store %arg2[%swap3A_140, %swap3A_141], %mul3A_139 {strides = array<i32>} : memref<1x5120xf32, #tpu.memory_space<vmem>>, vector<1x4864xf32>,
    %get3A_143 = arith.constant 0 : index
    %get3A_144 = arith.constant 256 : index
    %get3A_145 = vector.load %arg0[%get3A_143, %get3A_144] : memref<5x5120xf32, #tpu.memory_space<vmem>>, vector<4x256xf32>
    %transpose3A_146 = tpu.transpose %get3A_145, [1, 0] : vector<4x256xf32> -> vector<256x4xf32>
    %slice3A_147 = vector.extract_strided_slice %transpose3A_146 {offsets = [0, 0], sizes = [256, 1], strides = [1, 1]} : vector<256x4xf32> to vector<256x1xf32>
    %slice3A_148 = vector.extract_strided_slice %transpose3A_146 {offsets = [0, 1], sizes = [256, 1], strides = [1, 1]} : vector<256x4xf32> to vector<256x1xf32>
    %slice3A_149 = vector.extract_strided_slice %transpose3A_146 {offsets = [0, 2], sizes = [256, 1], strides = [1, 1]} : vector<256x4xf32> to vector<256x1xf32>
    %slice3A_150 = vector.extract_strided_slice %transpose3A_146 {offsets = [0, 3], sizes = [256, 1], strides = [1, 1]} : vector<256x4xf32> to vector<256x1xf32>
    %mul3A_151 = arith.constant 5.000000e-01 : f32
    %mul3A_152 = vector.broadcast %mul3A_151 : f32 to vector<256x1xf32>
    %mul3A_153 = arith.mulf %slice3A_149, %mul3A_152 : vector<256x1xf32>
    %sub3A_154 = arith.subf %slice3A_147, %mul3A_153 : vector<256x1xf32>
    %mul3A_155 = arith.constant 5.000000e-01 : f32
    %mul3A_156 = vector.broadcast %mul3A_155 : f32 to vector<256x1xf32>
    %mul3A_157 = arith.mulf %slice3A_150, %mul3A_156 : vector<256x1xf32>
    %sub3A_158 = arith.subf %slice3A_148, %mul3A_157 : vector<256x1xf32>
    %mul3A_159 = arith.constant 5.000000e-01 : f32
    %mul3A_160 = vector.broadcast %mul3A_159 : f32 to vector<256x1xf32>
    %mul3A_161 = arith.mulf %slice3A_149, %mul3A_160 : vector<256x1xf32>
    %add3A_162 = arith.addf %slice3A_147, %mul3A_161 : vector<256x1xf32>
    %mul3A_163 = arith.constant 5.000000e-01 : f32
    %mul3A_164 = vector.broadcast %mul3A_163 : f32 to vector<256x1xf32>
    %mul3A_165 = arith.mulf %slice3A_150, %mul3A_164 : vector<256x1xf32>
    %add3A_166 = arith.addf %slice3A_148, %mul3A_165 : vector<256x1xf32>
    %sub3A_167 = arith.subf %add3A_162, %sub3A_154 : vector<256x1xf32>
    %max3A_168 = arith.constant 0.000000e+00 : f32
    %max3A_169 = vector.broadcast %max3A_168 : f32 to vector<256x1xf32>
    %max3A_170 = arith.maximumf %sub3A_167, %max3A_169 : vector<256x1xf32>
    %sub3A_171 = arith.subf %add3A_166, %sub3A_158 : vector<256x1xf32>
    %max3A_172 = arith.constant 0.000000e+00 : f32
    %max3A_173 = vector.broadcast %max3A_172 : f32 to vector<256x1xf32>
    %max3A_174 = arith.maximumf %sub3A_171, %max3A_173 : vector<256x1xf32>
    %mul3A_175 = arith.mulf %max3A_170, %max3A_174 : vector<256x1xf32>
    %slice3A_176 = vector.extract_strided_slice %sub3A {offsets = [0, 256], sizes = [1, 4864], strides = [1, 1]} : vector<1x5120xf32> to vector<1x4864xf32>
    %slice3A_177 = vector.extract_strided_slice %sub3A_19 {offsets = [0, 256], sizes = [1, 4864], strides = [1, 1]} : vector<1x5120xf32> to vector<1x4864xf32>
    %slice3A_178 = vector.extract_strided_slice %add3A {offsets = [0, 256], sizes = [1, 4864], strides = [1, 1]} : vector<1x5120xf32> to vector<1x4864xf32>
    %slice3A_179 = vector.extract_strided_slice %add3A_26 {offsets = [0, 256], sizes = [1, 4864], strides = [1, 1]} : vector<1x5120xf32> to vector<1x4864xf32>
    %slice3A_180 = vector.extract_strided_slice %mul3A_34 {offsets = [0, 256], sizes = [1, 4864], strides = [1, 1]} : vector<1x5120xf32> to vector<1x4864xf32>
    %max3A_181 = vector.broadcast %sub3A_154 : vector<256x1xf32> to vector<256x4864xf32>
    %max3A_182 = vector.broadcast %slice3A_176 : vector<1x4864xf32> to vector<256x4864xf32>
    %max3A_183 = arith.maximumf %max3A_181, %max3A_182 : vector<256x4864xf32>
    %max3A_184 = vector.broadcast %sub3A_158 : vector<256x1xf32> to vector<256x4864xf32>
    %max3A_185 = vector.broadcast %slice3A_177 : vector<1x4864xf32> to vector<256x4864xf32>
    %max3A_186 = arith.maximumf %max3A_184, %max3A_185 : vector<256x4864xf32>
    %min3A_187 = vector.broadcast %add3A_162 : vector<256x1xf32> to vector<256x4864xf32>
    %min3A_188 = vector.broadcast %slice3A_178 : vector<1x4864xf32> to vector<256x4864xf32>
    %min3A_189 = arith.minimumf %min3A_187, %min3A_188 : vector<256x4864xf32>
    %min3A_190 = vector.broadcast %add3A_166 : vector<256x1xf32> to vector<256x4864xf32>
    %min3A_191 = vector.broadcast %slice3A_179 : vector<1x4864xf32> to vector<256x4864xf32>
    %min3A_192 = arith.minimumf %min3A_190, %min3A_191 : vector<256x4864xf32>
    %sub3A_193 = arith.subf %min3A_189, %max3A_183 : vector<256x4864xf32>
    %max3A_194 = arith.constant 0.000000e+00 : f32
    %max3A_195 = vector.broadcast %max3A_194 : f32 to vector<256x4864xf32>
    %max3A_196 = arith.maximumf %sub3A_193, %max3A_195 : vector<256x4864xf32>
    %sub3A_197 = arith.subf %min3A_192, %max3A_186 : vector<256x4864xf32>
    %max3A_198 = arith.constant 0.000000e+00 : f32
    %max3A_199 = vector.broadcast %max3A_198 : f32 to vector<256x4864xf32>
    %max3A_200 = arith.maximumf %sub3A_197, %max3A_199 : vector<256x4864xf32>
    %mul3A_201 = arith.mulf %max3A_196, %max3A_200 : vector<256x4864xf32>
    %add3A_202 = vector.broadcast %mul3A_175 : vector<256x1xf32> to vector<256x4864xf32>
    %add3A_203 = vector.broadcast %slice3A_180 : vector<1x4864xf32> to vector<256x4864xf32>
    %add3A_204 = arith.addf %add3A_202, %add3A_203 : vector<256x4864xf32>
    %sub3A_205 = arith.subf %add3A_204, %mul3A_201 : vector<256x4864xf32>
    %add3A_206 = arith.constant 9.99999971E-10 : f32
    %add3A_207 = vector.broadcast %add3A_206 : f32 to vector<256x4864xf32>
    %add3A_208 = arith.addf %sub3A_205, %add3A_207 : vector<256x4864xf32>
    %div3A_209 = arith.divf %mul3A_201, %add3A_208 : vector<256x4864xf32>
    %gt3A_210 = arith.constant 3.000000e-01 : f32
    %gt3A_211 = vector.broadcast %gt3A_210 : f32 to vector<256x4864xf32>
    %gt3A_212 = arith.cmpf ogt, %div3A_209, %gt3A_211 : vector<256x4864xf32>
    %convert_element_type3A_213 = arith.extui %gt3A_212 : vector<256x4864xi1> to vector<256x4864xi32>
    %convert_element_type3A_214 = arith.sitofp %convert_element_type3A_213 : vector<256x4864xi32> to vector<256x4864xf32>
    %slice3A_215 = vector.extract_strided_slice %convert_element_type3A_214 {offsets = [0, 0], sizes = [256, 256], strides = [1, 1]} : vector<256x4864xf32> to vector<256x256xf32>
    %mul3A_216 = arith.mulf %slice3A_215, %convert_element_type3A_44 : vector<256x256xf32>
    %get3A_217 = arith.constant 0 : index
    %get3A_218 = arith.constant 256 : index
    %get3A_219 = vector.load %arg2[%get3A_217, %get3A_218] : memref<1x5120xf32, #tpu.memory_space<vmem>>, vector<1x256xf32>
    %dot_general3A_220 = arith.constant dense<0.000000e+00> : vector<1x256xf32>
    %dot_general3A_221 = tpu.matmul %get3A_219, %mul3A_216, %dot_general3A_220 {dimension_numbers = #tpu.dot_dimension_numbers<[1], [0], [0], [1], [0, 0, 1, 1], [], []>, transpose_lhs_hint = false} : vector<1x256xf32>, vector<256x256xf32>, vector<1x256xf32> -> vector<1x256xf32>
    %lt3A_222 = arith.constant 5.000000e-01 : f32
    %lt3A_223 = vector.broadcast %lt3A_222 : f32 to vector<1x256xf32>
    %lt3A_224 = arith.cmpf olt, %dot_general3A_221, %lt3A_223 : vector<1x256xf32>
    %convert_element_type3A_225 = arith.extui %lt3A_224 : vector<1x256xi1> to vector<1x256xi32>
    %convert_element_type3A_226 = arith.sitofp %convert_element_type3A_225 : vector<1x256xi32> to vector<1x256xf32>
    %mul3A_227 = arith.mulf %get3A_219, %convert_element_type3A_226 : vector<1x256xf32>
    %while3A_228:2 = scf.while (%while3A_2135 = %get3A_219, %while3A_2136 = %mul3A_227) : (vector<1x256xf32>, vector<1x256xf32>) -> (vector<1x256xf32>, vector<1x256xf32>) {
      %sub3A_2137 = arith.subf %while3A_2135, %while3A_2136 : vector<1x256xf32>
      %abs3A = math.absf %sub3A_2137 : vector<1x256xf32>
      %reduce_sum3A = vector.shape_cast %abs3A : vector<1x256xf32> to vector<1x1x256xf32>
      %reduce_sum3A_2138 = arith.constant dense<0.000000e+00> : vector<1xf32>
      %reduce_sum3A_2139 = vector.multi_reduction <add>, %reduce_sum3A, %reduce_sum3A_2138 [1, 2] : vector<1x1x256xf32> to vector<1xf32>
      %reduce_sum3A_2140 = vector.shape_cast %reduce_sum3A_2139 : vector<1xf32> to vector<1x1x1xf32>
      %reduce_sum3A_2141 = vector.extract %reduce_sum3A_2140[0, 0, 0] : f32 from vector<1x1x1xf32>
      %gt3A_2142 = arith.constant 0.000000e+00 : f32
      %gt3A_2143 = arith.cmpf ogt, %reduce_sum3A_2141, %gt3A_2142 : f32
      scf.condition(%gt3A_2143) %while3A_2135, %while3A_2136 : vector<1x256xf32>, vector<1x256xf32>
    } do {
    ^bb0(%while3A_2135: vector<1x256xf32>, %while3A_2136: vector<1x256xf32>):
      %dot_general3A_2137 = arith.constant dense<0.000000e+00> : vector<1x256xf32>
      %dot_general3A_2138 = tpu.matmul %while3A_2136, %mul3A_216, %dot_general3A_2137 {dimension_numbers = #tpu.dot_dimension_numbers<[1], [0], [0], [1], [0, 0, 1, 1], [], []>, transpose_lhs_hint = false} : vector<1x256xf32>, vector<256x256xf32>, vector<1x256xf32> -> vector<1x256xf32>
      %lt3A_2139 = arith.constant 5.000000e-01 : f32
      %lt3A_2140 = vector.broadcast %lt3A_2139 : f32 to vector<1x256xf32>
      %lt3A_2141 = arith.cmpf olt, %dot_general3A_2138, %lt3A_2140 : vector<1x256xf32>
      %convert_element_type3A_2142 = arith.extui %lt3A_2141 : vector<1x256xi1> to vector<1x256xi32>
      %convert_element_type3A_2143 = arith.sitofp %convert_element_type3A_2142 : vector<1x256xi32> to vector<1x256xf32>
      %mul3A_2144 = arith.mulf %get3A_219, %convert_element_type3A_2143 : vector<1x256xf32>
      scf.yield %while3A_2136, %mul3A_2144 : vector<1x256xf32>, vector<1x256xf32>
    }
    %swap3A_229 = arith.constant 0 : index
    %swap3A_230 = arith.constant 256 : index
    %swap3A_231 = vector.load %arg2[%swap3A_229, %swap3A_230] : memref<1x5120xf32, #tpu.memory_space<vmem>>, vector<1x256xf32>
    tpu.vector_store %arg2[%swap3A_229, %swap3A_230], %while3A_228#1 {strides = array<i32>} : memref<1x5120xf32, #tpu.memory_space<vmem>>, vector<1x256xf32>,
    %dot_general3A_232 = arith.constant dense<0.000000e+00> : vector<1x4864xf32>
    %dot_general3A_233 = tpu.matmul %while3A_228#1, %convert_element_type3A_214, %dot_general3A_232 {dimension_numbers = #tpu.dot_dimension_numbers<[1], [0], [0], [1], [0, 0, 1, 1], [], []>, transpose_lhs_hint = false} : vector<1x256xf32>, vector<256x4864xf32>, vector<1x4864xf32> -> vector<1x4864xf32>
    %slice3A_234 = vector.extract_strided_slice %dot_general3A_233 {offsets = [0, 256], sizes = [1, 4608], strides = [1, 1]} : vector<1x4864xf32> to vector<1x4608xf32>
    %get3A_235 = arith.constant 0 : index
    %get3A_236 = arith.constant 512 : index
    %get3A_237 = vector.load %arg2[%get3A_235, %get3A_236] : memref<1x5120xf32, #tpu.memory_space<vmem>>, vector<1x4608xf32>
    %min3A_238 = arith.constant 1.000000e+00 : f32
    %min3A_239 = vector.broadcast %min3A_238 : f32 to vector<1x4608xf32>
    %min3A_240 = arith.minimumf %slice3A_234, %min3A_239 : vector<1x4608xf32>
    %sub3A_241 = arith.constant 1.000000e+00 : f32
    %sub3A_242 = vector.broadcast %sub3A_241 : f32 to vector<1x4608xf32>
    %sub3A_243 = arith.subf %sub3A_242, %min3A_240 : vector<1x4608xf32>
    %mul3A_244 = arith.mulf %get3A_237, %sub3A_243 : vector<1x4608xf32>
    %swap3A_245 = arith.constant 0 : index
    %swap3A_246 = arith.constant 512 : index
    %swap3A_247 = vector.load %arg2[%swap3A_245, %swap3A_246] : memref<1x5120xf32, #tpu.memory_space<vmem>>, vector<1x4608xf32>
    tpu.vector_store %arg2[%swap3A_245, %swap3A_246], %mul3A_244 {strides = array<i32>} : memref<1x5120xf32, #tpu.memory_space<vmem>>, vector<1x4608xf32>,
    %get3A_248 = arith.constant 0 : index
    %get3A_249 = arith.constant 512 : index
    %get3A_250 = vector.load %arg0[%get3A_248, %get3A_249] : memref<5x5120xf32, #tpu.memory_space<vmem>>, vector<4x256xf32>
    %transpose3A_251 = tpu.transpose %get3A_250, [1, 0] : vector<4x256xf32> -> vector<256x4xf32>
    %slice3A_252 = vector.extract_strided_slice %transpose3A_251 {offsets = [0, 0], sizes = [256, 1], strides = [1, 1]} : vector<256x4xf32> to vector<256x1xf32>
    %slice3A_253 = vector.extract_strided_slice %transpose3A_251 {offsets = [0, 1], sizes = [256, 1], strides = [1, 1]} : vector<256x4xf32> to vector<256x1xf32>
    %slice3A_254 = vector.extract_strided_slice %transpose3A_251 {offsets = [0, 2], sizes = [256, 1], strides = [1, 1]} : vector<256x4xf32> to vector<256x1xf32>
    %slice3A_255 = vector.extract_strided_slice %transpose3A_251 {offsets = [0, 3], sizes = [256, 1], strides = [1, 1]} : vector<256x4xf32> to vector<256x1xf32>
    %mul3A_256 = arith.constant 5.000000e-01 : f32
    %mul3A_257 = vector.broadcast %mul3A_256 : f32 to vector<256x1xf32>
    %mul3A_258 = arith.mulf %slice3A_254, %mul3A_257 : vector<256x1xf32>
    %sub3A_259 = arith.subf %slice3A_252, %mul3A_258 : vector<256x1xf32>
    %mul3A_260 = arith.constant 5.000000e-01 : f32
    %mul3A_261 = vector.broadcast %mul3A_260 : f32 to vector<256x1xf32>
    %mul3A_262 = arith.mulf %slice3A_255, %mul3A_261 : vector<256x1xf32>
    %sub3A_263 = arith.subf %slice3A_253, %mul3A_262 : vector<256x1xf32>
    %mul3A_264 = arith.constant 5.000000e-01 : f32
    %mul3A_265 = vector.broadcast %mul3A_264 : f32 to vector<256x1xf32>
    %mul3A_266 = arith.mulf %slice3A_254, %mul3A_265 : vector<256x1xf32>
    %add3A_267 = arith.addf %slice3A_252, %mul3A_266 : vector<256x1xf32>
    %mul3A_268 = arith.constant 5.000000e-01 : f32
    %mul3A_269 = vector.broadcast %mul3A_268 : f32 to vector<256x1xf32>
    %mul3A_270 = arith.mulf %slice3A_255, %mul3A_269 : vector<256x1xf32>
    %add3A_271 = arith.addf %slice3A_253, %mul3A_270 : vector<256x1xf32>
    %sub3A_272 = arith.subf %add3A_267, %sub3A_259 : vector<256x1xf32>
    %max3A_273 = arith.constant 0.000000e+00 : f32
    %max3A_274 = vector.broadcast %max3A_273 : f32 to vector<256x1xf32>
    %max3A_275 = arith.maximumf %sub3A_272, %max3A_274 : vector<256x1xf32>
    %sub3A_276 = arith.subf %add3A_271, %sub3A_263 : vector<256x1xf32>
    %max3A_277 = arith.constant 0.000000e+00 : f32
    %max3A_278 = vector.broadcast %max3A_277 : f32 to vector<256x1xf32>
    %max3A_279 = arith.maximumf %sub3A_276, %max3A_278 : vector<256x1xf32>
    %mul3A_280 = arith.mulf %max3A_275, %max3A_279 : vector<256x1xf32>
    %slice3A_281 = vector.extract_strided_slice %sub3A {offsets = [0, 512], sizes = [1, 4608], strides = [1, 1]} : vector<1x5120xf32> to vector<1x4608xf32>
    %slice3A_282 = vector.extract_strided_slice %sub3A_19 {offsets = [0, 512], sizes = [1, 4608], strides = [1, 1]} : vector<1x5120xf32> to vector<1x4608xf32>
    %slice3A_283 = vector.extract_strided_slice %add3A {offsets = [0, 512], sizes = [1, 4608], strides = [1, 1]} : vector<1x5120xf32> to vector<1x4608xf32>
    %slice3A_284 = vector.extract_strided_slice %add3A_26 {offsets = [0, 512], sizes = [1, 4608], strides = [1, 1]} : vector<1x5120xf32> to vector<1x4608xf32>
    %slice3A_285 = vector.extract_strided_slice %mul3A_34 {offsets = [0, 512], sizes = [1, 4608], strides = [1, 1]} : vector<1x5120xf32> to vector<1x4608xf32>
    %max3A_286 = vector.broadcast %sub3A_259 : vector<256x1xf32> to vector<256x4608xf32>
    %max3A_287 = vector.broadcast %slice3A_281 : vector<1x4608xf32> to vector<256x4608xf32>
    %max3A_288 = arith.maximumf %max3A_286, %max3A_287 : vector<256x4608xf32>
    %max3A_289 = vector.broadcast %sub3A_263 : vector<256x1xf32> to vector<256x4608xf32>
    %max3A_290 = vector.broadcast %slice3A_282 : vector<1x4608xf32> to vector<256x4608xf32>
    %max3A_291 = arith.maximumf %max3A_289, %max3A_290 : vector<256x4608xf32>
    %min3A_292 = vector.broadcast %add3A_267 : vector<256x1xf32> to vector<256x4608xf32>
    %min3A_293 = vector.broadcast %slice3A_283 : vector<1x4608xf32> to vector<256x4608xf32>
    %min3A_294 = arith.minimumf %min3A_292, %min3A_293 : vector<256x4608xf32>
    %min3A_295 = vector.broadcast %add3A_271 : vector<256x1xf32> to vector<256x4608xf32>
    %min3A_296 = vector.broadcast %slice3A_284 : vector<1x4608xf32> to vector<256x4608xf32>
    %min3A_297 = arith.minimumf %min3A_295, %min3A_296 : vector<256x4608xf32>
    %sub3A_298 = arith.subf %min3A_294, %max3A_288 : vector<256x4608xf32>
    %max3A_299 = arith.constant 0.000000e+00 : f32
    %max3A_300 = vector.broadcast %max3A_299 : f32 to vector<256x4608xf32>
    %max3A_301 = arith.maximumf %sub3A_298, %max3A_300 : vector<256x4608xf32>
    %sub3A_302 = arith.subf %min3A_297, %max3A_291 : vector<256x4608xf32>
    %max3A_303 = arith.constant 0.000000e+00 : f32
    %max3A_304 = vector.broadcast %max3A_303 : f32 to vector<256x4608xf32>
    %max3A_305 = arith.maximumf %sub3A_302, %max3A_304 : vector<256x4608xf32>
    %mul3A_306 = arith.mulf %max3A_301, %max3A_305 : vector<256x4608xf32>
    %add3A_307 = vector.broadcast %mul3A_280 : vector<256x1xf32> to vector<256x4608xf32>
    %add3A_308 = vector.broadcast %slice3A_285 : vector<1x4608xf32> to vector<256x4608xf32>
    %add3A_309 = arith.addf %add3A_307, %add3A_308 : vector<256x4608xf32>
    %sub3A_310 = arith.subf %add3A_309, %mul3A_306 : vector<256x4608xf32>
    %add3A_311 = arith.constant 9.99999971E-10 : f32
    %add3A_312 = vector.broadcast %add3A_311 : f32 to vector<256x4608xf32>
    %add3A_313 = arith.addf %sub3A_310, %add3A_312 : vector<256x4608xf32>
    %div3A_314 = arith.divf %mul3A_306, %add3A_313 : vector<256x4608xf32>
    %gt3A_315 = arith.constant 3.000000e-01 : f32
    %gt3A_316 = vector.broadcast %gt3A_315 : f32 to vector<256x4608xf32>
    %gt3A_317 = arith.cmpf ogt, %div3A_314, %gt3A_316 : vector<256x4608xf32>
    %convert_element_type3A_318 = arith.extui %gt3A_317 : vector<256x4608xi1> to vector<256x4608xi32>
    %convert_element_type3A_319 = arith.sitofp %convert_element_type3A_318 : vector<256x4608xi32> to vector<256x4608xf32>
    %slice3A_320 = vector.extract_strided_slice %convert_element_type3A_319 {offsets = [0, 0], sizes = [256, 256], strides = [1, 1]} : vector<256x4608xf32> to vector<256x256xf32>
    %mul3A_321 = arith.mulf %slice3A_320, %convert_element_type3A_44 : vector<256x256xf32>
    %get3A_322 = arith.constant 0 : index
    %get3A_323 = arith.constant 512 : index
    %get3A_324 = vector.load %arg2[%get3A_322, %get3A_323] : memref<1x5120xf32, #tpu.memory_space<vmem>>, vector<1x256xf32>
    %dot_general3A_325 = arith.constant dense<0.000000e+00> : vector<1x256xf32>
    %dot_general3A_326 = tpu.matmul %get3A_324, %mul3A_321, %dot_general3A_325 {dimension_numbers = #tpu.dot_dimension_numbers<[1], [0], [0], [1], [0, 0, 1, 1], [], []>, transpose_lhs_hint = false} : vector<1x256xf32>, vector<256x256xf32>, vector<1x256xf32> -> vector<1x256xf32>
    %lt3A_327 = arith.constant 5.000000e-01 : f32
    %lt3A_328 = vector.broadcast %lt3A_327 : f32 to vector<1x256xf32>
    %lt3A_329 = arith.cmpf olt, %dot_general3A_326, %lt3A_328 : vector<1x256xf32>
    %convert_element_type3A_330 = arith.extui %lt3A_329 : vector<1x256xi1> to vector<1x256xi32>
    %convert_element_type3A_331 = arith.sitofp %convert_element_type3A_330 : vector<1x256xi32> to vector<1x256xf32>
    %mul3A_332 = arith.mulf %get3A_324, %convert_element_type3A_331 : vector<1x256xf32>
    %while3A_333:2 = scf.while (%while3A_2135 = %get3A_324, %while3A_2136 = %mul3A_332) : (vector<1x256xf32>, vector<1x256xf32>) -> (vector<1x256xf32>, vector<1x256xf32>) {
      %sub3A_2137 = arith.subf %while3A_2135, %while3A_2136 : vector<1x256xf32>
      %abs3A = math.absf %sub3A_2137 : vector<1x256xf32>
      %reduce_sum3A = vector.shape_cast %abs3A : vector<1x256xf32> to vector<1x1x256xf32>
      %reduce_sum3A_2138 = arith.constant dense<0.000000e+00> : vector<1xf32>
      %reduce_sum3A_2139 = vector.multi_reduction <add>, %reduce_sum3A, %reduce_sum3A_2138 [1, 2] : vector<1x1x256xf32> to vector<1xf32>
      %reduce_sum3A_2140 = vector.shape_cast %reduce_sum3A_2139 : vector<1xf32> to vector<1x1x1xf32>
      %reduce_sum3A_2141 = vector.extract %reduce_sum3A_2140[0, 0, 0] : f32 from vector<1x1x1xf32>
      %gt3A_2142 = arith.constant 0.000000e+00 : f32
      %gt3A_2143 = arith.cmpf ogt, %reduce_sum3A_2141, %gt3A_2142 : f32
      scf.condition(%gt3A_2143) %while3A_2135, %while3A_2136 : vector<1x256xf32>, vector<1x256xf32>
    } do {
    ^bb0(%while3A_2135: vector<1x256xf32>, %while3A_2136: vector<1x256xf32>):
      %dot_general3A_2137 = arith.constant dense<0.000000e+00> : vector<1x256xf32>
      %dot_general3A_2138 = tpu.matmul %while3A_2136, %mul3A_321, %dot_general3A_2137 {dimension_numbers = #tpu.dot_dimension_numbers<[1], [0], [0], [1], [0, 0, 1, 1], [], []>, transpose_lhs_hint = false} : vector<1x256xf32>, vector<256x256xf32>, vector<1x256xf32> -> vector<1x256xf32>
      %lt3A_2139 = arith.constant 5.000000e-01 : f32
      %lt3A_2140 = vector.broadcast %lt3A_2139 : f32 to vector<1x256xf32>
      %lt3A_2141 = arith.cmpf olt, %dot_general3A_2138, %lt3A_2140 : vector<1x256xf32>
      %convert_element_type3A_2142 = arith.extui %lt3A_2141 : vector<1x256xi1> to vector<1x256xi32>
      %convert_element_type3A_2143 = arith.sitofp %convert_element_type3A_2142 : vector<1x256xi32> to vector<1x256xf32>
      %mul3A_2144 = arith.mulf %get3A_324, %convert_element_type3A_2143 : vector<1x256xf32>
      scf.yield %while3A_2136, %mul3A_2144 : vector<1x256xf32>, vector<1x256xf32>
    }
    %swap3A_334 = arith.constant 0 : index
    %swap3A_335 = arith.constant 512 : index
    %swap3A_336 = vector.load %arg2[%swap3A_334, %swap3A_335] : memref<1x5120xf32, #tpu.memory_space<vmem>>, vector<1x256xf32>
    tpu.vector_store %arg2[%swap3A_334, %swap3A_335], %while3A_333#1 {strides = array<i32>} : memref<1x5120xf32, #tpu.memory_space<vmem>>, vector<1x256xf32>,
    %dot_general3A_337 = arith.constant dense<0.000000e+00> : vector<1x4608xf32>
    %dot_general3A_338 = tpu.matmul %while3A_333#1, %convert_element_type3A_319, %dot_general3A_337 {dimension_numbers = #tpu.dot_dimension_numbers<[1], [0], [0], [1], [0, 0, 1, 1], [], []>, transpose_lhs_hint = false} : vector<1x256xf32>, vector<256x4608xf32>, vector<1x4608xf32> -> vector<1x4608xf32>
    %slice3A_339 = vector.extract_strided_slice %dot_general3A_338 {offsets = [0, 256], sizes = [1, 4352], strides = [1, 1]} : vector<1x4608xf32> to vector<1x4352xf32>
    %get3A_340 = arith.constant 0 : index
    %get3A_341 = arith.constant 768 : index
    %get3A_342 = vector.load %arg2[%get3A_340, %get3A_341] : memref<1x5120xf32, #tpu.memory_space<vmem>>, vector<1x4352xf32>
    %min3A_343 = arith.constant 1.000000e+00 : f32
    %min3A_344 = vector.broadcast %min3A_343 : f32 to vector<1x4352xf32>
    %min3A_345 = arith.minimumf %slice3A_339, %min3A_344 : vector<1x4352xf32>
    %sub3A_346 = arith.constant 1.000000e+00 : f32
    %sub3A_347 = vector.broadcast %sub3A_346 : f32 to vector<1x4352xf32>
    %sub3A_348 = arith.subf %sub3A_347, %min3A_345 : vector<1x4352xf32>
    %mul3A_349 = arith.mulf %get3A_342, %sub3A_348 : vector<1x4352xf32>
    %swap3A_350 = arith.constant 0 : index
    %swap3A_351 = arith.constant 768 : index
    %swap3A_352 = vector.load %arg2[%swap3A_350, %swap3A_351] : memref<1x5120xf32, #tpu.memory_space<vmem>>, vector<1x4352xf32>
    tpu.vector_store %arg2[%swap3A_350, %swap3A_351], %mul3A_349 {strides = array<i32>} : memref<1x5120xf32, #tpu.memory_space<vmem>>, vector<1x4352xf32>,
    %get3A_353 = arith.constant 0 : index
    %get3A_354 = arith.constant 768 : index
    %get3A_355 = vector.load %arg0[%get3A_353, %get3A_354] : memref<5x5120xf32, #tpu.memory_space<vmem>>, vector<4x256xf32>
    %transpose3A_356 = tpu.transpose %get3A_355, [1, 0] : vector<4x256xf32> -> vector<256x4xf32>
    %slice3A_357 = vector.extract_strided_slice %transpose3A_356 {offsets = [0, 0], sizes = [256, 1], strides = [1, 1]} : vector<256x4xf32> to vector<256x1xf32>
    %slice3A_358 = vector.extract_strided_slice %transpose3A_356 {offsets = [0, 1], sizes = [256, 1], strides = [1, 1]} : vector<256x4xf32> to vector<256x1xf32>
    %slice3A_359 = vector.extract_strided_slice %transpose3A_356 {offsets = [0, 2], sizes = [256, 1], strides = [1, 1]} : vector<256x4xf32> to vector<256x1xf32>
    %slice3A_360 = vector.extract_strided_slice %transpose3A_356 {offsets = [0, 3], sizes = [256, 1], strides = [1, 1]} : vector<256x4xf32> to vector<256x1xf32>
    %mul3A_361 = arith.constant 5.000000e-01 : f32
    %mul3A_362 = vector.broadcast %mul3A_361 : f32 to vector<256x1xf32>
    %mul3A_363 = arith.mulf %slice3A_359, %mul3A_362 : vector<256x1xf32>
    %sub3A_364 = arith.subf %slice3A_357, %mul3A_363 : vector<256x1xf32>
    %mul3A_365 = arith.constant 5.000000e-01 : f32
    %mul3A_366 = vector.broadcast %mul3A_365 : f32 to vector<256x1xf32>
    %mul3A_367 = arith.mulf %slice3A_360, %mul3A_366 : vector<256x1xf32>
    %sub3A_368 = arith.subf %slice3A_358, %mul3A_367 : vector<256x1xf32>
    %mul3A_369 = arith.constant 5.000000e-01 : f32
    %mul3A_370 = vector.broadcast %mul3A_369 : f32 to vector<256x1xf32>
    %mul3A_371 = arith.mulf %slice3A_359, %mul3A_370 : vector<256x1xf32>
    %add3A_372 = arith.addf %slice3A_357, %mul3A_371 : vector<256x1xf32>
    %mul3A_373 = arith.constant 5.000000e-01 : f32
    %mul3A_374 = vector.broadcast %mul3A_373 : f32 to vector<256x1xf32>
    %mul3A_375 = arith.mulf %slice3A_360, %mul3A_374 : vector<256x1xf32>
    %add3A_376 = arith.addf %slice3A_358, %mul3A_375 : vector<256x1xf32>
    %sub3A_377 = arith.subf %add3A_372, %sub3A_364 : vector<256x1xf32>
    %max3A_378 = arith.constant 0.000000e+00 : f32
    %max3A_379 = vector.broadcast %max3A_378 : f32 to vector<256x1xf32>
    %max3A_380 = arith.maximumf %sub3A_377, %max3A_379 : vector<256x1xf32>
    %sub3A_381 = arith.subf %add3A_376, %sub3A_368 : vector<256x1xf32>
    %max3A_382 = arith.constant 0.000000e+00 : f32
    %max3A_383 = vector.broadcast %max3A_382 : f32 to vector<256x1xf32>
    %max3A_384 = arith.maximumf %sub3A_381, %max3A_383 : vector<256x1xf32>
    %mul3A_385 = arith.mulf %max3A_380, %max3A_384 : vector<256x1xf32>
    %slice3A_386 = vector.extract_strided_slice %sub3A {offsets = [0, 768], sizes = [1, 4352], strides = [1, 1]} : vector<1x5120xf32> to vector<1x4352xf32>
    %slice3A_387 = vector.extract_strided_slice %sub3A_19 {offsets = [0, 768], sizes = [1, 4352], strides = [1, 1]} : vector<1x5120xf32> to vector<1x4352xf32>
    %slice3A_388 = vector.extract_strided_slice %add3A {offsets = [0, 768], sizes = [1, 4352], strides = [1, 1]} : vector<1x5120xf32> to vector<1x4352xf32>
    %slice3A_389 = vector.extract_strided_slice %add3A_26 {offsets = [0, 768], sizes = [1, 4352], strides = [1, 1]} : vector<1x5120xf32> to vector<1x4352xf32>
    %slice3A_390 = vector.extract_strided_slice %mul3A_34 {offsets = [0, 768], sizes = [1, 4352], strides = [1, 1]} : vector<1x5120xf32> to vector<1x4352xf32>
    %max3A_391 = vector.broadcast %sub3A_364 : vector<256x1xf32> to vector<256x4352xf32>
    %max3A_392 = vector.broadcast %slice3A_386 : vector<1x4352xf32> to vector<256x4352xf32>
    %max3A_393 = arith.maximumf %max3A_391, %max3A_392 : vector<256x4352xf32>
    %max3A_394 = vector.broadcast %sub3A_368 : vector<256x1xf32> to vector<256x4352xf32>
    %max3A_395 = vector.broadcast %slice3A_387 : vector<1x4352xf32> to vector<256x4352xf32>
    %max3A_396 = arith.maximumf %max3A_394, %max3A_395 : vector<256x4352xf32>
    %min3A_397 = vector.broadcast %add3A_372 : vector<256x1xf32> to vector<256x4352xf32>
    %min3A_398 = vector.broadcast %slice3A_388 : vector<1x4352xf32> to vector<256x4352xf32>
    %min3A_399 = arith.minimumf %min3A_397, %min3A_398 : vector<256x4352xf32>
    %min3A_400 = vector.broadcast %add3A_376 : vector<256x1xf32> to vector<256x4352xf32>
    %min3A_401 = vector.broadcast %slice3A_389 : vector<1x4352xf32> to vector<256x4352xf32>
    %min3A_402 = arith.minimumf %min3A_400, %min3A_401 : vector<256x4352xf32>
    %sub3A_403 = arith.subf %min3A_399, %max3A_393 : vector<256x4352xf32>
    %max3A_404 = arith.constant 0.000000e+00 : f32
    %max3A_405 = vector.broadcast %max3A_404 : f32 to vector<256x4352xf32>
    %max3A_406 = arith.maximumf %sub3A_403, %max3A_405 : vector<256x4352xf32>
    %sub3A_407 = arith.subf %min3A_402, %max3A_396 : vector<256x4352xf32>
    %max3A_408 = arith.constant 0.000000e+00 : f32
    %max3A_409 = vector.broadcast %max3A_408 : f32 to vector<256x4352xf32>
    %max3A_410 = arith.maximumf %sub3A_407, %max3A_409 : vector<256x4352xf32>
    %mul3A_411 = arith.mulf %max3A_406, %max3A_410 : vector<256x4352xf32>
    %add3A_412 = vector.broadcast %mul3A_385 : vector<256x1xf32> to vector<256x4352xf32>
    %add3A_413 = vector.broadcast %slice3A_390 : vector<1x4352xf32> to vector<256x4352xf32>
    %add3A_414 = arith.addf %add3A_412, %add3A_413 : vector<256x4352xf32>
    %sub3A_415 = arith.subf %add3A_414, %mul3A_411 : vector<256x4352xf32>
    %add3A_416 = arith.constant 9.99999971E-10 : f32
    %add3A_417 = vector.broadcast %add3A_416 : f32 to vector<256x4352xf32>
    %add3A_418 = arith.addf %sub3A_415, %add3A_417 : vector<256x4352xf32>
    %div3A_419 = arith.divf %mul3A_411, %add3A_418 : vector<256x4352xf32>
    %gt3A_420 = arith.constant 3.000000e-01 : f32
    %gt3A_421 = vector.broadcast %gt3A_420 : f32 to vector<256x4352xf32>
    %gt3A_422 = arith.cmpf ogt, %div3A_419, %gt3A_421 : vector<256x4352xf32>
    %convert_element_type3A_423 = arith.extui %gt3A_422 : vector<256x4352xi1> to vector<256x4352xi32>
    %convert_element_type3A_424 = arith.sitofp %convert_element_type3A_423 : vector<256x4352xi32> to vector<256x4352xf32>
    %slice3A_425 = vector.extract_strided_slice %convert_element_type3A_424 {offsets = [0, 0], sizes = [256, 256], strides = [1, 1]} : vector<256x4352xf32> to vector<256x256xf32>
    %mul3A_426 = arith.mulf %slice3A_425, %convert_element_type3A_44 : vector<256x256xf32>
    %get3A_427 = arith.constant 0 : index
    %get3A_428 = arith.constant 768 : index
    %get3A_429 = vector.load %arg2[%get3A_427, %get3A_428] : memref<1x5120xf32, #tpu.memory_space<vmem>>, vector<1x256xf32>
    %dot_general3A_430 = arith.constant dense<0.000000e+00> : vector<1x256xf32>
    %dot_general3A_431 = tpu.matmul %get3A_429, %mul3A_426, %dot_general3A_430 {dimension_numbers = #tpu.dot_dimension_numbers<[1], [0], [0], [1], [0, 0, 1, 1], [], []>, transpose_lhs_hint = false} : vector<1x256xf32>, vector<256x256xf32>, vector<1x256xf32> -> vector<1x256xf32>
    %lt3A_432 = arith.constant 5.000000e-01 : f32
    %lt3A_433 = vector.broadcast %lt3A_432 : f32 to vector<1x256xf32>
    %lt3A_434 = arith.cmpf olt, %dot_general3A_431, %lt3A_433 : vector<1x256xf32>
    %convert_element_type3A_435 = arith.extui %lt3A_434 : vector<1x256xi1> to vector<1x256xi32>
    %convert_element_type3A_436 = arith.sitofp %convert_element_type3A_435 : vector<1x256xi32> to vector<1x256xf32>
    %mul3A_437 = arith.mulf %get3A_429, %convert_element_type3A_436 : vector<1x256xf32>
    %while3A_438:2 = scf.while (%while3A_2135 = %get3A_429, %while3A_2136 = %mul3A_437) : (vector<1x256xf32>, vector<1x256xf32>) -> (vector<1x256xf32>, vector<1x256xf32>) {
      %sub3A_2137 = arith.subf %while3A_2135, %while3A_2136 : vector<1x256xf32>
      %abs3A = math.absf %sub3A_2137 : vector<1x256xf32>
      %reduce_sum3A = vector.shape_cast %abs3A : vector<1x256xf32> to vector<1x1x256xf32>
      %reduce_sum3A_2138 = arith.constant dense<0.000000e+00> : vector<1xf32>
      %reduce_sum3A_2139 = vector.multi_reduction <add>, %reduce_sum3A, %reduce_sum3A_2138 [1, 2] : vector<1x1x256xf32> to vector<1xf32>
      %reduce_sum3A_2140 = vector.shape_cast %reduce_sum3A_2139 : vector<1xf32> to vector<1x1x1xf32>
      %reduce_sum3A_2141 = vector.extract %reduce_sum3A_2140[0, 0, 0] : f32 from vector<1x1x1xf32>
      %gt3A_2142 = arith.constant 0.000000e+00 : f32
      %gt3A_2143 = arith.cmpf ogt, %reduce_sum3A_2141, %gt3A_2142 : f32
      scf.condition(%gt3A_2143) %while3A_2135, %while3A_2136 : vector<1x256xf32>, vector<1x256xf32>
    } do {
    ^bb0(%while3A_2135: vector<1x256xf32>, %while3A_2136: vector<1x256xf32>):
      %dot_general3A_2137 = arith.constant dense<0.000000e+00> : vector<1x256xf32>
      %dot_general3A_2138 = tpu.matmul %while3A_2136, %mul3A_426, %dot_general3A_2137 {dimension_numbers = #tpu.dot_dimension_numbers<[1], [0], [0], [1], [0, 0, 1, 1], [], []>, transpose_lhs_hint = false} : vector<1x256xf32>, vector<256x256xf32>, vector<1x256xf32> -> vector<1x256xf32>
      %lt3A_2139 = arith.constant 5.000000e-01 : f32
      %lt3A_2140 = vector.broadcast %lt3A_2139 : f32 to vector<1x256xf32>
      %lt3A_2141 = arith.cmpf olt, %dot_general3A_2138, %lt3A_2140 : vector<1x256xf32>
      %convert_element_type3A_2142 = arith.extui %lt3A_2141 : vector<1x256xi1> to vector<1x256xi32>
      %convert_element_type3A_2143 = arith.sitofp %convert_element_type3A_2142 : vector<1x256xi32> to vector<1x256xf32>
      %mul3A_2144 = arith.mulf %get3A_429, %convert_element_type3A_2143 : vector<1x256xf32>
      scf.yield %while3A_2136, %mul3A_2144 : vector<1x256xf32>, vector<1x256xf32>
    }
    %swap3A_439 = arith.constant 0 : index
    %swap3A_440 = arith.constant 768 : index
    %swap3A_441 = vector.load %arg2[%swap3A_439, %swap3A_440] : memref<1x5120xf32, #tpu.memory_space<vmem>>, vector<1x256xf32>
    tpu.vector_store %arg2[%swap3A_439, %swap3A_440], %while3A_438#1 {strides = array<i32>} : memref<1x5120xf32, #tpu.memory_space<vmem>>, vector<1x256xf32>,
    %dot_general3A_442 = arith.constant dense<0.000000e+00> : vector<1x4352xf32>
    %dot_general3A_443 = tpu.matmul %while3A_438#1, %convert_element_type3A_424, %dot_general3A_442 {dimension_numbers = #tpu.dot_dimension_numbers<[1], [0], [0], [1], [0, 0, 1, 1], [], []>, transpose_lhs_hint = false} : vector<1x256xf32>, vector<256x4352xf32>, vector<1x4352xf32> -> vector<1x4352xf32>
    %slice3A_444 = vector.extract_strided_slice %dot_general3A_443 {offsets = [0, 256], sizes = [1, 4096], strides = [1, 1]} : vector<1x4352xf32> to vector<1x4096xf32>
    %get3A_445 = arith.constant 0 : index
    %get3A_446 = arith.constant 1024 : index
    %get3A_447 = vector.load %arg2[%get3A_445, %get3A_446] : memref<1x5120xf32, #tpu.memory_space<vmem>>, vector<1x4096xf32>
    %min3A_448 = arith.constant 1.000000e+00 : f32
    %min3A_449 = vector.broadcast %min3A_448 : f32 to vector<1x4096xf32>
    %min3A_450 = arith.minimumf %slice3A_444, %min3A_449 : vector<1x4096xf32>
    %sub3A_451 = arith.constant 1.000000e+00 : f32
    %sub3A_452 = vector.broadcast %sub3A_451 : f32 to vector<1x4096xf32>
    %sub3A_453 = arith.subf %sub3A_452, %min3A_450 : vector<1x4096xf32>
    %mul3A_454 = arith.mulf %get3A_447, %sub3A_453 : vector<1x4096xf32>
    %swap3A_455 = arith.constant 0 : index
    %swap3A_456 = arith.constant 1024 : index
    %swap3A_457 = vector.load %arg2[%swap3A_455, %swap3A_456] : memref<1x5120xf32, #tpu.memory_space<vmem>>, vector<1x4096xf32>
    tpu.vector_store %arg2[%swap3A_455, %swap3A_456], %mul3A_454 {strides = array<i32>} : memref<1x5120xf32, #tpu.memory_space<vmem>>, vector<1x4096xf32>,
    %get3A_458 = arith.constant 0 : index
    %get3A_459 = arith.constant 1024 : index
    %get3A_460 = vector.load %arg0[%get3A_458, %get3A_459] : memref<5x5120xf32, #tpu.memory_space<vmem>>, vector<4x256xf32>
    %transpose3A_461 = tpu.transpose %get3A_460, [1, 0] : vector<4x256xf32> -> vector<256x4xf32>
    %slice3A_462 = vector.extract_strided_slice %transpose3A_461 {offsets = [0, 0], sizes = [256, 1], strides = [1, 1]} : vector<256x4xf32> to vector<256x1xf32>
    %slice3A_463 = vector.extract_strided_slice %transpose3A_461 {offsets = [0, 1], sizes = [256, 1], strides = [1, 1]} : vector<256x4xf32> to vector<256x1xf32>
    %slice3A_464 = vector.extract_strided_slice %transpose3A_461 {offsets = [0, 2], sizes = [256, 1], strides = [1, 1]} : vector<256x4xf32> to vector<256x1xf32>
    %slice3A_465 = vector.extract_strided_slice %transpose3A_461 {offsets = [0, 3], sizes = [256, 1], strides = [1, 1]} : vector<256x4xf32> to vector<256x1xf32>
    %mul3A_466 = arith.constant 5.000000e-01 : f32
    %mul3A_467 = vector.broadcast %mul3A_466 : f32 to vector<256x1xf32>
    %mul3A_468 = arith.mulf %slice3A_464, %mul3A_467 : vector<256x1xf32>
    %sub3A_469 = arith.subf %slice3A_462, %mul3A_468 : vector<256x1xf32>
    %mul3A_470 = arith.constant 5.000000e-01 : f32
    %mul3A_471 = vector.broadcast %mul3A_470 : f32 to vector<256x1xf32>
    %mul3A_472 = arith.mulf %slice3A_465, %mul3A_471 : vector<256x1xf32>
    %sub3A_473 = arith.subf %slice3A_463, %mul3A_472 : vector<256x1xf32>
    %mul3A_474 = arith.constant 5.000000e-01 : f32
    %mul3A_475 = vector.broadcast %mul3A_474 : f32 to vector<256x1xf32>
    %mul3A_476 = arith.mulf %slice3A_464, %mul3A_475 : vector<256x1xf32>
    %add3A_477 = arith.addf %slice3A_462, %mul3A_476 : vector<256x1xf32>
    %mul3A_478 = arith.constant 5.000000e-01 : f32
    %mul3A_479 = vector.broadcast %mul3A_478 : f32 to vector<256x1xf32>
    %mul3A_480 = arith.mulf %slice3A_465, %mul3A_479 : vector<256x1xf32>
    %add3A_481 = arith.addf %slice3A_463, %mul3A_480 : vector<256x1xf32>
    %sub3A_482 = arith.subf %add3A_477, %sub3A_469 : vector<256x1xf32>
    %max3A_483 = arith.constant 0.000000e+00 : f32
    %max3A_484 = vector.broadcast %max3A_483 : f32 to vector<256x1xf32>
    %max3A_485 = arith.maximumf %sub3A_482, %max3A_484 : vector<256x1xf32>
    %sub3A_486 = arith.subf %add3A_481, %sub3A_473 : vector<256x1xf32>
    %max3A_487 = arith.constant 0.000000e+00 : f32
    %max3A_488 = vector.broadcast %max3A_487 : f32 to vector<256x1xf32>
    %max3A_489 = arith.maximumf %sub3A_486, %max3A_488 : vector<256x1xf32>
    %mul3A_490 = arith.mulf %max3A_485, %max3A_489 : vector<256x1xf32>
    %slice3A_491 = vector.extract_strided_slice %sub3A {offsets = [0, 1024], sizes = [1, 4096], strides = [1, 1]} : vector<1x5120xf32> to vector<1x4096xf32>
    %slice3A_492 = vector.extract_strided_slice %sub3A_19 {offsets = [0, 1024], sizes = [1, 4096], strides = [1, 1]} : vector<1x5120xf32> to vector<1x4096xf32>
    %slice3A_493 = vector.extract_strided_slice %add3A {offsets = [0, 1024], sizes = [1, 4096], strides = [1, 1]} : vector<1x5120xf32> to vector<1x4096xf32>
    %slice3A_494 = vector.extract_strided_slice %add3A_26 {offsets = [0, 1024], sizes = [1, 4096], strides = [1, 1]} : vector<1x5120xf32> to vector<1x4096xf32>
    %slice3A_495 = vector.extract_strided_slice %mul3A_34 {offsets = [0, 1024], sizes = [1, 4096], strides = [1, 1]} : vector<1x5120xf32> to vector<1x4096xf32>
    %max3A_496 = vector.broadcast %sub3A_469 : vector<256x1xf32> to vector<256x4096xf32>
    %max3A_497 = vector.broadcast %slice3A_491 : vector<1x4096xf32> to vector<256x4096xf32>
    %max3A_498 = arith.maximumf %max3A_496, %max3A_497 : vector<256x4096xf32>
    %max3A_499 = vector.broadcast %sub3A_473 : vector<256x1xf32> to vector<256x4096xf32>
    %max3A_500 = vector.broadcast %slice3A_492 : vector<1x4096xf32> to vector<256x4096xf32>
    %max3A_501 = arith.maximumf %max3A_499, %max3A_500 : vector<256x4096xf32>
    %min3A_502 = vector.broadcast %add3A_477 : vector<256x1xf32> to vector<256x4096xf32>
    %min3A_503 = vector.broadcast %slice3A_493 : vector<1x4096xf32> to vector<256x4096xf32>
    %min3A_504 = arith.minimumf %min3A_502, %min3A_503 : vector<256x4096xf32>
    %min3A_505 = vector.broadcast %add3A_481 : vector<256x1xf32> to vector<256x4096xf32>
    %min3A_506 = vector.broadcast %slice3A_494 : vector<1x4096xf32> to vector<256x4096xf32>
    %min3A_507 = arith.minimumf %min3A_505, %min3A_506 : vector<256x4096xf32>
    %sub3A_508 = arith.subf %min3A_504, %max3A_498 : vector<256x4096xf32>
    %max3A_509 = arith.constant 0.000000e+00 : f32
    %max3A_510 = vector.broadcast %max3A_509 : f32 to vector<256x4096xf32>
    %max3A_511 = arith.maximumf %sub3A_508, %max3A_510 : vector<256x4096xf32>
    %sub3A_512 = arith.subf %min3A_507, %max3A_501 : vector<256x4096xf32>
    %max3A_513 = arith.constant 0.000000e+00 : f32
    %max3A_514 = vector.broadcast %max3A_513 : f32 to vector<256x4096xf32>
    %max3A_515 = arith.maximumf %sub3A_512, %max3A_514 : vector<256x4096xf32>
    %mul3A_516 = arith.mulf %max3A_511, %max3A_515 : vector<256x4096xf32>
    %add3A_517 = vector.broadcast %mul3A_490 : vector<256x1xf32> to vector<256x4096xf32>
    %add3A_518 = vector.broadcast %slice3A_495 : vector<1x4096xf32> to vector<256x4096xf32>
    %add3A_519 = arith.addf %add3A_517, %add3A_518 : vector<256x4096xf32>
    %sub3A_520 = arith.subf %add3A_519, %mul3A_516 : vector<256x4096xf32>
    %add3A_521 = arith.constant 9.99999971E-10 : f32
    %add3A_522 = vector.broadcast %add3A_521 : f32 to vector<256x4096xf32>
    %add3A_523 = arith.addf %sub3A_520, %add3A_522 : vector<256x4096xf32>
    %div3A_524 = arith.divf %mul3A_516, %add3A_523 : vector<256x4096xf32>
    %gt3A_525 = arith.constant 3.000000e-01 : f32
    %gt3A_526 = vector.broadcast %gt3A_525 : f32 to vector<256x4096xf32>
    %gt3A_527 = arith.cmpf ogt, %div3A_524, %gt3A_526 : vector<256x4096xf32>
    %convert_element_type3A_528 = arith.extui %gt3A_527 : vector<256x4096xi1> to vector<256x4096xi32>
    %convert_element_type3A_529 = arith.sitofp %convert_element_type3A_528 : vector<256x4096xi32> to vector<256x4096xf32>
    %slice3A_530 = vector.extract_strided_slice %convert_element_type3A_529 {offsets = [0, 0], sizes = [256, 256], strides = [1, 1]} : vector<256x4096xf32> to vector<256x256xf32>
    %mul3A_531 = arith.mulf %slice3A_530, %convert_element_type3A_44 : vector<256x256xf32>
    %get3A_532 = arith.constant 0 : index
    %get3A_533 = arith.constant 1024 : index
    %get3A_534 = vector.load %arg2[%get3A_532, %get3A_533] : memref<1x5120xf32, #tpu.memory_space<vmem>>, vector<1x256xf32>
    %dot_general3A_535 = arith.constant dense<0.000000e+00> : vector<1x256xf32>
    %dot_general3A_536 = tpu.matmul %get3A_534, %mul3A_531, %dot_general3A_535 {dimension_numbers = #tpu.dot_dimension_numbers<[1], [0], [0], [1], [0, 0, 1, 1], [], []>, transpose_lhs_hint = false} : vector<1x256xf32>, vector<256x256xf32>, vector<1x256xf32> -> vector<1x256xf32>
    %lt3A_537 = arith.constant 5.000000e-01 : f32
    %lt3A_538 = vector.broadcast %lt3A_537 : f32 to vector<1x256xf32>
    %lt3A_539 = arith.cmpf olt, %dot_general3A_536, %lt3A_538 : vector<1x256xf32>
    %convert_element_type3A_540 = arith.extui %lt3A_539 : vector<1x256xi1> to vector<1x256xi32>
    %convert_element_type3A_541 = arith.sitofp %convert_element_type3A_540 : vector<1x256xi32> to vector<1x256xf32>
    %mul3A_542 = arith.mulf %get3A_534, %convert_element_type3A_541 : vector<1x256xf32>
    %while3A_543:2 = scf.while (%while3A_2135 = %get3A_534, %while3A_2136 = %mul3A_542) : (vector<1x256xf32>, vector<1x256xf32>) -> (vector<1x256xf32>, vector<1x256xf32>) {
      %sub3A_2137 = arith.subf %while3A_2135, %while3A_2136 : vector<1x256xf32>
      %abs3A = math.absf %sub3A_2137 : vector<1x256xf32>
      %reduce_sum3A = vector.shape_cast %abs3A : vector<1x256xf32> to vector<1x1x256xf32>
      %reduce_sum3A_2138 = arith.constant dense<0.000000e+00> : vector<1xf32>
      %reduce_sum3A_2139 = vector.multi_reduction <add>, %reduce_sum3A, %reduce_sum3A_2138 [1, 2] : vector<1x1x256xf32> to vector<1xf32>
      %reduce_sum3A_2140 = vector.shape_cast %reduce_sum3A_2139 : vector<1xf32> to vector<1x1x1xf32>
      %reduce_sum3A_2141 = vector.extract %reduce_sum3A_2140[0, 0, 0] : f32 from vector<1x1x1xf32>
      %gt3A_2142 = arith.constant 0.000000e+00 : f32
      %gt3A_2143 = arith.cmpf ogt, %reduce_sum3A_2141, %gt3A_2142 : f32
      scf.condition(%gt3A_2143) %while3A_2135, %while3A_2136 : vector<1x256xf32>, vector<1x256xf32>
    } do {
    ^bb0(%while3A_2135: vector<1x256xf32>, %while3A_2136: vector<1x256xf32>):
      %dot_general3A_2137 = arith.constant dense<0.000000e+00> : vector<1x256xf32>
      %dot_general3A_2138 = tpu.matmul %while3A_2136, %mul3A_531, %dot_general3A_2137 {dimension_numbers = #tpu.dot_dimension_numbers<[1], [0], [0], [1], [0, 0, 1, 1], [], []>, transpose_lhs_hint = false} : vector<1x256xf32>, vector<256x256xf32>, vector<1x256xf32> -> vector<1x256xf32>
      %lt3A_2139 = arith.constant 5.000000e-01 : f32
      %lt3A_2140 = vector.broadcast %lt3A_2139 : f32 to vector<1x256xf32>
      %lt3A_2141 = arith.cmpf olt, %dot_general3A_2138, %lt3A_2140 : vector<1x256xf32>
      %convert_element_type3A_2142 = arith.extui %lt3A_2141 : vector<1x256xi1> to vector<1x256xi32>
      %convert_element_type3A_2143 = arith.sitofp %convert_element_type3A_2142 : vector<1x256xi32> to vector<1x256xf32>
      %mul3A_2144 = arith.mulf %get3A_534, %convert_element_type3A_2143 : vector<1x256xf32>
      scf.yield %while3A_2136, %mul3A_2144 : vector<1x256xf32>, vector<1x256xf32>
    }
    %swap3A_544 = arith.constant 0 : index
    %swap3A_545 = arith.constant 1024 : index
    %swap3A_546 = vector.load %arg2[%swap3A_544, %swap3A_545] : memref<1x5120xf32, #tpu.memory_space<vmem>>, vector<1x256xf32>
    tpu.vector_store %arg2[%swap3A_544, %swap3A_545], %while3A_543#1 {strides = array<i32>} : memref<1x5120xf32, #tpu.memory_space<vmem>>, vector<1x256xf32>,
    %dot_general3A_547 = arith.constant dense<0.000000e+00> : vector<1x4096xf32>
    %dot_general3A_548 = tpu.matmul %while3A_543#1, %convert_element_type3A_529, %dot_general3A_547 {dimension_numbers = #tpu.dot_dimension_numbers<[1], [0], [0], [1], [0, 0, 1, 1], [], []>, transpose_lhs_hint = false} : vector<1x256xf32>, vector<256x4096xf32>, vector<1x4096xf32> -> vector<1x4096xf32>
    %slice3A_549 = vector.extract_strided_slice %dot_general3A_548 {offsets = [0, 256], sizes = [1, 3840], strides = [1, 1]} : vector<1x4096xf32> to vector<1x3840xf32>
    %get3A_550 = arith.constant 0 : index
    %get3A_551 = arith.constant 1280 : index
    %get3A_552 = vector.load %arg2[%get3A_550, %get3A_551] : memref<1x5120xf32, #tpu.memory_space<vmem>>, vector<1x3840xf32>
    %min3A_553 = arith.constant 1.000000e+00 : f32
    %min3A_554 = vector.broadcast %min3A_553 : f32 to vector<1x3840xf32>
    %min3A_555 = arith.minimumf %slice3A_549, %min3A_554 : vector<1x3840xf32>
    %sub3A_556 = arith.constant 1.000000e+00 : f32
    %sub3A_557 = vector.broadcast %sub3A_556 : f32 to vector<1x3840xf32>
    %sub3A_558 = arith.subf %sub3A_557, %min3A_555 : vector<1x3840xf32>
    %mul3A_559 = arith.mulf %get3A_552, %sub3A_558 : vector<1x3840xf32>
    %swap3A_560 = arith.constant 0 : index
    %swap3A_561 = arith.constant 1280 : index
    %swap3A_562 = vector.load %arg2[%swap3A_560, %swap3A_561] : memref<1x5120xf32, #tpu.memory_space<vmem>>, vector<1x3840xf32>
    tpu.vector_store %arg2[%swap3A_560, %swap3A_561], %mul3A_559 {strides = array<i32>} : memref<1x5120xf32, #tpu.memory_space<vmem>>, vector<1x3840xf32>,
    %get3A_563 = arith.constant 0 : index
    %get3A_564 = arith.constant 1280 : index
    %get3A_565 = vector.load %arg0[%get3A_563, %get3A_564] : memref<5x5120xf32, #tpu.memory_space<vmem>>, vector<4x256xf32>
    %transpose3A_566 = tpu.transpose %get3A_565, [1, 0] : vector<4x256xf32> -> vector<256x4xf32>
    %slice3A_567 = vector.extract_strided_slice %transpose3A_566 {offsets = [0, 0], sizes = [256, 1], strides = [1, 1]} : vector<256x4xf32> to vector<256x1xf32>
    %slice3A_568 = vector.extract_strided_slice %transpose3A_566 {offsets = [0, 1], sizes = [256, 1], strides = [1, 1]} : vector<256x4xf32> to vector<256x1xf32>
    %slice3A_569 = vector.extract_strided_slice %transpose3A_566 {offsets = [0, 2], sizes = [256, 1], strides = [1, 1]} : vector<256x4xf32> to vector<256x1xf32>
    %slice3A_570 = vector.extract_strided_slice %transpose3A_566 {offsets = [0, 3], sizes = [256, 1], strides = [1, 1]} : vector<256x4xf32> to vector<256x1xf32>
    %mul3A_571 = arith.constant 5.000000e-01 : f32
    %mul3A_572 = vector.broadcast %mul3A_571 : f32 to vector<256x1xf32>
    %mul3A_573 = arith.mulf %slice3A_569, %mul3A_572 : vector<256x1xf32>
    %sub3A_574 = arith.subf %slice3A_567, %mul3A_573 : vector<256x1xf32>
    %mul3A_575 = arith.constant 5.000000e-01 : f32
    %mul3A_576 = vector.broadcast %mul3A_575 : f32 to vector<256x1xf32>
    %mul3A_577 = arith.mulf %slice3A_570, %mul3A_576 : vector<256x1xf32>
    %sub3A_578 = arith.subf %slice3A_568, %mul3A_577 : vector<256x1xf32>
    %mul3A_579 = arith.constant 5.000000e-01 : f32
    %mul3A_580 = vector.broadcast %mul3A_579 : f32 to vector<256x1xf32>
    %mul3A_581 = arith.mulf %slice3A_569, %mul3A_580 : vector<256x1xf32>
    %add3A_582 = arith.addf %slice3A_567, %mul3A_581 : vector<256x1xf32>
    %mul3A_583 = arith.constant 5.000000e-01 : f32
    %mul3A_584 = vector.broadcast %mul3A_583 : f32 to vector<256x1xf32>
    %mul3A_585 = arith.mulf %slice3A_570, %mul3A_584 : vector<256x1xf32>
    %add3A_586 = arith.addf %slice3A_568, %mul3A_585 : vector<256x1xf32>
    %sub3A_587 = arith.subf %add3A_582, %sub3A_574 : vector<256x1xf32>
    %max3A_588 = arith.constant 0.000000e+00 : f32
    %max3A_589 = vector.broadcast %max3A_588 : f32 to vector<256x1xf32>
    %max3A_590 = arith.maximumf %sub3A_587, %max3A_589 : vector<256x1xf32>
    %sub3A_591 = arith.subf %add3A_586, %sub3A_578 : vector<256x1xf32>
    %max3A_592 = arith.constant 0.000000e+00 : f32
    %max3A_593 = vector.broadcast %max3A_592 : f32 to vector<256x1xf32>
    %max3A_594 = arith.maximumf %sub3A_591, %max3A_593 : vector<256x1xf32>
    %mul3A_595 = arith.mulf %max3A_590, %max3A_594 : vector<256x1xf32>
    %slice3A_596 = vector.extract_strided_slice %sub3A {offsets = [0, 1280], sizes = [1, 3840], strides = [1, 1]} : vector<1x5120xf32> to vector<1x3840xf32>
    %slice3A_597 = vector.extract_strided_slice %sub3A_19 {offsets = [0, 1280], sizes = [1, 3840], strides = [1, 1]} : vector<1x5120xf32> to vector<1x3840xf32>
    %slice3A_598 = vector.extract_strided_slice %add3A {offsets = [0, 1280], sizes = [1, 3840], strides = [1, 1]} : vector<1x5120xf32> to vector<1x3840xf32>
    %slice3A_599 = vector.extract_strided_slice %add3A_26 {offsets = [0, 1280], sizes = [1, 3840], strides = [1, 1]} : vector<1x5120xf32> to vector<1x3840xf32>
    %slice3A_600 = vector.extract_strided_slice %mul3A_34 {offsets = [0, 1280], sizes = [1, 3840], strides = [1, 1]} : vector<1x5120xf32> to vector<1x3840xf32>
    %max3A_601 = vector.broadcast %sub3A_574 : vector<256x1xf32> to vector<256x3840xf32>
    %max3A_602 = vector.broadcast %slice3A_596 : vector<1x3840xf32> to vector<256x3840xf32>
    %max3A_603 = arith.maximumf %max3A_601, %max3A_602 : vector<256x3840xf32>
    %max3A_604 = vector.broadcast %sub3A_578 : vector<256x1xf32> to vector<256x3840xf32>
    %max3A_605 = vector.broadcast %slice3A_597 : vector<1x3840xf32> to vector<256x3840xf32>
    %max3A_606 = arith.maximumf %max3A_604, %max3A_605 : vector<256x3840xf32>
    %min3A_607 = vector.broadcast %add3A_582 : vector<256x1xf32> to vector<256x3840xf32>
    %min3A_608 = vector.broadcast %slice3A_598 : vector<1x3840xf32> to vector<256x3840xf32>
    %min3A_609 = arith.minimumf %min3A_607, %min3A_608 : vector<256x3840xf32>
    %min3A_610 = vector.broadcast %add3A_586 : vector<256x1xf32> to vector<256x3840xf32>
    %min3A_611 = vector.broadcast %slice3A_599 : vector<1x3840xf32> to vector<256x3840xf32>
    %min3A_612 = arith.minimumf %min3A_610, %min3A_611 : vector<256x3840xf32>
    %sub3A_613 = arith.subf %min3A_609, %max3A_603 : vector<256x3840xf32>
    %max3A_614 = arith.constant 0.000000e+00 : f32
    %max3A_615 = vector.broadcast %max3A_614 : f32 to vector<256x3840xf32>
    %max3A_616 = arith.maximumf %sub3A_613, %max3A_615 : vector<256x3840xf32>
    %sub3A_617 = arith.subf %min3A_612, %max3A_606 : vector<256x3840xf32>
    %max3A_618 = arith.constant 0.000000e+00 : f32
    %max3A_619 = vector.broadcast %max3A_618 : f32 to vector<256x3840xf32>
    %max3A_620 = arith.maximumf %sub3A_617, %max3A_619 : vector<256x3840xf32>
    %mul3A_621 = arith.mulf %max3A_616, %max3A_620 : vector<256x3840xf32>
    %add3A_622 = vector.broadcast %mul3A_595 : vector<256x1xf32> to vector<256x3840xf32>
    %add3A_623 = vector.broadcast %slice3A_600 : vector<1x3840xf32> to vector<256x3840xf32>
    %add3A_624 = arith.addf %add3A_622, %add3A_623 : vector<256x3840xf32>
    %sub3A_625 = arith.subf %add3A_624, %mul3A_621 : vector<256x3840xf32>
    %add3A_626 = arith.constant 9.99999971E-10 : f32
    %add3A_627 = vector.broadcast %add3A_626 : f32 to vector<256x3840xf32>
    %add3A_628 = arith.addf %sub3A_625, %add3A_627 : vector<256x3840xf32>
    %div3A_629 = arith.divf %mul3A_621, %add3A_628 : vector<256x3840xf32>
    %gt3A_630 = arith.constant 3.000000e-01 : f32
    %gt3A_631 = vector.broadcast %gt3A_630 : f32 to vector<256x3840xf32>
    %gt3A_632 = arith.cmpf ogt, %div3A_629, %gt3A_631 : vector<256x3840xf32>
    %convert_element_type3A_633 = arith.extui %gt3A_632 : vector<256x3840xi1> to vector<256x3840xi32>
    %convert_element_type3A_634 = arith.sitofp %convert_element_type3A_633 : vector<256x3840xi32> to vector<256x3840xf32>
    %slice3A_635 = vector.extract_strided_slice %convert_element_type3A_634 {offsets = [0, 0], sizes = [256, 256], strides = [1, 1]} : vector<256x3840xf32> to vector<256x256xf32>
    %mul3A_636 = arith.mulf %slice3A_635, %convert_element_type3A_44 : vector<256x256xf32>
    %get3A_637 = arith.constant 0 : index
    %get3A_638 = arith.constant 1280 : index
    %get3A_639 = vector.load %arg2[%get3A_637, %get3A_638] : memref<1x5120xf32, #tpu.memory_space<vmem>>, vector<1x256xf32>
    %dot_general3A_640 = arith.constant dense<0.000000e+00> : vector<1x256xf32>
    %dot_general3A_641 = tpu.matmul %get3A_639, %mul3A_636, %dot_general3A_640 {dimension_numbers = #tpu.dot_dimension_numbers<[1], [0], [0], [1], [0, 0, 1, 1], [], []>, transpose_lhs_hint = false} : vector<1x256xf32>, vector<256x256xf32>, vector<1x256xf32> -> vector<1x256xf32>
    %lt3A_642 = arith.constant 5.000000e-01 : f32
    %lt3A_643 = vector.broadcast %lt3A_642 : f32 to vector<1x256xf32>
    %lt3A_644 = arith.cmpf olt, %dot_general3A_641, %lt3A_643 : vector<1x256xf32>
    %convert_element_type3A_645 = arith.extui %lt3A_644 : vector<1x256xi1> to vector<1x256xi32>
    %convert_element_type3A_646 = arith.sitofp %convert_element_type3A_645 : vector<1x256xi32> to vector<1x256xf32>
    %mul3A_647 = arith.mulf %get3A_639, %convert_element_type3A_646 : vector<1x256xf32>
    %while3A_648:2 = scf.while (%while3A_2135 = %get3A_639, %while3A_2136 = %mul3A_647) : (vector<1x256xf32>, vector<1x256xf32>) -> (vector<1x256xf32>, vector<1x256xf32>) {
      %sub3A_2137 = arith.subf %while3A_2135, %while3A_2136 : vector<1x256xf32>
      %abs3A = math.absf %sub3A_2137 : vector<1x256xf32>
      %reduce_sum3A = vector.shape_cast %abs3A : vector<1x256xf32> to vector<1x1x256xf32>
      %reduce_sum3A_2138 = arith.constant dense<0.000000e+00> : vector<1xf32>
      %reduce_sum3A_2139 = vector.multi_reduction <add>, %reduce_sum3A, %reduce_sum3A_2138 [1, 2] : vector<1x1x256xf32> to vector<1xf32>
      %reduce_sum3A_2140 = vector.shape_cast %reduce_sum3A_2139 : vector<1xf32> to vector<1x1x1xf32>
      %reduce_sum3A_2141 = vector.extract %reduce_sum3A_2140[0, 0, 0] : f32 from vector<1x1x1xf32>
      %gt3A_2142 = arith.constant 0.000000e+00 : f32
      %gt3A_2143 = arith.cmpf ogt, %reduce_sum3A_2141, %gt3A_2142 : f32
      scf.condition(%gt3A_2143) %while3A_2135, %while3A_2136 : vector<1x256xf32>, vector<1x256xf32>
    } do {
    ^bb0(%while3A_2135: vector<1x256xf32>, %while3A_2136: vector<1x256xf32>):
      %dot_general3A_2137 = arith.constant dense<0.000000e+00> : vector<1x256xf32>
      %dot_general3A_2138 = tpu.matmul %while3A_2136, %mul3A_636, %dot_general3A_2137 {dimension_numbers = #tpu.dot_dimension_numbers<[1], [0], [0], [1], [0, 0, 1, 1], [], []>, transpose_lhs_hint = false} : vector<1x256xf32>, vector<256x256xf32>, vector<1x256xf32> -> vector<1x256xf32>
      %lt3A_2139 = arith.constant 5.000000e-01 : f32
      %lt3A_2140 = vector.broadcast %lt3A_2139 : f32 to vector<1x256xf32>
      %lt3A_2141 = arith.cmpf olt, %dot_general3A_2138, %lt3A_2140 : vector<1x256xf32>
      %convert_element_type3A_2142 = arith.extui %lt3A_2141 : vector<1x256xi1> to vector<1x256xi32>
      %convert_element_type3A_2143 = arith.sitofp %convert_element_type3A_2142 : vector<1x256xi32> to vector<1x256xf32>
      %mul3A_2144 = arith.mulf %get3A_639, %convert_element_type3A_2143 : vector<1x256xf32>
      scf.yield %while3A_2136, %mul3A_2144 : vector<1x256xf32>, vector<1x256xf32>
    }
    %swap3A_649 = arith.constant 0 : index
    %swap3A_650 = arith.constant 1280 : index
    %swap3A_651 = vector.load %arg2[%swap3A_649, %swap3A_650] : memref<1x5120xf32, #tpu.memory_space<vmem>>, vector<1x256xf32>
    tpu.vector_store %arg2[%swap3A_649, %swap3A_650], %while3A_648#1 {strides = array<i32>} : memref<1x5120xf32, #tpu.memory_space<vmem>>, vector<1x256xf32>,
    %dot_general3A_652 = arith.constant dense<0.000000e+00> : vector<1x3840xf32>
    %dot_general3A_653 = tpu.matmul %while3A_648#1, %convert_element_type3A_634, %dot_general3A_652 {dimension_numbers = #tpu.dot_dimension_numbers<[1], [0], [0], [1], [0, 0, 1, 1], [], []>, transpose_lhs_hint = false} : vector<1x256xf32>, vector<256x3840xf32>, vector<1x3840xf32> -> vector<1x3840xf32>
    %slice3A_654 = vector.extract_strided_slice %dot_general3A_653 {offsets = [0, 256], sizes = [1, 3584], strides = [1, 1]} : vector<1x3840xf32> to vector<1x3584xf32>
    %get3A_655 = arith.constant 0 : index
    %get3A_656 = arith.constant 1536 : index
    %get3A_657 = vector.load %arg2[%get3A_655, %get3A_656] : memref<1x5120xf32, #tpu.memory_space<vmem>>, vector<1x3584xf32>
    %min3A_658 = arith.constant 1.000000e+00 : f32
    %min3A_659 = vector.broadcast %min3A_658 : f32 to vector<1x3584xf32>
    %min3A_660 = arith.minimumf %slice3A_654, %min3A_659 : vector<1x3584xf32>
    %sub3A_661 = arith.constant 1.000000e+00 : f32
    %sub3A_662 = vector.broadcast %sub3A_661 : f32 to vector<1x3584xf32>
    %sub3A_663 = arith.subf %sub3A_662, %min3A_660 : vector<1x3584xf32>
    %mul3A_664 = arith.mulf %get3A_657, %sub3A_663 : vector<1x3584xf32>
    %swap3A_665 = arith.constant 0 : index
    %swap3A_666 = arith.constant 1536 : index
    %swap3A_667 = vector.load %arg2[%swap3A_665, %swap3A_666] : memref<1x5120xf32, #tpu.memory_space<vmem>>, vector<1x3584xf32>
    tpu.vector_store %arg2[%swap3A_665, %swap3A_666], %mul3A_664 {strides = array<i32>} : memref<1x5120xf32, #tpu.memory_space<vmem>>, vector<1x3584xf32>,
    %get3A_668 = arith.constant 0 : index
    %get3A_669 = arith.constant 1536 : index
    %get3A_670 = vector.load %arg0[%get3A_668, %get3A_669] : memref<5x5120xf32, #tpu.memory_space<vmem>>, vector<4x256xf32>
    %transpose3A_671 = tpu.transpose %get3A_670, [1, 0] : vector<4x256xf32> -> vector<256x4xf32>
    %slice3A_672 = vector.extract_strided_slice %transpose3A_671 {offsets = [0, 0], sizes = [256, 1], strides = [1, 1]} : vector<256x4xf32> to vector<256x1xf32>
    %slice3A_673 = vector.extract_strided_slice %transpose3A_671 {offsets = [0, 1], sizes = [256, 1], strides = [1, 1]} : vector<256x4xf32> to vector<256x1xf32>
    %slice3A_674 = vector.extract_strided_slice %transpose3A_671 {offsets = [0, 2], sizes = [256, 1], strides = [1, 1]} : vector<256x4xf32> to vector<256x1xf32>
    %slice3A_675 = vector.extract_strided_slice %transpose3A_671 {offsets = [0, 3], sizes = [256, 1], strides = [1, 1]} : vector<256x4xf32> to vector<256x1xf32>
    %mul3A_676 = arith.constant 5.000000e-01 : f32
    %mul3A_677 = vector.broadcast %mul3A_676 : f32 to vector<256x1xf32>
    %mul3A_678 = arith.mulf %slice3A_674, %mul3A_677 : vector<256x1xf32>
    %sub3A_679 = arith.subf %slice3A_672, %mul3A_678 : vector<256x1xf32>
    %mul3A_680 = arith.constant 5.000000e-01 : f32
    %mul3A_681 = vector.broadcast %mul3A_680 : f32 to vector<256x1xf32>
    %mul3A_682 = arith.mulf %slice3A_675, %mul3A_681 : vector<256x1xf32>
    %sub3A_683 = arith.subf %slice3A_673, %mul3A_682 : vector<256x1xf32>
    %mul3A_684 = arith.constant 5.000000e-01 : f32
    %mul3A_685 = vector.broadcast %mul3A_684 : f32 to vector<256x1xf32>
    %mul3A_686 = arith.mulf %slice3A_674, %mul3A_685 : vector<256x1xf32>
    %add3A_687 = arith.addf %slice3A_672, %mul3A_686 : vector<256x1xf32>
    %mul3A_688 = arith.constant 5.000000e-01 : f32
    %mul3A_689 = vector.broadcast %mul3A_688 : f32 to vector<256x1xf32>
    %mul3A_690 = arith.mulf %slice3A_675, %mul3A_689 : vector<256x1xf32>
    %add3A_691 = arith.addf %slice3A_673, %mul3A_690 : vector<256x1xf32>
    %sub3A_692 = arith.subf %add3A_687, %sub3A_679 : vector<256x1xf32>
    %max3A_693 = arith.constant 0.000000e+00 : f32
    %max3A_694 = vector.broadcast %max3A_693 : f32 to vector<256x1xf32>
    %max3A_695 = arith.maximumf %sub3A_692, %max3A_694 : vector<256x1xf32>
    %sub3A_696 = arith.subf %add3A_691, %sub3A_683 : vector<256x1xf32>
    %max3A_697 = arith.constant 0.000000e+00 : f32
    %max3A_698 = vector.broadcast %max3A_697 : f32 to vector<256x1xf32>
    %max3A_699 = arith.maximumf %sub3A_696, %max3A_698 : vector<256x1xf32>
    %mul3A_700 = arith.mulf %max3A_695, %max3A_699 : vector<256x1xf32>
    %slice3A_701 = vector.extract_strided_slice %sub3A {offsets = [0, 1536], sizes = [1, 3584], strides = [1, 1]} : vector<1x5120xf32> to vector<1x3584xf32>
    %slice3A_702 = vector.extract_strided_slice %sub3A_19 {offsets = [0, 1536], sizes = [1, 3584], strides = [1, 1]} : vector<1x5120xf32> to vector<1x3584xf32>
    %slice3A_703 = vector.extract_strided_slice %add3A {offsets = [0, 1536], sizes = [1, 3584], strides = [1, 1]} : vector<1x5120xf32> to vector<1x3584xf32>
    %slice3A_704 = vector.extract_strided_slice %add3A_26 {offsets = [0, 1536], sizes = [1, 3584], strides = [1, 1]} : vector<1x5120xf32> to vector<1x3584xf32>
    %slice3A_705 = vector.extract_strided_slice %mul3A_34 {offsets = [0, 1536], sizes = [1, 3584], strides = [1, 1]} : vector<1x5120xf32> to vector<1x3584xf32>
    %max3A_706 = vector.broadcast %sub3A_679 : vector<256x1xf32> to vector<256x3584xf32>
    %max3A_707 = vector.broadcast %slice3A_701 : vector<1x3584xf32> to vector<256x3584xf32>
    %max3A_708 = arith.maximumf %max3A_706, %max3A_707 : vector<256x3584xf32>
    %max3A_709 = vector.broadcast %sub3A_683 : vector<256x1xf32> to vector<256x3584xf32>
    %max3A_710 = vector.broadcast %slice3A_702 : vector<1x3584xf32> to vector<256x3584xf32>
    %max3A_711 = arith.maximumf %max3A_709, %max3A_710 : vector<256x3584xf32>
    %min3A_712 = vector.broadcast %add3A_687 : vector<256x1xf32> to vector<256x3584xf32>
    %min3A_713 = vector.broadcast %slice3A_703 : vector<1x3584xf32> to vector<256x3584xf32>
    %min3A_714 = arith.minimumf %min3A_712, %min3A_713 : vector<256x3584xf32>
    %min3A_715 = vector.broadcast %add3A_691 : vector<256x1xf32> to vector<256x3584xf32>
    %min3A_716 = vector.broadcast %slice3A_704 : vector<1x3584xf32> to vector<256x3584xf32>
    %min3A_717 = arith.minimumf %min3A_715, %min3A_716 : vector<256x3584xf32>
    %sub3A_718 = arith.subf %min3A_714, %max3A_708 : vector<256x3584xf32>
    %max3A_719 = arith.constant 0.000000e+00 : f32
    %max3A_720 = vector.broadcast %max3A_719 : f32 to vector<256x3584xf32>
    %max3A_721 = arith.maximumf %sub3A_718, %max3A_720 : vector<256x3584xf32>
    %sub3A_722 = arith.subf %min3A_717, %max3A_711 : vector<256x3584xf32>
    %max3A_723 = arith.constant 0.000000e+00 : f32
    %max3A_724 = vector.broadcast %max3A_723 : f32 to vector<256x3584xf32>
    %max3A_725 = arith.maximumf %sub3A_722, %max3A_724 : vector<256x3584xf32>
    %mul3A_726 = arith.mulf %max3A_721, %max3A_725 : vector<256x3584xf32>
    %add3A_727 = vector.broadcast %mul3A_700 : vector<256x1xf32> to vector<256x3584xf32>
    %add3A_728 = vector.broadcast %slice3A_705 : vector<1x3584xf32> to vector<256x3584xf32>
    %add3A_729 = arith.addf %add3A_727, %add3A_728 : vector<256x3584xf32>
    %sub3A_730 = arith.subf %add3A_729, %mul3A_726 : vector<256x3584xf32>
    %add3A_731 = arith.constant 9.99999971E-10 : f32
    %add3A_732 = vector.broadcast %add3A_731 : f32 to vector<256x3584xf32>
    %add3A_733 = arith.addf %sub3A_730, %add3A_732 : vector<256x3584xf32>
    %div3A_734 = arith.divf %mul3A_726, %add3A_733 : vector<256x3584xf32>
    %gt3A_735 = arith.constant 3.000000e-01 : f32
    %gt3A_736 = vector.broadcast %gt3A_735 : f32 to vector<256x3584xf32>
    %gt3A_737 = arith.cmpf ogt, %div3A_734, %gt3A_736 : vector<256x3584xf32>
    %convert_element_type3A_738 = arith.extui %gt3A_737 : vector<256x3584xi1> to vector<256x3584xi32>
    %convert_element_type3A_739 = arith.sitofp %convert_element_type3A_738 : vector<256x3584xi32> to vector<256x3584xf32>
    %slice3A_740 = vector.extract_strided_slice %convert_element_type3A_739 {offsets = [0, 0], sizes = [256, 256], strides = [1, 1]} : vector<256x3584xf32> to vector<256x256xf32>
    %mul3A_741 = arith.mulf %slice3A_740, %convert_element_type3A_44 : vector<256x256xf32>
    %get3A_742 = arith.constant 0 : index
    %get3A_743 = arith.constant 1536 : index
    %get3A_744 = vector.load %arg2[%get3A_742, %get3A_743] : memref<1x5120xf32, #tpu.memory_space<vmem>>, vector<1x256xf32>
    %dot_general3A_745 = arith.constant dense<0.000000e+00> : vector<1x256xf32>
    %dot_general3A_746 = tpu.matmul %get3A_744, %mul3A_741, %dot_general3A_745 {dimension_numbers = #tpu.dot_dimension_numbers<[1], [0], [0], [1], [0, 0, 1, 1], [], []>, transpose_lhs_hint = false} : vector<1x256xf32>, vector<256x256xf32>, vector<1x256xf32> -> vector<1x256xf32>
    %lt3A_747 = arith.constant 5.000000e-01 : f32
    %lt3A_748 = vector.broadcast %lt3A_747 : f32 to vector<1x256xf32>
    %lt3A_749 = arith.cmpf olt, %dot_general3A_746, %lt3A_748 : vector<1x256xf32>
    %convert_element_type3A_750 = arith.extui %lt3A_749 : vector<1x256xi1> to vector<1x256xi32>
    %convert_element_type3A_751 = arith.sitofp %convert_element_type3A_750 : vector<1x256xi32> to vector<1x256xf32>
    %mul3A_752 = arith.mulf %get3A_744, %convert_element_type3A_751 : vector<1x256xf32>
    %while3A_753:2 = scf.while (%while3A_2135 = %get3A_744, %while3A_2136 = %mul3A_752) : (vector<1x256xf32>, vector<1x256xf32>) -> (vector<1x256xf32>, vector<1x256xf32>) {
      %sub3A_2137 = arith.subf %while3A_2135, %while3A_2136 : vector<1x256xf32>
      %abs3A = math.absf %sub3A_2137 : vector<1x256xf32>
      %reduce_sum3A = vector.shape_cast %abs3A : vector<1x256xf32> to vector<1x1x256xf32>
      %reduce_sum3A_2138 = arith.constant dense<0.000000e+00> : vector<1xf32>
      %reduce_sum3A_2139 = vector.multi_reduction <add>, %reduce_sum3A, %reduce_sum3A_2138 [1, 2] : vector<1x1x256xf32> to vector<1xf32>
      %reduce_sum3A_2140 = vector.shape_cast %reduce_sum3A_2139 : vector<1xf32> to vector<1x1x1xf32>
      %reduce_sum3A_2141 = vector.extract %reduce_sum3A_2140[0, 0, 0] : f32 from vector<1x1x1xf32>
      %gt3A_2142 = arith.constant 0.000000e+00 : f32
      %gt3A_2143 = arith.cmpf ogt, %reduce_sum3A_2141, %gt3A_2142 : f32
      scf.condition(%gt3A_2143) %while3A_2135, %while3A_2136 : vector<1x256xf32>, vector<1x256xf32>
    } do {
    ^bb0(%while3A_2135: vector<1x256xf32>, %while3A_2136: vector<1x256xf32>):
      %dot_general3A_2137 = arith.constant dense<0.000000e+00> : vector<1x256xf32>
      %dot_general3A_2138 = tpu.matmul %while3A_2136, %mul3A_741, %dot_general3A_2137 {dimension_numbers = #tpu.dot_dimension_numbers<[1], [0], [0], [1], [0, 0, 1, 1], [], []>, transpose_lhs_hint = false} : vector<1x256xf32>, vector<256x256xf32>, vector<1x256xf32> -> vector<1x256xf32>
      %lt3A_2139 = arith.constant 5.000000e-01 : f32
      %lt3A_2140 = vector.broadcast %lt3A_2139 : f32 to vector<1x256xf32>
      %lt3A_2141 = arith.cmpf olt, %dot_general3A_2138, %lt3A_2140 : vector<1x256xf32>
      %convert_element_type3A_2142 = arith.extui %lt3A_2141 : vector<1x256xi1> to vector<1x256xi32>
      %convert_element_type3A_2143 = arith.sitofp %convert_element_type3A_2142 : vector<1x256xi32> to vector<1x256xf32>
      %mul3A_2144 = arith.mulf %get3A_744, %convert_element_type3A_2143 : vector<1x256xf32>
      scf.yield %while3A_2136, %mul3A_2144 : vector<1x256xf32>, vector<1x256xf32>
    }
    %swap3A_754 = arith.constant 0 : index
    %swap3A_755 = arith.constant 1536 : index
    %swap3A_756 = vector.load %arg2[%swap3A_754, %swap3A_755] : memref<1x5120xf32, #tpu.memory_space<vmem>>, vector<1x256xf32>
    tpu.vector_store %arg2[%swap3A_754, %swap3A_755], %while3A_753#1 {strides = array<i32>} : memref<1x5120xf32, #tpu.memory_space<vmem>>, vector<1x256xf32>,
    %dot_general3A_757 = arith.constant dense<0.000000e+00> : vector<1x3584xf32>
    %dot_general3A_758 = tpu.matmul %while3A_753#1, %convert_element_type3A_739, %dot_general3A_757 {dimension_numbers = #tpu.dot_dimension_numbers<[1], [0], [0], [1], [0, 0, 1, 1], [], []>, transpose_lhs_hint = false} : vector<1x256xf32>, vector<256x3584xf32>, vector<1x3584xf32> -> vector<1x3584xf32>
    %slice3A_759 = vector.extract_strided_slice %dot_general3A_758 {offsets = [0, 256], sizes = [1, 3328], strides = [1, 1]} : vector<1x3584xf32> to vector<1x3328xf32>
    %get3A_760 = arith.constant 0 : index
    %get3A_761 = arith.constant 1792 : index
    %get3A_762 = vector.load %arg2[%get3A_760, %get3A_761] : memref<1x5120xf32, #tpu.memory_space<vmem>>, vector<1x3328xf32>
    %min3A_763 = arith.constant 1.000000e+00 : f32
    %min3A_764 = vector.broadcast %min3A_763 : f32 to vector<1x3328xf32>
    %min3A_765 = arith.minimumf %slice3A_759, %min3A_764 : vector<1x3328xf32>
    %sub3A_766 = arith.constant 1.000000e+00 : f32
    %sub3A_767 = vector.broadcast %sub3A_766 : f32 to vector<1x3328xf32>
    %sub3A_768 = arith.subf %sub3A_767, %min3A_765 : vector<1x3328xf32>
    %mul3A_769 = arith.mulf %get3A_762, %sub3A_768 : vector<1x3328xf32>
    %swap3A_770 = arith.constant 0 : index
    %swap3A_771 = arith.constant 1792 : index
    %swap3A_772 = vector.load %arg2[%swap3A_770, %swap3A_771] : memref<1x5120xf32, #tpu.memory_space<vmem>>, vector<1x3328xf32>
    tpu.vector_store %arg2[%swap3A_770, %swap3A_771], %mul3A_769 {strides = array<i32>} : memref<1x5120xf32, #tpu.memory_space<vmem>>, vector<1x3328xf32>,
    %get3A_773 = arith.constant 0 : index
    %get3A_774 = arith.constant 1792 : index
    %get3A_775 = vector.load %arg0[%get3A_773, %get3A_774] : memref<5x5120xf32, #tpu.memory_space<vmem>>, vector<4x256xf32>
    %transpose3A_776 = tpu.transpose %get3A_775, [1, 0] : vector<4x256xf32> -> vector<256x4xf32>
    %slice3A_777 = vector.extract_strided_slice %transpose3A_776 {offsets = [0, 0], sizes = [256, 1], strides = [1, 1]} : vector<256x4xf32> to vector<256x1xf32>
    %slice3A_778 = vector.extract_strided_slice %transpose3A_776 {offsets = [0, 1], sizes = [256, 1], strides = [1, 1]} : vector<256x4xf32> to vector<256x1xf32>
    %slice3A_779 = vector.extract_strided_slice %transpose3A_776 {offsets = [0, 2], sizes = [256, 1], strides = [1, 1]} : vector<256x4xf32> to vector<256x1xf32>
    %slice3A_780 = vector.extract_strided_slice %transpose3A_776 {offsets = [0, 3], sizes = [256, 1], strides = [1, 1]} : vector<256x4xf32> to vector<256x1xf32>
    %mul3A_781 = arith.constant 5.000000e-01 : f32
    %mul3A_782 = vector.broadcast %mul3A_781 : f32 to vector<256x1xf32>
    %mul3A_783 = arith.mulf %slice3A_779, %mul3A_782 : vector<256x1xf32>
    %sub3A_784 = arith.subf %slice3A_777, %mul3A_783 : vector<256x1xf32>
    %mul3A_785 = arith.constant 5.000000e-01 : f32
    %mul3A_786 = vector.broadcast %mul3A_785 : f32 to vector<256x1xf32>
    %mul3A_787 = arith.mulf %slice3A_780, %mul3A_786 : vector<256x1xf32>
    %sub3A_788 = arith.subf %slice3A_778, %mul3A_787 : vector<256x1xf32>
    %mul3A_789 = arith.constant 5.000000e-01 : f32
    %mul3A_790 = vector.broadcast %mul3A_789 : f32 to vector<256x1xf32>
    %mul3A_791 = arith.mulf %slice3A_779, %mul3A_790 : vector<256x1xf32>
    %add3A_792 = arith.addf %slice3A_777, %mul3A_791 : vector<256x1xf32>
    %mul3A_793 = arith.constant 5.000000e-01 : f32
    %mul3A_794 = vector.broadcast %mul3A_793 : f32 to vector<256x1xf32>
    %mul3A_795 = arith.mulf %slice3A_780, %mul3A_794 : vector<256x1xf32>
    %add3A_796 = arith.addf %slice3A_778, %mul3A_795 : vector<256x1xf32>
    %sub3A_797 = arith.subf %add3A_792, %sub3A_784 : vector<256x1xf32>
    %max3A_798 = arith.constant 0.000000e+00 : f32
    %max3A_799 = vector.broadcast %max3A_798 : f32 to vector<256x1xf32>
    %max3A_800 = arith.maximumf %sub3A_797, %max3A_799 : vector<256x1xf32>
    %sub3A_801 = arith.subf %add3A_796, %sub3A_788 : vector<256x1xf32>
    %max3A_802 = arith.constant 0.000000e+00 : f32
    %max3A_803 = vector.broadcast %max3A_802 : f32 to vector<256x1xf32>
    %max3A_804 = arith.maximumf %sub3A_801, %max3A_803 : vector<256x1xf32>
    %mul3A_805 = arith.mulf %max3A_800, %max3A_804 : vector<256x1xf32>
    %slice3A_806 = vector.extract_strided_slice %sub3A {offsets = [0, 1792], sizes = [1, 3328], strides = [1, 1]} : vector<1x5120xf32> to vector<1x3328xf32>
    %slice3A_807 = vector.extract_strided_slice %sub3A_19 {offsets = [0, 1792], sizes = [1, 3328], strides = [1, 1]} : vector<1x5120xf32> to vector<1x3328xf32>
    %slice3A_808 = vector.extract_strided_slice %add3A {offsets = [0, 1792], sizes = [1, 3328], strides = [1, 1]} : vector<1x5120xf32> to vector<1x3328xf32>
    %slice3A_809 = vector.extract_strided_slice %add3A_26 {offsets = [0, 1792], sizes = [1, 3328], strides = [1, 1]} : vector<1x5120xf32> to vector<1x3328xf32>
    %slice3A_810 = vector.extract_strided_slice %mul3A_34 {offsets = [0, 1792], sizes = [1, 3328], strides = [1, 1]} : vector<1x5120xf32> to vector<1x3328xf32>
    %max3A_811 = vector.broadcast %sub3A_784 : vector<256x1xf32> to vector<256x3328xf32>
    %max3A_812 = vector.broadcast %slice3A_806 : vector<1x3328xf32> to vector<256x3328xf32>
    %max3A_813 = arith.maximumf %max3A_811, %max3A_812 : vector<256x3328xf32>
    %max3A_814 = vector.broadcast %sub3A_788 : vector<256x1xf32> to vector<256x3328xf32>
    %max3A_815 = vector.broadcast %slice3A_807 : vector<1x3328xf32> to vector<256x3328xf32>
    %max3A_816 = arith.maximumf %max3A_814, %max3A_815 : vector<256x3328xf32>
    %min3A_817 = vector.broadcast %add3A_792 : vector<256x1xf32> to vector<256x3328xf32>
    %min3A_818 = vector.broadcast %slice3A_808 : vector<1x3328xf32> to vector<256x3328xf32>
    %min3A_819 = arith.minimumf %min3A_817, %min3A_818 : vector<256x3328xf32>
    %min3A_820 = vector.broadcast %add3A_796 : vector<256x1xf32> to vector<256x3328xf32>
    %min3A_821 = vector.broadcast %slice3A_809 : vector<1x3328xf32> to vector<256x3328xf32>
    %min3A_822 = arith.minimumf %min3A_820, %min3A_821 : vector<256x3328xf32>
    %sub3A_823 = arith.subf %min3A_819, %max3A_813 : vector<256x3328xf32>
    %max3A_824 = arith.constant 0.000000e+00 : f32
    %max3A_825 = vector.broadcast %max3A_824 : f32 to vector<256x3328xf32>
    %max3A_826 = arith.maximumf %sub3A_823, %max3A_825 : vector<256x3328xf32>
    %sub3A_827 = arith.subf %min3A_822, %max3A_816 : vector<256x3328xf32>
    %max3A_828 = arith.constant 0.000000e+00 : f32
    %max3A_829 = vector.broadcast %max3A_828 : f32 to vector<256x3328xf32>
    %max3A_830 = arith.maximumf %sub3A_827, %max3A_829 : vector<256x3328xf32>
    %mul3A_831 = arith.mulf %max3A_826, %max3A_830 : vector<256x3328xf32>
    %add3A_832 = vector.broadcast %mul3A_805 : vector<256x1xf32> to vector<256x3328xf32>
    %add3A_833 = vector.broadcast %slice3A_810 : vector<1x3328xf32> to vector<256x3328xf32>
    %add3A_834 = arith.addf %add3A_832, %add3A_833 : vector<256x3328xf32>
    %sub3A_835 = arith.subf %add3A_834, %mul3A_831 : vector<256x3328xf32>
    %add3A_836 = arith.constant 9.99999971E-10 : f32
    %add3A_837 = vector.broadcast %add3A_836 : f32 to vector<256x3328xf32>
    %add3A_838 = arith.addf %sub3A_835, %add3A_837 : vector<256x3328xf32>
    %div3A_839 = arith.divf %mul3A_831, %add3A_838 : vector<256x3328xf32>
    %gt3A_840 = arith.constant 3.000000e-01 : f32
    %gt3A_841 = vector.broadcast %gt3A_840 : f32 to vector<256x3328xf32>
    %gt3A_842 = arith.cmpf ogt, %div3A_839, %gt3A_841 : vector<256x3328xf32>
    %convert_element_type3A_843 = arith.extui %gt3A_842 : vector<256x3328xi1> to vector<256x3328xi32>
    %convert_element_type3A_844 = arith.sitofp %convert_element_type3A_843 : vector<256x3328xi32> to vector<256x3328xf32>
    %slice3A_845 = vector.extract_strided_slice %convert_element_type3A_844 {offsets = [0, 0], sizes = [256, 256], strides = [1, 1]} : vector<256x3328xf32> to vector<256x256xf32>
    %mul3A_846 = arith.mulf %slice3A_845, %convert_element_type3A_44 : vector<256x256xf32>
    %get3A_847 = arith.constant 0 : index
    %get3A_848 = arith.constant 1792 : index
    %get3A_849 = vector.load %arg2[%get3A_847, %get3A_848] : memref<1x5120xf32, #tpu.memory_space<vmem>>, vector<1x256xf32>
    %dot_general3A_850 = arith.constant dense<0.000000e+00> : vector<1x256xf32>
    %dot_general3A_851 = tpu.matmul %get3A_849, %mul3A_846, %dot_general3A_850 {dimension_numbers = #tpu.dot_dimension_numbers<[1], [0], [0], [1], [0, 0, 1, 1], [], []>, transpose_lhs_hint = false} : vector<1x256xf32>, vector<256x256xf32>, vector<1x256xf32> -> vector<1x256xf32>
    %lt3A_852 = arith.constant 5.000000e-01 : f32
    %lt3A_853 = vector.broadcast %lt3A_852 : f32 to vector<1x256xf32>
    %lt3A_854 = arith.cmpf olt, %dot_general3A_851, %lt3A_853 : vector<1x256xf32>
    %convert_element_type3A_855 = arith.extui %lt3A_854 : vector<1x256xi1> to vector<1x256xi32>
    %convert_element_type3A_856 = arith.sitofp %convert_element_type3A_855 : vector<1x256xi32> to vector<1x256xf32>
    %mul3A_857 = arith.mulf %get3A_849, %convert_element_type3A_856 : vector<1x256xf32>
    %while3A_858:2 = scf.while (%while3A_2135 = %get3A_849, %while3A_2136 = %mul3A_857) : (vector<1x256xf32>, vector<1x256xf32>) -> (vector<1x256xf32>, vector<1x256xf32>) {
      %sub3A_2137 = arith.subf %while3A_2135, %while3A_2136 : vector<1x256xf32>
      %abs3A = math.absf %sub3A_2137 : vector<1x256xf32>
      %reduce_sum3A = vector.shape_cast %abs3A : vector<1x256xf32> to vector<1x1x256xf32>
      %reduce_sum3A_2138 = arith.constant dense<0.000000e+00> : vector<1xf32>
      %reduce_sum3A_2139 = vector.multi_reduction <add>, %reduce_sum3A, %reduce_sum3A_2138 [1, 2] : vector<1x1x256xf32> to vector<1xf32>
      %reduce_sum3A_2140 = vector.shape_cast %reduce_sum3A_2139 : vector<1xf32> to vector<1x1x1xf32>
      %reduce_sum3A_2141 = vector.extract %reduce_sum3A_2140[0, 0, 0] : f32 from vector<1x1x1xf32>
      %gt3A_2142 = arith.constant 0.000000e+00 : f32
      %gt3A_2143 = arith.cmpf ogt, %reduce_sum3A_2141, %gt3A_2142 : f32
      scf.condition(%gt3A_2143) %while3A_2135, %while3A_2136 : vector<1x256xf32>, vector<1x256xf32>
    } do {
    ^bb0(%while3A_2135: vector<1x256xf32>, %while3A_2136: vector<1x256xf32>):
      %dot_general3A_2137 = arith.constant dense<0.000000e+00> : vector<1x256xf32>
      %dot_general3A_2138 = tpu.matmul %while3A_2136, %mul3A_846, %dot_general3A_2137 {dimension_numbers = #tpu.dot_dimension_numbers<[1], [0], [0], [1], [0, 0, 1, 1], [], []>, transpose_lhs_hint = false} : vector<1x256xf32>, vector<256x256xf32>, vector<1x256xf32> -> vector<1x256xf32>
      %lt3A_2139 = arith.constant 5.000000e-01 : f32
      %lt3A_2140 = vector.broadcast %lt3A_2139 : f32 to vector<1x256xf32>
      %lt3A_2141 = arith.cmpf olt, %dot_general3A_2138, %lt3A_2140 : vector<1x256xf32>
      %convert_element_type3A_2142 = arith.extui %lt3A_2141 : vector<1x256xi1> to vector<1x256xi32>
      %convert_element_type3A_2143 = arith.sitofp %convert_element_type3A_2142 : vector<1x256xi32> to vector<1x256xf32>
      %mul3A_2144 = arith.mulf %get3A_849, %convert_element_type3A_2143 : vector<1x256xf32>
      scf.yield %while3A_2136, %mul3A_2144 : vector<1x256xf32>, vector<1x256xf32>
    }
    %swap3A_859 = arith.constant 0 : index
    %swap3A_860 = arith.constant 1792 : index
    %swap3A_861 = vector.load %arg2[%swap3A_859, %swap3A_860] : memref<1x5120xf32, #tpu.memory_space<vmem>>, vector<1x256xf32>
    tpu.vector_store %arg2[%swap3A_859, %swap3A_860], %while3A_858#1 {strides = array<i32>} : memref<1x5120xf32, #tpu.memory_space<vmem>>, vector<1x256xf32>,
    %dot_general3A_862 = arith.constant dense<0.000000e+00> : vector<1x3328xf32>
    %dot_general3A_863 = tpu.matmul %while3A_858#1, %convert_element_type3A_844, %dot_general3A_862 {dimension_numbers = #tpu.dot_dimension_numbers<[1], [0], [0], [1], [0, 0, 1, 1], [], []>, transpose_lhs_hint = false} : vector<1x256xf32>, vector<256x3328xf32>, vector<1x3328xf32> -> vector<1x3328xf32>
    %slice3A_864 = vector.extract_strided_slice %dot_general3A_863 {offsets = [0, 256], sizes = [1, 3072], strides = [1, 1]} : vector<1x3328xf32> to vector<1x3072xf32>
    %get3A_865 = arith.constant 0 : index
    %get3A_866 = arith.constant 2048 : index
    %get3A_867 = vector.load %arg2[%get3A_865, %get3A_866] : memref<1x5120xf32, #tpu.memory_space<vmem>>, vector<1x3072xf32>
    %min3A_868 = arith.constant 1.000000e+00 : f32
    %min3A_869 = vector.broadcast %min3A_868 : f32 to vector<1x3072xf32>
    %min3A_870 = arith.minimumf %slice3A_864, %min3A_869 : vector<1x3072xf32>
    %sub3A_871 = arith.constant 1.000000e+00 : f32
    %sub3A_872 = vector.broadcast %sub3A_871 : f32 to vector<1x3072xf32>
    %sub3A_873 = arith.subf %sub3A_872, %min3A_870 : vector<1x3072xf32>
    %mul3A_874 = arith.mulf %get3A_867, %sub3A_873 : vector<1x3072xf32>
    %swap3A_875 = arith.constant 0 : index
    %swap3A_876 = arith.constant 2048 : index
    %swap3A_877 = vector.load %arg2[%swap3A_875, %swap3A_876] : memref<1x5120xf32, #tpu.memory_space<vmem>>, vector<1x3072xf32>
    tpu.vector_store %arg2[%swap3A_875, %swap3A_876], %mul3A_874 {strides = array<i32>} : memref<1x5120xf32, #tpu.memory_space<vmem>>, vector<1x3072xf32>,
    %get3A_878 = arith.constant 0 : index
    %get3A_879 = arith.constant 2048 : index
    %get3A_880 = vector.load %arg0[%get3A_878, %get3A_879] : memref<5x5120xf32, #tpu.memory_space<vmem>>, vector<4x256xf32>
    %transpose3A_881 = tpu.transpose %get3A_880, [1, 0] : vector<4x256xf32> -> vector<256x4xf32>
    %slice3A_882 = vector.extract_strided_slice %transpose3A_881 {offsets = [0, 0], sizes = [256, 1], strides = [1, 1]} : vector<256x4xf32> to vector<256x1xf32>
    %slice3A_883 = vector.extract_strided_slice %transpose3A_881 {offsets = [0, 1], sizes = [256, 1], strides = [1, 1]} : vector<256x4xf32> to vector<256x1xf32>
    %slice3A_884 = vector.extract_strided_slice %transpose3A_881 {offsets = [0, 2], sizes = [256, 1], strides = [1, 1]} : vector<256x4xf32> to vector<256x1xf32>
    %slice3A_885 = vector.extract_strided_slice %transpose3A_881 {offsets = [0, 3], sizes = [256, 1], strides = [1, 1]} : vector<256x4xf32> to vector<256x1xf32>
    %mul3A_886 = arith.constant 5.000000e-01 : f32
    %mul3A_887 = vector.broadcast %mul3A_886 : f32 to vector<256x1xf32>
    %mul3A_888 = arith.mulf %slice3A_884, %mul3A_887 : vector<256x1xf32>
    %sub3A_889 = arith.subf %slice3A_882, %mul3A_888 : vector<256x1xf32>
    %mul3A_890 = arith.constant 5.000000e-01 : f32
    %mul3A_891 = vector.broadcast %mul3A_890 : f32 to vector<256x1xf32>
    %mul3A_892 = arith.mulf %slice3A_885, %mul3A_891 : vector<256x1xf32>
    %sub3A_893 = arith.subf %slice3A_883, %mul3A_892 : vector<256x1xf32>
    %mul3A_894 = arith.constant 5.000000e-01 : f32
    %mul3A_895 = vector.broadcast %mul3A_894 : f32 to vector<256x1xf32>
    %mul3A_896 = arith.mulf %slice3A_884, %mul3A_895 : vector<256x1xf32>
    %add3A_897 = arith.addf %slice3A_882, %mul3A_896 : vector<256x1xf32>
    %mul3A_898 = arith.constant 5.000000e-01 : f32
    %mul3A_899 = vector.broadcast %mul3A_898 : f32 to vector<256x1xf32>
    %mul3A_900 = arith.mulf %slice3A_885, %mul3A_899 : vector<256x1xf32>
    %add3A_901 = arith.addf %slice3A_883, %mul3A_900 : vector<256x1xf32>
    %sub3A_902 = arith.subf %add3A_897, %sub3A_889 : vector<256x1xf32>
    %max3A_903 = arith.constant 0.000000e+00 : f32
    %max3A_904 = vector.broadcast %max3A_903 : f32 to vector<256x1xf32>
    %max3A_905 = arith.maximumf %sub3A_902, %max3A_904 : vector<256x1xf32>
    %sub3A_906 = arith.subf %add3A_901, %sub3A_893 : vector<256x1xf32>
    %max3A_907 = arith.constant 0.000000e+00 : f32
    %max3A_908 = vector.broadcast %max3A_907 : f32 to vector<256x1xf32>
    %max3A_909 = arith.maximumf %sub3A_906, %max3A_908 : vector<256x1xf32>
    %mul3A_910 = arith.mulf %max3A_905, %max3A_909 : vector<256x1xf32>
    %slice3A_911 = vector.extract_strided_slice %sub3A {offsets = [0, 2048], sizes = [1, 3072], strides = [1, 1]} : vector<1x5120xf32> to vector<1x3072xf32>
    %slice3A_912 = vector.extract_strided_slice %sub3A_19 {offsets = [0, 2048], sizes = [1, 3072], strides = [1, 1]} : vector<1x5120xf32> to vector<1x3072xf32>
    %slice3A_913 = vector.extract_strided_slice %add3A {offsets = [0, 2048], sizes = [1, 3072], strides = [1, 1]} : vector<1x5120xf32> to vector<1x3072xf32>
    %slice3A_914 = vector.extract_strided_slice %add3A_26 {offsets = [0, 2048], sizes = [1, 3072], strides = [1, 1]} : vector<1x5120xf32> to vector<1x3072xf32>
    %slice3A_915 = vector.extract_strided_slice %mul3A_34 {offsets = [0, 2048], sizes = [1, 3072], strides = [1, 1]} : vector<1x5120xf32> to vector<1x3072xf32>
    %max3A_916 = vector.broadcast %sub3A_889 : vector<256x1xf32> to vector<256x3072xf32>
    %max3A_917 = vector.broadcast %slice3A_911 : vector<1x3072xf32> to vector<256x3072xf32>
    %max3A_918 = arith.maximumf %max3A_916, %max3A_917 : vector<256x3072xf32>
    %max3A_919 = vector.broadcast %sub3A_893 : vector<256x1xf32> to vector<256x3072xf32>
    %max3A_920 = vector.broadcast %slice3A_912 : vector<1x3072xf32> to vector<256x3072xf32>
    %max3A_921 = arith.maximumf %max3A_919, %max3A_920 : vector<256x3072xf32>
    %min3A_922 = vector.broadcast %add3A_897 : vector<256x1xf32> to vector<256x3072xf32>
    %min3A_923 = vector.broadcast %slice3A_913 : vector<1x3072xf32> to vector<256x3072xf32>
    %min3A_924 = arith.minimumf %min3A_922, %min3A_923 : vector<256x3072xf32>
    %min3A_925 = vector.broadcast %add3A_901 : vector<256x1xf32> to vector<256x3072xf32>
    %min3A_926 = vector.broadcast %slice3A_914 : vector<1x3072xf32> to vector<256x3072xf32>
    %min3A_927 = arith.minimumf %min3A_925, %min3A_926 : vector<256x3072xf32>
    %sub3A_928 = arith.subf %min3A_924, %max3A_918 : vector<256x3072xf32>
    %max3A_929 = arith.constant 0.000000e+00 : f32
    %max3A_930 = vector.broadcast %max3A_929 : f32 to vector<256x3072xf32>
    %max3A_931 = arith.maximumf %sub3A_928, %max3A_930 : vector<256x3072xf32>
    %sub3A_932 = arith.subf %min3A_927, %max3A_921 : vector<256x3072xf32>
    %max3A_933 = arith.constant 0.000000e+00 : f32
    %max3A_934 = vector.broadcast %max3A_933 : f32 to vector<256x3072xf32>
    %max3A_935 = arith.maximumf %sub3A_932, %max3A_934 : vector<256x3072xf32>
    %mul3A_936 = arith.mulf %max3A_931, %max3A_935 : vector<256x3072xf32>
    %add3A_937 = vector.broadcast %mul3A_910 : vector<256x1xf32> to vector<256x3072xf32>
    %add3A_938 = vector.broadcast %slice3A_915 : vector<1x3072xf32> to vector<256x3072xf32>
    %add3A_939 = arith.addf %add3A_937, %add3A_938 : vector<256x3072xf32>
    %sub3A_940 = arith.subf %add3A_939, %mul3A_936 : vector<256x3072xf32>
    %add3A_941 = arith.constant 9.99999971E-10 : f32
    %add3A_942 = vector.broadcast %add3A_941 : f32 to vector<256x3072xf32>
    %add3A_943 = arith.addf %sub3A_940, %add3A_942 : vector<256x3072xf32>
    %div3A_944 = arith.divf %mul3A_936, %add3A_943 : vector<256x3072xf32>
    %gt3A_945 = arith.constant 3.000000e-01 : f32
    %gt3A_946 = vector.broadcast %gt3A_945 : f32 to vector<256x3072xf32>
    %gt3A_947 = arith.cmpf ogt, %div3A_944, %gt3A_946 : vector<256x3072xf32>
    %convert_element_type3A_948 = arith.extui %gt3A_947 : vector<256x3072xi1> to vector<256x3072xi32>
    %convert_element_type3A_949 = arith.sitofp %convert_element_type3A_948 : vector<256x3072xi32> to vector<256x3072xf32>
    %slice3A_950 = vector.extract_strided_slice %convert_element_type3A_949 {offsets = [0, 0], sizes = [256, 256], strides = [1, 1]} : vector<256x3072xf32> to vector<256x256xf32>
    %mul3A_951 = arith.mulf %slice3A_950, %convert_element_type3A_44 : vector<256x256xf32>
    %get3A_952 = arith.constant 0 : index
    %get3A_953 = arith.constant 2048 : index
    %get3A_954 = vector.load %arg2[%get3A_952, %get3A_953] : memref<1x5120xf32, #tpu.memory_space<vmem>>, vector<1x256xf32>
    %dot_general3A_955 = arith.constant dense<0.000000e+00> : vector<1x256xf32>
    %dot_general3A_956 = tpu.matmul %get3A_954, %mul3A_951, %dot_general3A_955 {dimension_numbers = #tpu.dot_dimension_numbers<[1], [0], [0], [1], [0, 0, 1, 1], [], []>, transpose_lhs_hint = false} : vector<1x256xf32>, vector<256x256xf32>, vector<1x256xf32> -> vector<1x256xf32>
    %lt3A_957 = arith.constant 5.000000e-01 : f32
    %lt3A_958 = vector.broadcast %lt3A_957 : f32 to vector<1x256xf32>
    %lt3A_959 = arith.cmpf olt, %dot_general3A_956, %lt3A_958 : vector<1x256xf32>
    %convert_element_type3A_960 = arith.extui %lt3A_959 : vector<1x256xi1> to vector<1x256xi32>
    %convert_element_type3A_961 = arith.sitofp %convert_element_type3A_960 : vector<1x256xi32> to vector<1x256xf32>
    %mul3A_962 = arith.mulf %get3A_954, %convert_element_type3A_961 : vector<1x256xf32>
    %while3A_963:2 = scf.while (%while3A_2135 = %get3A_954, %while3A_2136 = %mul3A_962) : (vector<1x256xf32>, vector<1x256xf32>) -> (vector<1x256xf32>, vector<1x256xf32>) {
      %sub3A_2137 = arith.subf %while3A_2135, %while3A_2136 : vector<1x256xf32>
      %abs3A = math.absf %sub3A_2137 : vector<1x256xf32>
      %reduce_sum3A = vector.shape_cast %abs3A : vector<1x256xf32> to vector<1x1x256xf32>
      %reduce_sum3A_2138 = arith.constant dense<0.000000e+00> : vector<1xf32>
      %reduce_sum3A_2139 = vector.multi_reduction <add>, %reduce_sum3A, %reduce_sum3A_2138 [1, 2] : vector<1x1x256xf32> to vector<1xf32>
      %reduce_sum3A_2140 = vector.shape_cast %reduce_sum3A_2139 : vector<1xf32> to vector<1x1x1xf32>
      %reduce_sum3A_2141 = vector.extract %reduce_sum3A_2140[0, 0, 0] : f32 from vector<1x1x1xf32>
      %gt3A_2142 = arith.constant 0.000000e+00 : f32
      %gt3A_2143 = arith.cmpf ogt, %reduce_sum3A_2141, %gt3A_2142 : f32
      scf.condition(%gt3A_2143) %while3A_2135, %while3A_2136 : vector<1x256xf32>, vector<1x256xf32>
    } do {
    ^bb0(%while3A_2135: vector<1x256xf32>, %while3A_2136: vector<1x256xf32>):
      %dot_general3A_2137 = arith.constant dense<0.000000e+00> : vector<1x256xf32>
      %dot_general3A_2138 = tpu.matmul %while3A_2136, %mul3A_951, %dot_general3A_2137 {dimension_numbers = #tpu.dot_dimension_numbers<[1], [0], [0], [1], [0, 0, 1, 1], [], []>, transpose_lhs_hint = false} : vector<1x256xf32>, vector<256x256xf32>, vector<1x256xf32> -> vector<1x256xf32>
      %lt3A_2139 = arith.constant 5.000000e-01 : f32
      %lt3A_2140 = vector.broadcast %lt3A_2139 : f32 to vector<1x256xf32>
      %lt3A_2141 = arith.cmpf olt, %dot_general3A_2138, %lt3A_2140 : vector<1x256xf32>
      %convert_element_type3A_2142 = arith.extui %lt3A_2141 : vector<1x256xi1> to vector<1x256xi32>
      %convert_element_type3A_2143 = arith.sitofp %convert_element_type3A_2142 : vector<1x256xi32> to vector<1x256xf32>
      %mul3A_2144 = arith.mulf %get3A_954, %convert_element_type3A_2143 : vector<1x256xf32>
      scf.yield %while3A_2136, %mul3A_2144 : vector<1x256xf32>, vector<1x256xf32>
    }
    %swap3A_964 = arith.constant 0 : index
    %swap3A_965 = arith.constant 2048 : index
    %swap3A_966 = vector.load %arg2[%swap3A_964, %swap3A_965] : memref<1x5120xf32, #tpu.memory_space<vmem>>, vector<1x256xf32>
    tpu.vector_store %arg2[%swap3A_964, %swap3A_965], %while3A_963#1 {strides = array<i32>} : memref<1x5120xf32, #tpu.memory_space<vmem>>, vector<1x256xf32>,
    %dot_general3A_967 = arith.constant dense<0.000000e+00> : vector<1x3072xf32>
    %dot_general3A_968 = tpu.matmul %while3A_963#1, %convert_element_type3A_949, %dot_general3A_967 {dimension_numbers = #tpu.dot_dimension_numbers<[1], [0], [0], [1], [0, 0, 1, 1], [], []>, transpose_lhs_hint = false} : vector<1x256xf32>, vector<256x3072xf32>, vector<1x3072xf32> -> vector<1x3072xf32>
    %slice3A_969 = vector.extract_strided_slice %dot_general3A_968 {offsets = [0, 256], sizes = [1, 2816], strides = [1, 1]} : vector<1x3072xf32> to vector<1x2816xf32>
    %get3A_970 = arith.constant 0 : index
    %get3A_971 = arith.constant 2304 : index
    %get3A_972 = vector.load %arg2[%get3A_970, %get3A_971] : memref<1x5120xf32, #tpu.memory_space<vmem>>, vector<1x2816xf32>
    %min3A_973 = arith.constant 1.000000e+00 : f32
    %min3A_974 = vector.broadcast %min3A_973 : f32 to vector<1x2816xf32>
    %min3A_975 = arith.minimumf %slice3A_969, %min3A_974 : vector<1x2816xf32>
    %sub3A_976 = arith.constant 1.000000e+00 : f32
    %sub3A_977 = vector.broadcast %sub3A_976 : f32 to vector<1x2816xf32>
    %sub3A_978 = arith.subf %sub3A_977, %min3A_975 : vector<1x2816xf32>
    %mul3A_979 = arith.mulf %get3A_972, %sub3A_978 : vector<1x2816xf32>
    %swap3A_980 = arith.constant 0 : index
    %swap3A_981 = arith.constant 2304 : index
    %swap3A_982 = vector.load %arg2[%swap3A_980, %swap3A_981] : memref<1x5120xf32, #tpu.memory_space<vmem>>, vector<1x2816xf32>
    tpu.vector_store %arg2[%swap3A_980, %swap3A_981], %mul3A_979 {strides = array<i32>} : memref<1x5120xf32, #tpu.memory_space<vmem>>, vector<1x2816xf32>,
    %get3A_983 = arith.constant 0 : index
    %get3A_984 = arith.constant 2304 : index
    %get3A_985 = vector.load %arg0[%get3A_983, %get3A_984] : memref<5x5120xf32, #tpu.memory_space<vmem>>, vector<4x256xf32>
    %transpose3A_986 = tpu.transpose %get3A_985, [1, 0] : vector<4x256xf32> -> vector<256x4xf32>
    %slice3A_987 = vector.extract_strided_slice %transpose3A_986 {offsets = [0, 0], sizes = [256, 1], strides = [1, 1]} : vector<256x4xf32> to vector<256x1xf32>
    %slice3A_988 = vector.extract_strided_slice %transpose3A_986 {offsets = [0, 1], sizes = [256, 1], strides = [1, 1]} : vector<256x4xf32> to vector<256x1xf32>
    %slice3A_989 = vector.extract_strided_slice %transpose3A_986 {offsets = [0, 2], sizes = [256, 1], strides = [1, 1]} : vector<256x4xf32> to vector<256x1xf32>
    %slice3A_990 = vector.extract_strided_slice %transpose3A_986 {offsets = [0, 3], sizes = [256, 1], strides = [1, 1]} : vector<256x4xf32> to vector<256x1xf32>
    %mul3A_991 = arith.constant 5.000000e-01 : f32
    %mul3A_992 = vector.broadcast %mul3A_991 : f32 to vector<256x1xf32>
    %mul3A_993 = arith.mulf %slice3A_989, %mul3A_992 : vector<256x1xf32>
    %sub3A_994 = arith.subf %slice3A_987, %mul3A_993 : vector<256x1xf32>
    %mul3A_995 = arith.constant 5.000000e-01 : f32
    %mul3A_996 = vector.broadcast %mul3A_995 : f32 to vector<256x1xf32>
    %mul3A_997 = arith.mulf %slice3A_990, %mul3A_996 : vector<256x1xf32>
    %sub3A_998 = arith.subf %slice3A_988, %mul3A_997 : vector<256x1xf32>
    %mul3A_999 = arith.constant 5.000000e-01 : f32
    %mul3A_1000 = vector.broadcast %mul3A_999 : f32 to vector<256x1xf32>
    %mul3A_1001 = arith.mulf %slice3A_989, %mul3A_1000 : vector<256x1xf32>
    %add3A_1002 = arith.addf %slice3A_987, %mul3A_1001 : vector<256x1xf32>
    %mul3A_1003 = arith.constant 5.000000e-01 : f32
    %mul3A_1004 = vector.broadcast %mul3A_1003 : f32 to vector<256x1xf32>
    %mul3A_1005 = arith.mulf %slice3A_990, %mul3A_1004 : vector<256x1xf32>
    %add3A_1006 = arith.addf %slice3A_988, %mul3A_1005 : vector<256x1xf32>
    %sub3A_1007 = arith.subf %add3A_1002, %sub3A_994 : vector<256x1xf32>
    %max3A_1008 = arith.constant 0.000000e+00 : f32
    %max3A_1009 = vector.broadcast %max3A_1008 : f32 to vector<256x1xf32>
    %max3A_1010 = arith.maximumf %sub3A_1007, %max3A_1009 : vector<256x1xf32>
    %sub3A_1011 = arith.subf %add3A_1006, %sub3A_998 : vector<256x1xf32>
    %max3A_1012 = arith.constant 0.000000e+00 : f32
    %max3A_1013 = vector.broadcast %max3A_1012 : f32 to vector<256x1xf32>
    %max3A_1014 = arith.maximumf %sub3A_1011, %max3A_1013 : vector<256x1xf32>
    %mul3A_1015 = arith.mulf %max3A_1010, %max3A_1014 : vector<256x1xf32>
    %slice3A_1016 = vector.extract_strided_slice %sub3A {offsets = [0, 2304], sizes = [1, 2816], strides = [1, 1]} : vector<1x5120xf32> to vector<1x2816xf32>
    %slice3A_1017 = vector.extract_strided_slice %sub3A_19 {offsets = [0, 2304], sizes = [1, 2816], strides = [1, 1]} : vector<1x5120xf32> to vector<1x2816xf32>
    %slice3A_1018 = vector.extract_strided_slice %add3A {offsets = [0, 2304], sizes = [1, 2816], strides = [1, 1]} : vector<1x5120xf32> to vector<1x2816xf32>
    %slice3A_1019 = vector.extract_strided_slice %add3A_26 {offsets = [0, 2304], sizes = [1, 2816], strides = [1, 1]} : vector<1x5120xf32> to vector<1x2816xf32>
    %slice3A_1020 = vector.extract_strided_slice %mul3A_34 {offsets = [0, 2304], sizes = [1, 2816], strides = [1, 1]} : vector<1x5120xf32> to vector<1x2816xf32>
    %max3A_1021 = vector.broadcast %sub3A_994 : vector<256x1xf32> to vector<256x2816xf32>
    %max3A_1022 = vector.broadcast %slice3A_1016 : vector<1x2816xf32> to vector<256x2816xf32>
    %max3A_1023 = arith.maximumf %max3A_1021, %max3A_1022 : vector<256x2816xf32>
    %max3A_1024 = vector.broadcast %sub3A_998 : vector<256x1xf32> to vector<256x2816xf32>
    %max3A_1025 = vector.broadcast %slice3A_1017 : vector<1x2816xf32> to vector<256x2816xf32>
    %max3A_1026 = arith.maximumf %max3A_1024, %max3A_1025 : vector<256x2816xf32>
    %min3A_1027 = vector.broadcast %add3A_1002 : vector<256x1xf32> to vector<256x2816xf32>
    %min3A_1028 = vector.broadcast %slice3A_1018 : vector<1x2816xf32> to vector<256x2816xf32>
    %min3A_1029 = arith.minimumf %min3A_1027, %min3A_1028 : vector<256x2816xf32>
    %min3A_1030 = vector.broadcast %add3A_1006 : vector<256x1xf32> to vector<256x2816xf32>
    %min3A_1031 = vector.broadcast %slice3A_1019 : vector<1x2816xf32> to vector<256x2816xf32>
    %min3A_1032 = arith.minimumf %min3A_1030, %min3A_1031 : vector<256x2816xf32>
    %sub3A_1033 = arith.subf %min3A_1029, %max3A_1023 : vector<256x2816xf32>
    %max3A_1034 = arith.constant 0.000000e+00 : f32
    %max3A_1035 = vector.broadcast %max3A_1034 : f32 to vector<256x2816xf32>
    %max3A_1036 = arith.maximumf %sub3A_1033, %max3A_1035 : vector<256x2816xf32>
    %sub3A_1037 = arith.subf %min3A_1032, %max3A_1026 : vector<256x2816xf32>
    %max3A_1038 = arith.constant 0.000000e+00 : f32
    %max3A_1039 = vector.broadcast %max3A_1038 : f32 to vector<256x2816xf32>
    %max3A_1040 = arith.maximumf %sub3A_1037, %max3A_1039 : vector<256x2816xf32>
    %mul3A_1041 = arith.mulf %max3A_1036, %max3A_1040 : vector<256x2816xf32>
    %add3A_1042 = vector.broadcast %mul3A_1015 : vector<256x1xf32> to vector<256x2816xf32>
    %add3A_1043 = vector.broadcast %slice3A_1020 : vector<1x2816xf32> to vector<256x2816xf32>
    %add3A_1044 = arith.addf %add3A_1042, %add3A_1043 : vector<256x2816xf32>
    %sub3A_1045 = arith.subf %add3A_1044, %mul3A_1041 : vector<256x2816xf32>
    %add3A_1046 = arith.constant 9.99999971E-10 : f32
    %add3A_1047 = vector.broadcast %add3A_1046 : f32 to vector<256x2816xf32>
    %add3A_1048 = arith.addf %sub3A_1045, %add3A_1047 : vector<256x2816xf32>
    %div3A_1049 = arith.divf %mul3A_1041, %add3A_1048 : vector<256x2816xf32>
    %gt3A_1050 = arith.constant 3.000000e-01 : f32
    %gt3A_1051 = vector.broadcast %gt3A_1050 : f32 to vector<256x2816xf32>
    %gt3A_1052 = arith.cmpf ogt, %div3A_1049, %gt3A_1051 : vector<256x2816xf32>
    %convert_element_type3A_1053 = arith.extui %gt3A_1052 : vector<256x2816xi1> to vector<256x2816xi32>
    %convert_element_type3A_1054 = arith.sitofp %convert_element_type3A_1053 : vector<256x2816xi32> to vector<256x2816xf32>
    %slice3A_1055 = vector.extract_strided_slice %convert_element_type3A_1054 {offsets = [0, 0], sizes = [256, 256], strides = [1, 1]} : vector<256x2816xf32> to vector<256x256xf32>
    %mul3A_1056 = arith.mulf %slice3A_1055, %convert_element_type3A_44 : vector<256x256xf32>
    %get3A_1057 = arith.constant 0 : index
    %get3A_1058 = arith.constant 2304 : index
    %get3A_1059 = vector.load %arg2[%get3A_1057, %get3A_1058] : memref<1x5120xf32, #tpu.memory_space<vmem>>, vector<1x256xf32>
    %dot_general3A_1060 = arith.constant dense<0.000000e+00> : vector<1x256xf32>
    %dot_general3A_1061 = tpu.matmul %get3A_1059, %mul3A_1056, %dot_general3A_1060 {dimension_numbers = #tpu.dot_dimension_numbers<[1], [0], [0], [1], [0, 0, 1, 1], [], []>, transpose_lhs_hint = false} : vector<1x256xf32>, vector<256x256xf32>, vector<1x256xf32> -> vector<1x256xf32>
    %lt3A_1062 = arith.constant 5.000000e-01 : f32
    %lt3A_1063 = vector.broadcast %lt3A_1062 : f32 to vector<1x256xf32>
    %lt3A_1064 = arith.cmpf olt, %dot_general3A_1061, %lt3A_1063 : vector<1x256xf32>
    %convert_element_type3A_1065 = arith.extui %lt3A_1064 : vector<1x256xi1> to vector<1x256xi32>
    %convert_element_type3A_1066 = arith.sitofp %convert_element_type3A_1065 : vector<1x256xi32> to vector<1x256xf32>
    %mul3A_1067 = arith.mulf %get3A_1059, %convert_element_type3A_1066 : vector<1x256xf32>
    %while3A_1068:2 = scf.while (%while3A_2135 = %get3A_1059, %while3A_2136 = %mul3A_1067) : (vector<1x256xf32>, vector<1x256xf32>) -> (vector<1x256xf32>, vector<1x256xf32>) {
      %sub3A_2137 = arith.subf %while3A_2135, %while3A_2136 : vector<1x256xf32>
      %abs3A = math.absf %sub3A_2137 : vector<1x256xf32>
      %reduce_sum3A = vector.shape_cast %abs3A : vector<1x256xf32> to vector<1x1x256xf32>
      %reduce_sum3A_2138 = arith.constant dense<0.000000e+00> : vector<1xf32>
      %reduce_sum3A_2139 = vector.multi_reduction <add>, %reduce_sum3A, %reduce_sum3A_2138 [1, 2] : vector<1x1x256xf32> to vector<1xf32>
      %reduce_sum3A_2140 = vector.shape_cast %reduce_sum3A_2139 : vector<1xf32> to vector<1x1x1xf32>
      %reduce_sum3A_2141 = vector.extract %reduce_sum3A_2140[0, 0, 0] : f32 from vector<1x1x1xf32>
      %gt3A_2142 = arith.constant 0.000000e+00 : f32
      %gt3A_2143 = arith.cmpf ogt, %reduce_sum3A_2141, %gt3A_2142 : f32
      scf.condition(%gt3A_2143) %while3A_2135, %while3A_2136 : vector<1x256xf32>, vector<1x256xf32>
    } do {
    ^bb0(%while3A_2135: vector<1x256xf32>, %while3A_2136: vector<1x256xf32>):
      %dot_general3A_2137 = arith.constant dense<0.000000e+00> : vector<1x256xf32>
      %dot_general3A_2138 = tpu.matmul %while3A_2136, %mul3A_1056, %dot_general3A_2137 {dimension_numbers = #tpu.dot_dimension_numbers<[1], [0], [0], [1], [0, 0, 1, 1], [], []>, transpose_lhs_hint = false} : vector<1x256xf32>, vector<256x256xf32>, vector<1x256xf32> -> vector<1x256xf32>
      %lt3A_2139 = arith.constant 5.000000e-01 : f32
      %lt3A_2140 = vector.broadcast %lt3A_2139 : f32 to vector<1x256xf32>
      %lt3A_2141 = arith.cmpf olt, %dot_general3A_2138, %lt3A_2140 : vector<1x256xf32>
      %convert_element_type3A_2142 = arith.extui %lt3A_2141 : vector<1x256xi1> to vector<1x256xi32>
      %convert_element_type3A_2143 = arith.sitofp %convert_element_type3A_2142 : vector<1x256xi32> to vector<1x256xf32>
      %mul3A_2144 = arith.mulf %get3A_1059, %convert_element_type3A_2143 : vector<1x256xf32>
      scf.yield %while3A_2136, %mul3A_2144 : vector<1x256xf32>, vector<1x256xf32>
    }
    %swap3A_1069 = arith.constant 0 : index
    %swap3A_1070 = arith.constant 2304 : index
    %swap3A_1071 = vector.load %arg2[%swap3A_1069, %swap3A_1070] : memref<1x5120xf32, #tpu.memory_space<vmem>>, vector<1x256xf32>
    tpu.vector_store %arg2[%swap3A_1069, %swap3A_1070], %while3A_1068#1 {strides = array<i32>} : memref<1x5120xf32, #tpu.memory_space<vmem>>, vector<1x256xf32>,
    %dot_general3A_1072 = arith.constant dense<0.000000e+00> : vector<1x2816xf32>
    %dot_general3A_1073 = tpu.matmul %while3A_1068#1, %convert_element_type3A_1054, %dot_general3A_1072 {dimension_numbers = #tpu.dot_dimension_numbers<[1], [0], [0], [1], [0, 0, 1, 1], [], []>, transpose_lhs_hint = false} : vector<1x256xf32>, vector<256x2816xf32>, vector<1x2816xf32> -> vector<1x2816xf32>
    %slice3A_1074 = vector.extract_strided_slice %dot_general3A_1073 {offsets = [0, 256], sizes = [1, 2560], strides = [1, 1]} : vector<1x2816xf32> to vector<1x2560xf32>
    %get3A_1075 = arith.constant 0 : index
    %get3A_1076 = arith.constant 2560 : index
    %get3A_1077 = vector.load %arg2[%get3A_1075, %get3A_1076] : memref<1x5120xf32, #tpu.memory_space<vmem>>, vector<1x2560xf32>
    %min3A_1078 = arith.constant 1.000000e+00 : f32
    %min3A_1079 = vector.broadcast %min3A_1078 : f32 to vector<1x2560xf32>
    %min3A_1080 = arith.minimumf %slice3A_1074, %min3A_1079 : vector<1x2560xf32>
    %sub3A_1081 = arith.constant 1.000000e+00 : f32
    %sub3A_1082 = vector.broadcast %sub3A_1081 : f32 to vector<1x2560xf32>
    %sub3A_1083 = arith.subf %sub3A_1082, %min3A_1080 : vector<1x2560xf32>
    %mul3A_1084 = arith.mulf %get3A_1077, %sub3A_1083 : vector<1x2560xf32>
    %swap3A_1085 = arith.constant 0 : index
    %swap3A_1086 = arith.constant 2560 : index
    %swap3A_1087 = vector.load %arg2[%swap3A_1085, %swap3A_1086] : memref<1x5120xf32, #tpu.memory_space<vmem>>, vector<1x2560xf32>
    tpu.vector_store %arg2[%swap3A_1085, %swap3A_1086], %mul3A_1084 {strides = array<i32>} : memref<1x5120xf32, #tpu.memory_space<vmem>>, vector<1x2560xf32>,
    %get3A_1088 = arith.constant 0 : index
    %get3A_1089 = arith.constant 2560 : index
    %get3A_1090 = vector.load %arg0[%get3A_1088, %get3A_1089] : memref<5x5120xf32, #tpu.memory_space<vmem>>, vector<4x256xf32>
    %transpose3A_1091 = tpu.transpose %get3A_1090, [1, 0] : vector<4x256xf32> -> vector<256x4xf32>
    %slice3A_1092 = vector.extract_strided_slice %transpose3A_1091 {offsets = [0, 0], sizes = [256, 1], strides = [1, 1]} : vector<256x4xf32> to vector<256x1xf32>
    %slice3A_1093 = vector.extract_strided_slice %transpose3A_1091 {offsets = [0, 1], sizes = [256, 1], strides = [1, 1]} : vector<256x4xf32> to vector<256x1xf32>
    %slice3A_1094 = vector.extract_strided_slice %transpose3A_1091 {offsets = [0, 2], sizes = [256, 1], strides = [1, 1]} : vector<256x4xf32> to vector<256x1xf32>
    %slice3A_1095 = vector.extract_strided_slice %transpose3A_1091 {offsets = [0, 3], sizes = [256, 1], strides = [1, 1]} : vector<256x4xf32> to vector<256x1xf32>
    %mul3A_1096 = arith.constant 5.000000e-01 : f32
    %mul3A_1097 = vector.broadcast %mul3A_1096 : f32 to vector<256x1xf32>
    %mul3A_1098 = arith.mulf %slice3A_1094, %mul3A_1097 : vector<256x1xf32>
    %sub3A_1099 = arith.subf %slice3A_1092, %mul3A_1098 : vector<256x1xf32>
    %mul3A_1100 = arith.constant 5.000000e-01 : f32
    %mul3A_1101 = vector.broadcast %mul3A_1100 : f32 to vector<256x1xf32>
    %mul3A_1102 = arith.mulf %slice3A_1095, %mul3A_1101 : vector<256x1xf32>
    %sub3A_1103 = arith.subf %slice3A_1093, %mul3A_1102 : vector<256x1xf32>
    %mul3A_1104 = arith.constant 5.000000e-01 : f32
    %mul3A_1105 = vector.broadcast %mul3A_1104 : f32 to vector<256x1xf32>
    %mul3A_1106 = arith.mulf %slice3A_1094, %mul3A_1105 : vector<256x1xf32>
    %add3A_1107 = arith.addf %slice3A_1092, %mul3A_1106 : vector<256x1xf32>
    %mul3A_1108 = arith.constant 5.000000e-01 : f32
    %mul3A_1109 = vector.broadcast %mul3A_1108 : f32 to vector<256x1xf32>
    %mul3A_1110 = arith.mulf %slice3A_1095, %mul3A_1109 : vector<256x1xf32>
    %add3A_1111 = arith.addf %slice3A_1093, %mul3A_1110 : vector<256x1xf32>
    %sub3A_1112 = arith.subf %add3A_1107, %sub3A_1099 : vector<256x1xf32>
    %max3A_1113 = arith.constant 0.000000e+00 : f32
    %max3A_1114 = vector.broadcast %max3A_1113 : f32 to vector<256x1xf32>
    %max3A_1115 = arith.maximumf %sub3A_1112, %max3A_1114 : vector<256x1xf32>
    %sub3A_1116 = arith.subf %add3A_1111, %sub3A_1103 : vector<256x1xf32>
    %max3A_1117 = arith.constant 0.000000e+00 : f32
    %max3A_1118 = vector.broadcast %max3A_1117 : f32 to vector<256x1xf32>
    %max3A_1119 = arith.maximumf %sub3A_1116, %max3A_1118 : vector<256x1xf32>
    %mul3A_1120 = arith.mulf %max3A_1115, %max3A_1119 : vector<256x1xf32>
    %slice3A_1121 = vector.extract_strided_slice %sub3A {offsets = [0, 2560], sizes = [1, 2560], strides = [1, 1]} : vector<1x5120xf32> to vector<1x2560xf32>
    %slice3A_1122 = vector.extract_strided_slice %sub3A_19 {offsets = [0, 2560], sizes = [1, 2560], strides = [1, 1]} : vector<1x5120xf32> to vector<1x2560xf32>
    %slice3A_1123 = vector.extract_strided_slice %add3A {offsets = [0, 2560], sizes = [1, 2560], strides = [1, 1]} : vector<1x5120xf32> to vector<1x2560xf32>
    %slice3A_1124 = vector.extract_strided_slice %add3A_26 {offsets = [0, 2560], sizes = [1, 2560], strides = [1, 1]} : vector<1x5120xf32> to vector<1x2560xf32>
    %slice3A_1125 = vector.extract_strided_slice %mul3A_34 {offsets = [0, 2560], sizes = [1, 2560], strides = [1, 1]} : vector<1x5120xf32> to vector<1x2560xf32>
    %max3A_1126 = vector.broadcast %sub3A_1099 : vector<256x1xf32> to vector<256x2560xf32>
    %max3A_1127 = vector.broadcast %slice3A_1121 : vector<1x2560xf32> to vector<256x2560xf32>
    %max3A_1128 = arith.maximumf %max3A_1126, %max3A_1127 : vector<256x2560xf32>
    %max3A_1129 = vector.broadcast %sub3A_1103 : vector<256x1xf32> to vector<256x2560xf32>
    %max3A_1130 = vector.broadcast %slice3A_1122 : vector<1x2560xf32> to vector<256x2560xf32>
    %max3A_1131 = arith.maximumf %max3A_1129, %max3A_1130 : vector<256x2560xf32>
    %min3A_1132 = vector.broadcast %add3A_1107 : vector<256x1xf32> to vector<256x2560xf32>
    %min3A_1133 = vector.broadcast %slice3A_1123 : vector<1x2560xf32> to vector<256x2560xf32>
    %min3A_1134 = arith.minimumf %min3A_1132, %min3A_1133 : vector<256x2560xf32>
    %min3A_1135 = vector.broadcast %add3A_1111 : vector<256x1xf32> to vector<256x2560xf32>
    %min3A_1136 = vector.broadcast %slice3A_1124 : vector<1x2560xf32> to vector<256x2560xf32>
    %min3A_1137 = arith.minimumf %min3A_1135, %min3A_1136 : vector<256x2560xf32>
    %sub3A_1138 = arith.subf %min3A_1134, %max3A_1128 : vector<256x2560xf32>
    %max3A_1139 = arith.constant 0.000000e+00 : f32
    %max3A_1140 = vector.broadcast %max3A_1139 : f32 to vector<256x2560xf32>
    %max3A_1141 = arith.maximumf %sub3A_1138, %max3A_1140 : vector<256x2560xf32>
    %sub3A_1142 = arith.subf %min3A_1137, %max3A_1131 : vector<256x2560xf32>
    %max3A_1143 = arith.constant 0.000000e+00 : f32
    %max3A_1144 = vector.broadcast %max3A_1143 : f32 to vector<256x2560xf32>
    %max3A_1145 = arith.maximumf %sub3A_1142, %max3A_1144 : vector<256x2560xf32>
    %mul3A_1146 = arith.mulf %max3A_1141, %max3A_1145 : vector<256x2560xf32>
    %add3A_1147 = vector.broadcast %mul3A_1120 : vector<256x1xf32> to vector<256x2560xf32>
    %add3A_1148 = vector.broadcast %slice3A_1125 : vector<1x2560xf32> to vector<256x2560xf32>
    %add3A_1149 = arith.addf %add3A_1147, %add3A_1148 : vector<256x2560xf32>
    %sub3A_1150 = arith.subf %add3A_1149, %mul3A_1146 : vector<256x2560xf32>
    %add3A_1151 = arith.constant 9.99999971E-10 : f32
    %add3A_1152 = vector.broadcast %add3A_1151 : f32 to vector<256x2560xf32>
    %add3A_1153 = arith.addf %sub3A_1150, %add3A_1152 : vector<256x2560xf32>
    %div3A_1154 = arith.divf %mul3A_1146, %add3A_1153 : vector<256x2560xf32>
    %gt3A_1155 = arith.constant 3.000000e-01 : f32
    %gt3A_1156 = vector.broadcast %gt3A_1155 : f32 to vector<256x2560xf32>
    %gt3A_1157 = arith.cmpf ogt, %div3A_1154, %gt3A_1156 : vector<256x2560xf32>
    %convert_element_type3A_1158 = arith.extui %gt3A_1157 : vector<256x2560xi1> to vector<256x2560xi32>
    %convert_element_type3A_1159 = arith.sitofp %convert_element_type3A_1158 : vector<256x2560xi32> to vector<256x2560xf32>
    %slice3A_1160 = vector.extract_strided_slice %convert_element_type3A_1159 {offsets = [0, 0], sizes = [256, 256], strides = [1, 1]} : vector<256x2560xf32> to vector<256x256xf32>
    %mul3A_1161 = arith.mulf %slice3A_1160, %convert_element_type3A_44 : vector<256x256xf32>
    %get3A_1162 = arith.constant 0 : index
    %get3A_1163 = arith.constant 2560 : index
    %get3A_1164 = vector.load %arg2[%get3A_1162, %get3A_1163] : memref<1x5120xf32, #tpu.memory_space<vmem>>, vector<1x256xf32>
    %dot_general3A_1165 = arith.constant dense<0.000000e+00> : vector<1x256xf32>
    %dot_general3A_1166 = tpu.matmul %get3A_1164, %mul3A_1161, %dot_general3A_1165 {dimension_numbers = #tpu.dot_dimension_numbers<[1], [0], [0], [1], [0, 0, 1, 1], [], []>, transpose_lhs_hint = false} : vector<1x256xf32>, vector<256x256xf32>, vector<1x256xf32> -> vector<1x256xf32>
    %lt3A_1167 = arith.constant 5.000000e-01 : f32
    %lt3A_1168 = vector.broadcast %lt3A_1167 : f32 to vector<1x256xf32>
    %lt3A_1169 = arith.cmpf olt, %dot_general3A_1166, %lt3A_1168 : vector<1x256xf32>
    %convert_element_type3A_1170 = arith.extui %lt3A_1169 : vector<1x256xi1> to vector<1x256xi32>
    %convert_element_type3A_1171 = arith.sitofp %convert_element_type3A_1170 : vector<1x256xi32> to vector<1x256xf32>
    %mul3A_1172 = arith.mulf %get3A_1164, %convert_element_type3A_1171 : vector<1x256xf32>
    %while3A_1173:2 = scf.while (%while3A_2135 = %get3A_1164, %while3A_2136 = %mul3A_1172) : (vector<1x256xf32>, vector<1x256xf32>) -> (vector<1x256xf32>, vector<1x256xf32>) {
      %sub3A_2137 = arith.subf %while3A_2135, %while3A_2136 : vector<1x256xf32>
      %abs3A = math.absf %sub3A_2137 : vector<1x256xf32>
      %reduce_sum3A = vector.shape_cast %abs3A : vector<1x256xf32> to vector<1x1x256xf32>
      %reduce_sum3A_2138 = arith.constant dense<0.000000e+00> : vector<1xf32>
      %reduce_sum3A_2139 = vector.multi_reduction <add>, %reduce_sum3A, %reduce_sum3A_2138 [1, 2] : vector<1x1x256xf32> to vector<1xf32>
      %reduce_sum3A_2140 = vector.shape_cast %reduce_sum3A_2139 : vector<1xf32> to vector<1x1x1xf32>
      %reduce_sum3A_2141 = vector.extract %reduce_sum3A_2140[0, 0, 0] : f32 from vector<1x1x1xf32>
      %gt3A_2142 = arith.constant 0.000000e+00 : f32
      %gt3A_2143 = arith.cmpf ogt, %reduce_sum3A_2141, %gt3A_2142 : f32
      scf.condition(%gt3A_2143) %while3A_2135, %while3A_2136 : vector<1x256xf32>, vector<1x256xf32>
    } do {
    ^bb0(%while3A_2135: vector<1x256xf32>, %while3A_2136: vector<1x256xf32>):
      %dot_general3A_2137 = arith.constant dense<0.000000e+00> : vector<1x256xf32>
      %dot_general3A_2138 = tpu.matmul %while3A_2136, %mul3A_1161, %dot_general3A_2137 {dimension_numbers = #tpu.dot_dimension_numbers<[1], [0], [0], [1], [0, 0, 1, 1], [], []>, transpose_lhs_hint = false} : vector<1x256xf32>, vector<256x256xf32>, vector<1x256xf32> -> vector<1x256xf32>
      %lt3A_2139 = arith.constant 5.000000e-01 : f32
      %lt3A_2140 = vector.broadcast %lt3A_2139 : f32 to vector<1x256xf32>
      %lt3A_2141 = arith.cmpf olt, %dot_general3A_2138, %lt3A_2140 : vector<1x256xf32>
      %convert_element_type3A_2142 = arith.extui %lt3A_2141 : vector<1x256xi1> to vector<1x256xi32>
      %convert_element_type3A_2143 = arith.sitofp %convert_element_type3A_2142 : vector<1x256xi32> to vector<1x256xf32>
      %mul3A_2144 = arith.mulf %get3A_1164, %convert_element_type3A_2143 : vector<1x256xf32>
      scf.yield %while3A_2136, %mul3A_2144 : vector<1x256xf32>, vector<1x256xf32>
    }
    %swap3A_1174 = arith.constant 0 : index
    %swap3A_1175 = arith.constant 2560 : index
    %swap3A_1176 = vector.load %arg2[%swap3A_1174, %swap3A_1175] : memref<1x5120xf32, #tpu.memory_space<vmem>>, vector<1x256xf32>
    tpu.vector_store %arg2[%swap3A_1174, %swap3A_1175], %while3A_1173#1 {strides = array<i32>} : memref<1x5120xf32, #tpu.memory_space<vmem>>, vector<1x256xf32>,
    %dot_general3A_1177 = arith.constant dense<0.000000e+00> : vector<1x2560xf32>
    %dot_general3A_1178 = tpu.matmul %while3A_1173#1, %convert_element_type3A_1159, %dot_general3A_1177 {dimension_numbers = #tpu.dot_dimension_numbers<[1], [0], [0], [1], [0, 0, 1, 1], [], []>, transpose_lhs_hint = false} : vector<1x256xf32>, vector<256x2560xf32>, vector<1x2560xf32> -> vector<1x2560xf32>
    %slice3A_1179 = vector.extract_strided_slice %dot_general3A_1178 {offsets = [0, 256], sizes = [1, 2304], strides = [1, 1]} : vector<1x2560xf32> to vector<1x2304xf32>
    %get3A_1180 = arith.constant 0 : index
    %get3A_1181 = arith.constant 2816 : index
    %get3A_1182 = vector.load %arg2[%get3A_1180, %get3A_1181] : memref<1x5120xf32, #tpu.memory_space<vmem>>, vector<1x2304xf32>
    %min3A_1183 = arith.constant 1.000000e+00 : f32
    %min3A_1184 = vector.broadcast %min3A_1183 : f32 to vector<1x2304xf32>
    %min3A_1185 = arith.minimumf %slice3A_1179, %min3A_1184 : vector<1x2304xf32>
    %sub3A_1186 = arith.constant 1.000000e+00 : f32
    %sub3A_1187 = vector.broadcast %sub3A_1186 : f32 to vector<1x2304xf32>
    %sub3A_1188 = arith.subf %sub3A_1187, %min3A_1185 : vector<1x2304xf32>
    %mul3A_1189 = arith.mulf %get3A_1182, %sub3A_1188 : vector<1x2304xf32>
    %swap3A_1190 = arith.constant 0 : index
    %swap3A_1191 = arith.constant 2816 : index
    %swap3A_1192 = vector.load %arg2[%swap3A_1190, %swap3A_1191] : memref<1x5120xf32, #tpu.memory_space<vmem>>, vector<1x2304xf32>
    tpu.vector_store %arg2[%swap3A_1190, %swap3A_1191], %mul3A_1189 {strides = array<i32>} : memref<1x5120xf32, #tpu.memory_space<vmem>>, vector<1x2304xf32>,
    %get3A_1193 = arith.constant 0 : index
    %get3A_1194 = arith.constant 2816 : index
    %get3A_1195 = vector.load %arg0[%get3A_1193, %get3A_1194] : memref<5x5120xf32, #tpu.memory_space<vmem>>, vector<4x256xf32>
    %transpose3A_1196 = tpu.transpose %get3A_1195, [1, 0] : vector<4x256xf32> -> vector<256x4xf32>
    %slice3A_1197 = vector.extract_strided_slice %transpose3A_1196 {offsets = [0, 0], sizes = [256, 1], strides = [1, 1]} : vector<256x4xf32> to vector<256x1xf32>
    %slice3A_1198 = vector.extract_strided_slice %transpose3A_1196 {offsets = [0, 1], sizes = [256, 1], strides = [1, 1]} : vector<256x4xf32> to vector<256x1xf32>
    %slice3A_1199 = vector.extract_strided_slice %transpose3A_1196 {offsets = [0, 2], sizes = [256, 1], strides = [1, 1]} : vector<256x4xf32> to vector<256x1xf32>
    %slice3A_1200 = vector.extract_strided_slice %transpose3A_1196 {offsets = [0, 3], sizes = [256, 1], strides = [1, 1]} : vector<256x4xf32> to vector<256x1xf32>
    %mul3A_1201 = arith.constant 5.000000e-01 : f32
    %mul3A_1202 = vector.broadcast %mul3A_1201 : f32 to vector<256x1xf32>
    %mul3A_1203 = arith.mulf %slice3A_1199, %mul3A_1202 : vector<256x1xf32>
    %sub3A_1204 = arith.subf %slice3A_1197, %mul3A_1203 : vector<256x1xf32>
    %mul3A_1205 = arith.constant 5.000000e-01 : f32
    %mul3A_1206 = vector.broadcast %mul3A_1205 : f32 to vector<256x1xf32>
    %mul3A_1207 = arith.mulf %slice3A_1200, %mul3A_1206 : vector<256x1xf32>
    %sub3A_1208 = arith.subf %slice3A_1198, %mul3A_1207 : vector<256x1xf32>
    %mul3A_1209 = arith.constant 5.000000e-01 : f32
    %mul3A_1210 = vector.broadcast %mul3A_1209 : f32 to vector<256x1xf32>
    %mul3A_1211 = arith.mulf %slice3A_1199, %mul3A_1210 : vector<256x1xf32>
    %add3A_1212 = arith.addf %slice3A_1197, %mul3A_1211 : vector<256x1xf32>
    %mul3A_1213 = arith.constant 5.000000e-01 : f32
    %mul3A_1214 = vector.broadcast %mul3A_1213 : f32 to vector<256x1xf32>
    %mul3A_1215 = arith.mulf %slice3A_1200, %mul3A_1214 : vector<256x1xf32>
    %add3A_1216 = arith.addf %slice3A_1198, %mul3A_1215 : vector<256x1xf32>
    %sub3A_1217 = arith.subf %add3A_1212, %sub3A_1204 : vector<256x1xf32>
    %max3A_1218 = arith.constant 0.000000e+00 : f32
    %max3A_1219 = vector.broadcast %max3A_1218 : f32 to vector<256x1xf32>
    %max3A_1220 = arith.maximumf %sub3A_1217, %max3A_1219 : vector<256x1xf32>
    %sub3A_1221 = arith.subf %add3A_1216, %sub3A_1208 : vector<256x1xf32>
    %max3A_1222 = arith.constant 0.000000e+00 : f32
    %max3A_1223 = vector.broadcast %max3A_1222 : f32 to vector<256x1xf32>
    %max3A_1224 = arith.maximumf %sub3A_1221, %max3A_1223 : vector<256x1xf32>
    %mul3A_1225 = arith.mulf %max3A_1220, %max3A_1224 : vector<256x1xf32>
    %slice3A_1226 = vector.extract_strided_slice %sub3A {offsets = [0, 2816], sizes = [1, 2304], strides = [1, 1]} : vector<1x5120xf32> to vector<1x2304xf32>
    %slice3A_1227 = vector.extract_strided_slice %sub3A_19 {offsets = [0, 2816], sizes = [1, 2304], strides = [1, 1]} : vector<1x5120xf32> to vector<1x2304xf32>
    %slice3A_1228 = vector.extract_strided_slice %add3A {offsets = [0, 2816], sizes = [1, 2304], strides = [1, 1]} : vector<1x5120xf32> to vector<1x2304xf32>
    %slice3A_1229 = vector.extract_strided_slice %add3A_26 {offsets = [0, 2816], sizes = [1, 2304], strides = [1, 1]} : vector<1x5120xf32> to vector<1x2304xf32>
    %slice3A_1230 = vector.extract_strided_slice %mul3A_34 {offsets = [0, 2816], sizes = [1, 2304], strides = [1, 1]} : vector<1x5120xf32> to vector<1x2304xf32>
    %max3A_1231 = vector.broadcast %sub3A_1204 : vector<256x1xf32> to vector<256x2304xf32>
    %max3A_1232 = vector.broadcast %slice3A_1226 : vector<1x2304xf32> to vector<256x2304xf32>
    %max3A_1233 = arith.maximumf %max3A_1231, %max3A_1232 : vector<256x2304xf32>
    %max3A_1234 = vector.broadcast %sub3A_1208 : vector<256x1xf32> to vector<256x2304xf32>
    %max3A_1235 = vector.broadcast %slice3A_1227 : vector<1x2304xf32> to vector<256x2304xf32>
    %max3A_1236 = arith.maximumf %max3A_1234, %max3A_1235 : vector<256x2304xf32>
    %min3A_1237 = vector.broadcast %add3A_1212 : vector<256x1xf32> to vector<256x2304xf32>
    %min3A_1238 = vector.broadcast %slice3A_1228 : vector<1x2304xf32> to vector<256x2304xf32>
    %min3A_1239 = arith.minimumf %min3A_1237, %min3A_1238 : vector<256x2304xf32>
    %min3A_1240 = vector.broadcast %add3A_1216 : vector<256x1xf32> to vector<256x2304xf32>
    %min3A_1241 = vector.broadcast %slice3A_1229 : vector<1x2304xf32> to vector<256x2304xf32>
    %min3A_1242 = arith.minimumf %min3A_1240, %min3A_1241 : vector<256x2304xf32>
    %sub3A_1243 = arith.subf %min3A_1239, %max3A_1233 : vector<256x2304xf32>
    %max3A_1244 = arith.constant 0.000000e+00 : f32
    %max3A_1245 = vector.broadcast %max3A_1244 : f32 to vector<256x2304xf32>
    %max3A_1246 = arith.maximumf %sub3A_1243, %max3A_1245 : vector<256x2304xf32>
    %sub3A_1247 = arith.subf %min3A_1242, %max3A_1236 : vector<256x2304xf32>
    %max3A_1248 = arith.constant 0.000000e+00 : f32
    %max3A_1249 = vector.broadcast %max3A_1248 : f32 to vector<256x2304xf32>
    %max3A_1250 = arith.maximumf %sub3A_1247, %max3A_1249 : vector<256x2304xf32>
    %mul3A_1251 = arith.mulf %max3A_1246, %max3A_1250 : vector<256x2304xf32>
    %add3A_1252 = vector.broadcast %mul3A_1225 : vector<256x1xf32> to vector<256x2304xf32>
    %add3A_1253 = vector.broadcast %slice3A_1230 : vector<1x2304xf32> to vector<256x2304xf32>
    %add3A_1254 = arith.addf %add3A_1252, %add3A_1253 : vector<256x2304xf32>
    %sub3A_1255 = arith.subf %add3A_1254, %mul3A_1251 : vector<256x2304xf32>
    %add3A_1256 = arith.constant 9.99999971E-10 : f32
    %add3A_1257 = vector.broadcast %add3A_1256 : f32 to vector<256x2304xf32>
    %add3A_1258 = arith.addf %sub3A_1255, %add3A_1257 : vector<256x2304xf32>
    %div3A_1259 = arith.divf %mul3A_1251, %add3A_1258 : vector<256x2304xf32>
    %gt3A_1260 = arith.constant 3.000000e-01 : f32
    %gt3A_1261 = vector.broadcast %gt3A_1260 : f32 to vector<256x2304xf32>
    %gt3A_1262 = arith.cmpf ogt, %div3A_1259, %gt3A_1261 : vector<256x2304xf32>
    %convert_element_type3A_1263 = arith.extui %gt3A_1262 : vector<256x2304xi1> to vector<256x2304xi32>
    %convert_element_type3A_1264 = arith.sitofp %convert_element_type3A_1263 : vector<256x2304xi32> to vector<256x2304xf32>
    %slice3A_1265 = vector.extract_strided_slice %convert_element_type3A_1264 {offsets = [0, 0], sizes = [256, 256], strides = [1, 1]} : vector<256x2304xf32> to vector<256x256xf32>
    %mul3A_1266 = arith.mulf %slice3A_1265, %convert_element_type3A_44 : vector<256x256xf32>
    %get3A_1267 = arith.constant 0 : index
    %get3A_1268 = arith.constant 2816 : index
    %get3A_1269 = vector.load %arg2[%get3A_1267, %get3A_1268] : memref<1x5120xf32, #tpu.memory_space<vmem>>, vector<1x256xf32>
    %dot_general3A_1270 = arith.constant dense<0.000000e+00> : vector<1x256xf32>
    %dot_general3A_1271 = tpu.matmul %get3A_1269, %mul3A_1266, %dot_general3A_1270 {dimension_numbers = #tpu.dot_dimension_numbers<[1], [0], [0], [1], [0, 0, 1, 1], [], []>, transpose_lhs_hint = false} : vector<1x256xf32>, vector<256x256xf32>, vector<1x256xf32> -> vector<1x256xf32>
    %lt3A_1272 = arith.constant 5.000000e-01 : f32
    %lt3A_1273 = vector.broadcast %lt3A_1272 : f32 to vector<1x256xf32>
    %lt3A_1274 = arith.cmpf olt, %dot_general3A_1271, %lt3A_1273 : vector<1x256xf32>
    %convert_element_type3A_1275 = arith.extui %lt3A_1274 : vector<1x256xi1> to vector<1x256xi32>
    %convert_element_type3A_1276 = arith.sitofp %convert_element_type3A_1275 : vector<1x256xi32> to vector<1x256xf32>
    %mul3A_1277 = arith.mulf %get3A_1269, %convert_element_type3A_1276 : vector<1x256xf32>
    %while3A_1278:2 = scf.while (%while3A_2135 = %get3A_1269, %while3A_2136 = %mul3A_1277) : (vector<1x256xf32>, vector<1x256xf32>) -> (vector<1x256xf32>, vector<1x256xf32>) {
      %sub3A_2137 = arith.subf %while3A_2135, %while3A_2136 : vector<1x256xf32>
      %abs3A = math.absf %sub3A_2137 : vector<1x256xf32>
      %reduce_sum3A = vector.shape_cast %abs3A : vector<1x256xf32> to vector<1x1x256xf32>
      %reduce_sum3A_2138 = arith.constant dense<0.000000e+00> : vector<1xf32>
      %reduce_sum3A_2139 = vector.multi_reduction <add>, %reduce_sum3A, %reduce_sum3A_2138 [1, 2] : vector<1x1x256xf32> to vector<1xf32>
      %reduce_sum3A_2140 = vector.shape_cast %reduce_sum3A_2139 : vector<1xf32> to vector<1x1x1xf32>
      %reduce_sum3A_2141 = vector.extract %reduce_sum3A_2140[0, 0, 0] : f32 from vector<1x1x1xf32>
      %gt3A_2142 = arith.constant 0.000000e+00 : f32
      %gt3A_2143 = arith.cmpf ogt, %reduce_sum3A_2141, %gt3A_2142 : f32
      scf.condition(%gt3A_2143) %while3A_2135, %while3A_2136 : vector<1x256xf32>, vector<1x256xf32>
    } do {
    ^bb0(%while3A_2135: vector<1x256xf32>, %while3A_2136: vector<1x256xf32>):
      %dot_general3A_2137 = arith.constant dense<0.000000e+00> : vector<1x256xf32>
      %dot_general3A_2138 = tpu.matmul %while3A_2136, %mul3A_1266, %dot_general3A_2137 {dimension_numbers = #tpu.dot_dimension_numbers<[1], [0], [0], [1], [0, 0, 1, 1], [], []>, transpose_lhs_hint = false} : vector<1x256xf32>, vector<256x256xf32>, vector<1x256xf32> -> vector<1x256xf32>
      %lt3A_2139 = arith.constant 5.000000e-01 : f32
      %lt3A_2140 = vector.broadcast %lt3A_2139 : f32 to vector<1x256xf32>
      %lt3A_2141 = arith.cmpf olt, %dot_general3A_2138, %lt3A_2140 : vector<1x256xf32>
      %convert_element_type3A_2142 = arith.extui %lt3A_2141 : vector<1x256xi1> to vector<1x256xi32>
      %convert_element_type3A_2143 = arith.sitofp %convert_element_type3A_2142 : vector<1x256xi32> to vector<1x256xf32>
      %mul3A_2144 = arith.mulf %get3A_1269, %convert_element_type3A_2143 : vector<1x256xf32>
      scf.yield %while3A_2136, %mul3A_2144 : vector<1x256xf32>, vector<1x256xf32>
    }
    %swap3A_1279 = arith.constant 0 : index
    %swap3A_1280 = arith.constant 2816 : index
    %swap3A_1281 = vector.load %arg2[%swap3A_1279, %swap3A_1280] : memref<1x5120xf32, #tpu.memory_space<vmem>>, vector<1x256xf32>
    tpu.vector_store %arg2[%swap3A_1279, %swap3A_1280], %while3A_1278#1 {strides = array<i32>} : memref<1x5120xf32, #tpu.memory_space<vmem>>, vector<1x256xf32>,
    %dot_general3A_1282 = arith.constant dense<0.000000e+00> : vector<1x2304xf32>
    %dot_general3A_1283 = tpu.matmul %while3A_1278#1, %convert_element_type3A_1264, %dot_general3A_1282 {dimension_numbers = #tpu.dot_dimension_numbers<[1], [0], [0], [1], [0, 0, 1, 1], [], []>, transpose_lhs_hint = false} : vector<1x256xf32>, vector<256x2304xf32>, vector<1x2304xf32> -> vector<1x2304xf32>
    %slice3A_1284 = vector.extract_strided_slice %dot_general3A_1283 {offsets = [0, 256], sizes = [1, 2048], strides = [1, 1]} : vector<1x2304xf32> to vector<1x2048xf32>
    %get3A_1285 = arith.constant 0 : index
    %get3A_1286 = arith.constant 3072 : index
    %get3A_1287 = vector.load %arg2[%get3A_1285, %get3A_1286] : memref<1x5120xf32, #tpu.memory_space<vmem>>, vector<1x2048xf32>
    %min3A_1288 = arith.constant 1.000000e+00 : f32
    %min3A_1289 = vector.broadcast %min3A_1288 : f32 to vector<1x2048xf32>
    %min3A_1290 = arith.minimumf %slice3A_1284, %min3A_1289 : vector<1x2048xf32>
    %sub3A_1291 = arith.constant 1.000000e+00 : f32
    %sub3A_1292 = vector.broadcast %sub3A_1291 : f32 to vector<1x2048xf32>
    %sub3A_1293 = arith.subf %sub3A_1292, %min3A_1290 : vector<1x2048xf32>
    %mul3A_1294 = arith.mulf %get3A_1287, %sub3A_1293 : vector<1x2048xf32>
    %swap3A_1295 = arith.constant 0 : index
    %swap3A_1296 = arith.constant 3072 : index
    %swap3A_1297 = vector.load %arg2[%swap3A_1295, %swap3A_1296] : memref<1x5120xf32, #tpu.memory_space<vmem>>, vector<1x2048xf32>
    tpu.vector_store %arg2[%swap3A_1295, %swap3A_1296], %mul3A_1294 {strides = array<i32>} : memref<1x5120xf32, #tpu.memory_space<vmem>>, vector<1x2048xf32>,
    %get3A_1298 = arith.constant 0 : index
    %get3A_1299 = arith.constant 3072 : index
    %get3A_1300 = vector.load %arg0[%get3A_1298, %get3A_1299] : memref<5x5120xf32, #tpu.memory_space<vmem>>, vector<4x256xf32>
    %transpose3A_1301 = tpu.transpose %get3A_1300, [1, 0] : vector<4x256xf32> -> vector<256x4xf32>
    %slice3A_1302 = vector.extract_strided_slice %transpose3A_1301 {offsets = [0, 0], sizes = [256, 1], strides = [1, 1]} : vector<256x4xf32> to vector<256x1xf32>
    %slice3A_1303 = vector.extract_strided_slice %transpose3A_1301 {offsets = [0, 1], sizes = [256, 1], strides = [1, 1]} : vector<256x4xf32> to vector<256x1xf32>
    %slice3A_1304 = vector.extract_strided_slice %transpose3A_1301 {offsets = [0, 2], sizes = [256, 1], strides = [1, 1]} : vector<256x4xf32> to vector<256x1xf32>
    %slice3A_1305 = vector.extract_strided_slice %transpose3A_1301 {offsets = [0, 3], sizes = [256, 1], strides = [1, 1]} : vector<256x4xf32> to vector<256x1xf32>
    %mul3A_1306 = arith.constant 5.000000e-01 : f32
    %mul3A_1307 = vector.broadcast %mul3A_1306 : f32 to vector<256x1xf32>
    %mul3A_1308 = arith.mulf %slice3A_1304, %mul3A_1307 : vector<256x1xf32>
    %sub3A_1309 = arith.subf %slice3A_1302, %mul3A_1308 : vector<256x1xf32>
    %mul3A_1310 = arith.constant 5.000000e-01 : f32
    %mul3A_1311 = vector.broadcast %mul3A_1310 : f32 to vector<256x1xf32>
    %mul3A_1312 = arith.mulf %slice3A_1305, %mul3A_1311 : vector<256x1xf32>
    %sub3A_1313 = arith.subf %slice3A_1303, %mul3A_1312 : vector<256x1xf32>
    %mul3A_1314 = arith.constant 5.000000e-01 : f32
    %mul3A_1315 = vector.broadcast %mul3A_1314 : f32 to vector<256x1xf32>
    %mul3A_1316 = arith.mulf %slice3A_1304, %mul3A_1315 : vector<256x1xf32>
    %add3A_1317 = arith.addf %slice3A_1302, %mul3A_1316 : vector<256x1xf32>
    %mul3A_1318 = arith.constant 5.000000e-01 : f32
    %mul3A_1319 = vector.broadcast %mul3A_1318 : f32 to vector<256x1xf32>
    %mul3A_1320 = arith.mulf %slice3A_1305, %mul3A_1319 : vector<256x1xf32>
    %add3A_1321 = arith.addf %slice3A_1303, %mul3A_1320 : vector<256x1xf32>
    %sub3A_1322 = arith.subf %add3A_1317, %sub3A_1309 : vector<256x1xf32>
    %max3A_1323 = arith.constant 0.000000e+00 : f32
    %max3A_1324 = vector.broadcast %max3A_1323 : f32 to vector<256x1xf32>
    %max3A_1325 = arith.maximumf %sub3A_1322, %max3A_1324 : vector<256x1xf32>
    %sub3A_1326 = arith.subf %add3A_1321, %sub3A_1313 : vector<256x1xf32>
    %max3A_1327 = arith.constant 0.000000e+00 : f32
    %max3A_1328 = vector.broadcast %max3A_1327 : f32 to vector<256x1xf32>
    %max3A_1329 = arith.maximumf %sub3A_1326, %max3A_1328 : vector<256x1xf32>
    %mul3A_1330 = arith.mulf %max3A_1325, %max3A_1329 : vector<256x1xf32>
    %slice3A_1331 = vector.extract_strided_slice %sub3A {offsets = [0, 3072], sizes = [1, 2048], strides = [1, 1]} : vector<1x5120xf32> to vector<1x2048xf32>
    %slice3A_1332 = vector.extract_strided_slice %sub3A_19 {offsets = [0, 3072], sizes = [1, 2048], strides = [1, 1]} : vector<1x5120xf32> to vector<1x2048xf32>
    %slice3A_1333 = vector.extract_strided_slice %add3A {offsets = [0, 3072], sizes = [1, 2048], strides = [1, 1]} : vector<1x5120xf32> to vector<1x2048xf32>
    %slice3A_1334 = vector.extract_strided_slice %add3A_26 {offsets = [0, 3072], sizes = [1, 2048], strides = [1, 1]} : vector<1x5120xf32> to vector<1x2048xf32>
    %slice3A_1335 = vector.extract_strided_slice %mul3A_34 {offsets = [0, 3072], sizes = [1, 2048], strides = [1, 1]} : vector<1x5120xf32> to vector<1x2048xf32>
    %max3A_1336 = vector.broadcast %sub3A_1309 : vector<256x1xf32> to vector<256x2048xf32>
    %max3A_1337 = vector.broadcast %slice3A_1331 : vector<1x2048xf32> to vector<256x2048xf32>
    %max3A_1338 = arith.maximumf %max3A_1336, %max3A_1337 : vector<256x2048xf32>
    %max3A_1339 = vector.broadcast %sub3A_1313 : vector<256x1xf32> to vector<256x2048xf32>
    %max3A_1340 = vector.broadcast %slice3A_1332 : vector<1x2048xf32> to vector<256x2048xf32>
    %max3A_1341 = arith.maximumf %max3A_1339, %max3A_1340 : vector<256x2048xf32>
    %min3A_1342 = vector.broadcast %add3A_1317 : vector<256x1xf32> to vector<256x2048xf32>
    %min3A_1343 = vector.broadcast %slice3A_1333 : vector<1x2048xf32> to vector<256x2048xf32>
    %min3A_1344 = arith.minimumf %min3A_1342, %min3A_1343 : vector<256x2048xf32>
    %min3A_1345 = vector.broadcast %add3A_1321 : vector<256x1xf32> to vector<256x2048xf32>
    %min3A_1346 = vector.broadcast %slice3A_1334 : vector<1x2048xf32> to vector<256x2048xf32>
    %min3A_1347 = arith.minimumf %min3A_1345, %min3A_1346 : vector<256x2048xf32>
    %sub3A_1348 = arith.subf %min3A_1344, %max3A_1338 : vector<256x2048xf32>
    %max3A_1349 = arith.constant 0.000000e+00 : f32
    %max3A_1350 = vector.broadcast %max3A_1349 : f32 to vector<256x2048xf32>
    %max3A_1351 = arith.maximumf %sub3A_1348, %max3A_1350 : vector<256x2048xf32>
    %sub3A_1352 = arith.subf %min3A_1347, %max3A_1341 : vector<256x2048xf32>
    %max3A_1353 = arith.constant 0.000000e+00 : f32
    %max3A_1354 = vector.broadcast %max3A_1353 : f32 to vector<256x2048xf32>
    %max3A_1355 = arith.maximumf %sub3A_1352, %max3A_1354 : vector<256x2048xf32>
    %mul3A_1356 = arith.mulf %max3A_1351, %max3A_1355 : vector<256x2048xf32>
    %add3A_1357 = vector.broadcast %mul3A_1330 : vector<256x1xf32> to vector<256x2048xf32>
    %add3A_1358 = vector.broadcast %slice3A_1335 : vector<1x2048xf32> to vector<256x2048xf32>
    %add3A_1359 = arith.addf %add3A_1357, %add3A_1358 : vector<256x2048xf32>
    %sub3A_1360 = arith.subf %add3A_1359, %mul3A_1356 : vector<256x2048xf32>
    %add3A_1361 = arith.constant 9.99999971E-10 : f32
    %add3A_1362 = vector.broadcast %add3A_1361 : f32 to vector<256x2048xf32>
    %add3A_1363 = arith.addf %sub3A_1360, %add3A_1362 : vector<256x2048xf32>
    %div3A_1364 = arith.divf %mul3A_1356, %add3A_1363 : vector<256x2048xf32>
    %gt3A_1365 = arith.constant 3.000000e-01 : f32
    %gt3A_1366 = vector.broadcast %gt3A_1365 : f32 to vector<256x2048xf32>
    %gt3A_1367 = arith.cmpf ogt, %div3A_1364, %gt3A_1366 : vector<256x2048xf32>
    %convert_element_type3A_1368 = arith.extui %gt3A_1367 : vector<256x2048xi1> to vector<256x2048xi32>
    %convert_element_type3A_1369 = arith.sitofp %convert_element_type3A_1368 : vector<256x2048xi32> to vector<256x2048xf32>
    %slice3A_1370 = vector.extract_strided_slice %convert_element_type3A_1369 {offsets = [0, 0], sizes = [256, 256], strides = [1, 1]} : vector<256x2048xf32> to vector<256x256xf32>
    %mul3A_1371 = arith.mulf %slice3A_1370, %convert_element_type3A_44 : vector<256x256xf32>
    %get3A_1372 = arith.constant 0 : index
    %get3A_1373 = arith.constant 3072 : index
    %get3A_1374 = vector.load %arg2[%get3A_1372, %get3A_1373] : memref<1x5120xf32, #tpu.memory_space<vmem>>, vector<1x256xf32>
    %dot_general3A_1375 = arith.constant dense<0.000000e+00> : vector<1x256xf32>
    %dot_general3A_1376 = tpu.matmul %get3A_1374, %mul3A_1371, %dot_general3A_1375 {dimension_numbers = #tpu.dot_dimension_numbers<[1], [0], [0], [1], [0, 0, 1, 1], [], []>, transpose_lhs_hint = false} : vector<1x256xf32>, vector<256x256xf32>, vector<1x256xf32> -> vector<1x256xf32>
    %lt3A_1377 = arith.constant 5.000000e-01 : f32
    %lt3A_1378 = vector.broadcast %lt3A_1377 : f32 to vector<1x256xf32>
    %lt3A_1379 = arith.cmpf olt, %dot_general3A_1376, %lt3A_1378 : vector<1x256xf32>
    %convert_element_type3A_1380 = arith.extui %lt3A_1379 : vector<1x256xi1> to vector<1x256xi32>
    %convert_element_type3A_1381 = arith.sitofp %convert_element_type3A_1380 : vector<1x256xi32> to vector<1x256xf32>
    %mul3A_1382 = arith.mulf %get3A_1374, %convert_element_type3A_1381 : vector<1x256xf32>
    %while3A_1383:2 = scf.while (%while3A_2135 = %get3A_1374, %while3A_2136 = %mul3A_1382) : (vector<1x256xf32>, vector<1x256xf32>) -> (vector<1x256xf32>, vector<1x256xf32>) {
      %sub3A_2137 = arith.subf %while3A_2135, %while3A_2136 : vector<1x256xf32>
      %abs3A = math.absf %sub3A_2137 : vector<1x256xf32>
      %reduce_sum3A = vector.shape_cast %abs3A : vector<1x256xf32> to vector<1x1x256xf32>
      %reduce_sum3A_2138 = arith.constant dense<0.000000e+00> : vector<1xf32>
      %reduce_sum3A_2139 = vector.multi_reduction <add>, %reduce_sum3A, %reduce_sum3A_2138 [1, 2] : vector<1x1x256xf32> to vector<1xf32>
      %reduce_sum3A_2140 = vector.shape_cast %reduce_sum3A_2139 : vector<1xf32> to vector<1x1x1xf32>
      %reduce_sum3A_2141 = vector.extract %reduce_sum3A_2140[0, 0, 0] : f32 from vector<1x1x1xf32>
      %gt3A_2142 = arith.constant 0.000000e+00 : f32
      %gt3A_2143 = arith.cmpf ogt, %reduce_sum3A_2141, %gt3A_2142 : f32
      scf.condition(%gt3A_2143) %while3A_2135, %while3A_2136 : vector<1x256xf32>, vector<1x256xf32>
    } do {
    ^bb0(%while3A_2135: vector<1x256xf32>, %while3A_2136: vector<1x256xf32>):
      %dot_general3A_2137 = arith.constant dense<0.000000e+00> : vector<1x256xf32>
      %dot_general3A_2138 = tpu.matmul %while3A_2136, %mul3A_1371, %dot_general3A_2137 {dimension_numbers = #tpu.dot_dimension_numbers<[1], [0], [0], [1], [0, 0, 1, 1], [], []>, transpose_lhs_hint = false} : vector<1x256xf32>, vector<256x256xf32>, vector<1x256xf32> -> vector<1x256xf32>
      %lt3A_2139 = arith.constant 5.000000e-01 : f32
      %lt3A_2140 = vector.broadcast %lt3A_2139 : f32 to vector<1x256xf32>
      %lt3A_2141 = arith.cmpf olt, %dot_general3A_2138, %lt3A_2140 : vector<1x256xf32>
      %convert_element_type3A_2142 = arith.extui %lt3A_2141 : vector<1x256xi1> to vector<1x256xi32>
      %convert_element_type3A_2143 = arith.sitofp %convert_element_type3A_2142 : vector<1x256xi32> to vector<1x256xf32>
      %mul3A_2144 = arith.mulf %get3A_1374, %convert_element_type3A_2143 : vector<1x256xf32>
      scf.yield %while3A_2136, %mul3A_2144 : vector<1x256xf32>, vector<1x256xf32>
    }
    %swap3A_1384 = arith.constant 0 : index
    %swap3A_1385 = arith.constant 3072 : index
    %swap3A_1386 = vector.load %arg2[%swap3A_1384, %swap3A_1385] : memref<1x5120xf32, #tpu.memory_space<vmem>>, vector<1x256xf32>
    tpu.vector_store %arg2[%swap3A_1384, %swap3A_1385], %while3A_1383#1 {strides = array<i32>} : memref<1x5120xf32, #tpu.memory_space<vmem>>, vector<1x256xf32>,
    %dot_general3A_1387 = arith.constant dense<0.000000e+00> : vector<1x2048xf32>
    %dot_general3A_1388 = tpu.matmul %while3A_1383#1, %convert_element_type3A_1369, %dot_general3A_1387 {dimension_numbers = #tpu.dot_dimension_numbers<[1], [0], [0], [1], [0, 0, 1, 1], [], []>, transpose_lhs_hint = false} : vector<1x256xf32>, vector<256x2048xf32>, vector<1x2048xf32> -> vector<1x2048xf32>
    %slice3A_1389 = vector.extract_strided_slice %dot_general3A_1388 {offsets = [0, 256], sizes = [1, 1792], strides = [1, 1]} : vector<1x2048xf32> to vector<1x1792xf32>
    %get3A_1390 = arith.constant 0 : index
    %get3A_1391 = arith.constant 3328 : index
    %get3A_1392 = vector.load %arg2[%get3A_1390, %get3A_1391] : memref<1x5120xf32, #tpu.memory_space<vmem>>, vector<1x1792xf32>
    %min3A_1393 = arith.constant 1.000000e+00 : f32
    %min3A_1394 = vector.broadcast %min3A_1393 : f32 to vector<1x1792xf32>
    %min3A_1395 = arith.minimumf %slice3A_1389, %min3A_1394 : vector<1x1792xf32>
    %sub3A_1396 = arith.constant 1.000000e+00 : f32
    %sub3A_1397 = vector.broadcast %sub3A_1396 : f32 to vector<1x1792xf32>
    %sub3A_1398 = arith.subf %sub3A_1397, %min3A_1395 : vector<1x1792xf32>
    %mul3A_1399 = arith.mulf %get3A_1392, %sub3A_1398 : vector<1x1792xf32>
    %swap3A_1400 = arith.constant 0 : index
    %swap3A_1401 = arith.constant 3328 : index
    %swap3A_1402 = vector.load %arg2[%swap3A_1400, %swap3A_1401] : memref<1x5120xf32, #tpu.memory_space<vmem>>, vector<1x1792xf32>
    tpu.vector_store %arg2[%swap3A_1400, %swap3A_1401], %mul3A_1399 {strides = array<i32>} : memref<1x5120xf32, #tpu.memory_space<vmem>>, vector<1x1792xf32>,
    %get3A_1403 = arith.constant 0 : index
    %get3A_1404 = arith.constant 3328 : index
    %get3A_1405 = vector.load %arg0[%get3A_1403, %get3A_1404] : memref<5x5120xf32, #tpu.memory_space<vmem>>, vector<4x256xf32>
    %transpose3A_1406 = tpu.transpose %get3A_1405, [1, 0] : vector<4x256xf32> -> vector<256x4xf32>
    %slice3A_1407 = vector.extract_strided_slice %transpose3A_1406 {offsets = [0, 0], sizes = [256, 1], strides = [1, 1]} : vector<256x4xf32> to vector<256x1xf32>
    %slice3A_1408 = vector.extract_strided_slice %transpose3A_1406 {offsets = [0, 1], sizes = [256, 1], strides = [1, 1]} : vector<256x4xf32> to vector<256x1xf32>
    %slice3A_1409 = vector.extract_strided_slice %transpose3A_1406 {offsets = [0, 2], sizes = [256, 1], strides = [1, 1]} : vector<256x4xf32> to vector<256x1xf32>
    %slice3A_1410 = vector.extract_strided_slice %transpose3A_1406 {offsets = [0, 3], sizes = [256, 1], strides = [1, 1]} : vector<256x4xf32> to vector<256x1xf32>
    %mul3A_1411 = arith.constant 5.000000e-01 : f32
    %mul3A_1412 = vector.broadcast %mul3A_1411 : f32 to vector<256x1xf32>
    %mul3A_1413 = arith.mulf %slice3A_1409, %mul3A_1412 : vector<256x1xf32>
    %sub3A_1414 = arith.subf %slice3A_1407, %mul3A_1413 : vector<256x1xf32>
    %mul3A_1415 = arith.constant 5.000000e-01 : f32
    %mul3A_1416 = vector.broadcast %mul3A_1415 : f32 to vector<256x1xf32>
    %mul3A_1417 = arith.mulf %slice3A_1410, %mul3A_1416 : vector<256x1xf32>
    %sub3A_1418 = arith.subf %slice3A_1408, %mul3A_1417 : vector<256x1xf32>
    %mul3A_1419 = arith.constant 5.000000e-01 : f32
    %mul3A_1420 = vector.broadcast %mul3A_1419 : f32 to vector<256x1xf32>
    %mul3A_1421 = arith.mulf %slice3A_1409, %mul3A_1420 : vector<256x1xf32>
    %add3A_1422 = arith.addf %slice3A_1407, %mul3A_1421 : vector<256x1xf32>
    %mul3A_1423 = arith.constant 5.000000e-01 : f32
    %mul3A_1424 = vector.broadcast %mul3A_1423 : f32 to vector<256x1xf32>
    %mul3A_1425 = arith.mulf %slice3A_1410, %mul3A_1424 : vector<256x1xf32>
    %add3A_1426 = arith.addf %slice3A_1408, %mul3A_1425 : vector<256x1xf32>
    %sub3A_1427 = arith.subf %add3A_1422, %sub3A_1414 : vector<256x1xf32>
    %max3A_1428 = arith.constant 0.000000e+00 : f32
    %max3A_1429 = vector.broadcast %max3A_1428 : f32 to vector<256x1xf32>
    %max3A_1430 = arith.maximumf %sub3A_1427, %max3A_1429 : vector<256x1xf32>
    %sub3A_1431 = arith.subf %add3A_1426, %sub3A_1418 : vector<256x1xf32>
    %max3A_1432 = arith.constant 0.000000e+00 : f32
    %max3A_1433 = vector.broadcast %max3A_1432 : f32 to vector<256x1xf32>
    %max3A_1434 = arith.maximumf %sub3A_1431, %max3A_1433 : vector<256x1xf32>
    %mul3A_1435 = arith.mulf %max3A_1430, %max3A_1434 : vector<256x1xf32>
    %slice3A_1436 = vector.extract_strided_slice %sub3A {offsets = [0, 3328], sizes = [1, 1792], strides = [1, 1]} : vector<1x5120xf32> to vector<1x1792xf32>
    %slice3A_1437 = vector.extract_strided_slice %sub3A_19 {offsets = [0, 3328], sizes = [1, 1792], strides = [1, 1]} : vector<1x5120xf32> to vector<1x1792xf32>
    %slice3A_1438 = vector.extract_strided_slice %add3A {offsets = [0, 3328], sizes = [1, 1792], strides = [1, 1]} : vector<1x5120xf32> to vector<1x1792xf32>
    %slice3A_1439 = vector.extract_strided_slice %add3A_26 {offsets = [0, 3328], sizes = [1, 1792], strides = [1, 1]} : vector<1x5120xf32> to vector<1x1792xf32>
    %slice3A_1440 = vector.extract_strided_slice %mul3A_34 {offsets = [0, 3328], sizes = [1, 1792], strides = [1, 1]} : vector<1x5120xf32> to vector<1x1792xf32>
    %max3A_1441 = vector.broadcast %sub3A_1414 : vector<256x1xf32> to vector<256x1792xf32>
    %max3A_1442 = vector.broadcast %slice3A_1436 : vector<1x1792xf32> to vector<256x1792xf32>
    %max3A_1443 = arith.maximumf %max3A_1441, %max3A_1442 : vector<256x1792xf32>
    %max3A_1444 = vector.broadcast %sub3A_1418 : vector<256x1xf32> to vector<256x1792xf32>
    %max3A_1445 = vector.broadcast %slice3A_1437 : vector<1x1792xf32> to vector<256x1792xf32>
    %max3A_1446 = arith.maximumf %max3A_1444, %max3A_1445 : vector<256x1792xf32>
    %min3A_1447 = vector.broadcast %add3A_1422 : vector<256x1xf32> to vector<256x1792xf32>
    %min3A_1448 = vector.broadcast %slice3A_1438 : vector<1x1792xf32> to vector<256x1792xf32>
    %min3A_1449 = arith.minimumf %min3A_1447, %min3A_1448 : vector<256x1792xf32>
    %min3A_1450 = vector.broadcast %add3A_1426 : vector<256x1xf32> to vector<256x1792xf32>
    %min3A_1451 = vector.broadcast %slice3A_1439 : vector<1x1792xf32> to vector<256x1792xf32>
    %min3A_1452 = arith.minimumf %min3A_1450, %min3A_1451 : vector<256x1792xf32>
    %sub3A_1453 = arith.subf %min3A_1449, %max3A_1443 : vector<256x1792xf32>
    %max3A_1454 = arith.constant 0.000000e+00 : f32
    %max3A_1455 = vector.broadcast %max3A_1454 : f32 to vector<256x1792xf32>
    %max3A_1456 = arith.maximumf %sub3A_1453, %max3A_1455 : vector<256x1792xf32>
    %sub3A_1457 = arith.subf %min3A_1452, %max3A_1446 : vector<256x1792xf32>
    %max3A_1458 = arith.constant 0.000000e+00 : f32
    %max3A_1459 = vector.broadcast %max3A_1458 : f32 to vector<256x1792xf32>
    %max3A_1460 = arith.maximumf %sub3A_1457, %max3A_1459 : vector<256x1792xf32>
    %mul3A_1461 = arith.mulf %max3A_1456, %max3A_1460 : vector<256x1792xf32>
    %add3A_1462 = vector.broadcast %mul3A_1435 : vector<256x1xf32> to vector<256x1792xf32>
    %add3A_1463 = vector.broadcast %slice3A_1440 : vector<1x1792xf32> to vector<256x1792xf32>
    %add3A_1464 = arith.addf %add3A_1462, %add3A_1463 : vector<256x1792xf32>
    %sub3A_1465 = arith.subf %add3A_1464, %mul3A_1461 : vector<256x1792xf32>
    %add3A_1466 = arith.constant 9.99999971E-10 : f32
    %add3A_1467 = vector.broadcast %add3A_1466 : f32 to vector<256x1792xf32>
    %add3A_1468 = arith.addf %sub3A_1465, %add3A_1467 : vector<256x1792xf32>
    %div3A_1469 = arith.divf %mul3A_1461, %add3A_1468 : vector<256x1792xf32>
    %gt3A_1470 = arith.constant 3.000000e-01 : f32
    %gt3A_1471 = vector.broadcast %gt3A_1470 : f32 to vector<256x1792xf32>
    %gt3A_1472 = arith.cmpf ogt, %div3A_1469, %gt3A_1471 : vector<256x1792xf32>
    %convert_element_type3A_1473 = arith.extui %gt3A_1472 : vector<256x1792xi1> to vector<256x1792xi32>
    %convert_element_type3A_1474 = arith.sitofp %convert_element_type3A_1473 : vector<256x1792xi32> to vector<256x1792xf32>
    %slice3A_1475 = vector.extract_strided_slice %convert_element_type3A_1474 {offsets = [0, 0], sizes = [256, 256], strides = [1, 1]} : vector<256x1792xf32> to vector<256x256xf32>
    %mul3A_1476 = arith.mulf %slice3A_1475, %convert_element_type3A_44 : vector<256x256xf32>
    %get3A_1477 = arith.constant 0 : index
    %get3A_1478 = arith.constant 3328 : index
    %get3A_1479 = vector.load %arg2[%get3A_1477, %get3A_1478] : memref<1x5120xf32, #tpu.memory_space<vmem>>, vector<1x256xf32>
    %dot_general3A_1480 = arith.constant dense<0.000000e+00> : vector<1x256xf32>
    %dot_general3A_1481 = tpu.matmul %get3A_1479, %mul3A_1476, %dot_general3A_1480 {dimension_numbers = #tpu.dot_dimension_numbers<[1], [0], [0], [1], [0, 0, 1, 1], [], []>, transpose_lhs_hint = false} : vector<1x256xf32>, vector<256x256xf32>, vector<1x256xf32> -> vector<1x256xf32>
    %lt3A_1482 = arith.constant 5.000000e-01 : f32
    %lt3A_1483 = vector.broadcast %lt3A_1482 : f32 to vector<1x256xf32>
    %lt3A_1484 = arith.cmpf olt, %dot_general3A_1481, %lt3A_1483 : vector<1x256xf32>
    %convert_element_type3A_1485 = arith.extui %lt3A_1484 : vector<1x256xi1> to vector<1x256xi32>
    %convert_element_type3A_1486 = arith.sitofp %convert_element_type3A_1485 : vector<1x256xi32> to vector<1x256xf32>
    %mul3A_1487 = arith.mulf %get3A_1479, %convert_element_type3A_1486 : vector<1x256xf32>
    %while3A_1488:2 = scf.while (%while3A_2135 = %get3A_1479, %while3A_2136 = %mul3A_1487) : (vector<1x256xf32>, vector<1x256xf32>) -> (vector<1x256xf32>, vector<1x256xf32>) {
      %sub3A_2137 = arith.subf %while3A_2135, %while3A_2136 : vector<1x256xf32>
      %abs3A = math.absf %sub3A_2137 : vector<1x256xf32>
      %reduce_sum3A = vector.shape_cast %abs3A : vector<1x256xf32> to vector<1x1x256xf32>
      %reduce_sum3A_2138 = arith.constant dense<0.000000e+00> : vector<1xf32>
      %reduce_sum3A_2139 = vector.multi_reduction <add>, %reduce_sum3A, %reduce_sum3A_2138 [1, 2] : vector<1x1x256xf32> to vector<1xf32>
      %reduce_sum3A_2140 = vector.shape_cast %reduce_sum3A_2139 : vector<1xf32> to vector<1x1x1xf32>
      %reduce_sum3A_2141 = vector.extract %reduce_sum3A_2140[0, 0, 0] : f32 from vector<1x1x1xf32>
      %gt3A_2142 = arith.constant 0.000000e+00 : f32
      %gt3A_2143 = arith.cmpf ogt, %reduce_sum3A_2141, %gt3A_2142 : f32
      scf.condition(%gt3A_2143) %while3A_2135, %while3A_2136 : vector<1x256xf32>, vector<1x256xf32>
    } do {
    ^bb0(%while3A_2135: vector<1x256xf32>, %while3A_2136: vector<1x256xf32>):
      %dot_general3A_2137 = arith.constant dense<0.000000e+00> : vector<1x256xf32>
      %dot_general3A_2138 = tpu.matmul %while3A_2136, %mul3A_1476, %dot_general3A_2137 {dimension_numbers = #tpu.dot_dimension_numbers<[1], [0], [0], [1], [0, 0, 1, 1], [], []>, transpose_lhs_hint = false} : vector<1x256xf32>, vector<256x256xf32>, vector<1x256xf32> -> vector<1x256xf32>
      %lt3A_2139 = arith.constant 5.000000e-01 : f32
      %lt3A_2140 = vector.broadcast %lt3A_2139 : f32 to vector<1x256xf32>
      %lt3A_2141 = arith.cmpf olt, %dot_general3A_2138, %lt3A_2140 : vector<1x256xf32>
      %convert_element_type3A_2142 = arith.extui %lt3A_2141 : vector<1x256xi1> to vector<1x256xi32>
      %convert_element_type3A_2143 = arith.sitofp %convert_element_type3A_2142 : vector<1x256xi32> to vector<1x256xf32>
      %mul3A_2144 = arith.mulf %get3A_1479, %convert_element_type3A_2143 : vector<1x256xf32>
      scf.yield %while3A_2136, %mul3A_2144 : vector<1x256xf32>, vector<1x256xf32>
    }
    %swap3A_1489 = arith.constant 0 : index
    %swap3A_1490 = arith.constant 3328 : index
    %swap3A_1491 = vector.load %arg2[%swap3A_1489, %swap3A_1490] : memref<1x5120xf32, #tpu.memory_space<vmem>>, vector<1x256xf32>
    tpu.vector_store %arg2[%swap3A_1489, %swap3A_1490], %while3A_1488#1 {strides = array<i32>} : memref<1x5120xf32, #tpu.memory_space<vmem>>, vector<1x256xf32>,
    %dot_general3A_1492 = arith.constant dense<0.000000e+00> : vector<1x1792xf32>
    %dot_general3A_1493 = tpu.matmul %while3A_1488#1, %convert_element_type3A_1474, %dot_general3A_1492 {dimension_numbers = #tpu.dot_dimension_numbers<[1], [0], [0], [1], [0, 0, 1, 1], [], []>, transpose_lhs_hint = false} : vector<1x256xf32>, vector<256x1792xf32>, vector<1x1792xf32> -> vector<1x1792xf32>
    %slice3A_1494 = vector.extract_strided_slice %dot_general3A_1493 {offsets = [0, 256], sizes = [1, 1536], strides = [1, 1]} : vector<1x1792xf32> to vector<1x1536xf32>
    %get3A_1495 = arith.constant 0 : index
    %get3A_1496 = arith.constant 3584 : index
    %get3A_1497 = vector.load %arg2[%get3A_1495, %get3A_1496] : memref<1x5120xf32, #tpu.memory_space<vmem>>, vector<1x1536xf32>
    %min3A_1498 = arith.constant 1.000000e+00 : f32
    %min3A_1499 = vector.broadcast %min3A_1498 : f32 to vector<1x1536xf32>
    %min3A_1500 = arith.minimumf %slice3A_1494, %min3A_1499 : vector<1x1536xf32>
    %sub3A_1501 = arith.constant 1.000000e+00 : f32
    %sub3A_1502 = vector.broadcast %sub3A_1501 : f32 to vector<1x1536xf32>
    %sub3A_1503 = arith.subf %sub3A_1502, %min3A_1500 : vector<1x1536xf32>
    %mul3A_1504 = arith.mulf %get3A_1497, %sub3A_1503 : vector<1x1536xf32>
    %swap3A_1505 = arith.constant 0 : index
    %swap3A_1506 = arith.constant 3584 : index
    %swap3A_1507 = vector.load %arg2[%swap3A_1505, %swap3A_1506] : memref<1x5120xf32, #tpu.memory_space<vmem>>, vector<1x1536xf32>
    tpu.vector_store %arg2[%swap3A_1505, %swap3A_1506], %mul3A_1504 {strides = array<i32>} : memref<1x5120xf32, #tpu.memory_space<vmem>>, vector<1x1536xf32>,
    %get3A_1508 = arith.constant 0 : index
    %get3A_1509 = arith.constant 3584 : index
    %get3A_1510 = vector.load %arg0[%get3A_1508, %get3A_1509] : memref<5x5120xf32, #tpu.memory_space<vmem>>, vector<4x256xf32>
    %transpose3A_1511 = tpu.transpose %get3A_1510, [1, 0] : vector<4x256xf32> -> vector<256x4xf32>
    %slice3A_1512 = vector.extract_strided_slice %transpose3A_1511 {offsets = [0, 0], sizes = [256, 1], strides = [1, 1]} : vector<256x4xf32> to vector<256x1xf32>
    %slice3A_1513 = vector.extract_strided_slice %transpose3A_1511 {offsets = [0, 1], sizes = [256, 1], strides = [1, 1]} : vector<256x4xf32> to vector<256x1xf32>
    %slice3A_1514 = vector.extract_strided_slice %transpose3A_1511 {offsets = [0, 2], sizes = [256, 1], strides = [1, 1]} : vector<256x4xf32> to vector<256x1xf32>
    %slice3A_1515 = vector.extract_strided_slice %transpose3A_1511 {offsets = [0, 3], sizes = [256, 1], strides = [1, 1]} : vector<256x4xf32> to vector<256x1xf32>
    %mul3A_1516 = arith.constant 5.000000e-01 : f32
    %mul3A_1517 = vector.broadcast %mul3A_1516 : f32 to vector<256x1xf32>
    %mul3A_1518 = arith.mulf %slice3A_1514, %mul3A_1517 : vector<256x1xf32>
    %sub3A_1519 = arith.subf %slice3A_1512, %mul3A_1518 : vector<256x1xf32>
    %mul3A_1520 = arith.constant 5.000000e-01 : f32
    %mul3A_1521 = vector.broadcast %mul3A_1520 : f32 to vector<256x1xf32>
    %mul3A_1522 = arith.mulf %slice3A_1515, %mul3A_1521 : vector<256x1xf32>
    %sub3A_1523 = arith.subf %slice3A_1513, %mul3A_1522 : vector<256x1xf32>
    %mul3A_1524 = arith.constant 5.000000e-01 : f32
    %mul3A_1525 = vector.broadcast %mul3A_1524 : f32 to vector<256x1xf32>
    %mul3A_1526 = arith.mulf %slice3A_1514, %mul3A_1525 : vector<256x1xf32>
    %add3A_1527 = arith.addf %slice3A_1512, %mul3A_1526 : vector<256x1xf32>
    %mul3A_1528 = arith.constant 5.000000e-01 : f32
    %mul3A_1529 = vector.broadcast %mul3A_1528 : f32 to vector<256x1xf32>
    %mul3A_1530 = arith.mulf %slice3A_1515, %mul3A_1529 : vector<256x1xf32>
    %add3A_1531 = arith.addf %slice3A_1513, %mul3A_1530 : vector<256x1xf32>
    %sub3A_1532 = arith.subf %add3A_1527, %sub3A_1519 : vector<256x1xf32>
    %max3A_1533 = arith.constant 0.000000e+00 : f32
    %max3A_1534 = vector.broadcast %max3A_1533 : f32 to vector<256x1xf32>
    %max3A_1535 = arith.maximumf %sub3A_1532, %max3A_1534 : vector<256x1xf32>
    %sub3A_1536 = arith.subf %add3A_1531, %sub3A_1523 : vector<256x1xf32>
    %max3A_1537 = arith.constant 0.000000e+00 : f32
    %max3A_1538 = vector.broadcast %max3A_1537 : f32 to vector<256x1xf32>
    %max3A_1539 = arith.maximumf %sub3A_1536, %max3A_1538 : vector<256x1xf32>
    %mul3A_1540 = arith.mulf %max3A_1535, %max3A_1539 : vector<256x1xf32>
    %slice3A_1541 = vector.extract_strided_slice %sub3A {offsets = [0, 3584], sizes = [1, 1536], strides = [1, 1]} : vector<1x5120xf32> to vector<1x1536xf32>
    %slice3A_1542 = vector.extract_strided_slice %sub3A_19 {offsets = [0, 3584], sizes = [1, 1536], strides = [1, 1]} : vector<1x5120xf32> to vector<1x1536xf32>
    %slice3A_1543 = vector.extract_strided_slice %add3A {offsets = [0, 3584], sizes = [1, 1536], strides = [1, 1]} : vector<1x5120xf32> to vector<1x1536xf32>
    %slice3A_1544 = vector.extract_strided_slice %add3A_26 {offsets = [0, 3584], sizes = [1, 1536], strides = [1, 1]} : vector<1x5120xf32> to vector<1x1536xf32>
    %slice3A_1545 = vector.extract_strided_slice %mul3A_34 {offsets = [0, 3584], sizes = [1, 1536], strides = [1, 1]} : vector<1x5120xf32> to vector<1x1536xf32>
    %max3A_1546 = vector.broadcast %sub3A_1519 : vector<256x1xf32> to vector<256x1536xf32>
    %max3A_1547 = vector.broadcast %slice3A_1541 : vector<1x1536xf32> to vector<256x1536xf32>
    %max3A_1548 = arith.maximumf %max3A_1546, %max3A_1547 : vector<256x1536xf32>
    %max3A_1549 = vector.broadcast %sub3A_1523 : vector<256x1xf32> to vector<256x1536xf32>
    %max3A_1550 = vector.broadcast %slice3A_1542 : vector<1x1536xf32> to vector<256x1536xf32>
    %max3A_1551 = arith.maximumf %max3A_1549, %max3A_1550 : vector<256x1536xf32>
    %min3A_1552 = vector.broadcast %add3A_1527 : vector<256x1xf32> to vector<256x1536xf32>
    %min3A_1553 = vector.broadcast %slice3A_1543 : vector<1x1536xf32> to vector<256x1536xf32>
    %min3A_1554 = arith.minimumf %min3A_1552, %min3A_1553 : vector<256x1536xf32>
    %min3A_1555 = vector.broadcast %add3A_1531 : vector<256x1xf32> to vector<256x1536xf32>
    %min3A_1556 = vector.broadcast %slice3A_1544 : vector<1x1536xf32> to vector<256x1536xf32>
    %min3A_1557 = arith.minimumf %min3A_1555, %min3A_1556 : vector<256x1536xf32>
    %sub3A_1558 = arith.subf %min3A_1554, %max3A_1548 : vector<256x1536xf32>
    %max3A_1559 = arith.constant 0.000000e+00 : f32
    %max3A_1560 = vector.broadcast %max3A_1559 : f32 to vector<256x1536xf32>
    %max3A_1561 = arith.maximumf %sub3A_1558, %max3A_1560 : vector<256x1536xf32>
    %sub3A_1562 = arith.subf %min3A_1557, %max3A_1551 : vector<256x1536xf32>
    %max3A_1563 = arith.constant 0.000000e+00 : f32
    %max3A_1564 = vector.broadcast %max3A_1563 : f32 to vector<256x1536xf32>
    %max3A_1565 = arith.maximumf %sub3A_1562, %max3A_1564 : vector<256x1536xf32>
    %mul3A_1566 = arith.mulf %max3A_1561, %max3A_1565 : vector<256x1536xf32>
    %add3A_1567 = vector.broadcast %mul3A_1540 : vector<256x1xf32> to vector<256x1536xf32>
    %add3A_1568 = vector.broadcast %slice3A_1545 : vector<1x1536xf32> to vector<256x1536xf32>
    %add3A_1569 = arith.addf %add3A_1567, %add3A_1568 : vector<256x1536xf32>
    %sub3A_1570 = arith.subf %add3A_1569, %mul3A_1566 : vector<256x1536xf32>
    %add3A_1571 = arith.constant 9.99999971E-10 : f32
    %add3A_1572 = vector.broadcast %add3A_1571 : f32 to vector<256x1536xf32>
    %add3A_1573 = arith.addf %sub3A_1570, %add3A_1572 : vector<256x1536xf32>
    %div3A_1574 = arith.divf %mul3A_1566, %add3A_1573 : vector<256x1536xf32>
    %gt3A_1575 = arith.constant 3.000000e-01 : f32
    %gt3A_1576 = vector.broadcast %gt3A_1575 : f32 to vector<256x1536xf32>
    %gt3A_1577 = arith.cmpf ogt, %div3A_1574, %gt3A_1576 : vector<256x1536xf32>
    %convert_element_type3A_1578 = arith.extui %gt3A_1577 : vector<256x1536xi1> to vector<256x1536xi32>
    %convert_element_type3A_1579 = arith.sitofp %convert_element_type3A_1578 : vector<256x1536xi32> to vector<256x1536xf32>
    %slice3A_1580 = vector.extract_strided_slice %convert_element_type3A_1579 {offsets = [0, 0], sizes = [256, 256], strides = [1, 1]} : vector<256x1536xf32> to vector<256x256xf32>
    %mul3A_1581 = arith.mulf %slice3A_1580, %convert_element_type3A_44 : vector<256x256xf32>
    %get3A_1582 = arith.constant 0 : index
    %get3A_1583 = arith.constant 3584 : index
    %get3A_1584 = vector.load %arg2[%get3A_1582, %get3A_1583] : memref<1x5120xf32, #tpu.memory_space<vmem>>, vector<1x256xf32>
    %dot_general3A_1585 = arith.constant dense<0.000000e+00> : vector<1x256xf32>
    %dot_general3A_1586 = tpu.matmul %get3A_1584, %mul3A_1581, %dot_general3A_1585 {dimension_numbers = #tpu.dot_dimension_numbers<[1], [0], [0], [1], [0, 0, 1, 1], [], []>, transpose_lhs_hint = false} : vector<1x256xf32>, vector<256x256xf32>, vector<1x256xf32> -> vector<1x256xf32>
    %lt3A_1587 = arith.constant 5.000000e-01 : f32
    %lt3A_1588 = vector.broadcast %lt3A_1587 : f32 to vector<1x256xf32>
    %lt3A_1589 = arith.cmpf olt, %dot_general3A_1586, %lt3A_1588 : vector<1x256xf32>
    %convert_element_type3A_1590 = arith.extui %lt3A_1589 : vector<1x256xi1> to vector<1x256xi32>
    %convert_element_type3A_1591 = arith.sitofp %convert_element_type3A_1590 : vector<1x256xi32> to vector<1x256xf32>
    %mul3A_1592 = arith.mulf %get3A_1584, %convert_element_type3A_1591 : vector<1x256xf32>
    %while3A_1593:2 = scf.while (%while3A_2135 = %get3A_1584, %while3A_2136 = %mul3A_1592) : (vector<1x256xf32>, vector<1x256xf32>) -> (vector<1x256xf32>, vector<1x256xf32>) {
      %sub3A_2137 = arith.subf %while3A_2135, %while3A_2136 : vector<1x256xf32>
      %abs3A = math.absf %sub3A_2137 : vector<1x256xf32>
      %reduce_sum3A = vector.shape_cast %abs3A : vector<1x256xf32> to vector<1x1x256xf32>
      %reduce_sum3A_2138 = arith.constant dense<0.000000e+00> : vector<1xf32>
      %reduce_sum3A_2139 = vector.multi_reduction <add>, %reduce_sum3A, %reduce_sum3A_2138 [1, 2] : vector<1x1x256xf32> to vector<1xf32>
      %reduce_sum3A_2140 = vector.shape_cast %reduce_sum3A_2139 : vector<1xf32> to vector<1x1x1xf32>
      %reduce_sum3A_2141 = vector.extract %reduce_sum3A_2140[0, 0, 0] : f32 from vector<1x1x1xf32>
      %gt3A_2142 = arith.constant 0.000000e+00 : f32
      %gt3A_2143 = arith.cmpf ogt, %reduce_sum3A_2141, %gt3A_2142 : f32
      scf.condition(%gt3A_2143) %while3A_2135, %while3A_2136 : vector<1x256xf32>, vector<1x256xf32>
    } do {
    ^bb0(%while3A_2135: vector<1x256xf32>, %while3A_2136: vector<1x256xf32>):
      %dot_general3A_2137 = arith.constant dense<0.000000e+00> : vector<1x256xf32>
      %dot_general3A_2138 = tpu.matmul %while3A_2136, %mul3A_1581, %dot_general3A_2137 {dimension_numbers = #tpu.dot_dimension_numbers<[1], [0], [0], [1], [0, 0, 1, 1], [], []>, transpose_lhs_hint = false} : vector<1x256xf32>, vector<256x256xf32>, vector<1x256xf32> -> vector<1x256xf32>
      %lt3A_2139 = arith.constant 5.000000e-01 : f32
      %lt3A_2140 = vector.broadcast %lt3A_2139 : f32 to vector<1x256xf32>
      %lt3A_2141 = arith.cmpf olt, %dot_general3A_2138, %lt3A_2140 : vector<1x256xf32>
      %convert_element_type3A_2142 = arith.extui %lt3A_2141 : vector<1x256xi1> to vector<1x256xi32>
      %convert_element_type3A_2143 = arith.sitofp %convert_element_type3A_2142 : vector<1x256xi32> to vector<1x256xf32>
      %mul3A_2144 = arith.mulf %get3A_1584, %convert_element_type3A_2143 : vector<1x256xf32>
      scf.yield %while3A_2136, %mul3A_2144 : vector<1x256xf32>, vector<1x256xf32>
    }
    %swap3A_1594 = arith.constant 0 : index
    %swap3A_1595 = arith.constant 3584 : index
    %swap3A_1596 = vector.load %arg2[%swap3A_1594, %swap3A_1595] : memref<1x5120xf32, #tpu.memory_space<vmem>>, vector<1x256xf32>
    tpu.vector_store %arg2[%swap3A_1594, %swap3A_1595], %while3A_1593#1 {strides = array<i32>} : memref<1x5120xf32, #tpu.memory_space<vmem>>, vector<1x256xf32>,
    %dot_general3A_1597 = arith.constant dense<0.000000e+00> : vector<1x1536xf32>
    %dot_general3A_1598 = tpu.matmul %while3A_1593#1, %convert_element_type3A_1579, %dot_general3A_1597 {dimension_numbers = #tpu.dot_dimension_numbers<[1], [0], [0], [1], [0, 0, 1, 1], [], []>, transpose_lhs_hint = false} : vector<1x256xf32>, vector<256x1536xf32>, vector<1x1536xf32> -> vector<1x1536xf32>
    %slice3A_1599 = vector.extract_strided_slice %dot_general3A_1598 {offsets = [0, 256], sizes = [1, 1280], strides = [1, 1]} : vector<1x1536xf32> to vector<1x1280xf32>
    %get3A_1600 = arith.constant 0 : index
    %get3A_1601 = arith.constant 3840 : index
    %get3A_1602 = vector.load %arg2[%get3A_1600, %get3A_1601] : memref<1x5120xf32, #tpu.memory_space<vmem>>, vector<1x1280xf32>
    %min3A_1603 = arith.constant 1.000000e+00 : f32
    %min3A_1604 = vector.broadcast %min3A_1603 : f32 to vector<1x1280xf32>
    %min3A_1605 = arith.minimumf %slice3A_1599, %min3A_1604 : vector<1x1280xf32>
    %sub3A_1606 = arith.constant 1.000000e+00 : f32
    %sub3A_1607 = vector.broadcast %sub3A_1606 : f32 to vector<1x1280xf32>
    %sub3A_1608 = arith.subf %sub3A_1607, %min3A_1605 : vector<1x1280xf32>
    %mul3A_1609 = arith.mulf %get3A_1602, %sub3A_1608 : vector<1x1280xf32>
    %swap3A_1610 = arith.constant 0 : index
    %swap3A_1611 = arith.constant 3840 : index
    %swap3A_1612 = vector.load %arg2[%swap3A_1610, %swap3A_1611] : memref<1x5120xf32, #tpu.memory_space<vmem>>, vector<1x1280xf32>
    tpu.vector_store %arg2[%swap3A_1610, %swap3A_1611], %mul3A_1609 {strides = array<i32>} : memref<1x5120xf32, #tpu.memory_space<vmem>>, vector<1x1280xf32>,
    %get3A_1613 = arith.constant 0 : index
    %get3A_1614 = arith.constant 3840 : index
    %get3A_1615 = vector.load %arg0[%get3A_1613, %get3A_1614] : memref<5x5120xf32, #tpu.memory_space<vmem>>, vector<4x256xf32>
    %transpose3A_1616 = tpu.transpose %get3A_1615, [1, 0] : vector<4x256xf32> -> vector<256x4xf32>
    %slice3A_1617 = vector.extract_strided_slice %transpose3A_1616 {offsets = [0, 0], sizes = [256, 1], strides = [1, 1]} : vector<256x4xf32> to vector<256x1xf32>
    %slice3A_1618 = vector.extract_strided_slice %transpose3A_1616 {offsets = [0, 1], sizes = [256, 1], strides = [1, 1]} : vector<256x4xf32> to vector<256x1xf32>
    %slice3A_1619 = vector.extract_strided_slice %transpose3A_1616 {offsets = [0, 2], sizes = [256, 1], strides = [1, 1]} : vector<256x4xf32> to vector<256x1xf32>
    %slice3A_1620 = vector.extract_strided_slice %transpose3A_1616 {offsets = [0, 3], sizes = [256, 1], strides = [1, 1]} : vector<256x4xf32> to vector<256x1xf32>
    %mul3A_1621 = arith.constant 5.000000e-01 : f32
    %mul3A_1622 = vector.broadcast %mul3A_1621 : f32 to vector<256x1xf32>
    %mul3A_1623 = arith.mulf %slice3A_1619, %mul3A_1622 : vector<256x1xf32>
    %sub3A_1624 = arith.subf %slice3A_1617, %mul3A_1623 : vector<256x1xf32>
    %mul3A_1625 = arith.constant 5.000000e-01 : f32
    %mul3A_1626 = vector.broadcast %mul3A_1625 : f32 to vector<256x1xf32>
    %mul3A_1627 = arith.mulf %slice3A_1620, %mul3A_1626 : vector<256x1xf32>
    %sub3A_1628 = arith.subf %slice3A_1618, %mul3A_1627 : vector<256x1xf32>
    %mul3A_1629 = arith.constant 5.000000e-01 : f32
    %mul3A_1630 = vector.broadcast %mul3A_1629 : f32 to vector<256x1xf32>
    %mul3A_1631 = arith.mulf %slice3A_1619, %mul3A_1630 : vector<256x1xf32>
    %add3A_1632 = arith.addf %slice3A_1617, %mul3A_1631 : vector<256x1xf32>
    %mul3A_1633 = arith.constant 5.000000e-01 : f32
    %mul3A_1634 = vector.broadcast %mul3A_1633 : f32 to vector<256x1xf32>
    %mul3A_1635 = arith.mulf %slice3A_1620, %mul3A_1634 : vector<256x1xf32>
    %add3A_1636 = arith.addf %slice3A_1618, %mul3A_1635 : vector<256x1xf32>
    %sub3A_1637 = arith.subf %add3A_1632, %sub3A_1624 : vector<256x1xf32>
    %max3A_1638 = arith.constant 0.000000e+00 : f32
    %max3A_1639 = vector.broadcast %max3A_1638 : f32 to vector<256x1xf32>
    %max3A_1640 = arith.maximumf %sub3A_1637, %max3A_1639 : vector<256x1xf32>
    %sub3A_1641 = arith.subf %add3A_1636, %sub3A_1628 : vector<256x1xf32>
    %max3A_1642 = arith.constant 0.000000e+00 : f32
    %max3A_1643 = vector.broadcast %max3A_1642 : f32 to vector<256x1xf32>
    %max3A_1644 = arith.maximumf %sub3A_1641, %max3A_1643 : vector<256x1xf32>
    %mul3A_1645 = arith.mulf %max3A_1640, %max3A_1644 : vector<256x1xf32>
    %slice3A_1646 = vector.extract_strided_slice %sub3A {offsets = [0, 3840], sizes = [1, 1280], strides = [1, 1]} : vector<1x5120xf32> to vector<1x1280xf32>
    %slice3A_1647 = vector.extract_strided_slice %sub3A_19 {offsets = [0, 3840], sizes = [1, 1280], strides = [1, 1]} : vector<1x5120xf32> to vector<1x1280xf32>
    %slice3A_1648 = vector.extract_strided_slice %add3A {offsets = [0, 3840], sizes = [1, 1280], strides = [1, 1]} : vector<1x5120xf32> to vector<1x1280xf32>
    %slice3A_1649 = vector.extract_strided_slice %add3A_26 {offsets = [0, 3840], sizes = [1, 1280], strides = [1, 1]} : vector<1x5120xf32> to vector<1x1280xf32>
    %slice3A_1650 = vector.extract_strided_slice %mul3A_34 {offsets = [0, 3840], sizes = [1, 1280], strides = [1, 1]} : vector<1x5120xf32> to vector<1x1280xf32>
    %max3A_1651 = vector.broadcast %sub3A_1624 : vector<256x1xf32> to vector<256x1280xf32>
    %max3A_1652 = vector.broadcast %slice3A_1646 : vector<1x1280xf32> to vector<256x1280xf32>
    %max3A_1653 = arith.maximumf %max3A_1651, %max3A_1652 : vector<256x1280xf32>
    %max3A_1654 = vector.broadcast %sub3A_1628 : vector<256x1xf32> to vector<256x1280xf32>
    %max3A_1655 = vector.broadcast %slice3A_1647 : vector<1x1280xf32> to vector<256x1280xf32>
    %max3A_1656 = arith.maximumf %max3A_1654, %max3A_1655 : vector<256x1280xf32>
    %min3A_1657 = vector.broadcast %add3A_1632 : vector<256x1xf32> to vector<256x1280xf32>
    %min3A_1658 = vector.broadcast %slice3A_1648 : vector<1x1280xf32> to vector<256x1280xf32>
    %min3A_1659 = arith.minimumf %min3A_1657, %min3A_1658 : vector<256x1280xf32>
    %min3A_1660 = vector.broadcast %add3A_1636 : vector<256x1xf32> to vector<256x1280xf32>
    %min3A_1661 = vector.broadcast %slice3A_1649 : vector<1x1280xf32> to vector<256x1280xf32>
    %min3A_1662 = arith.minimumf %min3A_1660, %min3A_1661 : vector<256x1280xf32>
    %sub3A_1663 = arith.subf %min3A_1659, %max3A_1653 : vector<256x1280xf32>
    %max3A_1664 = arith.constant 0.000000e+00 : f32
    %max3A_1665 = vector.broadcast %max3A_1664 : f32 to vector<256x1280xf32>
    %max3A_1666 = arith.maximumf %sub3A_1663, %max3A_1665 : vector<256x1280xf32>
    %sub3A_1667 = arith.subf %min3A_1662, %max3A_1656 : vector<256x1280xf32>
    %max3A_1668 = arith.constant 0.000000e+00 : f32
    %max3A_1669 = vector.broadcast %max3A_1668 : f32 to vector<256x1280xf32>
    %max3A_1670 = arith.maximumf %sub3A_1667, %max3A_1669 : vector<256x1280xf32>
    %mul3A_1671 = arith.mulf %max3A_1666, %max3A_1670 : vector<256x1280xf32>
    %add3A_1672 = vector.broadcast %mul3A_1645 : vector<256x1xf32> to vector<256x1280xf32>
    %add3A_1673 = vector.broadcast %slice3A_1650 : vector<1x1280xf32> to vector<256x1280xf32>
    %add3A_1674 = arith.addf %add3A_1672, %add3A_1673 : vector<256x1280xf32>
    %sub3A_1675 = arith.subf %add3A_1674, %mul3A_1671 : vector<256x1280xf32>
    %add3A_1676 = arith.constant 9.99999971E-10 : f32
    %add3A_1677 = vector.broadcast %add3A_1676 : f32 to vector<256x1280xf32>
    %add3A_1678 = arith.addf %sub3A_1675, %add3A_1677 : vector<256x1280xf32>
    %div3A_1679 = arith.divf %mul3A_1671, %add3A_1678 : vector<256x1280xf32>
    %gt3A_1680 = arith.constant 3.000000e-01 : f32
    %gt3A_1681 = vector.broadcast %gt3A_1680 : f32 to vector<256x1280xf32>
    %gt3A_1682 = arith.cmpf ogt, %div3A_1679, %gt3A_1681 : vector<256x1280xf32>
    %convert_element_type3A_1683 = arith.extui %gt3A_1682 : vector<256x1280xi1> to vector<256x1280xi32>
    %convert_element_type3A_1684 = arith.sitofp %convert_element_type3A_1683 : vector<256x1280xi32> to vector<256x1280xf32>
    %slice3A_1685 = vector.extract_strided_slice %convert_element_type3A_1684 {offsets = [0, 0], sizes = [256, 256], strides = [1, 1]} : vector<256x1280xf32> to vector<256x256xf32>
    %mul3A_1686 = arith.mulf %slice3A_1685, %convert_element_type3A_44 : vector<256x256xf32>
    %get3A_1687 = arith.constant 0 : index
    %get3A_1688 = arith.constant 3840 : index
    %get3A_1689 = vector.load %arg2[%get3A_1687, %get3A_1688] : memref<1x5120xf32, #tpu.memory_space<vmem>>, vector<1x256xf32>
    %dot_general3A_1690 = arith.constant dense<0.000000e+00> : vector<1x256xf32>
    %dot_general3A_1691 = tpu.matmul %get3A_1689, %mul3A_1686, %dot_general3A_1690 {dimension_numbers = #tpu.dot_dimension_numbers<[1], [0], [0], [1], [0, 0, 1, 1], [], []>, transpose_lhs_hint = false} : vector<1x256xf32>, vector<256x256xf32>, vector<1x256xf32> -> vector<1x256xf32>
    %lt3A_1692 = arith.constant 5.000000e-01 : f32
    %lt3A_1693 = vector.broadcast %lt3A_1692 : f32 to vector<1x256xf32>
    %lt3A_1694 = arith.cmpf olt, %dot_general3A_1691, %lt3A_1693 : vector<1x256xf32>
    %convert_element_type3A_1695 = arith.extui %lt3A_1694 : vector<1x256xi1> to vector<1x256xi32>
    %convert_element_type3A_1696 = arith.sitofp %convert_element_type3A_1695 : vector<1x256xi32> to vector<1x256xf32>
    %mul3A_1697 = arith.mulf %get3A_1689, %convert_element_type3A_1696 : vector<1x256xf32>
    %while3A_1698:2 = scf.while (%while3A_2135 = %get3A_1689, %while3A_2136 = %mul3A_1697) : (vector<1x256xf32>, vector<1x256xf32>) -> (vector<1x256xf32>, vector<1x256xf32>) {
      %sub3A_2137 = arith.subf %while3A_2135, %while3A_2136 : vector<1x256xf32>
      %abs3A = math.absf %sub3A_2137 : vector<1x256xf32>
      %reduce_sum3A = vector.shape_cast %abs3A : vector<1x256xf32> to vector<1x1x256xf32>
      %reduce_sum3A_2138 = arith.constant dense<0.000000e+00> : vector<1xf32>
      %reduce_sum3A_2139 = vector.multi_reduction <add>, %reduce_sum3A, %reduce_sum3A_2138 [1, 2] : vector<1x1x256xf32> to vector<1xf32>
      %reduce_sum3A_2140 = vector.shape_cast %reduce_sum3A_2139 : vector<1xf32> to vector<1x1x1xf32>
      %reduce_sum3A_2141 = vector.extract %reduce_sum3A_2140[0, 0, 0] : f32 from vector<1x1x1xf32>
      %gt3A_2142 = arith.constant 0.000000e+00 : f32
      %gt3A_2143 = arith.cmpf ogt, %reduce_sum3A_2141, %gt3A_2142 : f32
      scf.condition(%gt3A_2143) %while3A_2135, %while3A_2136 : vector<1x256xf32>, vector<1x256xf32>
    } do {
    ^bb0(%while3A_2135: vector<1x256xf32>, %while3A_2136: vector<1x256xf32>):
      %dot_general3A_2137 = arith.constant dense<0.000000e+00> : vector<1x256xf32>
      %dot_general3A_2138 = tpu.matmul %while3A_2136, %mul3A_1686, %dot_general3A_2137 {dimension_numbers = #tpu.dot_dimension_numbers<[1], [0], [0], [1], [0, 0, 1, 1], [], []>, transpose_lhs_hint = false} : vector<1x256xf32>, vector<256x256xf32>, vector<1x256xf32> -> vector<1x256xf32>
      %lt3A_2139 = arith.constant 5.000000e-01 : f32
      %lt3A_2140 = vector.broadcast %lt3A_2139 : f32 to vector<1x256xf32>
      %lt3A_2141 = arith.cmpf olt, %dot_general3A_2138, %lt3A_2140 : vector<1x256xf32>
      %convert_element_type3A_2142 = arith.extui %lt3A_2141 : vector<1x256xi1> to vector<1x256xi32>
      %convert_element_type3A_2143 = arith.sitofp %convert_element_type3A_2142 : vector<1x256xi32> to vector<1x256xf32>
      %mul3A_2144 = arith.mulf %get3A_1689, %convert_element_type3A_2143 : vector<1x256xf32>
      scf.yield %while3A_2136, %mul3A_2144 : vector<1x256xf32>, vector<1x256xf32>
    }
    %swap3A_1699 = arith.constant 0 : index
    %swap3A_1700 = arith.constant 3840 : index
    %swap3A_1701 = vector.load %arg2[%swap3A_1699, %swap3A_1700] : memref<1x5120xf32, #tpu.memory_space<vmem>>, vector<1x256xf32>
    tpu.vector_store %arg2[%swap3A_1699, %swap3A_1700], %while3A_1698#1 {strides = array<i32>} : memref<1x5120xf32, #tpu.memory_space<vmem>>, vector<1x256xf32>,
    %dot_general3A_1702 = arith.constant dense<0.000000e+00> : vector<1x1280xf32>
    %dot_general3A_1703 = tpu.matmul %while3A_1698#1, %convert_element_type3A_1684, %dot_general3A_1702 {dimension_numbers = #tpu.dot_dimension_numbers<[1], [0], [0], [1], [0, 0, 1, 1], [], []>, transpose_lhs_hint = false} : vector<1x256xf32>, vector<256x1280xf32>, vector<1x1280xf32> -> vector<1x1280xf32>
    %slice3A_1704 = vector.extract_strided_slice %dot_general3A_1703 {offsets = [0, 256], sizes = [1, 1024], strides = [1, 1]} : vector<1x1280xf32> to vector<1x1024xf32>
    %get3A_1705 = arith.constant 0 : index
    %get3A_1706 = arith.constant 4096 : index
    %get3A_1707 = vector.load %arg2[%get3A_1705, %get3A_1706] : memref<1x5120xf32, #tpu.memory_space<vmem>>, vector<1x1024xf32>
    %min3A_1708 = arith.constant 1.000000e+00 : f32
    %min3A_1709 = vector.broadcast %min3A_1708 : f32 to vector<1x1024xf32>
    %min3A_1710 = arith.minimumf %slice3A_1704, %min3A_1709 : vector<1x1024xf32>
    %sub3A_1711 = arith.constant 1.000000e+00 : f32
    %sub3A_1712 = vector.broadcast %sub3A_1711 : f32 to vector<1x1024xf32>
    %sub3A_1713 = arith.subf %sub3A_1712, %min3A_1710 : vector<1x1024xf32>
    %mul3A_1714 = arith.mulf %get3A_1707, %sub3A_1713 : vector<1x1024xf32>
    %swap3A_1715 = arith.constant 0 : index
    %swap3A_1716 = arith.constant 4096 : index
    %swap3A_1717 = vector.load %arg2[%swap3A_1715, %swap3A_1716] : memref<1x5120xf32, #tpu.memory_space<vmem>>, vector<1x1024xf32>
    tpu.vector_store %arg2[%swap3A_1715, %swap3A_1716], %mul3A_1714 {strides = array<i32>} : memref<1x5120xf32, #tpu.memory_space<vmem>>, vector<1x1024xf32>,
    %get3A_1718 = arith.constant 0 : index
    %get3A_1719 = arith.constant 4096 : index
    %get3A_1720 = vector.load %arg0[%get3A_1718, %get3A_1719] : memref<5x5120xf32, #tpu.memory_space<vmem>>, vector<4x256xf32>
    %transpose3A_1721 = tpu.transpose %get3A_1720, [1, 0] : vector<4x256xf32> -> vector<256x4xf32>
    %slice3A_1722 = vector.extract_strided_slice %transpose3A_1721 {offsets = [0, 0], sizes = [256, 1], strides = [1, 1]} : vector<256x4xf32> to vector<256x1xf32>
    %slice3A_1723 = vector.extract_strided_slice %transpose3A_1721 {offsets = [0, 1], sizes = [256, 1], strides = [1, 1]} : vector<256x4xf32> to vector<256x1xf32>
    %slice3A_1724 = vector.extract_strided_slice %transpose3A_1721 {offsets = [0, 2], sizes = [256, 1], strides = [1, 1]} : vector<256x4xf32> to vector<256x1xf32>
    %slice3A_1725 = vector.extract_strided_slice %transpose3A_1721 {offsets = [0, 3], sizes = [256, 1], strides = [1, 1]} : vector<256x4xf32> to vector<256x1xf32>
    %mul3A_1726 = arith.constant 5.000000e-01 : f32
    %mul3A_1727 = vector.broadcast %mul3A_1726 : f32 to vector<256x1xf32>
    %mul3A_1728 = arith.mulf %slice3A_1724, %mul3A_1727 : vector<256x1xf32>
    %sub3A_1729 = arith.subf %slice3A_1722, %mul3A_1728 : vector<256x1xf32>
    %mul3A_1730 = arith.constant 5.000000e-01 : f32
    %mul3A_1731 = vector.broadcast %mul3A_1730 : f32 to vector<256x1xf32>
    %mul3A_1732 = arith.mulf %slice3A_1725, %mul3A_1731 : vector<256x1xf32>
    %sub3A_1733 = arith.subf %slice3A_1723, %mul3A_1732 : vector<256x1xf32>
    %mul3A_1734 = arith.constant 5.000000e-01 : f32
    %mul3A_1735 = vector.broadcast %mul3A_1734 : f32 to vector<256x1xf32>
    %mul3A_1736 = arith.mulf %slice3A_1724, %mul3A_1735 : vector<256x1xf32>
    %add3A_1737 = arith.addf %slice3A_1722, %mul3A_1736 : vector<256x1xf32>
    %mul3A_1738 = arith.constant 5.000000e-01 : f32
    %mul3A_1739 = vector.broadcast %mul3A_1738 : f32 to vector<256x1xf32>
    %mul3A_1740 = arith.mulf %slice3A_1725, %mul3A_1739 : vector<256x1xf32>
    %add3A_1741 = arith.addf %slice3A_1723, %mul3A_1740 : vector<256x1xf32>
    %sub3A_1742 = arith.subf %add3A_1737, %sub3A_1729 : vector<256x1xf32>
    %max3A_1743 = arith.constant 0.000000e+00 : f32
    %max3A_1744 = vector.broadcast %max3A_1743 : f32 to vector<256x1xf32>
    %max3A_1745 = arith.maximumf %sub3A_1742, %max3A_1744 : vector<256x1xf32>
    %sub3A_1746 = arith.subf %add3A_1741, %sub3A_1733 : vector<256x1xf32>
    %max3A_1747 = arith.constant 0.000000e+00 : f32
    %max3A_1748 = vector.broadcast %max3A_1747 : f32 to vector<256x1xf32>
    %max3A_1749 = arith.maximumf %sub3A_1746, %max3A_1748 : vector<256x1xf32>
    %mul3A_1750 = arith.mulf %max3A_1745, %max3A_1749 : vector<256x1xf32>
    %slice3A_1751 = vector.extract_strided_slice %sub3A {offsets = [0, 4096], sizes = [1, 1024], strides = [1, 1]} : vector<1x5120xf32> to vector<1x1024xf32>
    %slice3A_1752 = vector.extract_strided_slice %sub3A_19 {offsets = [0, 4096], sizes = [1, 1024], strides = [1, 1]} : vector<1x5120xf32> to vector<1x1024xf32>
    %slice3A_1753 = vector.extract_strided_slice %add3A {offsets = [0, 4096], sizes = [1, 1024], strides = [1, 1]} : vector<1x5120xf32> to vector<1x1024xf32>
    %slice3A_1754 = vector.extract_strided_slice %add3A_26 {offsets = [0, 4096], sizes = [1, 1024], strides = [1, 1]} : vector<1x5120xf32> to vector<1x1024xf32>
    %slice3A_1755 = vector.extract_strided_slice %mul3A_34 {offsets = [0, 4096], sizes = [1, 1024], strides = [1, 1]} : vector<1x5120xf32> to vector<1x1024xf32>
    %max3A_1756 = vector.broadcast %sub3A_1729 : vector<256x1xf32> to vector<256x1024xf32>
    %max3A_1757 = vector.broadcast %slice3A_1751 : vector<1x1024xf32> to vector<256x1024xf32>
    %max3A_1758 = arith.maximumf %max3A_1756, %max3A_1757 : vector<256x1024xf32>
    %max3A_1759 = vector.broadcast %sub3A_1733 : vector<256x1xf32> to vector<256x1024xf32>
    %max3A_1760 = vector.broadcast %slice3A_1752 : vector<1x1024xf32> to vector<256x1024xf32>
    %max3A_1761 = arith.maximumf %max3A_1759, %max3A_1760 : vector<256x1024xf32>
    %min3A_1762 = vector.broadcast %add3A_1737 : vector<256x1xf32> to vector<256x1024xf32>
    %min3A_1763 = vector.broadcast %slice3A_1753 : vector<1x1024xf32> to vector<256x1024xf32>
    %min3A_1764 = arith.minimumf %min3A_1762, %min3A_1763 : vector<256x1024xf32>
    %min3A_1765 = vector.broadcast %add3A_1741 : vector<256x1xf32> to vector<256x1024xf32>
    %min3A_1766 = vector.broadcast %slice3A_1754 : vector<1x1024xf32> to vector<256x1024xf32>
    %min3A_1767 = arith.minimumf %min3A_1765, %min3A_1766 : vector<256x1024xf32>
    %sub3A_1768 = arith.subf %min3A_1764, %max3A_1758 : vector<256x1024xf32>
    %max3A_1769 = arith.constant 0.000000e+00 : f32
    %max3A_1770 = vector.broadcast %max3A_1769 : f32 to vector<256x1024xf32>
    %max3A_1771 = arith.maximumf %sub3A_1768, %max3A_1770 : vector<256x1024xf32>
    %sub3A_1772 = arith.subf %min3A_1767, %max3A_1761 : vector<256x1024xf32>
    %max3A_1773 = arith.constant 0.000000e+00 : f32
    %max3A_1774 = vector.broadcast %max3A_1773 : f32 to vector<256x1024xf32>
    %max3A_1775 = arith.maximumf %sub3A_1772, %max3A_1774 : vector<256x1024xf32>
    %mul3A_1776 = arith.mulf %max3A_1771, %max3A_1775 : vector<256x1024xf32>
    %add3A_1777 = vector.broadcast %mul3A_1750 : vector<256x1xf32> to vector<256x1024xf32>
    %add3A_1778 = vector.broadcast %slice3A_1755 : vector<1x1024xf32> to vector<256x1024xf32>
    %add3A_1779 = arith.addf %add3A_1777, %add3A_1778 : vector<256x1024xf32>
    %sub3A_1780 = arith.subf %add3A_1779, %mul3A_1776 : vector<256x1024xf32>
    %add3A_1781 = arith.constant 9.99999971E-10 : f32
    %add3A_1782 = vector.broadcast %add3A_1781 : f32 to vector<256x1024xf32>
    %add3A_1783 = arith.addf %sub3A_1780, %add3A_1782 : vector<256x1024xf32>
    %div3A_1784 = arith.divf %mul3A_1776, %add3A_1783 : vector<256x1024xf32>
    %gt3A_1785 = arith.constant 3.000000e-01 : f32
    %gt3A_1786 = vector.broadcast %gt3A_1785 : f32 to vector<256x1024xf32>
    %gt3A_1787 = arith.cmpf ogt, %div3A_1784, %gt3A_1786 : vector<256x1024xf32>
    %convert_element_type3A_1788 = arith.extui %gt3A_1787 : vector<256x1024xi1> to vector<256x1024xi32>
    %convert_element_type3A_1789 = arith.sitofp %convert_element_type3A_1788 : vector<256x1024xi32> to vector<256x1024xf32>
    %slice3A_1790 = vector.extract_strided_slice %convert_element_type3A_1789 {offsets = [0, 0], sizes = [256, 256], strides = [1, 1]} : vector<256x1024xf32> to vector<256x256xf32>
    %mul3A_1791 = arith.mulf %slice3A_1790, %convert_element_type3A_44 : vector<256x256xf32>
    %get3A_1792 = arith.constant 0 : index
    %get3A_1793 = arith.constant 4096 : index
    %get3A_1794 = vector.load %arg2[%get3A_1792, %get3A_1793] : memref<1x5120xf32, #tpu.memory_space<vmem>>, vector<1x256xf32>
    %dot_general3A_1795 = arith.constant dense<0.000000e+00> : vector<1x256xf32>
    %dot_general3A_1796 = tpu.matmul %get3A_1794, %mul3A_1791, %dot_general3A_1795 {dimension_numbers = #tpu.dot_dimension_numbers<[1], [0], [0], [1], [0, 0, 1, 1], [], []>, transpose_lhs_hint = false} : vector<1x256xf32>, vector<256x256xf32>, vector<1x256xf32> -> vector<1x256xf32>
    %lt3A_1797 = arith.constant 5.000000e-01 : f32
    %lt3A_1798 = vector.broadcast %lt3A_1797 : f32 to vector<1x256xf32>
    %lt3A_1799 = arith.cmpf olt, %dot_general3A_1796, %lt3A_1798 : vector<1x256xf32>
    %convert_element_type3A_1800 = arith.extui %lt3A_1799 : vector<1x256xi1> to vector<1x256xi32>
    %convert_element_type3A_1801 = arith.sitofp %convert_element_type3A_1800 : vector<1x256xi32> to vector<1x256xf32>
    %mul3A_1802 = arith.mulf %get3A_1794, %convert_element_type3A_1801 : vector<1x256xf32>
    %while3A_1803:2 = scf.while (%while3A_2135 = %get3A_1794, %while3A_2136 = %mul3A_1802) : (vector<1x256xf32>, vector<1x256xf32>) -> (vector<1x256xf32>, vector<1x256xf32>) {
      %sub3A_2137 = arith.subf %while3A_2135, %while3A_2136 : vector<1x256xf32>
      %abs3A = math.absf %sub3A_2137 : vector<1x256xf32>
      %reduce_sum3A = vector.shape_cast %abs3A : vector<1x256xf32> to vector<1x1x256xf32>
      %reduce_sum3A_2138 = arith.constant dense<0.000000e+00> : vector<1xf32>
      %reduce_sum3A_2139 = vector.multi_reduction <add>, %reduce_sum3A, %reduce_sum3A_2138 [1, 2] : vector<1x1x256xf32> to vector<1xf32>
      %reduce_sum3A_2140 = vector.shape_cast %reduce_sum3A_2139 : vector<1xf32> to vector<1x1x1xf32>
      %reduce_sum3A_2141 = vector.extract %reduce_sum3A_2140[0, 0, 0] : f32 from vector<1x1x1xf32>
      %gt3A_2142 = arith.constant 0.000000e+00 : f32
      %gt3A_2143 = arith.cmpf ogt, %reduce_sum3A_2141, %gt3A_2142 : f32
      scf.condition(%gt3A_2143) %while3A_2135, %while3A_2136 : vector<1x256xf32>, vector<1x256xf32>
    } do {
    ^bb0(%while3A_2135: vector<1x256xf32>, %while3A_2136: vector<1x256xf32>):
      %dot_general3A_2137 = arith.constant dense<0.000000e+00> : vector<1x256xf32>
      %dot_general3A_2138 = tpu.matmul %while3A_2136, %mul3A_1791, %dot_general3A_2137 {dimension_numbers = #tpu.dot_dimension_numbers<[1], [0], [0], [1], [0, 0, 1, 1], [], []>, transpose_lhs_hint = false} : vector<1x256xf32>, vector<256x256xf32>, vector<1x256xf32> -> vector<1x256xf32>
      %lt3A_2139 = arith.constant 5.000000e-01 : f32
      %lt3A_2140 = vector.broadcast %lt3A_2139 : f32 to vector<1x256xf32>
      %lt3A_2141 = arith.cmpf olt, %dot_general3A_2138, %lt3A_2140 : vector<1x256xf32>
      %convert_element_type3A_2142 = arith.extui %lt3A_2141 : vector<1x256xi1> to vector<1x256xi32>
      %convert_element_type3A_2143 = arith.sitofp %convert_element_type3A_2142 : vector<1x256xi32> to vector<1x256xf32>
      %mul3A_2144 = arith.mulf %get3A_1794, %convert_element_type3A_2143 : vector<1x256xf32>
      scf.yield %while3A_2136, %mul3A_2144 : vector<1x256xf32>, vector<1x256xf32>
    }
    %swap3A_1804 = arith.constant 0 : index
    %swap3A_1805 = arith.constant 4096 : index
    %swap3A_1806 = vector.load %arg2[%swap3A_1804, %swap3A_1805] : memref<1x5120xf32, #tpu.memory_space<vmem>>, vector<1x256xf32>
    tpu.vector_store %arg2[%swap3A_1804, %swap3A_1805], %while3A_1803#1 {strides = array<i32>} : memref<1x5120xf32, #tpu.memory_space<vmem>>, vector<1x256xf32>,
    %dot_general3A_1807 = arith.constant dense<0.000000e+00> : vector<1x1024xf32>
    %dot_general3A_1808 = tpu.matmul %while3A_1803#1, %convert_element_type3A_1789, %dot_general3A_1807 {dimension_numbers = #tpu.dot_dimension_numbers<[1], [0], [0], [1], [0, 0, 1, 1], [], []>, transpose_lhs_hint = false} : vector<1x256xf32>, vector<256x1024xf32>, vector<1x1024xf32> -> vector<1x1024xf32>
    %slice3A_1809 = vector.extract_strided_slice %dot_general3A_1808 {offsets = [0, 256], sizes = [1, 768], strides = [1, 1]} : vector<1x1024xf32> to vector<1x768xf32>
    %get3A_1810 = arith.constant 0 : index
    %get3A_1811 = arith.constant 4352 : index
    %get3A_1812 = vector.load %arg2[%get3A_1810, %get3A_1811] : memref<1x5120xf32, #tpu.memory_space<vmem>>, vector<1x768xf32>
    %min3A_1813 = arith.constant 1.000000e+00 : f32
    %min3A_1814 = vector.broadcast %min3A_1813 : f32 to vector<1x768xf32>
    %min3A_1815 = arith.minimumf %slice3A_1809, %min3A_1814 : vector<1x768xf32>
    %sub3A_1816 = arith.constant 1.000000e+00 : f32
    %sub3A_1817 = vector.broadcast %sub3A_1816 : f32 to vector<1x768xf32>
    %sub3A_1818 = arith.subf %sub3A_1817, %min3A_1815 : vector<1x768xf32>
    %mul3A_1819 = arith.mulf %get3A_1812, %sub3A_1818 : vector<1x768xf32>
    %swap3A_1820 = arith.constant 0 : index
    %swap3A_1821 = arith.constant 4352 : index
    %swap3A_1822 = vector.load %arg2[%swap3A_1820, %swap3A_1821] : memref<1x5120xf32, #tpu.memory_space<vmem>>, vector<1x768xf32>
    tpu.vector_store %arg2[%swap3A_1820, %swap3A_1821], %mul3A_1819 {strides = array<i32>} : memref<1x5120xf32, #tpu.memory_space<vmem>>, vector<1x768xf32>,
    %get3A_1823 = arith.constant 0 : index
    %get3A_1824 = arith.constant 4352 : index
    %get3A_1825 = vector.load %arg0[%get3A_1823, %get3A_1824] : memref<5x5120xf32, #tpu.memory_space<vmem>>, vector<4x256xf32>
    %transpose3A_1826 = tpu.transpose %get3A_1825, [1, 0] : vector<4x256xf32> -> vector<256x4xf32>
    %slice3A_1827 = vector.extract_strided_slice %transpose3A_1826 {offsets = [0, 0], sizes = [256, 1], strides = [1, 1]} : vector<256x4xf32> to vector<256x1xf32>
    %slice3A_1828 = vector.extract_strided_slice %transpose3A_1826 {offsets = [0, 1], sizes = [256, 1], strides = [1, 1]} : vector<256x4xf32> to vector<256x1xf32>
    %slice3A_1829 = vector.extract_strided_slice %transpose3A_1826 {offsets = [0, 2], sizes = [256, 1], strides = [1, 1]} : vector<256x4xf32> to vector<256x1xf32>
    %slice3A_1830 = vector.extract_strided_slice %transpose3A_1826 {offsets = [0, 3], sizes = [256, 1], strides = [1, 1]} : vector<256x4xf32> to vector<256x1xf32>
    %mul3A_1831 = arith.constant 5.000000e-01 : f32
    %mul3A_1832 = vector.broadcast %mul3A_1831 : f32 to vector<256x1xf32>
    %mul3A_1833 = arith.mulf %slice3A_1829, %mul3A_1832 : vector<256x1xf32>
    %sub3A_1834 = arith.subf %slice3A_1827, %mul3A_1833 : vector<256x1xf32>
    %mul3A_1835 = arith.constant 5.000000e-01 : f32
    %mul3A_1836 = vector.broadcast %mul3A_1835 : f32 to vector<256x1xf32>
    %mul3A_1837 = arith.mulf %slice3A_1830, %mul3A_1836 : vector<256x1xf32>
    %sub3A_1838 = arith.subf %slice3A_1828, %mul3A_1837 : vector<256x1xf32>
    %mul3A_1839 = arith.constant 5.000000e-01 : f32
    %mul3A_1840 = vector.broadcast %mul3A_1839 : f32 to vector<256x1xf32>
    %mul3A_1841 = arith.mulf %slice3A_1829, %mul3A_1840 : vector<256x1xf32>
    %add3A_1842 = arith.addf %slice3A_1827, %mul3A_1841 : vector<256x1xf32>
    %mul3A_1843 = arith.constant 5.000000e-01 : f32
    %mul3A_1844 = vector.broadcast %mul3A_1843 : f32 to vector<256x1xf32>
    %mul3A_1845 = arith.mulf %slice3A_1830, %mul3A_1844 : vector<256x1xf32>
    %add3A_1846 = arith.addf %slice3A_1828, %mul3A_1845 : vector<256x1xf32>
    %sub3A_1847 = arith.subf %add3A_1842, %sub3A_1834 : vector<256x1xf32>
    %max3A_1848 = arith.constant 0.000000e+00 : f32
    %max3A_1849 = vector.broadcast %max3A_1848 : f32 to vector<256x1xf32>
    %max3A_1850 = arith.maximumf %sub3A_1847, %max3A_1849 : vector<256x1xf32>
    %sub3A_1851 = arith.subf %add3A_1846, %sub3A_1838 : vector<256x1xf32>
    %max3A_1852 = arith.constant 0.000000e+00 : f32
    %max3A_1853 = vector.broadcast %max3A_1852 : f32 to vector<256x1xf32>
    %max3A_1854 = arith.maximumf %sub3A_1851, %max3A_1853 : vector<256x1xf32>
    %mul3A_1855 = arith.mulf %max3A_1850, %max3A_1854 : vector<256x1xf32>
    %slice3A_1856 = vector.extract_strided_slice %sub3A {offsets = [0, 4352], sizes = [1, 768], strides = [1, 1]} : vector<1x5120xf32> to vector<1x768xf32>
    %slice3A_1857 = vector.extract_strided_slice %sub3A_19 {offsets = [0, 4352], sizes = [1, 768], strides = [1, 1]} : vector<1x5120xf32> to vector<1x768xf32>
    %slice3A_1858 = vector.extract_strided_slice %add3A {offsets = [0, 4352], sizes = [1, 768], strides = [1, 1]} : vector<1x5120xf32> to vector<1x768xf32>
    %slice3A_1859 = vector.extract_strided_slice %add3A_26 {offsets = [0, 4352], sizes = [1, 768], strides = [1, 1]} : vector<1x5120xf32> to vector<1x768xf32>
    %slice3A_1860 = vector.extract_strided_slice %mul3A_34 {offsets = [0, 4352], sizes = [1, 768], strides = [1, 1]} : vector<1x5120xf32> to vector<1x768xf32>
    %max3A_1861 = vector.broadcast %sub3A_1834 : vector<256x1xf32> to vector<256x768xf32>
    %max3A_1862 = vector.broadcast %slice3A_1856 : vector<1x768xf32> to vector<256x768xf32>
    %max3A_1863 = arith.maximumf %max3A_1861, %max3A_1862 : vector<256x768xf32>
    %max3A_1864 = vector.broadcast %sub3A_1838 : vector<256x1xf32> to vector<256x768xf32>
    %max3A_1865 = vector.broadcast %slice3A_1857 : vector<1x768xf32> to vector<256x768xf32>
    %max3A_1866 = arith.maximumf %max3A_1864, %max3A_1865 : vector<256x768xf32>
    %min3A_1867 = vector.broadcast %add3A_1842 : vector<256x1xf32> to vector<256x768xf32>
    %min3A_1868 = vector.broadcast %slice3A_1858 : vector<1x768xf32> to vector<256x768xf32>
    %min3A_1869 = arith.minimumf %min3A_1867, %min3A_1868 : vector<256x768xf32>
    %min3A_1870 = vector.broadcast %add3A_1846 : vector<256x1xf32> to vector<256x768xf32>
    %min3A_1871 = vector.broadcast %slice3A_1859 : vector<1x768xf32> to vector<256x768xf32>
    %min3A_1872 = arith.minimumf %min3A_1870, %min3A_1871 : vector<256x768xf32>
    %sub3A_1873 = arith.subf %min3A_1869, %max3A_1863 : vector<256x768xf32>
    %max3A_1874 = arith.constant 0.000000e+00 : f32
    %max3A_1875 = vector.broadcast %max3A_1874 : f32 to vector<256x768xf32>
    %max3A_1876 = arith.maximumf %sub3A_1873, %max3A_1875 : vector<256x768xf32>
    %sub3A_1877 = arith.subf %min3A_1872, %max3A_1866 : vector<256x768xf32>
    %max3A_1878 = arith.constant 0.000000e+00 : f32
    %max3A_1879 = vector.broadcast %max3A_1878 : f32 to vector<256x768xf32>
    %max3A_1880 = arith.maximumf %sub3A_1877, %max3A_1879 : vector<256x768xf32>
    %mul3A_1881 = arith.mulf %max3A_1876, %max3A_1880 : vector<256x768xf32>
    %add3A_1882 = vector.broadcast %mul3A_1855 : vector<256x1xf32> to vector<256x768xf32>
    %add3A_1883 = vector.broadcast %slice3A_1860 : vector<1x768xf32> to vector<256x768xf32>
    %add3A_1884 = arith.addf %add3A_1882, %add3A_1883 : vector<256x768xf32>
    %sub3A_1885 = arith.subf %add3A_1884, %mul3A_1881 : vector<256x768xf32>
    %add3A_1886 = arith.constant 9.99999971E-10 : f32
    %add3A_1887 = vector.broadcast %add3A_1886 : f32 to vector<256x768xf32>
    %add3A_1888 = arith.addf %sub3A_1885, %add3A_1887 : vector<256x768xf32>
    %div3A_1889 = arith.divf %mul3A_1881, %add3A_1888 : vector<256x768xf32>
    %gt3A_1890 = arith.constant 3.000000e-01 : f32
    %gt3A_1891 = vector.broadcast %gt3A_1890 : f32 to vector<256x768xf32>
    %gt3A_1892 = arith.cmpf ogt, %div3A_1889, %gt3A_1891 : vector<256x768xf32>
    %convert_element_type3A_1893 = arith.extui %gt3A_1892 : vector<256x768xi1> to vector<256x768xi32>
    %convert_element_type3A_1894 = arith.sitofp %convert_element_type3A_1893 : vector<256x768xi32> to vector<256x768xf32>
    %slice3A_1895 = vector.extract_strided_slice %convert_element_type3A_1894 {offsets = [0, 0], sizes = [256, 256], strides = [1, 1]} : vector<256x768xf32> to vector<256x256xf32>
    %mul3A_1896 = arith.mulf %slice3A_1895, %convert_element_type3A_44 : vector<256x256xf32>
    %get3A_1897 = arith.constant 0 : index
    %get3A_1898 = arith.constant 4352 : index
    %get3A_1899 = vector.load %arg2[%get3A_1897, %get3A_1898] : memref<1x5120xf32, #tpu.memory_space<vmem>>, vector<1x256xf32>
    %dot_general3A_1900 = arith.constant dense<0.000000e+00> : vector<1x256xf32>
    %dot_general3A_1901 = tpu.matmul %get3A_1899, %mul3A_1896, %dot_general3A_1900 {dimension_numbers = #tpu.dot_dimension_numbers<[1], [0], [0], [1], [0, 0, 1, 1], [], []>, transpose_lhs_hint = false} : vector<1x256xf32>, vector<256x256xf32>, vector<1x256xf32> -> vector<1x256xf32>
    %lt3A_1902 = arith.constant 5.000000e-01 : f32
    %lt3A_1903 = vector.broadcast %lt3A_1902 : f32 to vector<1x256xf32>
    %lt3A_1904 = arith.cmpf olt, %dot_general3A_1901, %lt3A_1903 : vector<1x256xf32>
    %convert_element_type3A_1905 = arith.extui %lt3A_1904 : vector<1x256xi1> to vector<1x256xi32>
    %convert_element_type3A_1906 = arith.sitofp %convert_element_type3A_1905 : vector<1x256xi32> to vector<1x256xf32>
    %mul3A_1907 = arith.mulf %get3A_1899, %convert_element_type3A_1906 : vector<1x256xf32>
    %while3A_1908:2 = scf.while (%while3A_2135 = %get3A_1899, %while3A_2136 = %mul3A_1907) : (vector<1x256xf32>, vector<1x256xf32>) -> (vector<1x256xf32>, vector<1x256xf32>) {
      %sub3A_2137 = arith.subf %while3A_2135, %while3A_2136 : vector<1x256xf32>
      %abs3A = math.absf %sub3A_2137 : vector<1x256xf32>
      %reduce_sum3A = vector.shape_cast %abs3A : vector<1x256xf32> to vector<1x1x256xf32>
      %reduce_sum3A_2138 = arith.constant dense<0.000000e+00> : vector<1xf32>
      %reduce_sum3A_2139 = vector.multi_reduction <add>, %reduce_sum3A, %reduce_sum3A_2138 [1, 2] : vector<1x1x256xf32> to vector<1xf32>
      %reduce_sum3A_2140 = vector.shape_cast %reduce_sum3A_2139 : vector<1xf32> to vector<1x1x1xf32>
      %reduce_sum3A_2141 = vector.extract %reduce_sum3A_2140[0, 0, 0] : f32 from vector<1x1x1xf32>
      %gt3A_2142 = arith.constant 0.000000e+00 : f32
      %gt3A_2143 = arith.cmpf ogt, %reduce_sum3A_2141, %gt3A_2142 : f32
      scf.condition(%gt3A_2143) %while3A_2135, %while3A_2136 : vector<1x256xf32>, vector<1x256xf32>
    } do {
    ^bb0(%while3A_2135: vector<1x256xf32>, %while3A_2136: vector<1x256xf32>):
      %dot_general3A_2137 = arith.constant dense<0.000000e+00> : vector<1x256xf32>
      %dot_general3A_2138 = tpu.matmul %while3A_2136, %mul3A_1896, %dot_general3A_2137 {dimension_numbers = #tpu.dot_dimension_numbers<[1], [0], [0], [1], [0, 0, 1, 1], [], []>, transpose_lhs_hint = false} : vector<1x256xf32>, vector<256x256xf32>, vector<1x256xf32> -> vector<1x256xf32>
      %lt3A_2139 = arith.constant 5.000000e-01 : f32
      %lt3A_2140 = vector.broadcast %lt3A_2139 : f32 to vector<1x256xf32>
      %lt3A_2141 = arith.cmpf olt, %dot_general3A_2138, %lt3A_2140 : vector<1x256xf32>
      %convert_element_type3A_2142 = arith.extui %lt3A_2141 : vector<1x256xi1> to vector<1x256xi32>
      %convert_element_type3A_2143 = arith.sitofp %convert_element_type3A_2142 : vector<1x256xi32> to vector<1x256xf32>
      %mul3A_2144 = arith.mulf %get3A_1899, %convert_element_type3A_2143 : vector<1x256xf32>
      scf.yield %while3A_2136, %mul3A_2144 : vector<1x256xf32>, vector<1x256xf32>
    }
    %swap3A_1909 = arith.constant 0 : index
    %swap3A_1910 = arith.constant 4352 : index
    %swap3A_1911 = vector.load %arg2[%swap3A_1909, %swap3A_1910] : memref<1x5120xf32, #tpu.memory_space<vmem>>, vector<1x256xf32>
    tpu.vector_store %arg2[%swap3A_1909, %swap3A_1910], %while3A_1908#1 {strides = array<i32>} : memref<1x5120xf32, #tpu.memory_space<vmem>>, vector<1x256xf32>,
    %dot_general3A_1912 = arith.constant dense<0.000000e+00> : vector<1x768xf32>
    %dot_general3A_1913 = tpu.matmul %while3A_1908#1, %convert_element_type3A_1894, %dot_general3A_1912 {dimension_numbers = #tpu.dot_dimension_numbers<[1], [0], [0], [1], [0, 0, 1, 1], [], []>, transpose_lhs_hint = false} : vector<1x256xf32>, vector<256x768xf32>, vector<1x768xf32> -> vector<1x768xf32>
    %slice3A_1914 = vector.extract_strided_slice %dot_general3A_1913 {offsets = [0, 256], sizes = [1, 512], strides = [1, 1]} : vector<1x768xf32> to vector<1x512xf32>
    %get3A_1915 = arith.constant 0 : index
    %get3A_1916 = arith.constant 4608 : index
    %get3A_1917 = vector.load %arg2[%get3A_1915, %get3A_1916] : memref<1x5120xf32, #tpu.memory_space<vmem>>, vector<1x512xf32>
    %min3A_1918 = arith.constant 1.000000e+00 : f32
    %min3A_1919 = vector.broadcast %min3A_1918 : f32 to vector<1x512xf32>
    %min3A_1920 = arith.minimumf %slice3A_1914, %min3A_1919 : vector<1x512xf32>
    %sub3A_1921 = arith.constant 1.000000e+00 : f32
    %sub3A_1922 = vector.broadcast %sub3A_1921 : f32 to vector<1x512xf32>
    %sub3A_1923 = arith.subf %sub3A_1922, %min3A_1920 : vector<1x512xf32>
    %mul3A_1924 = arith.mulf %get3A_1917, %sub3A_1923 : vector<1x512xf32>
    %swap3A_1925 = arith.constant 0 : index
    %swap3A_1926 = arith.constant 4608 : index
    %swap3A_1927 = vector.load %arg2[%swap3A_1925, %swap3A_1926] : memref<1x5120xf32, #tpu.memory_space<vmem>>, vector<1x512xf32>
    tpu.vector_store %arg2[%swap3A_1925, %swap3A_1926], %mul3A_1924 {strides = array<i32>} : memref<1x5120xf32, #tpu.memory_space<vmem>>, vector<1x512xf32>,
    %get3A_1928 = arith.constant 0 : index
    %get3A_1929 = arith.constant 4608 : index
    %get3A_1930 = vector.load %arg0[%get3A_1928, %get3A_1929] : memref<5x5120xf32, #tpu.memory_space<vmem>>, vector<4x256xf32>
    %transpose3A_1931 = tpu.transpose %get3A_1930, [1, 0] : vector<4x256xf32> -> vector<256x4xf32>
    %slice3A_1932 = vector.extract_strided_slice %transpose3A_1931 {offsets = [0, 0], sizes = [256, 1], strides = [1, 1]} : vector<256x4xf32> to vector<256x1xf32>
    %slice3A_1933 = vector.extract_strided_slice %transpose3A_1931 {offsets = [0, 1], sizes = [256, 1], strides = [1, 1]} : vector<256x4xf32> to vector<256x1xf32>
    %slice3A_1934 = vector.extract_strided_slice %transpose3A_1931 {offsets = [0, 2], sizes = [256, 1], strides = [1, 1]} : vector<256x4xf32> to vector<256x1xf32>
    %slice3A_1935 = vector.extract_strided_slice %transpose3A_1931 {offsets = [0, 3], sizes = [256, 1], strides = [1, 1]} : vector<256x4xf32> to vector<256x1xf32>
    %mul3A_1936 = arith.constant 5.000000e-01 : f32
    %mul3A_1937 = vector.broadcast %mul3A_1936 : f32 to vector<256x1xf32>
    %mul3A_1938 = arith.mulf %slice3A_1934, %mul3A_1937 : vector<256x1xf32>
    %sub3A_1939 = arith.subf %slice3A_1932, %mul3A_1938 : vector<256x1xf32>
    %mul3A_1940 = arith.constant 5.000000e-01 : f32
    %mul3A_1941 = vector.broadcast %mul3A_1940 : f32 to vector<256x1xf32>
    %mul3A_1942 = arith.mulf %slice3A_1935, %mul3A_1941 : vector<256x1xf32>
    %sub3A_1943 = arith.subf %slice3A_1933, %mul3A_1942 : vector<256x1xf32>
    %mul3A_1944 = arith.constant 5.000000e-01 : f32
    %mul3A_1945 = vector.broadcast %mul3A_1944 : f32 to vector<256x1xf32>
    %mul3A_1946 = arith.mulf %slice3A_1934, %mul3A_1945 : vector<256x1xf32>
    %add3A_1947 = arith.addf %slice3A_1932, %mul3A_1946 : vector<256x1xf32>
    %mul3A_1948 = arith.constant 5.000000e-01 : f32
    %mul3A_1949 = vector.broadcast %mul3A_1948 : f32 to vector<256x1xf32>
    %mul3A_1950 = arith.mulf %slice3A_1935, %mul3A_1949 : vector<256x1xf32>
    %add3A_1951 = arith.addf %slice3A_1933, %mul3A_1950 : vector<256x1xf32>
    %sub3A_1952 = arith.subf %add3A_1947, %sub3A_1939 : vector<256x1xf32>
    %max3A_1953 = arith.constant 0.000000e+00 : f32
    %max3A_1954 = vector.broadcast %max3A_1953 : f32 to vector<256x1xf32>
    %max3A_1955 = arith.maximumf %sub3A_1952, %max3A_1954 : vector<256x1xf32>
    %sub3A_1956 = arith.subf %add3A_1951, %sub3A_1943 : vector<256x1xf32>
    %max3A_1957 = arith.constant 0.000000e+00 : f32
    %max3A_1958 = vector.broadcast %max3A_1957 : f32 to vector<256x1xf32>
    %max3A_1959 = arith.maximumf %sub3A_1956, %max3A_1958 : vector<256x1xf32>
    %mul3A_1960 = arith.mulf %max3A_1955, %max3A_1959 : vector<256x1xf32>
    %slice3A_1961 = vector.extract_strided_slice %sub3A {offsets = [0, 4608], sizes = [1, 512], strides = [1, 1]} : vector<1x5120xf32> to vector<1x512xf32>
    %slice3A_1962 = vector.extract_strided_slice %sub3A_19 {offsets = [0, 4608], sizes = [1, 512], strides = [1, 1]} : vector<1x5120xf32> to vector<1x512xf32>
    %slice3A_1963 = vector.extract_strided_slice %add3A {offsets = [0, 4608], sizes = [1, 512], strides = [1, 1]} : vector<1x5120xf32> to vector<1x512xf32>
    %slice3A_1964 = vector.extract_strided_slice %add3A_26 {offsets = [0, 4608], sizes = [1, 512], strides = [1, 1]} : vector<1x5120xf32> to vector<1x512xf32>
    %slice3A_1965 = vector.extract_strided_slice %mul3A_34 {offsets = [0, 4608], sizes = [1, 512], strides = [1, 1]} : vector<1x5120xf32> to vector<1x512xf32>
    %max3A_1966 = vector.broadcast %sub3A_1939 : vector<256x1xf32> to vector<256x512xf32>
    %max3A_1967 = vector.broadcast %slice3A_1961 : vector<1x512xf32> to vector<256x512xf32>
    %max3A_1968 = arith.maximumf %max3A_1966, %max3A_1967 : vector<256x512xf32>
    %max3A_1969 = vector.broadcast %sub3A_1943 : vector<256x1xf32> to vector<256x512xf32>
    %max3A_1970 = vector.broadcast %slice3A_1962 : vector<1x512xf32> to vector<256x512xf32>
    %max3A_1971 = arith.maximumf %max3A_1969, %max3A_1970 : vector<256x512xf32>
    %min3A_1972 = vector.broadcast %add3A_1947 : vector<256x1xf32> to vector<256x512xf32>
    %min3A_1973 = vector.broadcast %slice3A_1963 : vector<1x512xf32> to vector<256x512xf32>
    %min3A_1974 = arith.minimumf %min3A_1972, %min3A_1973 : vector<256x512xf32>
    %min3A_1975 = vector.broadcast %add3A_1951 : vector<256x1xf32> to vector<256x512xf32>
    %min3A_1976 = vector.broadcast %slice3A_1964 : vector<1x512xf32> to vector<256x512xf32>
    %min3A_1977 = arith.minimumf %min3A_1975, %min3A_1976 : vector<256x512xf32>
    %sub3A_1978 = arith.subf %min3A_1974, %max3A_1968 : vector<256x512xf32>
    %max3A_1979 = arith.constant 0.000000e+00 : f32
    %max3A_1980 = vector.broadcast %max3A_1979 : f32 to vector<256x512xf32>
    %max3A_1981 = arith.maximumf %sub3A_1978, %max3A_1980 : vector<256x512xf32>
    %sub3A_1982 = arith.subf %min3A_1977, %max3A_1971 : vector<256x512xf32>
    %max3A_1983 = arith.constant 0.000000e+00 : f32
    %max3A_1984 = vector.broadcast %max3A_1983 : f32 to vector<256x512xf32>
    %max3A_1985 = arith.maximumf %sub3A_1982, %max3A_1984 : vector<256x512xf32>
    %mul3A_1986 = arith.mulf %max3A_1981, %max3A_1985 : vector<256x512xf32>
    %add3A_1987 = vector.broadcast %mul3A_1960 : vector<256x1xf32> to vector<256x512xf32>
    %add3A_1988 = vector.broadcast %slice3A_1965 : vector<1x512xf32> to vector<256x512xf32>
    %add3A_1989 = arith.addf %add3A_1987, %add3A_1988 : vector<256x512xf32>
    %sub3A_1990 = arith.subf %add3A_1989, %mul3A_1986 : vector<256x512xf32>
    %add3A_1991 = arith.constant 9.99999971E-10 : f32
    %add3A_1992 = vector.broadcast %add3A_1991 : f32 to vector<256x512xf32>
    %add3A_1993 = arith.addf %sub3A_1990, %add3A_1992 : vector<256x512xf32>
    %div3A_1994 = arith.divf %mul3A_1986, %add3A_1993 : vector<256x512xf32>
    %gt3A_1995 = arith.constant 3.000000e-01 : f32
    %gt3A_1996 = vector.broadcast %gt3A_1995 : f32 to vector<256x512xf32>
    %gt3A_1997 = arith.cmpf ogt, %div3A_1994, %gt3A_1996 : vector<256x512xf32>
    %convert_element_type3A_1998 = arith.extui %gt3A_1997 : vector<256x512xi1> to vector<256x512xi32>
    %convert_element_type3A_1999 = arith.sitofp %convert_element_type3A_1998 : vector<256x512xi32> to vector<256x512xf32>
    %slice3A_2000 = vector.extract_strided_slice %convert_element_type3A_1999 {offsets = [0, 0], sizes = [256, 256], strides = [1, 1]} : vector<256x512xf32> to vector<256x256xf32>
    %mul3A_2001 = arith.mulf %slice3A_2000, %convert_element_type3A_44 : vector<256x256xf32>
    %get3A_2002 = arith.constant 0 : index
    %get3A_2003 = arith.constant 4608 : index
    %get3A_2004 = vector.load %arg2[%get3A_2002, %get3A_2003] : memref<1x5120xf32, #tpu.memory_space<vmem>>, vector<1x256xf32>
    %dot_general3A_2005 = arith.constant dense<0.000000e+00> : vector<1x256xf32>
    %dot_general3A_2006 = tpu.matmul %get3A_2004, %mul3A_2001, %dot_general3A_2005 {dimension_numbers = #tpu.dot_dimension_numbers<[1], [0], [0], [1], [0, 0, 1, 1], [], []>, transpose_lhs_hint = false} : vector<1x256xf32>, vector<256x256xf32>, vector<1x256xf32> -> vector<1x256xf32>
    %lt3A_2007 = arith.constant 5.000000e-01 : f32
    %lt3A_2008 = vector.broadcast %lt3A_2007 : f32 to vector<1x256xf32>
    %lt3A_2009 = arith.cmpf olt, %dot_general3A_2006, %lt3A_2008 : vector<1x256xf32>
    %convert_element_type3A_2010 = arith.extui %lt3A_2009 : vector<1x256xi1> to vector<1x256xi32>
    %convert_element_type3A_2011 = arith.sitofp %convert_element_type3A_2010 : vector<1x256xi32> to vector<1x256xf32>
    %mul3A_2012 = arith.mulf %get3A_2004, %convert_element_type3A_2011 : vector<1x256xf32>
    %while3A_2013:2 = scf.while (%while3A_2135 = %get3A_2004, %while3A_2136 = %mul3A_2012) : (vector<1x256xf32>, vector<1x256xf32>) -> (vector<1x256xf32>, vector<1x256xf32>) {
      %sub3A_2137 = arith.subf %while3A_2135, %while3A_2136 : vector<1x256xf32>
      %abs3A = math.absf %sub3A_2137 : vector<1x256xf32>
      %reduce_sum3A = vector.shape_cast %abs3A : vector<1x256xf32> to vector<1x1x256xf32>
      %reduce_sum3A_2138 = arith.constant dense<0.000000e+00> : vector<1xf32>
      %reduce_sum3A_2139 = vector.multi_reduction <add>, %reduce_sum3A, %reduce_sum3A_2138 [1, 2] : vector<1x1x256xf32> to vector<1xf32>
      %reduce_sum3A_2140 = vector.shape_cast %reduce_sum3A_2139 : vector<1xf32> to vector<1x1x1xf32>
      %reduce_sum3A_2141 = vector.extract %reduce_sum3A_2140[0, 0, 0] : f32 from vector<1x1x1xf32>
      %gt3A_2142 = arith.constant 0.000000e+00 : f32
      %gt3A_2143 = arith.cmpf ogt, %reduce_sum3A_2141, %gt3A_2142 : f32
      scf.condition(%gt3A_2143) %while3A_2135, %while3A_2136 : vector<1x256xf32>, vector<1x256xf32>
    } do {
    ^bb0(%while3A_2135: vector<1x256xf32>, %while3A_2136: vector<1x256xf32>):
      %dot_general3A_2137 = arith.constant dense<0.000000e+00> : vector<1x256xf32>
      %dot_general3A_2138 = tpu.matmul %while3A_2136, %mul3A_2001, %dot_general3A_2137 {dimension_numbers = #tpu.dot_dimension_numbers<[1], [0], [0], [1], [0, 0, 1, 1], [], []>, transpose_lhs_hint = false} : vector<1x256xf32>, vector<256x256xf32>, vector<1x256xf32> -> vector<1x256xf32>
      %lt3A_2139 = arith.constant 5.000000e-01 : f32
      %lt3A_2140 = vector.broadcast %lt3A_2139 : f32 to vector<1x256xf32>
      %lt3A_2141 = arith.cmpf olt, %dot_general3A_2138, %lt3A_2140 : vector<1x256xf32>
      %convert_element_type3A_2142 = arith.extui %lt3A_2141 : vector<1x256xi1> to vector<1x256xi32>
      %convert_element_type3A_2143 = arith.sitofp %convert_element_type3A_2142 : vector<1x256xi32> to vector<1x256xf32>
      %mul3A_2144 = arith.mulf %get3A_2004, %convert_element_type3A_2143 : vector<1x256xf32>
      scf.yield %while3A_2136, %mul3A_2144 : vector<1x256xf32>, vector<1x256xf32>
    }
    %swap3A_2014 = arith.constant 0 : index
    %swap3A_2015 = arith.constant 4608 : index
    %swap3A_2016 = vector.load %arg2[%swap3A_2014, %swap3A_2015] : memref<1x5120xf32, #tpu.memory_space<vmem>>, vector<1x256xf32>
    tpu.vector_store %arg2[%swap3A_2014, %swap3A_2015], %while3A_2013#1 {strides = array<i32>} : memref<1x5120xf32, #tpu.memory_space<vmem>>, vector<1x256xf32>,
    %dot_general3A_2017 = arith.constant dense<0.000000e+00> : vector<1x512xf32>
    %dot_general3A_2018 = tpu.matmul %while3A_2013#1, %convert_element_type3A_1999, %dot_general3A_2017 {dimension_numbers = #tpu.dot_dimension_numbers<[1], [0], [0], [1], [0, 0, 1, 1], [], []>, transpose_lhs_hint = false} : vector<1x256xf32>, vector<256x512xf32>, vector<1x512xf32> -> vector<1x512xf32>
    %slice3A_2019 = vector.extract_strided_slice %dot_general3A_2018 {offsets = [0, 256], sizes = [1, 256], strides = [1, 1]} : vector<1x512xf32> to vector<1x256xf32>
    %get3A_2020 = arith.constant 0 : index
    %get3A_2021 = arith.constant 4864 : index
    %get3A_2022 = vector.load %arg2[%get3A_2020, %get3A_2021] : memref<1x5120xf32, #tpu.memory_space<vmem>>, vector<1x256xf32>
    %min3A_2023 = arith.constant 1.000000e+00 : f32
    %min3A_2024 = vector.broadcast %min3A_2023 : f32 to vector<1x256xf32>
    %min3A_2025 = arith.minimumf %slice3A_2019, %min3A_2024 : vector<1x256xf32>
    %sub3A_2026 = arith.constant 1.000000e+00 : f32
    %sub3A_2027 = vector.broadcast %sub3A_2026 : f32 to vector<1x256xf32>
    %sub3A_2028 = arith.subf %sub3A_2027, %min3A_2025 : vector<1x256xf32>
    %mul3A_2029 = arith.mulf %get3A_2022, %sub3A_2028 : vector<1x256xf32>
    %swap3A_2030 = arith.constant 0 : index
    %swap3A_2031 = arith.constant 4864 : index
    %swap3A_2032 = vector.load %arg2[%swap3A_2030, %swap3A_2031] : memref<1x5120xf32, #tpu.memory_space<vmem>>, vector<1x256xf32>
    tpu.vector_store %arg2[%swap3A_2030, %swap3A_2031], %mul3A_2029 {strides = array<i32>} : memref<1x5120xf32, #tpu.memory_space<vmem>>, vector<1x256xf32>,
    %get3A_2033 = arith.constant 0 : index
    %get3A_2034 = arith.constant 4864 : index
    %get3A_2035 = vector.load %arg0[%get3A_2033, %get3A_2034] : memref<5x5120xf32, #tpu.memory_space<vmem>>, vector<4x256xf32>
    %transpose3A_2036 = tpu.transpose %get3A_2035, [1, 0] : vector<4x256xf32> -> vector<256x4xf32>
    %slice3A_2037 = vector.extract_strided_slice %transpose3A_2036 {offsets = [0, 0], sizes = [256, 1], strides = [1, 1]} : vector<256x4xf32> to vector<256x1xf32>
    %slice3A_2038 = vector.extract_strided_slice %transpose3A_2036 {offsets = [0, 1], sizes = [256, 1], strides = [1, 1]} : vector<256x4xf32> to vector<256x1xf32>
    %slice3A_2039 = vector.extract_strided_slice %transpose3A_2036 {offsets = [0, 2], sizes = [256, 1], strides = [1, 1]} : vector<256x4xf32> to vector<256x1xf32>
    %slice3A_2040 = vector.extract_strided_slice %transpose3A_2036 {offsets = [0, 3], sizes = [256, 1], strides = [1, 1]} : vector<256x4xf32> to vector<256x1xf32>
    %mul3A_2041 = arith.constant 5.000000e-01 : f32
    %mul3A_2042 = vector.broadcast %mul3A_2041 : f32 to vector<256x1xf32>
    %mul3A_2043 = arith.mulf %slice3A_2039, %mul3A_2042 : vector<256x1xf32>
    %sub3A_2044 = arith.subf %slice3A_2037, %mul3A_2043 : vector<256x1xf32>
    %mul3A_2045 = arith.constant 5.000000e-01 : f32
    %mul3A_2046 = vector.broadcast %mul3A_2045 : f32 to vector<256x1xf32>
    %mul3A_2047 = arith.mulf %slice3A_2040, %mul3A_2046 : vector<256x1xf32>
    %sub3A_2048 = arith.subf %slice3A_2038, %mul3A_2047 : vector<256x1xf32>
    %mul3A_2049 = arith.constant 5.000000e-01 : f32
    %mul3A_2050 = vector.broadcast %mul3A_2049 : f32 to vector<256x1xf32>
    %mul3A_2051 = arith.mulf %slice3A_2039, %mul3A_2050 : vector<256x1xf32>
    %add3A_2052 = arith.addf %slice3A_2037, %mul3A_2051 : vector<256x1xf32>
    %mul3A_2053 = arith.constant 5.000000e-01 : f32
    %mul3A_2054 = vector.broadcast %mul3A_2053 : f32 to vector<256x1xf32>
    %mul3A_2055 = arith.mulf %slice3A_2040, %mul3A_2054 : vector<256x1xf32>
    %add3A_2056 = arith.addf %slice3A_2038, %mul3A_2055 : vector<256x1xf32>
    %sub3A_2057 = arith.subf %add3A_2052, %sub3A_2044 : vector<256x1xf32>
    %max3A_2058 = arith.constant 0.000000e+00 : f32
    %max3A_2059 = vector.broadcast %max3A_2058 : f32 to vector<256x1xf32>
    %max3A_2060 = arith.maximumf %sub3A_2057, %max3A_2059 : vector<256x1xf32>
    %sub3A_2061 = arith.subf %add3A_2056, %sub3A_2048 : vector<256x1xf32>
    %max3A_2062 = arith.constant 0.000000e+00 : f32
    %max3A_2063 = vector.broadcast %max3A_2062 : f32 to vector<256x1xf32>
    %max3A_2064 = arith.maximumf %sub3A_2061, %max3A_2063 : vector<256x1xf32>
    %mul3A_2065 = arith.mulf %max3A_2060, %max3A_2064 : vector<256x1xf32>
    %slice3A_2066 = vector.extract_strided_slice %sub3A {offsets = [0, 4864], sizes = [1, 256], strides = [1, 1]} : vector<1x5120xf32> to vector<1x256xf32>
    %slice3A_2067 = vector.extract_strided_slice %sub3A_19 {offsets = [0, 4864], sizes = [1, 256], strides = [1, 1]} : vector<1x5120xf32> to vector<1x256xf32>
    %slice3A_2068 = vector.extract_strided_slice %add3A {offsets = [0, 4864], sizes = [1, 256], strides = [1, 1]} : vector<1x5120xf32> to vector<1x256xf32>
    %slice3A_2069 = vector.extract_strided_slice %add3A_26 {offsets = [0, 4864], sizes = [1, 256], strides = [1, 1]} : vector<1x5120xf32> to vector<1x256xf32>
    %slice3A_2070 = vector.extract_strided_slice %mul3A_34 {offsets = [0, 4864], sizes = [1, 256], strides = [1, 1]} : vector<1x5120xf32> to vector<1x256xf32>
    %max3A_2071 = vector.broadcast %sub3A_2044 : vector<256x1xf32> to vector<256x256xf32>
    %max3A_2072 = vector.broadcast %slice3A_2066 : vector<1x256xf32> to vector<256x256xf32>
    %max3A_2073 = arith.maximumf %max3A_2071, %max3A_2072 : vector<256x256xf32>
    %max3A_2074 = vector.broadcast %sub3A_2048 : vector<256x1xf32> to vector<256x256xf32>
    %max3A_2075 = vector.broadcast %slice3A_2067 : vector<1x256xf32> to vector<256x256xf32>
    %max3A_2076 = arith.maximumf %max3A_2074, %max3A_2075 : vector<256x256xf32>
    %min3A_2077 = vector.broadcast %add3A_2052 : vector<256x1xf32> to vector<256x256xf32>
    %min3A_2078 = vector.broadcast %slice3A_2068 : vector<1x256xf32> to vector<256x256xf32>
    %min3A_2079 = arith.minimumf %min3A_2077, %min3A_2078 : vector<256x256xf32>
    %min3A_2080 = vector.broadcast %add3A_2056 : vector<256x1xf32> to vector<256x256xf32>
    %min3A_2081 = vector.broadcast %slice3A_2069 : vector<1x256xf32> to vector<256x256xf32>
    %min3A_2082 = arith.minimumf %min3A_2080, %min3A_2081 : vector<256x256xf32>
    %sub3A_2083 = arith.subf %min3A_2079, %max3A_2073 : vector<256x256xf32>
    %max3A_2084 = arith.constant 0.000000e+00 : f32
    %max3A_2085 = vector.broadcast %max3A_2084 : f32 to vector<256x256xf32>
    %max3A_2086 = arith.maximumf %sub3A_2083, %max3A_2085 : vector<256x256xf32>
    %sub3A_2087 = arith.subf %min3A_2082, %max3A_2076 : vector<256x256xf32>
    %max3A_2088 = arith.constant 0.000000e+00 : f32
    %max3A_2089 = vector.broadcast %max3A_2088 : f32 to vector<256x256xf32>
    %max3A_2090 = arith.maximumf %sub3A_2087, %max3A_2089 : vector<256x256xf32>
    %mul3A_2091 = arith.mulf %max3A_2086, %max3A_2090 : vector<256x256xf32>
    %add3A_2092 = vector.broadcast %mul3A_2065 : vector<256x1xf32> to vector<256x256xf32>
    %add3A_2093 = vector.broadcast %slice3A_2070 : vector<1x256xf32> to vector<256x256xf32>
    %add3A_2094 = arith.addf %add3A_2092, %add3A_2093 : vector<256x256xf32>
    %sub3A_2095 = arith.subf %add3A_2094, %mul3A_2091 : vector<256x256xf32>
    %add3A_2096 = arith.constant 9.99999971E-10 : f32
    %add3A_2097 = vector.broadcast %add3A_2096 : f32 to vector<256x256xf32>
    %add3A_2098 = arith.addf %sub3A_2095, %add3A_2097 : vector<256x256xf32>
    %div3A_2099 = arith.divf %mul3A_2091, %add3A_2098 : vector<256x256xf32>
    %gt3A_2100 = arith.constant 3.000000e-01 : f32
    %gt3A_2101 = vector.broadcast %gt3A_2100 : f32 to vector<256x256xf32>
    %gt3A_2102 = arith.cmpf ogt, %div3A_2099, %gt3A_2101 : vector<256x256xf32>
    %convert_element_type3A_2103 = arith.extui %gt3A_2102 : vector<256x256xi1> to vector<256x256xi32>
    %convert_element_type3A_2104 = arith.sitofp %convert_element_type3A_2103 : vector<256x256xi32> to vector<256x256xf32>
    %slice3A_2105 = vector.extract_strided_slice %convert_element_type3A_2104 {offsets = [0, 0], sizes = [256, 256], strides = [1, 1]} : vector<256x256xf32> to vector<256x256xf32>
    %mul3A_2106 = arith.mulf %slice3A_2105, %convert_element_type3A_44 : vector<256x256xf32>
    %get3A_2107 = arith.constant 0 : index
    %get3A_2108 = arith.constant 4864 : index
    %get3A_2109 = vector.load %arg2[%get3A_2107, %get3A_2108] : memref<1x5120xf32, #tpu.memory_space<vmem>>, vector<1x256xf32>
    %dot_general3A_2110 = arith.constant dense<0.000000e+00> : vector<1x256xf32>
    %dot_general3A_2111 = tpu.matmul %get3A_2109, %mul3A_2106, %dot_general3A_2110 {dimension_numbers = #tpu.dot_dimension_numbers<[1], [0], [0], [1], [0, 0, 1, 1], [], []>, transpose_lhs_hint = false} : vector<1x256xf32>, vector<256x256xf32>, vector<1x256xf32> -> vector<1x256xf32>
    %lt3A_2112 = arith.constant 5.000000e-01 : f32
    %lt3A_2113 = vector.broadcast %lt3A_2112 : f32 to vector<1x256xf32>
    %lt3A_2114 = arith.cmpf olt, %dot_general3A_2111, %lt3A_2113 : vector<1x256xf32>
    %convert_element_type3A_2115 = arith.extui %lt3A_2114 : vector<1x256xi1> to vector<1x256xi32>
    %convert_element_type3A_2116 = arith.sitofp %convert_element_type3A_2115 : vector<1x256xi32> to vector<1x256xf32>
    %mul3A_2117 = arith.mulf %get3A_2109, %convert_element_type3A_2116 : vector<1x256xf32>
    %while3A_2118:2 = scf.while (%while3A_2135 = %get3A_2109, %while3A_2136 = %mul3A_2117) : (vector<1x256xf32>, vector<1x256xf32>) -> (vector<1x256xf32>, vector<1x256xf32>) {
      %sub3A_2137 = arith.subf %while3A_2135, %while3A_2136 : vector<1x256xf32>
      %abs3A = math.absf %sub3A_2137 : vector<1x256xf32>
      %reduce_sum3A = vector.shape_cast %abs3A : vector<1x256xf32> to vector<1x1x256xf32>
      %reduce_sum3A_2138 = arith.constant dense<0.000000e+00> : vector<1xf32>
      %reduce_sum3A_2139 = vector.multi_reduction <add>, %reduce_sum3A, %reduce_sum3A_2138 [1, 2] : vector<1x1x256xf32> to vector<1xf32>
      %reduce_sum3A_2140 = vector.shape_cast %reduce_sum3A_2139 : vector<1xf32> to vector<1x1x1xf32>
      %reduce_sum3A_2141 = vector.extract %reduce_sum3A_2140[0, 0, 0] : f32 from vector<1x1x1xf32>
      %gt3A_2142 = arith.constant 0.000000e+00 : f32
      %gt3A_2143 = arith.cmpf ogt, %reduce_sum3A_2141, %gt3A_2142 : f32
      scf.condition(%gt3A_2143) %while3A_2135, %while3A_2136 : vector<1x256xf32>, vector<1x256xf32>
    } do {
    ^bb0(%while3A_2135: vector<1x256xf32>, %while3A_2136: vector<1x256xf32>):
      %dot_general3A_2137 = arith.constant dense<0.000000e+00> : vector<1x256xf32>
      %dot_general3A_2138 = tpu.matmul %while3A_2136, %mul3A_2106, %dot_general3A_2137 {dimension_numbers = #tpu.dot_dimension_numbers<[1], [0], [0], [1], [0, 0, 1, 1], [], []>, transpose_lhs_hint = false} : vector<1x256xf32>, vector<256x256xf32>, vector<1x256xf32> -> vector<1x256xf32>
      %lt3A_2139 = arith.constant 5.000000e-01 : f32
      %lt3A_2140 = vector.broadcast %lt3A_2139 : f32 to vector<1x256xf32>
      %lt3A_2141 = arith.cmpf olt, %dot_general3A_2138, %lt3A_2140 : vector<1x256xf32>
      %convert_element_type3A_2142 = arith.extui %lt3A_2141 : vector<1x256xi1> to vector<1x256xi32>
      %convert_element_type3A_2143 = arith.sitofp %convert_element_type3A_2142 : vector<1x256xi32> to vector<1x256xf32>
      %mul3A_2144 = arith.mulf %get3A_2109, %convert_element_type3A_2143 : vector<1x256xf32>
      scf.yield %while3A_2136, %mul3A_2144 : vector<1x256xf32>, vector<1x256xf32>
    }
    %swap3A_2119 = arith.constant 0 : index
    %swap3A_2120 = arith.constant 4864 : index
    %swap3A_2121 = vector.load %arg2[%swap3A_2119, %swap3A_2120] : memref<1x5120xf32, #tpu.memory_space<vmem>>, vector<1x256xf32>
    tpu.vector_store %arg2[%swap3A_2119, %swap3A_2120], %while3A_2118#1 {strides = array<i32>} : memref<1x5120xf32, #tpu.memory_space<vmem>>, vector<1x256xf32>,
    %get3A_2122 = arith.constant 0 : index
    %get3A_2123 = arith.constant 0 : index
    %get3A_2124 = vector.load %arg2[%get3A_2122, %get3A_2123] : memref<1x5120xf32, #tpu.memory_space<vmem>>, vector<1x5120xf32>
    %mul3A_2125 = arith.mulf %get3A_13, %get3A_2124 : vector<1x5120xf32>
    %mul3A_2126 = arith.mulf %sub3A, %get3A_2124 : vector<1x5120xf32>
    %mul3A_2127 = arith.mulf %sub3A_19, %get3A_2124 : vector<1x5120xf32>
    %mul3A_2128 = arith.mulf %add3A, %get3A_2124 : vector<1x5120xf32>
    %mul3A_2129 = arith.mulf %add3A_26, %get3A_2124 : vector<1x5120xf32>
    %concatenate3A = tpu.concatenate %mul3A_2125, %mul3A_2126, %mul3A_2127, %mul3A_2128, %mul3A_2129 in 0 : vector<1x5120xf32>, vector<1x5120xf32>, vector<1x5120xf32>, vector<1x5120xf32>, vector<1x5120xf32> -> vector<5x5120xf32>
    %transpose3A_2130 = tpu.transpose %concatenate3A, [1, 0] : vector<5x5120xf32> -> vector<5120x5xf32>
    %slice3A_2131 = vector.extract_strided_slice %transpose3A_2130 {offsets = [0, 0], sizes = [5000, 5], strides = [1, 1]} : vector<5120x5xf32> to vector<5000x5xf32>
    %swap3A_2132 = arith.constant 0 : index
    %swap3A_2133 = arith.constant 0 : index
    %swap3A_2134 = vector.load %arg1[%swap3A_2132, %swap3A_2133] : memref<5000x5xf32, #tpu.memory_space<vmem>>, vector<5000x5xf32>
    tpu.vector_store %arg1[%swap3A_2132, %swap3A_2133], %slice3A_2131 {strides = array<i32>} : memref<5000x5xf32, #tpu.memory_space<vmem>>, vector<5000x5xf32>,
    return
  }
}

</mosaic_0001>

<sc_bundles>
// kernel: kernel.4.cloned.1.call-start
scs
__scs_entry_jumppad:
0x0: {  	(pc) =	sbr.rel $0x88, $3  }
0x1: {  	(tag) =	ssettag $0x0;
	lr =	simm.s32 $0x1  }
0x2: {  	[smem:$0x3F9F] =	sst lr;
	_ =	strace $0xD0000000  }
0x3: {  	_ = 	snop  }
0x4: {  	_ = 	snop  }
0x5: {  	_ = 	snop  }
0x6: {  	_ = 	snop  }
0x7: {  	_ = 	snop  }
__scs_overlays_trampoline_lowered:
0x8: {  	[smem:$0x3FAE] =	sst s0  }
0x9: {  	[smem:$0x3FAF] =	sst s1  }
0xa: {  	[smem:$0x3FB0] =	sst s2  }
0xb: {  	[smem:$0x3FB1] =	sst s3  }
0xc: {  	[smem:$0x3FB2] =	sst s4  }
0xd: {  	[smem:$0x3FB3] =	sst s5  }
0xe: {  	[smem:$0x3FB4] =	sst s6  }
0xf: {  	[smem:$0x3FB5] =	sst s7  }
0x10: {  	[smem:$0x3FB6] =	sst s8  }
0x11: {  	[smem:$0x3FB7] =	sst s9;
	s0 =	simm.s32 @!p0 $0x0  }
0x12: {  	s1 =	sld [smem:$0x3F9D];
	s0 =	simm.s32 @p0 $0x1  }
0x13: {  	[smem:$0x3FB8] =	sst s0;
	s0 =	simm.s32 @!p1 $0x0  }
0x14: {  	s2 =	sld [smem:$0x3F9C];
	s0 =	simm.s32 @p1 $0x1  }
0x15: {  	[smem:$0x3FB9] =	sst s0;
	s0 =	simm.s32 @!p2 $0x0  }
0x16: {  	s3 =	sld [smem:$0x3FDB];
	s0 =	simm.s32 @p2 $0x1  }
0x17: {  	s4 =	simm.s32 $0x1BF5;
	[smem:$0x3FBB] =	sst s0  }
0x18: {  	s0 =	sld [smem:$0x3F9E];
	_ =	swait.ge [sflag:s4], $0x0  }
0x19: {  	s7 =	sld [smem:$0x3F9F]  }
0x1a: {  	s8 =	sadd.s32 $0xFFFFE003, lr  }
0x1b: {  	s9 =	sadd.s32 $0xFFFFFEF7, lr;
	s5 =	simm.s32 $0xFFFFFFFF;
	p2 =	slt.u32 s8, $0xFFFFF086  }
0x1c: {  	p1 =	slt.u32 s9, $0xF7A;
	s5 =	simm.s32 @!p2 $0x0  }
0x1d: {  	s5 =	simm.s32 @p1 $0x1;
	p0 =	seq.s32 s7, s2  }
0x1e: {  	s7 =	smul.u32 @!p0 $0xF7A, s2;
	p2 =	seq.s32 @!p0 s5, $0x0  }
0x1f: {  	s9 =	smul.u32 $0xF7A, s1;
	s8 =	simm.s32 @!p0 $0x1BF5;
	p2 =	por !p2, p0  }
0x20: {  	[sflag:s8] =	ssyncset.s32 @!p0 $0xFFFFF086;
	s6 =	sadd.s32 @!p0 s3, s7;
	s7 =	simm.s32 @!p0 $0x108  }
0x21: {  	s3 =	sadd.s32 s3, s9;
	s6 =	sadd.s32 @!p0 $0x88, s6;
	s7 =	simm.s32 @p2 $0x1082  }
0x22: {  	[simem:s7], [sflag:s8] =	dma.local @!p0 [hbm:s6], $0xF7A  }
0x23: {  	s9 =	sor.u32 $0xD0000000, s2;
	s6 =	simm.s32 $0x108;
	_ =	swait.ge @!p0 [sflag:s8], $0x0  }
0x24: {  	s3 =	sadd.s32 $0x88, s3;
	s6 =	simm.s32 @!p1 $0x1082;
	[sflag:s4] =	ssyncset.s32 $0xFFFFF086  }
0x25: {  	[simem:s6], [sflag:s4] =	dma.local [hbm:s3], $0xF7A  }
0x26: {  	[smem:$0x3F9F] =	sst s1;
	(tag) =	ssettag s2;
	_ =	strace s9  }
0x27: {  	s1 =	sld [smem:$0x3FAF]  }
0x28: {  	s2 =	sld [smem:$0x3FB0]  }
0x29: {  	s4 =	sld [smem:$0x3FB2]  }
0x2a: {  	p0 =	seq.s32 s5, $0x0;
	s5 =	sld [smem:$0x3FB3]  }
0x2b: {  	s6 =	sld [smem:$0x3FB4]  }
0x2c: {  	s7 =	sld [smem:$0x3FB5]  }
0x2d: {  	s3 =	simm.s32 $0x108;
	s8 =	sld [smem:$0x3FB6]  }
0x2e: {  	s3 =	simm.s32 @!p0 $0x1082;
	s9 =	sld [smem:$0x3FB7]  }
0x2f: {  	lr =	sadd.s32 s0, s3;
	s0 =	sld [smem:$0x3FAE]  }
0x30: {  	s3 =	sld [smem:$0x3FB1]  }
0x31: {  	[smem:$0x3FBA] =	sst s10  }
0x32: {  	s10 =	sld [smem:$0x3FB8];
	_ =	sdelay $0x3  }
0x33: {  	p0 =	seq.s32 s10, $0x1;
	s10 =	sld [smem:$0x3FBA];
	_ =	sdelay $0x3  }
0x34: {  	[smem:$0x3FBA] =	sst s10  }
0x35: {  	s10 =	sld [smem:$0x3FB9];
	_ =	sdelay $0x3  }
0x36: {  	p1 =	seq.s32 s10, $0x1;
	s10 =	sld [smem:$0x3FBA];
	_ =	sdelay $0x3  }
0x37: {  	[smem:$0x3FBA] =	sst s10  }
0x38: {  	s10 =	sld [smem:$0x3FBB]  }
0x39: {  	_ = 	snop;
	(pc) =	sbr.ind lr, $3  }
0x3a: {  	_ = 	snop  }
0x3b: {  	_ = 	snop  }
0x3c: {  	p2 =	seq.s32 s10, $0x1;
	s10 =	sld [smem:$0x3FBA]  }
0x3d: {  	_ =	shalt  }
0x3e: {  	_ =	shalt  }
0x3f: {  	_ =	shalt  }
0x40: {  	_ =	shalt  }
0x41: {  	_ =	shalt  }
0x42: {  	_ =	shalt  }
0x43: {  	_ =	shalt  }
0x44: {  	_ =	shalt  }
0x45: {  	_ =	shalt  }
0x46: {  	_ =	shalt  }
0x47: {  	_ =	shalt  }
0x48: {  	_ =	shalt  }
0x49: {  	_ =	shalt  }
0x4a: {  	_ =	shalt  }
0x4b: {  	_ =	shalt  }
0x4c: {  	_ =	shalt  }
0x4d: {  	_ =	shalt  }
0x4e: {  	_ =	shalt  }
0x4f: {  	_ =	shalt  }
0x50: {  	_ =	shalt  }
0x51: {  	_ =	shalt  }
0x52: {  	_ =	shalt  }
0x53: {  	_ =	shalt  }
0x54: {  	_ =	shalt  }
0x55: {  	_ =	shalt  }
0x56: {  	_ =	shalt  }
0x57: {  	_ =	shalt  }
0x58: {  	_ =	shalt  }
0x59: {  	_ =	shalt  }
0x5a: {  	_ =	shalt  }
0x5b: {  	_ =	shalt  }
0x5c: {  	_ =	shalt  }
0x5d: {  	_ =	shalt  }
0x5e: {  	_ =	shalt  }
0x5f: {  	_ =	shalt  }
0x60: {  	_ =	shalt  }
0x61: {  	_ =	shalt  }
0x62: {  	_ =	shalt  }
0x63: {  	_ =	shalt  }
0x64: {  	_ =	shalt  }
0x65: {  	_ =	shalt  }
0x66: {  	_ =	shalt  }
0x67: {  	_ =	shalt  }
0x68: {  	_ =	shalt  }
0x69: {  	_ =	shalt  }
0x6a: {  	_ =	shalt  }
0x6b: {  	_ =	shalt  }
0x6c: {  	_ =	shalt  }
0x6d: {  	_ =	shalt  }
0x6e: {  	_ =	shalt  }
0x6f: {  	_ =	shalt  }
0x70: {  	_ =	shalt  }
0x71: {  	_ =	shalt  }
0x72: {  	_ =	shalt  }
0x73: {  	_ =	shalt  }
0x74: {  	_ =	shalt  }
0x75: {  	_ =	shalt  }
0x76: {  	_ =	shalt  }
0x77: {  	_ =	shalt  }
0x78: {  	_ =	shalt  }
0x79: {  	_ =	shalt  }
0x7a: {  	_ =	shalt  }
0x7b: {  	_ =	shalt  }
0x7c: {  	_ =	shalt  }
0x7d: {  	_ =	shalt  }
0x7e: {  	_ =	shalt  }
0x7f: {  	_ =	shalt  }
0x80: {  	_ =	shalt  }
0x81: {  	_ =	shalt  }
0x82: {  	_ =	shalt  }
0x83: {  	_ =	shalt  }
0x84: {  	_ =	shalt  }
0x85: {  	_ =	shalt  }
0x86: {  	_ =	shalt  }
0x87: {  	_ =	shalt  }
.Lfunc_end0:
.L_simem_size_0:
called_computation_lowered:
.L_overlay_start_0:
0x88: {  	s2 =	sld [smem:$0x3FD9]  }
0x89: {  	s3 =	sld [smem:$0x3FFE];
	_ =	sdelay $0x1  }
0x8a: {  	s1 =	srdreg.scid  }
0x8b: {  	s0 =	sand.u32 $0x1, s1  }
0x8c: {  	s17 =	sshll.u32 s0, $0xA;
	s2 =	sadd.s32 s3, s2  }
0x8d: {  	s2 =	sadd.s32 s2, s17  }
0x8e: {  	[smem:$0x3FC6] =	sst s2  }
0x8f: {  	_ = 	snop  }
0x90: {  	s2 =	sld [smem:$0x3FC8]  }
0x91: {  	s18 =	sld [smem:$0x3FD0];
	(tm) =	ssettm $0x1  }
0x92: {  	s4 =	sld [smem:$0x3FFB];
	_ =	sdelay $0x3  }
0x93: {  	_ =	strace s4  }
0x94: {  	s4 =	sld [smem:$0x3FFC];
	_ =	sdelay $0x3  }
0x95: {  	_ =	strace s4  }
0x96: {  	s4 =	sld [smem:$0x3FFD];
	_ =	sdelay $0x3  }
0x97: {  	_ =	strace s4  }
0x98: {  	_ =	strace $0x8FFFFFFF  }
0x99: {  	s19 =	sld [smem:$0x3FDB];
	_ =	sdelay $0x1  }
0x9a: {  	s5 =	simm.s32 $_scs_section_size  }
0x9b: {  	s6 =	simm.s32 $_size__tile_overlayer_lowered;
	s7 =	simm.s32 $_tile_overlayer_lowered  }
0x9c: {  	s22 =	simm.s32 $0x1BFF;
	s21 =	sshll.u32 s7, $0x1;
	s4 =	sadd.s32 s5, s19  }
0x9d: {  	s8 =	simm.s32 $0x0;
	s20 =	sshll.u32 s6, $0x1;
	s6 =	sadd.s32 s21, s4  }
0x9e: {  	[timem:s8], [sflag:s22] =	dma.local [hbm:s6], s20  }
0x9f: {  	_ =	swait.ge [sflag:s22], s20  }
0xa0: {  	s5 =	ssub.s32 $0x0, s20;
	[sflag:s22] =	ssyncset.done $0x0  }
0xa1: {  	[sflag:s22] =	ssyncadd.s32 s5;
	_ =	sdelay $0x1  }
0xa2: {  	s23 =	simm.s32 $0x1B8B  }
0xa3: {  	_ =	swait.ge [sflag:s23], $0x1  }
0xa4: {  	[sflag:s23] =	ssyncset.done $0x0  }
0xa5: {  	s25 =	simm.s32 $0x1B8E;
	s24 =	sld [smem:$0x3FFE];
	[sflag:s23] =	ssyncadd.s32 $0xFFFFFFFF  }
0xa6: {  	s26 =	simm.s32 $execute0_lowered;
	[smem:$0x3FD2] =	sst s25  }
0xa7: {  	s6 =	sshll.u32 s26, $0x1;
	_ =	strace $0x80000046;
	[dreg:$0x1] =	wrdreg $0xFFFFFFFF  }
0xa8: {  	s28 =	simm.s32 $_size_execute0_lowered;
	s4 =	sadd.s32 s4, s6;
	[dreg:$0x0] =	wrdreg $0x0  }
0xa9: {  	s6 =	sshll.u32 s28, $0x1;
	[dreg:$0x2] =	wrdreg s4  }
0xaa: {  	[dreg:$0x3] =	wrdreg s6  }
0xab: {  	[dreg:$0x4] =	wrdreg $0xC0  }
0xac: {  	_ =	task [dreg:s8], $0x5FFFF  }
0xad: {  	[dreg:$0x1] =	wrdreg $0xFFFFFFFF  }
0xae: {  	[dreg:$0x0] =	wrdreg $0x60  }
0xaf: {  	[dreg:$0x2] =	wrdreg s24  }
0xb0: {  	[dreg:$0x3] =	wrdreg s2  }
0xb1: {  	[dreg:$0x4] =	wrdreg s18  }
0xb2: {  	[dreg:$0x5] =	wrdreg $0x9  }
0xb3: {  	_ =	task.clear_ibuf [dreg:s8], $0x6FFFF;
	_ =	strace $0x90000046  }
0xb4: {  	s29 =	simm.s32 $0x9;
	_ =	strace $0x80000048  }
0xb5: {  	_ =	swait.ge [sflag:s29], $0x1  }
0xb6: {  	[sflag:s29] =	ssyncadd.s32 $0xFFFFFFFF  }
0xb7: {  	_ =	strace $0x90000048  }
0xb8: {  	_ =	sfence  }
0xb9: {  	s30 =	sld [smem:$0x0];
	_ =	sdelay $0x2  }
0xba: {  	s31 =	sshll.u32 s1, $0xD;
	s1 =	sshrl.u32 s1, $0x2  }
0xbb: {  	s3 =	sand.u32 $0x4000, s31;
	s1 =	sadd.s32 s1, s30  }
0xbc: {  	s0 =	sor.u32 s3, s0;
	s1 =	sshll.u32 s1, $0x11  }
0xbd: {  	s0 =	sor.u32 s1, s0  }
0xbe: {  	s0 =	sadd.s32 $0x8F2B, s0  }
0xbf: {  	[sflag:s0] =	ssyncadd.remote.s32 $0x1  }
0xc0: {  	_ =	sfence.sel $0xFFFF  }
0xc1: {  	[dreg:$0x0] =	wrdreg $0xFFFFFFFF;
	(pc) =	sbr.abs _section_cstart, $3  }
0xc2: {  	[dreg:$0x1] =	wrdreg $0xFFFFFFFF  }
0xc3: {  	_ =	task.clear_ibuf [dreg:s8], $0x2FFFF;
	_ =	strace $0x9FFFFFFF  }
0xc4: {  	(tm) =	ssettm $0x7FFFFFFF  }
0xc5: {  	_ =	shalt  }
tec
execute0_lowered:
.L_overlay_start_1:
0x0: {  	(tag) =	ssettag $0x1  }
0x1: {  	s1 =	srdreg.scid;
	s0 =	stileid.u32  }
0x2: {  	s7 =	sand.u32 $0x1, s1;
	s31 =	sshll.u32 s0, $0x1  }
0x3: {  	s1 =	sor.u32 s7, s31  }
0x4: {  	s3 =	rddreg [dreg:$0x0];
	s5 =	smul.u32 $0xA0, s1  }
0x5: {  	s4 =	rddreg [dreg:$0x1]  }
0x6: {  	s8 =	rddreg [dreg:$0x2];
	s2 =	simm.s32 $0x0;
	s9 =	sshrl.u32 s5, $0x3  }
0x7: {  	s6 =	simm.s32 $0x3;
	[smem:$0x7FF] =	sst s2;
	s5 =	sadd.s32 s9, s3  }
0x8: {  	s1 =	rddreg [dreg:$0x3];
	_ =	strace $0x80000047;
	s5 =	sadd.s32 $0xA00, s5  }
0x9: {  	[tilespmem:s2], [sflag:$0x3] =	stream.linear.gather [hbm4b:s5+s2], $0xA0, $0x38;
	[tilespmem:$0xA00] =	vst v63  }
0xa: {  	_ =	swait.ge [sflag:s6], $0xA0  }
0xb: {  	[sflag:s6] =	ssyncset.done $0x0  }
0xc: {  	[sflag:s6] =	ssyncadd.s32 $0xFFFFFF60  }
0xd: {  	v0 =	vld [tilespmem:$0x80]  }
0xe: {  	v1 =	vld [tilespmem:$0x10]  }
0xf: {  	v51 =	vld [tilespmem:$0x70]  }
0x10: {  	v55 =	vld [tilespmem:$0x90]  }
0x11: {  	v56 =	vld [tilespmem:$0x50]  }
0x12: {  	v58 =	vld [tilespmem:$0x0]  }
0x13: {  	v59 =	vld [tilespmem:$0x40];
	v0 =	vshll.u32 v0, $0x2  }
0x14: {  	v2 =	vld [tilespmem:$0x80];
	v57 =	vshll.u32 v51, $0x2;
	[tilespmem:$0x180] =	vst v0  }
0x15: {  	v3 =	vld [tilespmem:$0x60];
	v60 =	vshll.u32 v55, $0x2;
	[tilespmem:$0x170] =	vst v57  }
0x16: {  	v4 =	vld [tilespmem:$0x50];
	v61 =	vshll.u32 v56, $0x2;
	[tilespmem:$0x190] =	vst v60  }
0x17: {  	v5 =	vld [tilespmem:$0x40];
	v62 =	vshll.u32 v58, $0x2;
	[tilespmem:$0x150] =	vst v61  }
0x18: {  	v6 =	vld [tilespmem:$0x20];
	v1 =	vshll.u32 v1, $0x2;
	v63 =	vshll.u32 v59, $0x2;
	[tilespmem:$0x100] =	vst v62  }
0x19: {  	v7 =	vld [tilespmem:$0x90];
	v2 =	vshll.u32 v2, $0x2;
	v23 =	vor.u32 $0x2, v1;
	[tilespmem:$0x140] =	vst v63  }
0x1a: {  	v24 =	vld [tilespmem:$0x10];
	v3 =	vshll.u32 v3, $0x2;
	v2 =	vor.u32 $0x3, v2;
	[tilespmem:$0x310] =	vst v23  }
0x1b: {  	v25 =	vld [tilespmem:$0x0];
	v4 =	vshll.u32 v4, $0x2;
	v3 =	vor.u32 $0x3, v3;
	[tilespmem:$0x480] =	vst v2  }
0x1c: {  	v26 =	vld [tilespmem:$0x80];
	v5 =	vshll.u32 v5, $0x2;
	v4 =	vor.u32 $0x3, v4;
	[tilespmem:$0x460] =	vst v3  }
0x1d: {  	v27 =	vld [tilespmem:$0x70];
	v6 =	vshll.u32 v6, $0x2;
	v5 =	vor.u32 $0x3, v5;
	[tilespmem:$0x450] =	vst v4  }
0x1e: {  	v28 =	vld [tilespmem:$0x60];
	v7 =	vshll.u32 v7, $0x2;
	v6 =	vor.u32 $0x3, v6;
	[tilespmem:$0x440] =	vst v5  }
0x1f: {  	v29 =	vld [tilespmem:$0x40];
	v1 =	vshll.u32 v24, $0x2;
	v7 =	vor.u32 $0x2, v7;
	[tilespmem:$0x420] =	vst v6  }
0x20: {  	v30 =	vld [tilespmem:$0x30];
	v0 =	vshll.u32 v25, $0x2;
	v1 =	vor.u32 $0x3, v1;
	[tilespmem:$0x390] =	vst v7  }
0x21: {  	v33 =	vld [tilespmem:$0x90];
	v0 =	vor.u32 $0x3, v0;
	v2 =	vshll.u32 v26, $0x2;
	[tilespmem:$0x410] =	vst v1  }
0x22: {  	v34 =	vld [tilespmem:$0x0];
	v32 =	vshll.u32 v27, $0x2;
	[tilespmem:$0x400] =	vst v0;
	v2 =	vor.u32 $0x2, v2  }
0x23: {  	v31 =	vld [tilespmem:$0x20];
	v4 =	vshll.u32 v28, $0x2;
	v0 =	vor.u32 $0x2, v32;
	[tilespmem:$0x380] =	vst v2  }
0x24: {  	v41 =	vld [tilespmem:$0x40];
	v5 =	vshll.u32 v29, $0x2;
	v4 =	vor.u32 $0x2, v4;
	[tilespmem:$0x370] =	vst v0  }
0x25: {  	v35 =	vld [tilespmem:$0x90];
	v6 =	vshll.u32 v30, $0x2;
	v5 =	vor.u32 $0x2, v5;
	[tilespmem:$0x360] =	vst v4  }
0x26: {  	v36 =	vld [tilespmem:$0x80];
	v3 =	vshll.u32 v33, $0x2;
	v6 =	vor.u32 $0x2, v6;
	[tilespmem:$0x340] =	vst v5  }
0x27: {  	v37 =	vld [tilespmem:$0x70];
	v7 =	vshll.u32 v34, $0x2;
	v40 =	vor.u32 $0x3, v3;
	[tilespmem:$0x330] =	vst v6  }
0x28: {  	v38 =	vld [tilespmem:$0x60];
	v1 =	vshll.u32 v31, $0x2;
	v7 =	vor.u32 $0x2, v7;
	[tilespmem:$0x490] =	vst v40  }
0x29: {  	v39 =	vld [tilespmem:$0x50];
	v3 =	vshll.u32 v41, $0x2;
	v1 =	vor.u32 $0x2, v1;
	[tilespmem:$0x300] =	vst v7  }
0x2a: {  	v43 =	vld [tilespmem:$0x20];
	v2 =	vshll.u32 v35, $0x2;
	v3 =	vor.u32 $0x1, v3;
	[tilespmem:$0x320] =	vst v1  }
0x2b: {  	v42 =	vld [tilespmem:$0x30];
	v0 =	vshll.u32 v36, $0x2;
	v2 =	vor.u32 $0x1, v2;
	[tilespmem:$0x240] =	vst v3  }
0x2c: {  	v46 =	vld [tilespmem:$0x30];
	v4 =	vshll.u32 v37, $0x2;
	v0 =	vor.u32 $0x1, v0;
	[tilespmem:$0x290] =	vst v2  }
0x2d: {  	v47 =	vld [tilespmem:$0x10];
	v5 =	vshll.u32 v38, $0x2;
	v4 =	vor.u32 $0x1, v4;
	[tilespmem:$0x280] =	vst v0  }
0x2e: {  	v49 =	vld [tilespmem:$0x30];
	v6 =	vshll.u32 v39, $0x2;
	v5 =	vor.u32 $0x1, v5;
	[tilespmem:$0x270] =	vst v4  }
0x2f: {  	v44 =	vld [tilespmem:$0x10];
	v7 =	vshll.u32 v43, $0x2;
	v6 =	vor.u32 $0x1, v6;
	[tilespmem:$0x260] =	vst v5  }
0x30: {  	v45 =	vld [tilespmem:$0x0];
	v1 =	vshll.u32 v42, $0x2;
	v7 =	vor.u32 $0x1, v7;
	[tilespmem:$0x250] =	vst v6  }
0x31: {  	v48 =	vld [tilespmem:$0x70];
	v1 =	vor.u32 $0x1, v1;
	[tilespmem:$0x220] =	vst v7  }
0x32: {  	v50 =	vld [tilespmem:$0x20];
	v5 =	vshll.u32 v47, $0x2;
	[tilespmem:$0x230] =	vst v1  }
0x33: {  	v52 =	vld [tilespmem:$0x60];
	v3 =	vshll.u32 v49, $0x2;
	v4 =	vshll.u32 v46, $0x2;
	[tilespmem:$0x110] =	vst v5  }
0x34: {  	v53 =	vld [tilespmem:$0x50];
	v2 =	vshll.u32 v44, $0x2;
	v3 =	vor.u32 $0x3, v3;
	[tilespmem:$0x130] =	vst v4  }
0x35: {  	v0 =	vshll.u32 v45, $0x2;
	v2 =	vor.u32 $0x1, v2;
	[tilespmem:$0x430] =	vst v3  }
0x36: {  	v54 =	vshll.u32 v48, $0x2;
	v0 =	vor.u32 $0x1, v0;
	[tilespmem:$0x210] =	vst v2  }
0x37: {  	s18 =	simm.s32 $0xA0;
	s20 =	simm.s32 $0x100;
	s10 =	ssub.s32 $0x2, s7;
	v5 =	vor.u32 $0x3, v54;
	[tilespmem:$0x200] =	vst v0  }
0x38: {  	s13 =	simm.s32 $0x500;
	s21 =	simm.s32 $0x200;
	s11 =	sshrl.u32 s10, $0x1;
	v1 =	vshll.u32 v50, $0x2;
	[tilespmem:$0x470] =	vst v5  }
0x39: {  	s14 =	simm.s32 $0x600;
	s22 =	simm.s32 $0x300;
	s12 =	ssub.s32 s10, s11;
	v2 =	vshll.u32 v52, $0x2;
	[tilespmem:$0x120] =	vst v1;
	v0 =	vshll.u32 v53, $0x2  }
0x3a: {  	s15 =	simm.s32 $0x700;
	s23 =	simm.s32 $0x400;
	s24 =	smax.u32 s12, $0x1;
	[tilespmem:$0x160] =	vst v2;
	v0 =	vor.u32 $0x2, v0  }
0x3b: {  	s16 =	simm.s32 $0x800;
	s17 =	simm.s32 $0x900;
	p0 =	sne.s32 s24, $0x1;
	[tilespmem:$0x350] =	vst v0  }
0x3c: {  	[tilespmem:s13], [sflag:$0x1] =	stream.indirect.gather [hbm4b:s3+s18], $0x1, s20, s18, $0xb8;
	[tilespmem:$0xA00] =	vst v63  }
.Ltmp0:
0x3d: {  	s19 =	simm.s32 $0x1;
	s7 =	sadd.s32 s8, s9;
	(pc) =	sbr.rel @!p0 .LBB2_2-.Ltmp0, $4  }
0x3e: {  	s12 =	simm.s32 $0x2;
	s24 =	sadd.s32 $0xFFFFFFFF, s24;
	s8 =	sadd.s32 $0x280, s7  }
0x3f: {  	[tilespmem:s14], [sflag:$0x1] =	stream.indirect.gather [hbm4b:s3+s18], $0x1, s21, s18, $0xb8;
	[tilespmem:$0xA00] =	vst v63  }
0x40: {  	s9 =	sadd.s32 $0x500, s7;
	s10 =	sadd.s32 $0x780, s7;
	s11 =	sadd.s32 $0xA00, s7  }
0x41: {  	[tilespmem:s15], [sflag:$0x1] =	stream.indirect.gather [hbm4b:s3+s18], $0x1, s22, s18, $0xb8;
	[tilespmem:$0xA00] =	vst v63  }
.LBB2_1:
0x42: {  	p0 =	sne.s32 s24, $0x1;
	s24 =	sadd.s32 $0xFFFFFFFF, s24  }
0x43: {  	[tilespmem:s16], [sflag:$0x1] =	stream.indirect.gather [hbm4b:s3+s18], $0x1, s23, s18, $0xb8;
	[tilespmem:$0xA00] =	vst v63  }
0x44: {  	_ = 	snop  }
0x45: {  	[tilespmem:s17], [sflag:$0x1] =	stream.indirect.gather [hbm4b:s4+s18], $0x1, s2, s18, $0xb8;
	[tilespmem:$0xA00] =	vst v63  }
0x46: {  	_ =	swait.ge [sflag:s19], $0xA0  }
0x47: {  	[sflag:s19] =	ssyncset.done $0x0  }
0x48: {  	[sflag:s19] =	ssyncadd.s32 $0xFFFFFF60  }
0x49: {  	_ =	swait.ge [sflag:s19], $0xA0  }
0x4a: {  	[sflag:s19] =	ssyncset.done $0x0  }
0x4b: {  	[sflag:s19] =	ssyncadd.s32 $0xFFFFFF60  }
0x4c: {  	_ =	swait.ge [sflag:s19], $0xA0  }
0x4d: {  	[sflag:s19] =	ssyncset.done $0x0  }
0x4e: {  	[sflag:s19] =	ssyncadd.s32 $0xFFFFFF60  }
0x4f: {  	_ =	swait.ge [sflag:s19], $0xA0  }
0x50: {  	[sflag:s19] =	ssyncset.done $0x0  }
0x51: {  	[sflag:s19] =	ssyncadd.s32 $0xFFFFFF60  }
0x52: {  	_ =	swait.ge [sflag:s19], $0xA0  }
0x53: {  	[sflag:s19] =	ssyncset.done $0x0  }
0x54: {  	[sflag:s19] =	ssyncadd.s32 $0xFFFFFF60  }
0x55: {  	[hbm4b:s7+s2] =	stream.linear.scatter [tilespmem:s13], [sflag:$0x2], $0xA0, $0x38;
	[tilespmem:$0xA00] =	vst v63  }
0x56: {  	_ = 	snop  }
0x57: {  	[hbm4b:s8+s2] =	stream.linear.scatter [tilespmem:s14], [sflag:$0x2], $0xA0, $0x38;
	[tilespmem:$0xA00] =	vst v63  }
0x58: {  	_ = 	snop  }
0x59: {  	[hbm4b:s9+s2] =	stream.linear.scatter [tilespmem:s15], [sflag:$0x2], $0xA0, $0x38;
	[tilespmem:$0xA00] =	vst v63  }
0x5a: {  	_ = 	snop  }
0x5b: {  	[hbm4b:s10+s2] =	stream.linear.scatter [tilespmem:s16], [sflag:$0x2], $0xA0, $0x38;
	[tilespmem:$0xA00] =	vst v63  }
0x5c: {  	_ = 	snop  }
0x5d: {  	[hbm4b:s11+s2] =	stream.linear.scatter [tilespmem:s17], [sflag:$0x2], $0xA0, $0x38;
	[tilespmem:$0xA00] =	vst v63  }
0x5e: {  	_ =	swait.ge [sflag:s12], $0xA0  }
0x5f: {  	[sflag:s12] =	ssyncset.done $0x0  }
0x60: {  	[sflag:s12] =	ssyncadd.s32 $0xFFFFFF60  }
0x61: {  	_ =	swait.ge [sflag:s12], $0xA0  }
0x62: {  	[sflag:s12] =	ssyncset.done $0x0  }
0x63: {  	[sflag:s12] =	ssyncadd.s32 $0xFFFFFF60  }
0x64: {  	_ =	swait.ge [sflag:s12], $0xA0  }
0x65: {  	[sflag:s12] =	ssyncset.done $0x0  }
0x66: {  	[sflag:s12] =	ssyncadd.s32 $0xFFFFFF60  }
0x67: {  	_ =	swait.ge [sflag:s12], $0xA0  }
0x68: {  	[sflag:s12] =	ssyncset.done $0x0  }
0x69: {  	[sflag:s12] =	ssyncadd.s32 $0xFFFFFF60  }
0x6a: {  	_ =	swait.ge [sflag:s12], $0xA0  }
0x6b: {  	[sflag:s12] =	ssyncset.done $0x0  }
0x6c: {  	[sflag:s12] =	ssyncadd.s32 $0xFFFFFF60  }
0x6d: {  	[tilespmem:s2], [sflag:$0x3] =	stream.linear.gather [hbm4b:s5+s2], $0xA0, $0x38;
	[tilespmem:$0xA00] =	vst v63  }
0x6e: {  	_ =	swait.ge [sflag:s6], $0xA0  }
0x6f: {  	[sflag:s6] =	ssyncset.done $0x0  }
0x70: {  	[sflag:s6] =	ssyncadd.s32 $0xFFFFFF60  }
0x71: {  	v3 =	vld [tilespmem:$0x80]  }
0x72: {  	v0 =	vld [tilespmem:$0x20]  }
0x73: {  	v1 =	vld [tilespmem:$0x30]  }
0x74: {  	v2 =	vld [tilespmem:$0x10]  }
0x75: {  	v4 =	vld [tilespmem:$0x10]  }
0x76: {  	v3 =	vshll.u32 v3, $0x2;
	v5 =	vld [tilespmem:$0x80]  }
0x77: {  	v6 =	vld [tilespmem:$0x60]  }
0x78: {  	v7 =	vld [tilespmem:$0x50]  }
0x79: {  	v8 =	vld [tilespmem:$0x40]  }
0x7a: {  	v4 =	vshll.u32 v4, $0x2;
	v9 =	vld [tilespmem:$0x20]  }
0x7b: {  	[tilespmem:$0x180] =	vst v3;
	v3 =	vor.u32 $0x2, v4;
	v4 =	vld [tilespmem:$0x10];
	v5 =	vshll.u32 v5, $0x2  }
0x7c: {  	[tilespmem:$0x310] =	vst v3;
	v3 =	vld [tilespmem:$0x0];
	v6 =	vshll.u32 v6, $0x2;
	v5 =	vor.u32 $0x3, v5  }
0x7d: {  	v10 =	vld [tilespmem:$0x90];
	v7 =	vshll.u32 v7, $0x2;
	v6 =	vor.u32 $0x3, v6;
	[tilespmem:$0x480] =	vst v5  }
0x7e: {  	v5 =	vld [tilespmem:$0x80];
	v8 =	vshll.u32 v8, $0x2;
	v7 =	vor.u32 $0x3, v7;
	[tilespmem:$0x460] =	vst v6  }
0x7f: {  	v6 =	vld [tilespmem:$0x70];
	v9 =	vshll.u32 v9, $0x2;
	v8 =	vor.u32 $0x3, v8;
	[tilespmem:$0x450] =	vst v7  }
0x80: {  	v7 =	vld [tilespmem:$0x60];
	v4 =	vshll.u32 v4, $0x2;
	v9 =	vor.u32 $0x3, v9;
	[tilespmem:$0x440] =	vst v8  }
0x81: {  	v8 =	vld [tilespmem:$0x40];
	v3 =	vshll.u32 v3, $0x2;
	v4 =	vor.u32 $0x3, v4;
	[tilespmem:$0x420] =	vst v9  }
0x82: {  	v9 =	vld [tilespmem:$0x30];
	v10 =	vshll.u32 v10, $0x2;
	v3 =	vor.u32 $0x3, v3;
	[tilespmem:$0x410] =	vst v4  }
0x83: {  	v4 =	vld [tilespmem:$0x20];
	v5 =	vshll.u32 v5, $0x2;
	v10 =	vor.u32 $0x2, v10;
	[tilespmem:$0x400] =	vst v3  }
0x84: {  	v3 =	vshll.u32 v6, $0x2;
	v5 =	vor.u32 $0x2, v5;
	[tilespmem:$0x390] =	vst v10;
	v6 =	vld [tilespmem:$0x90]  }
0x85: {  	v10 =	vld [tilespmem:$0x0];
	v7 =	vshll.u32 v7, $0x2;
	v3 =	vor.u32 $0x2, v3;
	[tilespmem:$0x380] =	vst v5  }
0x86: {  	v5 =	vld [tilespmem:$0x90];
	v8 =	vshll.u32 v8, $0x2;
	v7 =	vor.u32 $0x2, v7;
	[tilespmem:$0x370] =	vst v3  }
0x87: {  	v3 =	vld [tilespmem:$0x80];
	v9 =	vshll.u32 v9, $0x2;
	v8 =	vor.u32 $0x2, v8;
	[tilespmem:$0x360] =	vst v7  }
0x88: {  	v7 =	vld [tilespmem:$0x70];
	v4 =	vshll.u32 v4, $0x2;
	v9 =	vor.u32 $0x2, v9;
	[tilespmem:$0x340] =	vst v8  }
0x89: {  	v8 =	vld [tilespmem:$0x60];
	v4 =	vor.u32 $0x2, v4;
	[tilespmem:$0x330] =	vst v9;
	v6 =	vshll.u32 v6, $0x2  }
0x8a: {  	v9 =	vld [tilespmem:$0x50];
	v10 =	vshll.u32 v10, $0x2;
	[tilespmem:$0x320] =	vst v4;
	v4 =	vor.u32 $0x3, v6  }
0x8b: {  	v6 =	vld [tilespmem:$0x40];
	v5 =	vshll.u32 v5, $0x2;
	v10 =	vor.u32 $0x2, v10;
	[tilespmem:$0x490] =	vst v4  }
0x8c: {  	v4 =	vld [tilespmem:$0x30];
	v3 =	vshll.u32 v3, $0x2;
	v5 =	vor.u32 $0x1, v5;
	[tilespmem:$0x300] =	vst v10  }
0x8d: {  	v10 =	vld [tilespmem:$0x20];
	v7 =	vshll.u32 v7, $0x2;
	v3 =	vor.u32 $0x1, v3;
	[tilespmem:$0x290] =	vst v5  }
0x8e: {  	v5 =	vld [tilespmem:$0x10];
	v8 =	vshll.u32 v8, $0x2;
	v7 =	vor.u32 $0x1, v7;
	[tilespmem:$0x280] =	vst v3  }
0x8f: {  	v3 =	vld [tilespmem:$0x0];
	v9 =	vshll.u32 v9, $0x2;
	v8 =	vor.u32 $0x1, v8;
	[tilespmem:$0x270] =	vst v7  }
0x90: {  	v6 =	vshll.u32 v6, $0x2;
	v7 =	vor.u32 $0x1, v9;
	[tilespmem:$0x260] =	vst v8;
	v8 =	vld [tilespmem:$0x30]  }
0x91: {  	v4 =	vshll.u32 v4, $0x2;
	v6 =	vor.u32 $0x1, v6;
	[tilespmem:$0x250] =	vst v7;
	v7 =	vld [tilespmem:$0x70]  }
0x92: {  	v9 =	vshll.u32 v10, $0x2;
	v4 =	vor.u32 $0x1, v4;
	[tilespmem:$0x240] =	vst v6;
	v6 =	vld [tilespmem:$0x50]  }
0x93: {  	v10 =	vld [tilespmem:$0x70];
	v5 =	vshll.u32 v5, $0x2;
	v9 =	vor.u32 $0x1, v9;
	[tilespmem:$0x230] =	vst v4  }
0x94: {  	v4 =	vld [tilespmem:$0x60];
	v3 =	vshll.u32 v3, $0x2;
	v5 =	vor.u32 $0x1, v5;
	[tilespmem:$0x220] =	vst v9  }
0x95: {  	v2 =	vshll.u32 v2, $0x2;
	v9 =	vld [tilespmem:$0x50];
	v3 =	vor.u32 $0x1, v3;
	[tilespmem:$0x210] =	vst v5  }
0x96: {  	v1 =	vshll.u32 v1, $0x2;
	[tilespmem:$0x200] =	vst v3;
	v3 =	vshll.u32 v8, $0x2  }
0x97: {  	v0 =	vshll.u32 v0, $0x2;
	v5 =	vshll.u32 v7, $0x2;
	[tilespmem:$0x110] =	vst v2;
	v2 =	vshll.u32 v6, $0x2  }
0x98: {  	v3 =	vor.u32 $0x3, v3;
	v5 =	vor.u32 $0x3, v5;
	[tilespmem:$0x130] =	vst v1;
	v1 =	vshll.u32 v10, $0x2;
	v6 =	vld [tilespmem:$0x90]  }
0x99: {  	v2 =	vor.u32 $0x2, v2;
	v7 =	vld [tilespmem:$0x40];
	v4 =	vshll.u32 v4, $0x2;
	[tilespmem:$0x470] =	vst v5  }
0x9a: {  	v5 =	vld [tilespmem:$0x0];
	v8 =	vshll.u32 v9, $0x2;
	[tilespmem:$0x430] =	vst v3  }
0x9b: {  	[tilespmem:$0x170] =	vst v1  }
0x9c: {  	[tilespmem:$0x160] =	vst v4  }
0x9d: {  	[tilespmem:$0x120] =	vst v0;
	v0 =	vshll.u32 v6, $0x2  }
0x9e: {  	v1 =	vshll.u32 v7, $0x2;
	[tilespmem:$0x190] =	vst v0  }
0x9f: {  	v0 =	vshll.u32 v5, $0x2;
	[tilespmem:$0x150] =	vst v8  }
0xa0: {  	[tilespmem:$0x100] =	vst v0  }
0xa1: {  	[tilespmem:$0x140] =	vst v1  }
0xa2: {  	[tilespmem:$0x350] =	vst v2  }
0xa3: {  	[tilespmem:s13], [sflag:$0x1] =	stream.indirect.gather [hbm4b:s3+s18], $0x1, s20, s18, $0xb8;
	[tilespmem:$0xA00] =	vst v63  }
.Ltmp1:
0xa4: {  	_ = 	snop;
	(pc) =	sbr.rel @p0 .LBB2_1-.Ltmp1, $4  }
0xa5: {  	_ = 	snop  }
0xa6: {  	[tilespmem:s14], [sflag:$0x1] =	stream.indirect.gather [hbm4b:s3+s18], $0x1, s21, s18, $0xb8;
	[tilespmem:$0xA00] =	vst v63  }
0xa7: {  	_ = 	snop  }
0xa8: {  	[tilespmem:s15], [sflag:$0x1] =	stream.indirect.gather [hbm4b:s3+s18], $0x1, s22, s18, $0xb8;
	[tilespmem:$0xA00] =	vst v63  }
.LBB2_2:
0xa9: {  	[tilespmem:s16], [sflag:$0x1] =	stream.indirect.gather [hbm4b:s3+s18], $0x1, s23, s18, $0xb8;
	[tilespmem:$0xA00] =	vst v63  }
0xaa: {  	_ = 	snop  }
0xab: {  	[tilespmem:s17], [sflag:$0x1] =	stream.indirect.gather [hbm4b:s4+s18], $0x1, s2, s18, $0xb8;
	[tilespmem:$0xA00] =	vst v63  }
0xac: {  	_ =	swait.ge [sflag:s19], $0xA0  }
0xad: {  	[sflag:s19] =	ssyncset.done $0x0  }
0xae: {  	[sflag:s19] =	ssyncadd.s32 $0xFFFFFF60  }
0xaf: {  	_ =	swait.ge [sflag:s19], $0xA0  }
0xb0: {  	[sflag:s19] =	ssyncset.done $0x0  }
0xb1: {  	[sflag:s19] =	ssyncadd.s32 $0xFFFFFF60  }
0xb2: {  	_ =	swait.ge [sflag:s19], $0xA0  }
0xb3: {  	[sflag:s19] =	ssyncset.done $0x0  }
0xb4: {  	[sflag:s19] =	ssyncadd.s32 $0xFFFFFF60  }
0xb5: {  	_ =	swait.ge [sflag:s19], $0xA0  }
0xb6: {  	[sflag:s19] =	ssyncset.done $0x0  }
0xb7: {  	[sflag:s19] =	ssyncadd.s32 $0xFFFFFF60  }
0xb8: {  	_ =	swait.ge [sflag:s19], $0xA0  }
0xb9: {  	[sflag:s19] =	ssyncset.done $0x0  }
0xba: {  	[sflag:s19] =	ssyncadd.s32 $0xFFFFFF60  }
0xbb: {  	[hbm4b:s7+s2] =	stream.linear.scatter [tilespmem:s13], [sflag:$0x2], $0xA0, $0x38;
	[tilespmem:$0xA00] =	vst v63  }
0xbc: {  	_ = 	snop  }
0xbd: {  	[hbm4b:s8+s2] =	stream.linear.scatter [tilespmem:s14], [sflag:$0x2], $0xA0, $0x38;
	[tilespmem:$0xA00] =	vst v63  }
0xbe: {  	_ = 	snop  }
0xbf: {  	[hbm4b:s9+s2] =	stream.linear.scatter [tilespmem:s15], [sflag:$0x2], $0xA0, $0x38;
	[tilespmem:$0xA00] =	vst v63  }
0xc0: {  	_ = 	snop  }
0xc1: {  	[hbm4b:s10+s2] =	stream.linear.scatter [tilespmem:s16], [sflag:$0x2], $0xA0, $0x38;
	[tilespmem:$0xA00] =	vst v63  }
0xc2: {  	_ = 	snop  }
0xc3: {  	[hbm4b:s11+s2] =	stream.linear.scatter [tilespmem:s17], [sflag:$0x2], $0xA0, $0x38;
	[tilespmem:$0xA00] =	vst v63  }
0xc4: {  	_ =	swait.ge [sflag:s12], $0xA0  }
0xc5: {  	[sflag:s12] =	ssyncset.done $0x0  }
0xc6: {  	[sflag:s12] =	ssyncadd.s32 $0xFFFFFF60  }
0xc7: {  	_ =	swait.ge [sflag:s12], $0xA0  }
0xc8: {  	[sflag:s12] =	ssyncset.done $0x0  }
0xc9: {  	[sflag:s12] =	ssyncadd.s32 $0xFFFFFF60  }
0xca: {  	_ =	swait.ge [sflag:s12], $0xA0  }
0xcb: {  	[sflag:s12] =	ssyncset.done $0x0  }
0xcc: {  	[sflag:s12] =	ssyncadd.s32 $0xFFFFFF60  }
0xcd: {  	_ =	swait.ge [sflag:s12], $0xA0  }
0xce: {  	[sflag:s12] =	ssyncset.done $0x0  }
0xcf: {  	[sflag:s12] =	ssyncadd.s32 $0xFFFFFF60  }
0xd0: {  	_ =	swait.ge [sflag:s12], $0xA0  }
0xd1: {  	[sflag:s12] =	ssyncset.done $0x0  }
0xd2: {  	[sflag:s12] =	ssyncadd.s32 $0xFFFFFF60  }
0xd3: {  	_ =	sfence.sel $0x180000  }
0xd4: {  	[bflag:$0x0] =	sbarrier.arrive $0xFFFF  }
0xd5: {  	p0 =	sne.s32 s0, $0x0;
	_ =	strace $0x90000047  }
0xd6: {  	s0 =	sadd.s32 @!p0 $0x100000, s1;
	[bflag:$0x2] =	sbarrier.arrive $0xFFFF  }
0xd7: {  	[sflag:s0] =	ssyncadd.tile.s32 @!p0 $0x1;
	_ =	shalt  }
.Lfunc_end2:
_tile_overlayer_lowered:
.L_overlay_start_2:
0xd8: {  	(tag) =	ssettag $0x2  }
0xd9: {  	s0 =	rddreg [dreg:$0x0];
	s2 =	stileid.u32  }
0xda: {  	s1 =	rddreg [dreg:$0x1];
	p0 =	sne.s32 s2, $0x0  }
0xdb: {  	s3 =	rddreg [dreg:$0x2];
	[bflag:$0x3] =	sbarrier.arrive $0xFFFF;
	s2 =	simm.s32 @!p0 $0x1C03  }
0xdc: {  	[timem:s3], [sflag:s2] =	dma.local @!p0 [hbm:s0], s1  }
0xdd: {  	s0 =	simm.s32 @!p0 $0x3  }
0xde: {  	_ =	swait.ge @!p0 [sflag:s0], s1  }
0xdf: {  	s1 =	ssub.s32 @!p0 $0x0, s1;
	[sflag:s0] =	ssyncset.done @!p0 $0x0  }
0xe0: {  	[sflag:s0] =	ssyncadd.s32 @!p0 s1  }
0xe1: {  	[bflag:$0x3] =	sbarrier.arrive $0xFFFF  }
0xe2: {  	_ =	shalt  }

</sc_bundles>
